<compile_context>
chip_gen: v7x
topology: tpu7x:2x2x1
jax: 0.10.2.dev20260603
libtpu: 0.0.44.dev20260713+nightly
codegen_flags: <defaults>
</compile_context>

<pallas_src>
import functools

import jax
import jax.numpy as jnp
from jax import lax
from jax.experimental import pallas as pl
from jax.experimental.pallas import tpu as pltpu
from jax.experimental.pallas import tpu_sc as plsc

N = 10000
E = 160000
D = 256
H = 512
G = 16

NPAD = 10240
EPAD = 163840
CH = 128
C = H // CH
SCH = 64
SC = H // SCH
NC = 2
NS = 16
EROWS = EPAD // 128

_mesh = plsc.VectorSubcoreMesh(core_axis_name="c", subcore_axis_name="s")


@functools.partial(
    pl.kernel,
    mesh=_mesh,
    out_type=jax.ShapeDtypeStruct((NC * NPAD,), jnp.float32),
    scratch_types=[
        pltpu.VMEM((40, 128), jnp.int32),
        pltpu.VMEM((128,), jnp.float32),
        pltpu.VMEM((640,), jnp.float32),
        pltpu.VMEM_SHARED((NPAD,), jnp.float32),
    ],
)
def _deg_kernel(dst_hbm, out_hbm, idx_v, ones_v, stage_v, acc_sh):
    ci = lax.axis_index("c")
    si = lax.axis_index("s")

    for j in range(8):
        ones_v[pl.ds(j * 16, 16)] = jnp.ones((16,), jnp.float32)

    def zbody(j, carry):
        stage_v[pl.ds(j * 16, 16)] = jnp.zeros((16,), jnp.float32)
        return carry

    lax.fori_loop(0, 40, zbody, 0)
    pltpu.sync_copy(stage_v, acc_sh.at[pl.ds(si * 640, 640)])
    plsc.subcore_barrier()

    pltpu.sync_copy(dst_hbm.at[pl.ds(ci * 640 + si * 40, 40)], idx_v)

    def body(b, carry):
        pltpu.sync_copy(ones_v, acc_sh.at[idx_v.at[b]], add=True)
        return carry

    lax.fori_loop(0, 40, body, 0)
    plsc.subcore_barrier()
    pltpu.sync_copy(
        acc_sh.at[pl.ds(si * 640, 640)],
        out_hbm.at[pl.ds(ci * NPAD + si * 640, 640)],
    )


@functools.partial(
    pl.kernel,
    mesh=_mesh,
    compiler_params=pltpu.CompilerParams(use_tc_tiling_on_sc=False),
    out_type=jax.ShapeDtypeStruct((SC * NPAD, SCH), jnp.float32),
    scratch_types=[
        pltpu.VMEM((40, 128), jnp.int32),
        pltpu.VMEM((40, 128), jnp.int32),
        pltpu.VMEM((4, 128, SCH), jnp.float32),
        pltpu.VMEM((40, SCH), jnp.float32),
        pltpu.VMEM_SHARED((NPAD, SCH), jnp.float32),
        pltpu.VMEM_SHARED((NPAD, SCH), jnp.float32),
        pltpu.SemaphoreType.DMA((4,)),
    ],
)
def _scatter_kernel(table_hbm, src_hbm, dst_hbm, out_hbm,
                    src_v, dst_v, rows_v, stage_v, tbl_sh, acc_sh, sems):
    ci = lax.axis_index("c")
    si = lax.axis_index("s")

    def zbody(j, carry):
        r = j // 4
        k = j % 4
        stage_v[r, pl.ds(k * 16, 16)] = jnp.zeros((16,), jnp.float32)
        return carry

    lax.fori_loop(0, 160, zbody, 0)

    for c in range(SC // NC):
        cglob = ci * (SC // NC) + c

        pltpu.sync_copy(
            table_hbm.at[pl.ds(cglob * NPAD + si * 640, 640)],
            tbl_sh.at[pl.ds(si * 640, 640)],
        )

        def zacc(j, carry):
            pltpu.sync_copy(stage_v, acc_sh.at[pl.ds(si * 640 + j * 40, 40)])
            return carry

        lax.fori_loop(0, 16, zacc, 0)
        plsc.subcore_barrier()

        def group(g, carry):
            pltpu.sync_copy(src_hbm.at[pl.ds(si * 80 + g * 40, 40)], src_v)
            pltpu.sync_copy(dst_hbm.at[pl.ds(si * 80 + g * 40, 40)], dst_v)

            for p in range(3):
                pltpu.async_copy(
                    tbl_sh.at[src_v.at[p]], rows_v.at[p], sems.at[p])

            def body(b, carry2):
                cur = lax.rem(b, 4)
                nxt = lax.rem(b + 3, 4)

                @pl.when(b < 37)
                def _():
                    pltpu.async_copy(
                        tbl_sh.at[src_v.at[b + 3]], rows_v.at[nxt],
                        sems.at[nxt])

                pltpu.make_async_copy(
                    tbl_sh.at[src_v.at[b]], rows_v.at[cur],
                    sems.at[cur]).wait()
                pltpu.sync_copy(
                    rows_v.at[cur], acc_sh.at[dst_v.at[b]], add=True)
                return carry2

            lax.fori_loop(0, 40, body, 0)
            return carry

        lax.fori_loop(0, 2, group, 0)
        plsc.subcore_barrier()

        pltpu.sync_copy(
            acc_sh.at[pl.ds(si * 640, 640)],
            out_hbm.at[pl.ds(cglob * NPAD + si * 640, 640)],
        )
        plsc.subcore_barrier()


def _tc1_body(x_ref, w_ref, deg_ref, out_ref):
    d = lax.rsqrt(deg_ref[0, :] + deg_ref[1, :] + 1.0)[:, None]
    res = jnp.dot(
        x_ref[...], w_ref[...], preferred_element_type=jnp.float32) * d
    out_ref[0] = res[:, :SCH]
    out_ref[1] = res[:, SCH:]


def _tc1(x_pad, w1, deg2):
    return pl.pallas_call(
        _tc1_body,
        grid=(NPAD // 1024, C),
        in_specs=[
            pl.BlockSpec((1024, D), lambda i, c: (i, 0)),
            pl.BlockSpec((D, CH), lambda i, c: (0, c)),
            pl.BlockSpec((NC, 1024), lambda i, c: (0, i)),
        ],
        out_specs=pl.BlockSpec((2, 1024, SCH), lambda i, c: (c, i, 0)),
        out_shape=jax.ShapeDtypeStruct((SC, NPAD, SCH), jnp.float32),
    )(x_pad, w1, deg2)


def _tc2_body(s_ref, h_ref, deg_ref, b_ref, w_ref, out_ref, acc_ref):
    k = pl.program_id(2)
    d = lax.rsqrt(deg_ref[0, :] + deg_ref[1, :] + 1.0)[:, None]
    s = jnp.concatenate([s_ref[0], s_ref[1]], axis=1)
    h = jnp.concatenate([h_ref[0], h_ref[1]], axis=1)
    z = jnp.maximum(d * (s + h) + b_ref[0], 0.0)
    partial = jnp.dot(z, w_ref[...], preferred_element_type=jnp.float32)

    @pl.when(k == 0)
    def _():
        acc_ref[...] = partial

    @pl.when(k > 0)
    def _():
        acc_ref[...] += partial

    @pl.when(k == C - 1)
    def _():
        res = acc_ref[...] * d
        out_ref[0] = res[:, :SCH]
        out_ref[1] = res[:, SCH:]


def _tc2(s1, h1t, deg2, b1r, w2):
    nb = NPAD // 1024
    return pl.pallas_call(
        _tc2_body,
        grid=(nb, C, C),
        in_specs=[
            pl.BlockSpec((2, 1024, SCH), lambda i, c2, k: (k, i, 0)),
            pl.BlockSpec((2, 1024, SCH), lambda i, c2, k: (k, i, 0)),
            pl.BlockSpec((NC, 1024), lambda i, c2, k: (0, i)),
            pl.BlockSpec((1, 1, CH), lambda i, c2, k: (k, 0, 0)),
            pl.BlockSpec((CH, CH), lambda i, c2, k: (k, c2)),
        ],
        out_specs=pl.BlockSpec((2, 1024, SCH), lambda i, c2, k: (c2, i, 0)),
        out_shape=jax.ShapeDtypeStruct((SC, NPAD, SCH), jnp.float32),
        scratch_shapes=[pltpu.VMEM((1024, CH), jnp.float32)],
    )(s1, h1t, deg2, b1r, w2)


def _tc3_body(s_ref, h_ref, deg_ref, b_ref, batch_ref, node_ref, graph_ref,
              acc_ref, cnt_ref):
    i = pl.program_id(1)
    d = lax.rsqrt(deg_ref[0, :] + deg_ref[1, :] + 1.0)[:, None]
    s = jnp.concatenate([s_ref[0], s_ref[1]], axis=1)
    h = jnp.concatenate([h_ref[0], h_ref[1]], axis=1)
    ne = d * (s + h) + b_ref[0]
    node_ref[...] = ne

    bt = batch_ref[0]
    oh = (lax.broadcasted_iota(jnp.int32, (G, 1024), 0) == bt).astype(jnp.float32)
    psum = jnp.dot(oh, ne, preferred_element_type=jnp.float32)
    pcnt = jnp.sum(oh, axis=1, keepdims=True)

    @pl.when(i == 0)
    def _():
        acc_ref[...] = psum
        cnt_ref[...] = pcnt

    @pl.when(i > 0)
    def _():
        acc_ref[...] += psum
        cnt_ref[...] += pcnt

    @pl.when(i == (NPAD // 1024) - 1)
    def _():
        graph_ref[...] = acc_ref[...] / jnp.maximum(cnt_ref[...], 1.0)


def _tc3(s2, h2t, deg2, b2r, batch_rows):
    nb = NPAD // 1024
    return pl.pallas_call(
        _tc3_body,
        grid=(C, nb),
        in_specs=[
            pl.BlockSpec((2, 1024, SCH), lambda c, i: (c, i, 0)),
            pl.BlockSpec((2, 1024, SCH), lambda c, i: (c, i, 0)),
            pl.BlockSpec((NC, 1024), lambda c, i: (0, i)),
            pl.BlockSpec((1, 1, CH), lambda c, i: (c, 0, 0)),
            pl.BlockSpec((1, 1, 1024), lambda c, i: (i, 0, 0)),
        ],
        out_specs=[
            pl.BlockSpec((1024, CH), lambda c, i: (i, c)),
            pl.BlockSpec((G, CH), lambda c, i: (0, c)),
        ],
        out_shape=[
            jax.ShapeDtypeStruct((NPAD, H), jnp.float32),
            jax.ShapeDtypeStruct((G, H), jnp.float32),
        ],
        scratch_shapes=[
            pltpu.VMEM((G, CH), jnp.float32),
            pltpu.VMEM((G, 1), jnp.float32),
        ],
    )(s2, h2t, deg2, b2r, batch_rows)


def kernel(x, edge_index, batch, W1, b1, W2, b2):
    edge32 = edge_index.astype(jnp.int32)
    src = edge32[0]
    dst = edge32[1]
    pad = EPAD - E
    srcp = jnp.concatenate([src, jnp.zeros((pad,), jnp.int32)])
    dstp = jnp.concatenate([dst, jnp.full((pad,), N, jnp.int32)])
    dst_rows = dstp.reshape(EROWS, 128)
    src_rows = srcp.reshape(EROWS, 128)

    x_pad = jnp.concatenate([x, jnp.zeros((NPAD - N, D), jnp.float32)])
    batch_rows = jnp.concatenate(
        [batch.astype(jnp.int32), jnp.full((NPAD - N,), G, jnp.int32)]
    ).reshape(NPAD // 1024, 1, 1024)
    b1r = b1.reshape(C, 1, CH)
    b2r = b2.reshape(C, 1, CH)

    deg2 = _deg_kernel(dst_rows).reshape(NC, NPAD)

    h1t = _tc1(x_pad, W1, deg2)
    s1 = _scatter_kernel(h1t.reshape(SC * NPAD, SCH), src_rows, dst_rows)
    h2t = _tc2(s1.reshape(SC, NPAD, SCH), h1t, deg2, b1r, W2)
    s2 = _scatter_kernel(h2t.reshape(SC * NPAD, SCH), src_rows, dst_rows)
    node_full, graph_embedding = _tc3(
        s2.reshape(SC, NPAD, SCH), h2t, deg2, b2r, batch_rows)

    node_embeddings = node_full[:N]
    return (node_embeddings, graph_embedding)

# --- scband reference (transcript-rebuilt; emitter-appended) ---
"""Pipeline reference for scband-policy-network-13872744366209 (READ-ONLY COPY).

The authoritative reference and input builder live on the scoring server;
editing this copy changes nothing except your own understanding.
"""

import jax, jax.numpy as jnp
import numpy as np

N = 10000
E = 160000
D = 256
H = 512
G = 16


def setup_inputs(seed: int = 0) -> dict:
    key = jax.random.key(seed)
    k1, k2, k3, k4, k5 = jax.random.split(key, 5)
    x = jax.random.normal(k1, (N, D), dtype=jnp.float32)
    edge_index = jax.random.randint(k2, (2, E), 0, N, dtype=jnp.int64)
    batch = jnp.sort(jax.random.randint(k3, (N,), 0, G, dtype=jnp.int64))
    W1 = jax.random.normal(k4, (D, H), dtype=jnp.float32) * 0.05
    b1 = jnp.zeros((H,), dtype=jnp.float32)
    W2 = jax.random.normal(k5, (H, H), dtype=jnp.float32) * 0.05
    b2 = jnp.zeros((H,), dtype=jnp.float32)
    return {"x": x, "edge_index": edge_index, "batch": batch,
            "W1": W1, "b1": b1, "W2": W2, "b2": b2}


def _gcn_conv(x, src, dst, W, b, n_nodes):
    # GCNConv: h = XW; add self-loops; symmetric normalization D^{-1/2}(A+I)D^{-1/2}; scatter-add; bias
    h = x @ W
    loop = jnp.arange(n_nodes, dtype=src.dtype)
    src_sl = jnp.concatenate([src, loop])
    dst_sl = jnp.concatenate([dst, loop])
    ones = jnp.ones_like(dst_sl, dtype=h.dtype)
    deg = jax.ops.segment_sum(ones, dst_sl, num_segments=n_nodes)
    deg_inv_sqrt = jnp.where(deg > 0, jax.lax.rsqrt(jnp.maximum(deg, 1e-12)), 0.0)
    norm = deg_inv_sqrt[src_sl] * deg_inv_sqrt[dst_sl]
    msg = h[src_sl] * norm[:, None]
    out = jax.ops.segment_sum(msg, dst_sl, num_segments=n_nodes)
    return out + b


def reference(x, edge_index, batch, W1, b1, W2, b2):
    src = edge_index[0]
    dst = edge_index[1]
    h = _gcn_conv(x, src, dst, W1, b1, N)
    h = jax.nn.relu(h)
    node_embeddings = _gcn_conv(h, src, dst, W2, b2, N)
    # global_mean_pool over batch ids
    sums = jax.ops.segment_sum(node_embeddings, batch, num_segments=G)
    counts = jax.ops.segment_sum(jnp.ones((N,), dtype=node_embeddings.dtype), batch, num_segments=G)
    graph_embedding = sums / jnp.maximum(counts, 1.0)[:, None]
    return (node_embeddings, graph_embedding)

if __name__ == "__main__":
    import jax
    _d = setup_inputs()
    print(jax.jit(kernel)(*tuple(_d.values())))

</pallas_src>

<mosaic_0001>
#map = affine_map<(d0, d1) -> (0, 0)>
#map1 = affine_map<(d0, d1) -> (0)>
module attributes {stable_mosaic.version = 14 : i64} {
  func.func @_deg_kernel(%arg0: i32, %arg1: i32, %arg2: memref<1280x128xi32, #tpu.memory_space<hbm>>, %arg3: memref<20480xf32, #tpu.memory_space<hbm>>, %arg4: memref<40x128xi32, #tpu.memory_space<vmem>>, %arg5: memref<128xf32, #tpu.memory_space<vmem>>, %arg6: memref<640xf32, #tpu.memory_space<vmem>>, %arg7: memref<10240xf32, #tpu.memory_space<vmem_shared>>) attributes {dimension_semantics = [#tpu.dimension_semantics<core_parallel>, #tpu.dimension_semantics<subcore_parallel>], iteration_bounds = array<i64: 2, 16>, scalar_prefetch = 0 : i64, scratch_operands = 4 : i64, tpu.core_type = #tpu.core_type<sc_vector_subcore>, window_params = [{transform_indices = #map}, {transform_indices = #map1}]} {
    %broadcast_in_dim3A = arith.constant 1.000000e+00 : f32
    %broadcast_in_dim3A_0 = vector.broadcast %broadcast_in_dim3A : f32 to vector<16xf32>
    %swap3A = arith.constant 0 : index
    %swap3A_1 = tpu.vector_load %arg5[%swap3A] {strides = array<i32>} : memref<128xf32, #tpu.memory_space<vmem>>, vector<16xf32>,
    %swap3A_2 = vector.shape_cast %swap3A_1 : vector<16xf32> to vector<16xf32>
    %swap3A_3 = vector.shape_cast %broadcast_in_dim3A_0 : vector<16xf32> to vector<16xf32>
    tpu.vector_store %arg5[%swap3A], %swap3A_3 {strides = array<i32>} : memref<128xf32, #tpu.memory_space<vmem>>, vector<16xf32>,
    %broadcast_in_dim3A_4 = arith.constant 1.000000e+00 : f32
    %broadcast_in_dim3A_5 = vector.broadcast %broadcast_in_dim3A_4 : f32 to vector<16xf32>
    %swap3A_6 = arith.constant 16 : index
    %swap3A_7 = tpu.vector_load %arg5[%swap3A_6] {strides = array<i32>} : memref<128xf32, #tpu.memory_space<vmem>>, vector<16xf32>,
    %swap3A_8 = vector.shape_cast %swap3A_7 : vector<16xf32> to vector<16xf32>
    %swap3A_9 = vector.shape_cast %broadcast_in_dim3A_5 : vector<16xf32> to vector<16xf32>
    tpu.vector_store %arg5[%swap3A_6], %swap3A_9 {strides = array<i32>} : memref<128xf32, #tpu.memory_space<vmem>>, vector<16xf32>,
    %broadcast_in_dim3A_10 = arith.constant 1.000000e+00 : f32
    %broadcast_in_dim3A_11 = vector.broadcast %broadcast_in_dim3A_10 : f32 to vector<16xf32>
    %swap3A_12 = arith.constant 32 : index
    %swap3A_13 = tpu.vector_load %arg5[%swap3A_12] {strides = array<i32>} : memref<128xf32, #tpu.memory_space<vmem>>, vector<16xf32>,
    %swap3A_14 = vector.shape_cast %swap3A_13 : vector<16xf32> to vector<16xf32>
    %swap3A_15 = vector.shape_cast %broadcast_in_dim3A_11 : vector<16xf32> to vector<16xf32>
    tpu.vector_store %arg5[%swap3A_12], %swap3A_15 {strides = array<i32>} : memref<128xf32, #tpu.memory_space<vmem>>, vector<16xf32>,
    %broadcast_in_dim3A_16 = arith.constant 1.000000e+00 : f32
    %broadcast_in_dim3A_17 = vector.broadcast %broadcast_in_dim3A_16 : f32 to vector<16xf32>
    %swap3A_18 = arith.constant 48 : index
    %swap3A_19 = tpu.vector_load %arg5[%swap3A_18] {strides = array<i32>} : memref<128xf32, #tpu.memory_space<vmem>>, vector<16xf32>,
    %swap3A_20 = vector.shape_cast %swap3A_19 : vector<16xf32> to vector<16xf32>
    %swap3A_21 = vector.shape_cast %broadcast_in_dim3A_17 : vector<16xf32> to vector<16xf32>
    tpu.vector_store %arg5[%swap3A_18], %swap3A_21 {strides = array<i32>} : memref<128xf32, #tpu.memory_space<vmem>>, vector<16xf32>,
    %broadcast_in_dim3A_22 = arith.constant 1.000000e+00 : f32
    %broadcast_in_dim3A_23 = vector.broadcast %broadcast_in_dim3A_22 : f32 to vector<16xf32>
    %swap3A_24 = arith.constant 64 : index
    %swap3A_25 = tpu.vector_load %arg5[%swap3A_24] {strides = array<i32>} : memref<128xf32, #tpu.memory_space<vmem>>, vector<16xf32>,
    %swap3A_26 = vector.shape_cast %swap3A_25 : vector<16xf32> to vector<16xf32>
    %swap3A_27 = vector.shape_cast %broadcast_in_dim3A_23 : vector<16xf32> to vector<16xf32>
    tpu.vector_store %arg5[%swap3A_24], %swap3A_27 {strides = array<i32>} : memref<128xf32, #tpu.memory_space<vmem>>, vector<16xf32>,
    %broadcast_in_dim3A_28 = arith.constant 1.000000e+00 : f32
    %broadcast_in_dim3A_29 = vector.broadcast %broadcast_in_dim3A_28 : f32 to vector<16xf32>
    %swap3A_30 = arith.constant 80 : index
    %swap3A_31 = tpu.vector_load %arg5[%swap3A_30] {strides = array<i32>} : memref<128xf32, #tpu.memory_space<vmem>>, vector<16xf32>,
    %swap3A_32 = vector.shape_cast %swap3A_31 : vector<16xf32> to vector<16xf32>
    %swap3A_33 = vector.shape_cast %broadcast_in_dim3A_29 : vector<16xf32> to vector<16xf32>
    tpu.vector_store %arg5[%swap3A_30], %swap3A_33 {strides = array<i32>} : memref<128xf32, #tpu.memory_space<vmem>>, vector<16xf32>,
    %broadcast_in_dim3A_34 = arith.constant 1.000000e+00 : f32
    %broadcast_in_dim3A_35 = vector.broadcast %broadcast_in_dim3A_34 : f32 to vector<16xf32>
    %swap3A_36 = arith.constant 96 : index
    %swap3A_37 = tpu.vector_load %arg5[%swap3A_36] {strides = array<i32>} : memref<128xf32, #tpu.memory_space<vmem>>, vector<16xf32>,
    %swap3A_38 = vector.shape_cast %swap3A_37 : vector<16xf32> to vector<16xf32>
    %swap3A_39 = vector.shape_cast %broadcast_in_dim3A_35 : vector<16xf32> to vector<16xf32>
    tpu.vector_store %arg5[%swap3A_36], %swap3A_39 {strides = array<i32>} : memref<128xf32, #tpu.memory_space<vmem>>, vector<16xf32>,
    %broadcast_in_dim3A_40 = arith.constant 1.000000e+00 : f32
    %broadcast_in_dim3A_41 = vector.broadcast %broadcast_in_dim3A_40 : f32 to vector<16xf32>
    %swap3A_42 = arith.constant 112 : index
    %swap3A_43 = tpu.vector_load %arg5[%swap3A_42] {strides = array<i32>} : memref<128xf32, #tpu.memory_space<vmem>>, vector<16xf32>,
    %swap3A_44 = vector.shape_cast %swap3A_43 : vector<16xf32> to vector<16xf32>
    %swap3A_45 = vector.shape_cast %broadcast_in_dim3A_41 : vector<16xf32> to vector<16xf32>
    tpu.vector_store %arg5[%swap3A_42], %swap3A_45 {strides = array<i32>} : memref<128xf32, #tpu.memory_space<vmem>>, vector<16xf32>,
    %scan3A = arith.constant 0 : i32
    %scan3A_46 = arith.constant 0 : i32
    %scan3A_47 = arith.constant 40 : i32
    %scan3A_48 = arith.addi %scan3A_46, %scan3A_47 : i32
    %scan3A_49 = arith.constant 1 : i32
    scf.for %scan3A_70 = %scan3A_46 to %scan3A_48 step %scan3A_49  : i32 {
      %broadcast_in_dim3A_71 = arith.constant 0.000000e+00 : f32
      %broadcast_in_dim3A_72 = vector.broadcast %broadcast_in_dim3A_71 : f32 to vector<16xf32>
      %mul3A_73 = arith.constant 16 : i32
      %mul3A_74 = arith.muli %scan3A_70, %mul3A_73 : i32
      %swap3A_75 = arith.index_cast %mul3A_74 : i32 to index
      %swap3A_76 = tpu.vector_load %arg6[%swap3A_75] {strides = array<i32>} : memref<640xf32, #tpu.memory_space<vmem>>, vector<16xf32>,
      %swap3A_77 = vector.shape_cast %swap3A_76 : vector<16xf32> to vector<16xf32>
      %swap3A_78 = vector.shape_cast %broadcast_in_dim3A_72 : vector<16xf32> to vector<16xf32>
      tpu.vector_store %arg6[%swap3A_75], %swap3A_78 {strides = array<i32>} : memref<640xf32, #tpu.memory_space<vmem>>, vector<16xf32>,
    }
    %scan3A_50 = arith.constant 40 : i32
    %mul3A = arith.constant 640 : i32
    %mul3A_51 = arith.muli %arg1, %mul3A : i32
    "tpu.region"() ({
      %run_scoped3A = tpu.sem_alloc : memref<!tpu.dma_semaphore, #tpu.memory_space<semaphore_mem>>
      %dma_start3A = tpu.memref_slice %arg7[%mul3A_51] : memref<10240xf32, #tpu.memory_space<vmem_shared>> -> memref<640xf32, #tpu.memory_space<vmem_shared>>
      %dma_start3A_70 = tpu.memref_slice %arg7[%mul3A_51] : memref<10240xf32, #tpu.memory_space<vmem_shared>> -> memref<640xf32, #tpu.memory_space<vmem_shared>>
      tpu.enqueue_dma source(%arg6 : memref<640xf32, #tpu.memory_space<vmem>>) target(%dma_start3A_70 : memref<640xf32, #tpu.memory_space<vmem_shared>>) target_semaphore(%run_scoped3A : memref<!tpu.dma_semaphore, #tpu.memory_space<semaphore_mem>>)
      %dma_wait3A = tpu.memref_slice %arg7[%mul3A_51] : memref<10240xf32, #tpu.memory_space<vmem_shared>> -> memref<640xf32, #tpu.memory_space<vmem_shared>>
      %dma_wait3A_71 = tpu.memref_slice %arg7[%mul3A_51] : memref<10240xf32, #tpu.memory_space<vmem_shared>> -> memref<640xf32, #tpu.memory_space<vmem_shared>>
      tpu.wait_dma2 semaphore(%run_scoped3A : memref<!tpu.dma_semaphore, #tpu.memory_space<semaphore_mem>>) src(%arg6 : memref<640xf32, #tpu.memory_space<vmem>>) dst(%dma_wait3A_71 : memref<640xf32, #tpu.memory_space<vmem_shared>>)
      tpu.yield
    }) : () -> ()
    %barrier3A = arith.constant 0 : index
    tpu.barrier barrier_id(%barrier3A)
    %mul3A_52 = arith.constant 640 : i32
    %mul3A_53 = arith.muli %arg0, %mul3A_52 : i32
    %mul3A_54 = arith.constant 40 : i32
    %mul3A_55 = arith.muli %arg1, %mul3A_54 : i32
    %add3A = arith.addi %mul3A_53, %mul3A_55 : i32
    "tpu.region"() ({
      %run_scoped3A = tpu.sem_alloc : memref<!tpu.dma_semaphore, #tpu.memory_space<semaphore_mem>>
      %dma_start3A = arith.constant 0 : i32
      %dma_start3A_70 = tpu.memref_slice %arg2[%add3A, %dma_start3A] : memref<1280x128xi32, #tpu.memory_space<hbm>> -> memref<40x128xi32, #tpu.memory_space<hbm>>
      %dma_start3A_71 = arith.constant 0 : i32
      %dma_start3A_72 = tpu.memref_slice %arg2[%add3A, %dma_start3A_71] : memref<1280x128xi32, #tpu.memory_space<hbm>> -> memref<40x128xi32, #tpu.memory_space<hbm>>
      tpu.enqueue_dma source(%dma_start3A_72 : memref<40x128xi32, #tpu.memory_space<hbm>>) target(%arg4 : memref<40x128xi32, #tpu.memory_space<vmem>>) target_semaphore(%run_scoped3A : memref<!tpu.dma_semaphore, #tpu.memory_space<semaphore_mem>>)
      %dma_wait3A = arith.constant 0 : i32
      %dma_wait3A_73 = tpu.memref_slice %arg2[%add3A, %dma_wait3A] : memref<1280x128xi32, #tpu.memory_space<hbm>> -> memref<40x128xi32, #tpu.memory_space<hbm>>
      %dma_wait3A_74 = arith.constant 0 : i32
      %dma_wait3A_75 = tpu.memref_slice %arg2[%add3A, %dma_wait3A_74] : memref<1280x128xi32, #tpu.memory_space<hbm>> -> memref<40x128xi32, #tpu.memory_space<hbm>>
      tpu.wait_dma2 semaphore(%run_scoped3A : memref<!tpu.dma_semaphore, #tpu.memory_space<semaphore_mem>>) src(%dma_wait3A_75 : memref<40x128xi32, #tpu.memory_space<hbm>>) dst(%arg4 : memref<40x128xi32, #tpu.memory_space<vmem>>)
      tpu.yield
    }) : () -> ()
    %scan3A_56 = arith.constant 0 : i32
    %scan3A_57 = arith.constant 0 : i32
    %scan3A_58 = arith.constant 40 : i32
    %scan3A_59 = arith.addi %scan3A_57, %scan3A_58 : i32
    %scan3A_60 = arith.constant 1 : i32
    scf.for %scan3A_70 = %scan3A_57 to %scan3A_59 step %scan3A_60  : i32 {
      "tpu.region"() ({
        %run_scoped3A = tpu.sem_alloc : memref<!tpu.dma_semaphore, #tpu.memory_space<semaphore_mem>>
        %dma_start3A = arith.constant 0 : i32
        %dma_start3A_71 = tpu.memref_slice %arg4[%scan3A_70, %dma_start3A] : memref<40x128xi32, #tpu.memory_space<vmem>> -> memref<1x128xi32, #tpu.memory_space<vmem>>
        %dma_start3A_72 = tpu.memref_squeeze %dma_start3A_71 : memref<1x128xi32, #tpu.memory_space<vmem>> -> memref<128xi32, #tpu.memory_space<vmem>>
        %dma_start3A_73 = arith.constant 0 : i32
        %dma_start3A_74 = tpu.memref_slice %arg7[%dma_start3A_73] : memref<10240xf32, #tpu.memory_space<vmem_shared>> -> memref<10240xf32, #tpu.memory_space<vmem_shared>>
        tpu.enqueue_indirect_dma source(%arg5 : memref<128xf32, #tpu.memory_space<vmem>>) target(%dma_start3A_74 : memref<10240xf32, #tpu.memory_space<vmem_shared>>) offsets(%dma_start3A_72 : memref<128xi32, #tpu.memory_space<vmem>>) semaphore(%run_scoped3A : memref<!tpu.dma_semaphore, #tpu.memory_space<semaphore_mem>>) {add = true}
        %dma_wait3A = arith.constant 0 : i32
        %dma_wait3A_75 = tpu.memref_slice %arg4[%scan3A_70, %dma_wait3A] : memref<40x128xi32, #tpu.memory_space<vmem>> -> memref<1x128xi32, #tpu.memory_space<vmem>>
        %dma_wait3A_76 = tpu.memref_squeeze %dma_wait3A_75 : memref<1x128xi32, #tpu.memory_space<vmem>> -> memref<128xi32, #tpu.memory_space<vmem>>
        %dma_wait3A_77 = arith.constant 0 : i32
        %dma_wait3A_78 = tpu.memref_slice %arg7[%dma_wait3A_77] : memref<10240xf32, #tpu.memory_space<vmem_shared>> -> memref<10240xf32, #tpu.memory_space<vmem_shared>>
        tpu.wait_indirect_dma semaphore(%run_scoped3A : memref<!tpu.dma_semaphore, #tpu.memory_space<semaphore_mem>>) src(%arg5 : memref<128xf32, #tpu.memory_space<vmem>>) dst(%dma_wait3A_78 : memref<10240xf32, #tpu.memory_space<vmem_shared>>)
        tpu.yield
      }) : () -> ()
    }
    %scan3A_61 = arith.constant 40 : i32
    %barrier3A_62 = arith.constant 0 : index
    tpu.barrier barrier_id(%barrier3A_62)
    %mul3A_63 = arith.constant 640 : i32
    %mul3A_64 = arith.muli %arg1, %mul3A_63 : i32
    %mul3A_65 = arith.constant 10240 : i32
    %mul3A_66 = arith.muli %arg0, %mul3A_65 : i32
    %mul3A_67 = arith.constant 640 : i32
    %mul3A_68 = arith.muli %arg1, %mul3A_67 : i32
    %add3A_69 = arith.addi %mul3A_66, %mul3A_68 : i32
    "tpu.region"() ({
      %run_scoped3A = tpu.sem_alloc : memref<!tpu.dma_semaphore, #tpu.memory_space<semaphore_mem>>
      %dma_start3A = tpu.memref_slice %arg3[%add3A_69] : memref<20480xf32, #tpu.memory_space<hbm>> -> memref<640xf32, #tpu.memory_space<hbm>>
      %dma_start3A_70 = tpu.memref_slice %arg7[%mul3A_64] : memref<10240xf32, #tpu.memory_space<vmem_shared>> -> memref<640xf32, #tpu.memory_space<vmem_shared>>
      tpu.enqueue_dma source(%dma_start3A_70 : memref<640xf32, #tpu.memory_space<vmem_shared>>) target(%dma_start3A : memref<640xf32, #tpu.memory_space<hbm>>) target_semaphore(%run_scoped3A : memref<!tpu.dma_semaphore, #tpu.memory_space<semaphore_mem>>)
      %dma_wait3A = tpu.memref_slice %arg3[%add3A_69] : memref<20480xf32, #tpu.memory_space<hbm>> -> memref<640xf32, #tpu.memory_space<hbm>>
      %dma_wait3A_71 = tpu.memref_slice %arg7[%mul3A_64] : memref<10240xf32, #tpu.memory_space<vmem_shared>> -> memref<640xf32, #tpu.memory_space<vmem_shared>>
      tpu.wait_dma2 semaphore(%run_scoped3A : memref<!tpu.dma_semaphore, #tpu.memory_space<semaphore_mem>>) src(%dma_wait3A_71 : memref<640xf32, #tpu.memory_space<vmem_shared>>) dst(%dma_wait3A : memref<640xf32, #tpu.memory_space<hbm>>)
      tpu.yield
    }) : () -> ()
    return
  }
}

#map = affine_map<(d0, d1) -> (0, 0)>
module attributes {stable_mosaic.version = 14 : i64} {
  func.func @_scatter_kernel(%arg0: i32, %arg1: i32, %arg2: memref<81920x64xf32, #tpu.memory_space<hbm>>, %arg3: memref<1280x128xi32, #tpu.memory_space<hbm>>, %arg4: memref<1280x128xi32, #tpu.memory_space<hbm>>, %arg5: memref<81920x64xf32, #tpu.memory_space<hbm>>, %arg6: memref<40x128xi32, #tpu.memory_space<vmem>>, %arg7: memref<40x128xi32, #tpu.memory_space<vmem>>, %arg8: memref<4x128x64xf32, #tpu.memory_space<vmem>>, %arg9: memref<40x64xf32, #tpu.memory_space<vmem>>, %arg10: memref<10240x64xf32, #tpu.memory_space<vmem_shared>>, %arg11: memref<10240x64xf32, #tpu.memory_space<vmem_shared>>, %arg12: memref<4x!tpu.dma_semaphore, #tpu.memory_space<semaphore_mem>>) attributes {dimension_semantics = [#tpu.dimension_semantics<core_parallel>, #tpu.dimension_semantics<subcore_parallel>], iteration_bounds = array<i64: 2, 16>, scalar_prefetch = 0 : i64, scratch_operands = 7 : i64, tpu.core_type = #tpu.core_type<sc_vector_subcore>, window_params = [{transform_indices = #map}, {transform_indices = #map}, {transform_indices = #map}, {transform_indices = #map}]} {
    %scan3A = arith.constant 0 : i32
    %scan3A_0 = arith.constant 0 : i32
    %scan3A_1 = arith.constant 160 : i32
    %scan3A_2 = arith.addi %scan3A_0, %scan3A_1 : i32
    %scan3A_3 = arith.constant 1 : i32
    scf.for %scan3A_134 = %scan3A_0 to %scan3A_2 step %scan3A_3  : i32 {
      %jit3A = arith.constant 4 : i32
      %div3A = arith.divsi %scan3A_134, %jit3A : i32
      %sign3A = arith.constant 0 : i32
      %sign3A_135 = arith.cmpi sgt, %scan3A_134, %sign3A : i32
      %sign3A_136 = arith.extui %sign3A_135 : i1 to i32
      %sign3A_137 = arith.constant 0 : i32
      %sign3A_138 = arith.cmpi slt, %scan3A_134, %sign3A_137 : i32
      %sign3A_139 = arith.extui %sign3A_138 : i1 to i32
      %sign3A_140 = arith.subi %sign3A_136, %sign3A_139 : i32
      %sign3A_141 = arith.constant 0 : i32
      %sign3A_142 = arith.cmpi sgt, %jit3A, %sign3A_141 : i32
      %sign3A_143 = arith.extui %sign3A_142 : i1 to i32
      %sign3A_144 = arith.constant 0 : i32
      %sign3A_145 = arith.cmpi slt, %jit3A, %sign3A_144 : i32
      %sign3A_146 = arith.extui %sign3A_145 : i1 to i32
      %sign3A_147 = arith.subi %sign3A_143, %sign3A_146 : i32
      %ne3A = arith.cmpi ne, %sign3A_140, %sign3A_147 : i32
      %rem3A = arith.remsi %scan3A_134, %jit3A : i32
      %ne3A_148 = arith.constant 0 : i32
      %ne3A_149 = arith.cmpi ne, %rem3A, %ne3A_148 : i32
      %and3A = arith.andi %ne3A, %ne3A_149 : i1
      %sub3A = arith.constant 1 : i32
      %sub3A_150 = arith.subi %div3A, %sub3A : i32
      %select_n3A = arith.select %and3A, %sub3A_150, %div3A : i32
      %jit3A_151 = arith.constant 4 : i32
      %eq3A = arith.constant 0 : i32
      %eq3A_152 = arith.cmpi eq, %jit3A_151, %eq3A : i32
      %jit3A_153 = arith.constant 1 : i32
      %select_n3A_154 = arith.select %eq3A_152, %jit3A_153, %jit3A_151 : i32
      %rem3A_155 = arith.remsi %scan3A_134, %select_n3A_154 : i32
      %ne3A_156 = arith.constant 0 : i32
      %ne3A_157 = arith.cmpi ne, %rem3A_155, %ne3A_156 : i32
      %lt3A = arith.constant 0 : i32
      %lt3A_158 = arith.cmpi slt, %rem3A_155, %lt3A : i32
      %lt3A_159 = arith.constant 0 : i32
      %lt3A_160 = arith.cmpi slt, %select_n3A_154, %lt3A_159 : i32
      %ne3A_161 = arith.xori %lt3A_158, %lt3A_160 : i1
      %and3A_162 = arith.andi %ne3A_161, %ne3A_157 : i1
      %add3A_163 = arith.addi %rem3A_155, %select_n3A_154 : i32
      %select_n3A_164 = arith.select %and3A_162, %add3A_163, %rem3A_155 : i32
      %broadcast_in_dim3A = arith.constant 0.000000e+00 : f32
      %broadcast_in_dim3A_165 = vector.broadcast %broadcast_in_dim3A : f32 to vector<16xf32>
      %mul3A_166 = arith.constant 16 : i32
      %mul3A_167 = arith.muli %select_n3A_164, %mul3A_166 : i32
      %swap3A = arith.index_cast %select_n3A : i32 to index
      %swap3A_168 = arith.index_cast %mul3A_167 : i32 to index
      %swap3A_169 = tpu.vector_load %arg9[%swap3A, %swap3A_168] {strides = array<i32>} : memref<40x64xf32, #tpu.memory_space<vmem>>, vector<1x16xf32>,
      %swap3A_170 = vector.shape_cast %swap3A_169 : vector<1x16xf32> to vector<16xf32>
      %swap3A_171 = vector.shape_cast %broadcast_in_dim3A_165 : vector<16xf32> to vector<1x16xf32>
      tpu.vector_store %arg9[%swap3A, %swap3A_168], %swap3A_171 {strides = array<i32>} : memref<40x64xf32, #tpu.memory_space<vmem>>, vector<1x16xf32>,
    }
    %scan3A_4 = arith.constant 160 : i32
    %mul3A = arith.constant 4 : i32
    %mul3A_5 = arith.muli %arg0, %mul3A : i32
    %add3A = arith.constant 0 : i32
    %add3A_6 = arith.addi %mul3A_5, %add3A : i32
    %mul3A_7 = arith.constant 10240 : i32
    %mul3A_8 = arith.muli %add3A_6, %mul3A_7 : i32
    %mul3A_9 = arith.constant 640 : i32
    %mul3A_10 = arith.muli %arg1, %mul3A_9 : i32
    %add3A_11 = arith.addi %mul3A_8, %mul3A_10 : i32
    %mul3A_12 = arith.constant 640 : i32
    %mul3A_13 = arith.muli %arg1, %mul3A_12 : i32
    "tpu.region"() ({
      %run_scoped3A = tpu.sem_alloc : memref<!tpu.dma_semaphore, #tpu.memory_space<semaphore_mem>>
      %dma_start3A = arith.constant 0 : i32
      %dma_start3A_134 = tpu.memref_slice %arg10[%mul3A_13, %dma_start3A] : memref<10240x64xf32, #tpu.memory_space<vmem_shared>> -> memref<640x64xf32, #tpu.memory_space<vmem_shared>>
      %dma_start3A_135 = arith.constant 0 : i32
      %dma_start3A_136 = tpu.memref_slice %arg2[%add3A_11, %dma_start3A_135] : memref<81920x64xf32, #tpu.memory_space<hbm>> -> memref<640x64xf32, #tpu.memory_space<hbm>>
      tpu.enqueue_dma source(%dma_start3A_136 : memref<640x64xf32, #tpu.memory_space<hbm>>) target(%dma_start3A_134 : memref<640x64xf32, #tpu.memory_space<vmem_shared>>) target_semaphore(%run_scoped3A : memref<!tpu.dma_semaphore, #tpu.memory_space<semaphore_mem>>)
      %dma_wait3A = arith.constant 0 : i32
      %dma_wait3A_137 = tpu.memref_slice %arg10[%mul3A_13, %dma_wait3A] : memref<10240x64xf32, #tpu.memory_space<vmem_shared>> -> memref<640x64xf32, #tpu.memory_space<vmem_shared>>
      %dma_wait3A_138 = arith.constant 0 : i32
      %dma_wait3A_139 = tpu.memref_slice %arg2[%add3A_11, %dma_wait3A_138] : memref<81920x64xf32, #tpu.memory_space<hbm>> -> memref<640x64xf32, #tpu.memory_space<hbm>>
      tpu.wait_dma2 semaphore(%run_scoped3A : memref<!tpu.dma_semaphore, #tpu.memory_space<semaphore_mem>>) src(%dma_wait3A_139 : memref<640x64xf32, #tpu.memory_space<hbm>>) dst(%dma_wait3A_137 : memref<640x64xf32, #tpu.memory_space<vmem_shared>>)
      tpu.yield
    }) : () -> ()
    %scan3A_14 = arith.constant 0 : i32
    %scan3A_15 = arith.constant 0 : i32
    %scan3A_16 = arith.constant 16 : i32
    %scan3A_17 = arith.addi %scan3A_15, %scan3A_16 : i32
    %scan3A_18 = arith.constant 1 : i32
    scf.for %scan3A_134 = %scan3A_15 to %scan3A_17 step %scan3A_18  : i32 {
      %mul3A_135 = arith.constant 640 : i32
      %mul3A_136 = arith.muli %arg1, %mul3A_135 : i32
      %mul3A_137 = arith.constant 40 : i32
      %mul3A_138 = arith.muli %scan3A_134, %mul3A_137 : i32
      %add3A_139 = arith.addi %mul3A_136, %mul3A_138 : i32
      "tpu.region"() ({
        %run_scoped3A = tpu.sem_alloc : memref<!tpu.dma_semaphore, #tpu.memory_space<semaphore_mem>>
        %dma_start3A = arith.constant 0 : i32
        %dma_start3A_140 = tpu.memref_slice %arg11[%add3A_139, %dma_start3A] : memref<10240x64xf32, #tpu.memory_space<vmem_shared>> -> memref<40x64xf32, #tpu.memory_space<vmem_shared>>
        %dma_start3A_141 = arith.constant 0 : i32
        %dma_start3A_142 = tpu.memref_slice %arg11[%add3A_139, %dma_start3A_141] : memref<10240x64xf32, #tpu.memory_space<vmem_shared>> -> memref<40x64xf32, #tpu.memory_space<vmem_shared>>
        tpu.enqueue_dma source(%arg9 : memref<40x64xf32, #tpu.memory_space<vmem>>) target(%dma_start3A_142 : memref<40x64xf32, #tpu.memory_space<vmem_shared>>) target_semaphore(%run_scoped3A : memref<!tpu.dma_semaphore, #tpu.memory_space<semaphore_mem>>)
        %dma_wait3A = arith.constant 0 : i32
        %dma_wait3A_143 = tpu.memref_slice %arg11[%add3A_139, %dma_wait3A] : memref<10240x64xf32, #tpu.memory_space<vmem_shared>> -> memref<40x64xf32, #tpu.memory_space<vmem_shared>>
        %dma_wait3A_144 = arith.constant 0 : i32
        %dma_wait3A_145 = tpu.memref_slice %arg11[%add3A_139, %dma_wait3A_144] : memref<10240x64xf32, #tpu.memory_space<vmem_shared>> -> memref<40x64xf32, #tpu.memory_space<vmem_shared>>
        tpu.wait_dma2 semaphore(%run_scoped3A : memref<!tpu.dma_semaphore, #tpu.memory_space<semaphore_mem>>) src(%arg9 : memref<40x64xf32, #tpu.memory_space<vmem>>) dst(%dma_wait3A_145 : memref<40x64xf32, #tpu.memory_space<vmem_shared>>)
        tpu.yield
      }) : () -> ()
    }
    %scan3A_19 = arith.constant 16 : i32
    %barrier3A = arith.constant 0 : index
    tpu.barrier barrier_id(%barrier3A)
    %scan3A_20 = arith.constant 0 : i32
    %scan3A_21 = arith.constant 0 : i32
    %scan3A_22 = arith.constant 2 : i32
    %scan3A_23 = arith.addi %scan3A_21, %scan3A_22 : i32
    %scan3A_24 = arith.constant 1 : i32
    scf.for %scan3A_134 = %scan3A_21 to %scan3A_23 step %scan3A_24  : i32 {
      %mul3A_135 = arith.constant 80 : i32
      %mul3A_136 = arith.muli %arg1, %mul3A_135 : i32
      %mul3A_137 = arith.constant 40 : i32
      %mul3A_138 = arith.muli %scan3A_134, %mul3A_137 : i32
      %add3A_139 = arith.addi %mul3A_136, %mul3A_138 : i32
      "tpu.region"() ({
        %run_scoped3A = tpu.sem_alloc : memref<!tpu.dma_semaphore, #tpu.memory_space<semaphore_mem>>
        %dma_start3A_195 = arith.constant 0 : i32
        %dma_start3A_196 = tpu.memref_slice %arg3[%add3A_139, %dma_start3A_195] : memref<1280x128xi32, #tpu.memory_space<hbm>> -> memref<40x128xi32, #tpu.memory_space<hbm>>
        %dma_start3A_197 = arith.constant 0 : i32
        %dma_start3A_198 = tpu.memref_slice %arg3[%add3A_139, %dma_start3A_197] : memref<1280x128xi32, #tpu.memory_space<hbm>> -> memref<40x128xi32, #tpu.memory_space<hbm>>
        tpu.enqueue_dma source(%dma_start3A_198 : memref<40x128xi32, #tpu.memory_space<hbm>>) target(%arg6 : memref<40x128xi32, #tpu.memory_space<vmem>>) target_semaphore(%run_scoped3A : memref<!tpu.dma_semaphore, #tpu.memory_space<semaphore_mem>>)
        %dma_wait3A = arith.constant 0 : i32
        %dma_wait3A_199 = tpu.memref_slice %arg3[%add3A_139, %dma_wait3A] : memref<1280x128xi32, #tpu.memory_space<hbm>> -> memref<40x128xi32, #tpu.memory_space<hbm>>
        %dma_wait3A_200 = arith.constant 0 : i32
        %dma_wait3A_201 = tpu.memref_slice %arg3[%add3A_139, %dma_wait3A_200] : memref<1280x128xi32, #tpu.memory_space<hbm>> -> memref<40x128xi32, #tpu.memory_space<hbm>>
        tpu.wait_dma2 semaphore(%run_scoped3A : memref<!tpu.dma_semaphore, #tpu.memory_space<semaphore_mem>>) src(%dma_wait3A_201 : memref<40x128xi32, #tpu.memory_space<hbm>>) dst(%arg6 : memref<40x128xi32, #tpu.memory_space<vmem>>)
        tpu.yield
      }) : () -> ()
      %mul3A_140 = arith.constant 80 : i32
      %mul3A_141 = arith.muli %arg1, %mul3A_140 : i32
      %mul3A_142 = arith.constant 40 : i32
      %mul3A_143 = arith.muli %scan3A_134, %mul3A_142 : i32
      %add3A_144 = arith.addi %mul3A_141, %mul3A_143 : i32
      "tpu.region"() ({
        %run_scoped3A = tpu.sem_alloc : memref<!tpu.dma_semaphore, #tpu.memory_space<semaphore_mem>>
        %dma_start3A_195 = arith.constant 0 : i32
        %dma_start3A_196 = tpu.memref_slice %arg4[%add3A_144, %dma_start3A_195] : memref<1280x128xi32, #tpu.memory_space<hbm>> -> memref<40x128xi32, #tpu.memory_space<hbm>>
        %dma_start3A_197 = arith.constant 0 : i32
        %dma_start3A_198 = tpu.memref_slice %arg4[%add3A_144, %dma_start3A_197] : memref<1280x128xi32, #tpu.memory_space<hbm>> -> memref<40x128xi32, #tpu.memory_space<hbm>>
        tpu.enqueue_dma source(%dma_start3A_198 : memref<40x128xi32, #tpu.memory_space<hbm>>) target(%arg7 : memref<40x128xi32, #tpu.memory_space<vmem>>) target_semaphore(%run_scoped3A : memref<!tpu.dma_semaphore, #tpu.memory_space<semaphore_mem>>)
        %dma_wait3A = arith.constant 0 : i32
        %dma_wait3A_199 = tpu.memref_slice %arg4[%add3A_144, %dma_wait3A] : memref<1280x128xi32, #tpu.memory_space<hbm>> -> memref<40x128xi32, #tpu.memory_space<hbm>>
        %dma_wait3A_200 = arith.constant 0 : i32
        %dma_wait3A_201 = tpu.memref_slice %arg4[%add3A_144, %dma_wait3A_200] : memref<1280x128xi32, #tpu.memory_space<hbm>> -> memref<40x128xi32, #tpu.memory_space<hbm>>
        tpu.wait_dma2 semaphore(%run_scoped3A : memref<!tpu.dma_semaphore, #tpu.memory_space<semaphore_mem>>) src(%dma_wait3A_201 : memref<40x128xi32, #tpu.memory_space<hbm>>) dst(%arg7 : memref<40x128xi32, #tpu.memory_space<vmem>>)
        tpu.yield
      }) : () -> ()
      %dma_start3A = arith.constant 0 : i32
      %dma_start3A_145 = arith.constant 0 : i32
      %dma_start3A_146 = arith.constant 0 : i32
      %dma_start3A_147 = arith.constant 0 : i32
      %dma_start3A_148 = arith.constant 0 : i32
      %dma_start3A_149 = tpu.memref_slice %arg8[%dma_start3A_145, %dma_start3A_147, %dma_start3A_148] : memref<4x128x64xf32, #tpu.memory_space<vmem>> -> memref<1x128x64xf32, #tpu.memory_space<vmem>>
      %dma_start3A_150 = tpu.memref_squeeze %dma_start3A_149 : memref<1x128x64xf32, #tpu.memory_space<vmem>> -> memref<128x64xf32, #tpu.memory_space<vmem>>
      %dma_start3A_151 = arith.constant 0 : i32
      %dma_start3A_152 = tpu.memref_slice %arg6[%dma_start3A, %dma_start3A_151] : memref<40x128xi32, #tpu.memory_space<vmem>> -> memref<1x128xi32, #tpu.memory_space<vmem>>
      %dma_start3A_153 = tpu.memref_squeeze %dma_start3A_152 : memref<1x128xi32, #tpu.memory_space<vmem>> -> memref<128xi32, #tpu.memory_space<vmem>>
      %dma_start3A_154 = arith.constant 0 : i32
      %dma_start3A_155 = arith.constant 0 : i32
      %dma_start3A_156 = tpu.memref_slice %arg10[%dma_start3A_154, %dma_start3A_155] : memref<10240x64xf32, #tpu.memory_space<vmem_shared>> -> memref<10240x64xf32, #tpu.memory_space<vmem_shared>>
      %dma_start3A_157 = tpu.memref_slice %arg12[%dma_start3A_146] : memref<4x!tpu.dma_semaphore, #tpu.memory_space<semaphore_mem>> -> memref<1x!tpu.dma_semaphore, #tpu.memory_space<semaphore_mem>>
      %dma_start3A_158 = tpu.memref_squeeze %dma_start3A_157 : memref<1x!tpu.dma_semaphore, #tpu.memory_space<semaphore_mem>> -> memref<!tpu.dma_semaphore, #tpu.memory_space<semaphore_mem>>
      tpu.enqueue_indirect_dma source(%dma_start3A_156 : memref<10240x64xf32, #tpu.memory_space<vmem_shared>>) target(%dma_start3A_150 : memref<128x64xf32, #tpu.memory_space<vmem>>) offsets(%dma_start3A_153 : memref<128xi32, #tpu.memory_space<vmem>>) semaphore(%dma_start3A_158 : memref<!tpu.dma_semaphore, #tpu.memory_space<semaphore_mem>>)
      %dma_start3A_159 = arith.constant 1 : i32
      %dma_start3A_160 = arith.constant 1 : i32
      %dma_start3A_161 = arith.constant 1 : i32
      %dma_start3A_162 = arith.constant 0 : i32
      %dma_start3A_163 = arith.constant 0 : i32
      %dma_start3A_164 = tpu.memref_slice %arg8[%dma_start3A_160, %dma_start3A_162, %dma_start3A_163] : memref<4x128x64xf32, #tpu.memory_space<vmem>> -> memref<1x128x64xf32, #tpu.memory_space<vmem>>
      %dma_start3A_165 = tpu.memref_squeeze %dma_start3A_164 : memref<1x128x64xf32, #tpu.memory_space<vmem>> -> memref<128x64xf32, #tpu.memory_space<vmem>>
      %dma_start3A_166 = arith.constant 0 : i32
      %dma_start3A_167 = tpu.memref_slice %arg6[%dma_start3A_159, %dma_start3A_166] : memref<40x128xi32, #tpu.memory_space<vmem>> -> memref<1x128xi32, #tpu.memory_space<vmem>>
      %dma_start3A_168 = tpu.memref_squeeze %dma_start3A_167 : memref<1x128xi32, #tpu.memory_space<vmem>> -> memref<128xi32, #tpu.memory_space<vmem>>
      %dma_start3A_169 = arith.constant 0 : i32
      %dma_start3A_170 = arith.constant 0 : i32
      %dma_start3A_171 = tpu.memref_slice %arg10[%dma_start3A_169, %dma_start3A_170] : memref<10240x64xf32, #tpu.memory_space<vmem_shared>> -> memref<10240x64xf32, #tpu.memory_space<vmem_shared>>
      %dma_start3A_172 = tpu.memref_slice %arg12[%dma_start3A_161] : memref<4x!tpu.dma_semaphore, #tpu.memory_space<semaphore_mem>> -> memref<1x!tpu.dma_semaphore, #tpu.memory_space<semaphore_mem>>
      %dma_start3A_173 = tpu.memref_squeeze %dma_start3A_172 : memref<1x!tpu.dma_semaphore, #tpu.memory_space<semaphore_mem>> -> memref<!tpu.dma_semaphore, #tpu.memory_space<semaphore_mem>>
      tpu.enqueue_indirect_dma source(%dma_start3A_171 : memref<10240x64xf32, #tpu.memory_space<vmem_shared>>) target(%dma_start3A_165 : memref<128x64xf32, #tpu.memory_space<vmem>>) offsets(%dma_start3A_168 : memref<128xi32, #tpu.memory_space<vmem>>) semaphore(%dma_start3A_173 : memref<!tpu.dma_semaphore, #tpu.memory_space<semaphore_mem>>)
      %dma_start3A_174 = arith.constant 2 : i32
      %dma_start3A_175 = arith.constant 2 : i32
      %dma_start3A_176 = arith.constant 2 : i32
      %dma_start3A_177 = arith.constant 0 : i32
      %dma_start3A_178 = arith.constant 0 : i32
      %dma_start3A_179 = tpu.memref_slice %arg8[%dma_start3A_175, %dma_start3A_177, %dma_start3A_178] : memref<4x128x64xf32, #tpu.memory_space<vmem>> -> memref<1x128x64xf32, #tpu.memory_space<vmem>>
      %dma_start3A_180 = tpu.memref_squeeze %dma_start3A_179 : memref<1x128x64xf32, #tpu.memory_space<vmem>> -> memref<128x64xf32, #tpu.memory_space<vmem>>
      %dma_start3A_181 = arith.constant 0 : i32
      %dma_start3A_182 = tpu.memref_slice %arg6[%dma_start3A_174, %dma_start3A_181] : memref<40x128xi32, #tpu.memory_space<vmem>> -> memref<1x128xi32, #tpu.memory_space<vmem>>
      %dma_start3A_183 = tpu.memref_squeeze %dma_start3A_182 : memref<1x128xi32, #tpu.memory_space<vmem>> -> memref<128xi32, #tpu.memory_space<vmem>>
      %dma_start3A_184 = arith.constant 0 : i32
      %dma_start3A_185 = arith.constant 0 : i32
      %dma_start3A_186 = tpu.memref_slice %arg10[%dma_start3A_184, %dma_start3A_185] : memref<10240x64xf32, #tpu.memory_space<vmem_shared>> -> memref<10240x64xf32, #tpu.memory_space<vmem_shared>>
      %dma_start3A_187 = tpu.memref_slice %arg12[%dma_start3A_176] : memref<4x!tpu.dma_semaphore, #tpu.memory_space<semaphore_mem>> -> memref<1x!tpu.dma_semaphore, #tpu.memory_space<semaphore_mem>>
      %dma_start3A_188 = tpu.memref_squeeze %dma_start3A_187 : memref<1x!tpu.dma_semaphore, #tpu.memory_space<semaphore_mem>> -> memref<!tpu.dma_semaphore, #tpu.memory_space<semaphore_mem>>
      tpu.enqueue_indirect_dma source(%dma_start3A_186 : memref<10240x64xf32, #tpu.memory_space<vmem_shared>>) target(%dma_start3A_180 : memref<128x64xf32, #tpu.memory_space<vmem>>) offsets(%dma_start3A_183 : memref<128xi32, #tpu.memory_space<vmem>>) semaphore(%dma_start3A_188 : memref<!tpu.dma_semaphore, #tpu.memory_space<semaphore_mem>>)
      %scan3A_189 = arith.constant 0 : i32
      %scan3A_190 = arith.constant 0 : i32
      %scan3A_191 = arith.constant 40 : i32
      %scan3A_192 = arith.addi %scan3A_190, %scan3A_191 : i32
      %scan3A_193 = arith.constant 1 : i32
      scf.for %scan3A_195 = %scan3A_190 to %scan3A_192 step %scan3A_193  : i32 {
        %rem3A = arith.constant 4 : i32
        %rem3A_196 = arith.remsi %scan3A_195, %rem3A : i32
        %add3A_197 = arith.constant 3 : i32
        %add3A_198 = arith.addi %scan3A_195, %add3A_197 : i32
        %rem3A_199 = arith.constant 4 : i32
        %rem3A_200 = arith.remsi %add3A_198, %rem3A_199 : i32
        %lt3A = arith.constant 37 : i32
        %lt3A_201 = arith.cmpi slt, %scan3A_195, %lt3A : i32
        %convert_element_type3A = arith.extui %lt3A_201 : i1 to i32
        %cond3A = arith.constant 0 : i32
        %cond3A_202 = arith.cmpi ne, %convert_element_type3A, %cond3A : i32
        scf.if %cond3A_202 {
          %add3A_214 = arith.constant 3 : i32
          %add3A_215 = arith.addi %scan3A_195, %add3A_214 : i32
          %dma_start3A_216 = arith.constant 0 : i32
          %dma_start3A_217 = arith.constant 0 : i32
          %dma_start3A_218 = tpu.memref_slice %arg8[%rem3A_200, %dma_start3A_216, %dma_start3A_217] : memref<4x128x64xf32, #tpu.memory_space<vmem>> -> memref<1x128x64xf32, #tpu.memory_space<vmem>>
          %dma_start3A_219 = tpu.memref_squeeze %dma_start3A_218 : memref<1x128x64xf32, #tpu.memory_space<vmem>> -> memref<128x64xf32, #tpu.memory_space<vmem>>
          %dma_start3A_220 = arith.constant 0 : i32
          %dma_start3A_221 = tpu.memref_slice %arg6[%add3A_215, %dma_start3A_220] : memref<40x128xi32, #tpu.memory_space<vmem>> -> memref<1x128xi32, #tpu.memory_space<vmem>>
          %dma_start3A_222 = tpu.memref_squeeze %dma_start3A_221 : memref<1x128xi32, #tpu.memory_space<vmem>> -> memref<128xi32, #tpu.memory_space<vmem>>
          %dma_start3A_223 = arith.constant 0 : i32
          %dma_start3A_224 = arith.constant 0 : i32
          %dma_start3A_225 = tpu.memref_slice %arg10[%dma_start3A_223, %dma_start3A_224] : memref<10240x64xf32, #tpu.memory_space<vmem_shared>> -> memref<10240x64xf32, #tpu.memory_space<vmem_shared>>
          %dma_start3A_226 = tpu.memref_slice %arg12[%rem3A_200] : memref<4x!tpu.dma_semaphore, #tpu.memory_space<semaphore_mem>> -> memref<1x!tpu.dma_semaphore, #tpu.memory_space<semaphore_mem>>
          %dma_start3A_227 = tpu.memref_squeeze %dma_start3A_226 : memref<1x!tpu.dma_semaphore, #tpu.memory_space<semaphore_mem>> -> memref<!tpu.dma_semaphore, #tpu.memory_space<semaphore_mem>>
          tpu.enqueue_indirect_dma source(%dma_start3A_225 : memref<10240x64xf32, #tpu.memory_space<vmem_shared>>) target(%dma_start3A_219 : memref<128x64xf32, #tpu.memory_space<vmem>>) offsets(%dma_start3A_222 : memref<128xi32, #tpu.memory_space<vmem>>) semaphore(%dma_start3A_227 : memref<!tpu.dma_semaphore, #tpu.memory_space<semaphore_mem>>)
        } else {
        }
        %dma_wait3A = arith.constant 0 : i32
        %dma_wait3A_203 = arith.constant 0 : i32
        %dma_wait3A_204 = tpu.memref_slice %arg8[%rem3A_196, %dma_wait3A, %dma_wait3A_203] : memref<4x128x64xf32, #tpu.memory_space<vmem>> -> memref<1x128x64xf32, #tpu.memory_space<vmem>>
        %dma_wait3A_205 = tpu.memref_squeeze %dma_wait3A_204 : memref<1x128x64xf32, #tpu.memory_space<vmem>> -> memref<128x64xf32, #tpu.memory_space<vmem>>
        %dma_wait3A_206 = arith.constant 0 : i32
        %dma_wait3A_207 = tpu.memref_slice %arg6[%scan3A_195, %dma_wait3A_206] : memref<40x128xi32, #tpu.memory_space<vmem>> -> memref<1x128xi32, #tpu.memory_space<vmem>>
        %dma_wait3A_208 = tpu.memref_squeeze %dma_wait3A_207 : memref<1x128xi32, #tpu.memory_space<vmem>> -> memref<128xi32, #tpu.memory_space<vmem>>
        %dma_wait3A_209 = arith.constant 0 : i32
        %dma_wait3A_210 = arith.constant 0 : i32
        %dma_wait3A_211 = tpu.memref_slice %arg10[%dma_wait3A_209, %dma_wait3A_210] : memref<10240x64xf32, #tpu.memory_space<vmem_shared>> -> memref<10240x64xf32, #tpu.memory_space<vmem_shared>>
        %dma_wait3A_212 = tpu.memref_slice %arg12[%rem3A_196] : memref<4x!tpu.dma_semaphore, #tpu.memory_space<semaphore_mem>> -> memref<1x!tpu.dma_semaphore, #tpu.memory_space<semaphore_mem>>
        %dma_wait3A_213 = tpu.memref_squeeze %dma_wait3A_212 : memref<1x!tpu.dma_semaphore, #tpu.memory_space<semaphore_mem>> -> memref<!tpu.dma_semaphore, #tpu.memory_space<semaphore_mem>>
        tpu.wait_indirect_dma semaphore(%dma_wait3A_213 : memref<!tpu.dma_semaphore, #tpu.memory_space<semaphore_mem>>) src(%dma_wait3A_211 : memref<10240x64xf32, #tpu.memory_space<vmem_shared>>) dst(%dma_wait3A_205 : memref<128x64xf32, #tpu.memory_space<vmem>>)
        "tpu.region"() ({
          %run_scoped3A = tpu.sem_alloc : memref<!tpu.dma_semaphore, #tpu.memory_space<semaphore_mem>>
          %dma_start3A_214 = arith.constant 0 : i32
          %dma_start3A_215 = arith.constant 0 : i32
          %dma_start3A_216 = tpu.memref_slice %arg8[%rem3A_196, %dma_start3A_214, %dma_start3A_215] : memref<4x128x64xf32, #tpu.memory_space<vmem>> -> memref<1x128x64xf32, #tpu.memory_space<vmem>>
          %dma_start3A_217 = tpu.memref_squeeze %dma_start3A_216 : memref<1x128x64xf32, #tpu.memory_space<vmem>> -> memref<128x64xf32, #tpu.memory_space<vmem>>
          %dma_start3A_218 = arith.constant 0 : i32
          %dma_start3A_219 = tpu.memref_slice %arg7[%scan3A_195, %dma_start3A_218] : memref<40x128xi32, #tpu.memory_space<vmem>> -> memref<1x128xi32, #tpu.memory_space<vmem>>
          %dma_start3A_220 = tpu.memref_squeeze %dma_start3A_219 : memref<1x128xi32, #tpu.memory_space<vmem>> -> memref<128xi32, #tpu.memory_space<vmem>>
          %dma_start3A_221 = arith.constant 0 : i32
          %dma_start3A_222 = arith.constant 0 : i32
          %dma_start3A_223 = tpu.memref_slice %arg11[%dma_start3A_221, %dma_start3A_222] : memref<10240x64xf32, #tpu.memory_space<vmem_shared>> -> memref<10240x64xf32, #tpu.memory_space<vmem_shared>>
          tpu.enqueue_indirect_dma source(%dma_start3A_217 : memref<128x64xf32, #tpu.memory_space<vmem>>) target(%dma_start3A_223 : memref<10240x64xf32, #tpu.memory_space<vmem_shared>>) offsets(%dma_start3A_220 : memref<128xi32, #tpu.memory_space<vmem>>) semaphore(%run_scoped3A : memref<!tpu.dma_semaphore, #tpu.memory_space<semaphore_mem>>) {add = true}
          %dma_wait3A_224 = arith.constant 0 : i32
          %dma_wait3A_225 = arith.constant 0 : i32
          %dma_wait3A_226 = tpu.memref_slice %arg8[%rem3A_196, %dma_wait3A_224, %dma_wait3A_225] : memref<4x128x64xf32, #tpu.memory_space<vmem>> -> memref<1x128x64xf32, #tpu.memory_space<vmem>>
          %dma_wait3A_227 = tpu.memref_squeeze %dma_wait3A_226 : memref<1x128x64xf32, #tpu.memory_space<vmem>> -> memref<128x64xf32, #tpu.memory_space<vmem>>
          %dma_wait3A_228 = arith.constant 0 : i32
          %dma_wait3A_229 = tpu.memref_slice %arg7[%scan3A_195, %dma_wait3A_228] : memref<40x128xi32, #tpu.memory_space<vmem>> -> memref<1x128xi32, #tpu.memory_space<vmem>>
          %dma_wait3A_230 = tpu.memref_squeeze %dma_wait3A_229 : memref<1x128xi32, #tpu.memory_space<vmem>> -> memref<128xi32, #tpu.memory_space<vmem>>
          %dma_wait3A_231 = arith.constant 0 : i32
          %dma_wait3A_232 = arith.constant 0 : i32
          %dma_wait3A_233 = tpu.memref_slice %arg11[%dma_wait3A_231, %dma_wait3A_232] : memref<10240x64xf32, #tpu.memory_space<vmem_shared>> -> memref<10240x64xf32, #tpu.memory_space<vmem_shared>>
          tpu.wait_indirect_dma semaphore(%run_scoped3A : memref<!tpu.dma_semaphore, #tpu.memory_space<semaphore_mem>>) src(%dma_wait3A_227 : memref<128x64xf32, #tpu.memory_space<vmem>>) dst(%dma_wait3A_233 : memref<10240x64xf32, #tpu.memory_space<vmem_shared>>)
          tpu.yield
        }) : () -> ()
      }
      %scan3A_194 = arith.constant 40 : i32
    }
    %scan3A_25 = arith.constant 2 : i32
    %barrier3A_26 = arith.constant 0 : index
    tpu.barrier barrier_id(%barrier3A_26)
    %mul3A_27 = arith.constant 640 : i32
    %mul3A_28 = arith.muli %arg1, %mul3A_27 : i32
    %mul3A_29 = arith.constant 10240 : i32
    %mul3A_30 = arith.muli %add3A_6, %mul3A_29 : i32
    %mul3A_31 = arith.constant 640 : i32
    %mul3A_32 = arith.muli %arg1, %mul3A_31 : i32
    %add3A_33 = arith.addi %mul3A_30, %mul3A_32 : i32
    "tpu.region"() ({
      %run_scoped3A = tpu.sem_alloc : memref<!tpu.dma_semaphore, #tpu.memory_space<semaphore_mem>>
      %dma_start3A = arith.constant 0 : i32
      %dma_start3A_134 = tpu.memref_slice %arg5[%add3A_33, %dma_start3A] : memref<81920x64xf32, #tpu.memory_space<hbm>> -> memref<640x64xf32, #tpu.memory_space<hbm>>
      %dma_start3A_135 = arith.constant 0 : i32
      %dma_start3A_136 = tpu.memref_slice %arg11[%mul3A_28, %dma_start3A_135] : memref<10240x64xf32, #tpu.memory_space<vmem_shared>> -> memref<640x64xf32, #tpu.memory_space<vmem_shared>>
      tpu.enqueue_dma source(%dma_start3A_136 : memref<640x64xf32, #tpu.memory_space<vmem_shared>>) target(%dma_start3A_134 : memref<640x64xf32, #tpu.memory_space<hbm>>) target_semaphore(%run_scoped3A : memref<!tpu.dma_semaphore, #tpu.memory_space<semaphore_mem>>)
      %dma_wait3A = arith.constant 0 : i32
      %dma_wait3A_137 = tpu.memref_slice %arg5[%add3A_33, %dma_wait3A] : memref<81920x64xf32, #tpu.memory_space<hbm>> -> memref<640x64xf32, #tpu.memory_space<hbm>>
      %dma_wait3A_138 = arith.constant 0 : i32
      %dma_wait3A_139 = tpu.memref_slice %arg11[%mul3A_28, %dma_wait3A_138] : memref<10240x64xf32, #tpu.memory_space<vmem_shared>> -> memref<640x64xf32, #tpu.memory_space<vmem_shared>>
      tpu.wait_dma2 semaphore(%run_scoped3A : memref<!tpu.dma_semaphore, #tpu.memory_space<semaphore_mem>>) src(%dma_wait3A_139 : memref<640x64xf32, #tpu.memory_space<vmem_shared>>) dst(%dma_wait3A_137 : memref<640x64xf32, #tpu.memory_space<hbm>>)
      tpu.yield
    }) : () -> ()
    %barrier3A_34 = arith.constant 0 : index
    tpu.barrier barrier_id(%barrier3A_34)
    %mul3A_35 = arith.constant 4 : i32
    %mul3A_36 = arith.muli %arg0, %mul3A_35 : i32
    %add3A_37 = arith.constant 1 : i32
    %add3A_38 = arith.addi %mul3A_36, %add3A_37 : i32
    %mul3A_39 = arith.constant 10240 : i32
    %mul3A_40 = arith.muli %add3A_38, %mul3A_39 : i32
    %mul3A_41 = arith.constant 640 : i32
    %mul3A_42 = arith.muli %arg1, %mul3A_41 : i32
    %add3A_43 = arith.addi %mul3A_40, %mul3A_42 : i32
    %mul3A_44 = arith.constant 640 : i32
    %mul3A_45 = arith.muli %arg1, %mul3A_44 : i32
    "tpu.region"() ({
      %run_scoped3A = tpu.sem_alloc : memref<!tpu.dma_semaphore, #tpu.memory_space<semaphore_mem>>
      %dma_start3A = arith.constant 0 : i32
      %dma_start3A_134 = tpu.memref_slice %arg10[%mul3A_45, %dma_start3A] : memref<10240x64xf32, #tpu.memory_space<vmem_shared>> -> memref<640x64xf32, #tpu.memory_space<vmem_shared>>
      %dma_start3A_135 = arith.constant 0 : i32
      %dma_start3A_136 = tpu.memref_slice %arg2[%add3A_43, %dma_start3A_135] : memref<81920x64xf32, #tpu.memory_space<hbm>> -> memref<640x64xf32, #tpu.memory_space<hbm>>
      tpu.enqueue_dma source(%dma_start3A_136 : memref<640x64xf32, #tpu.memory_space<hbm>>) target(%dma_start3A_134 : memref<640x64xf32, #tpu.memory_space<vmem_shared>>) target_semaphore(%run_scoped3A : memref<!tpu.dma_semaphore, #tpu.memory_space<semaphore_mem>>)
      %dma_wait3A = arith.constant 0 : i32
      %dma_wait3A_137 = tpu.memref_slice %arg10[%mul3A_45, %dma_wait3A] : memref<10240x64xf32, #tpu.memory_space<vmem_shared>> -> memref<640x64xf32, #tpu.memory_space<vmem_shared>>
      %dma_wait3A_138 = arith.constant 0 : i32
      %dma_wait3A_139 = tpu.memref_slice %arg2[%add3A_43, %dma_wait3A_138] : memref<81920x64xf32, #tpu.memory_space<hbm>> -> memref<640x64xf32, #tpu.memory_space<hbm>>
      tpu.wait_dma2 semaphore(%run_scoped3A : memref<!tpu.dma_semaphore, #tpu.memory_space<semaphore_mem>>) src(%dma_wait3A_139 : memref<640x64xf32, #tpu.memory_space<hbm>>) dst(%dma_wait3A_137 : memref<640x64xf32, #tpu.memory_space<vmem_shared>>)
      tpu.yield
    }) : () -> ()
    %scan3A_46 = arith.constant 0 : i32
    %scan3A_47 = arith.constant 0 : i32
    %scan3A_48 = arith.constant 16 : i32
    %scan3A_49 = arith.addi %scan3A_47, %scan3A_48 : i32
    %scan3A_50 = arith.constant 1 : i32
    scf.for %scan3A_134 = %scan3A_47 to %scan3A_49 step %scan3A_50  : i32 {
      %mul3A_135 = arith.constant 640 : i32
      %mul3A_136 = arith.muli %arg1, %mul3A_135 : i32
      %mul3A_137 = arith.constant 40 : i32
      %mul3A_138 = arith.muli %scan3A_134, %mul3A_137 : i32
      %add3A_139 = arith.addi %mul3A_136, %mul3A_138 : i32
      "tpu.region"() ({
        %run_scoped3A = tpu.sem_alloc : memref<!tpu.dma_semaphore, #tpu.memory_space<semaphore_mem>>
        %dma_start3A = arith.constant 0 : i32
        %dma_start3A_140 = tpu.memref_slice %arg11[%add3A_139, %dma_start3A] : memref<10240x64xf32, #tpu.memory_space<vmem_shared>> -> memref<40x64xf32, #tpu.memory_space<vmem_shared>>
        %dma_start3A_141 = arith.constant 0 : i32
        %dma_start3A_142 = tpu.memref_slice %arg11[%add3A_139, %dma_start3A_141] : memref<10240x64xf32, #tpu.memory_space<vmem_shared>> -> memref<40x64xf32, #tpu.memory_space<vmem_shared>>
        tpu.enqueue_dma source(%arg9 : memref<40x64xf32, #tpu.memory_space<vmem>>) target(%dma_start3A_142 : memref<40x64xf32, #tpu.memory_space<vmem_shared>>) target_semaphore(%run_scoped3A : memref<!tpu.dma_semaphore, #tpu.memory_space<semaphore_mem>>)
        %dma_wait3A = arith.constant 0 : i32
        %dma_wait3A_143 = tpu.memref_slice %arg11[%add3A_139, %dma_wait3A] : memref<10240x64xf32, #tpu.memory_space<vmem_shared>> -> memref<40x64xf32, #tpu.memory_space<vmem_shared>>
        %dma_wait3A_144 = arith.constant 0 : i32
        %dma_wait3A_145 = tpu.memref_slice %arg11[%add3A_139, %dma_wait3A_144] : memref<10240x64xf32, #tpu.memory_space<vmem_shared>> -> memref<40x64xf32, #tpu.memory_space<vmem_shared>>
        tpu.wait_dma2 semaphore(%run_scoped3A : memref<!tpu.dma_semaphore, #tpu.memory_space<semaphore_mem>>) src(%arg9 : memref<40x64xf32, #tpu.memory_space<vmem>>) dst(%dma_wait3A_145 : memref<40x64xf32, #tpu.memory_space<vmem_shared>>)
        tpu.yield
      }) : () -> ()
    }
    %scan3A_51 = arith.constant 16 : i32
    %barrier3A_52 = arith.constant 0 : index
    tpu.barrier barrier_id(%barrier3A_52)
    %scan3A_53 = arith.constant 0 : i32
    %scan3A_54 = arith.constant 0 : i32
    %scan3A_55 = arith.constant 2 : i32
    %scan3A_56 = arith.addi %scan3A_54, %scan3A_55 : i32
    %scan3A_57 = arith.constant 1 : i32
    scf.for %scan3A_134 = %scan3A_54 to %scan3A_56 step %scan3A_57  : i32 {
      %mul3A_135 = arith.constant 80 : i32
      %mul3A_136 = arith.muli %arg1, %mul3A_135 : i32
      %mul3A_137 = arith.constant 40 : i32
      %mul3A_138 = arith.muli %scan3A_134, %mul3A_137 : i32
      %add3A_139 = arith.addi %mul3A_136, %mul3A_138 : i32
      "tpu.region"() ({
        %run_scoped3A = tpu.sem_alloc : memref<!tpu.dma_semaphore, #tpu.memory_space<semaphore_mem>>
        %dma_start3A_195 = arith.constant 0 : i32
        %dma_start3A_196 = tpu.memref_slice %arg3[%add3A_139, %dma_start3A_195] : memref<1280x128xi32, #tpu.memory_space<hbm>> -> memref<40x128xi32, #tpu.memory_space<hbm>>
        %dma_start3A_197 = arith.constant 0 : i32
        %dma_start3A_198 = tpu.memref_slice %arg3[%add3A_139, %dma_start3A_197] : memref<1280x128xi32, #tpu.memory_space<hbm>> -> memref<40x128xi32, #tpu.memory_space<hbm>>
        tpu.enqueue_dma source(%dma_start3A_198 : memref<40x128xi32, #tpu.memory_space<hbm>>) target(%arg6 : memref<40x128xi32, #tpu.memory_space<vmem>>) target_semaphore(%run_scoped3A : memref<!tpu.dma_semaphore, #tpu.memory_space<semaphore_mem>>)
        %dma_wait3A = arith.constant 0 : i32
        %dma_wait3A_199 = tpu.memref_slice %arg3[%add3A_139, %dma_wait3A] : memref<1280x128xi32, #tpu.memory_space<hbm>> -> memref<40x128xi32, #tpu.memory_space<hbm>>
        %dma_wait3A_200 = arith.constant 0 : i32
        %dma_wait3A_201 = tpu.memref_slice %arg3[%add3A_139, %dma_wait3A_200] : memref<1280x128xi32, #tpu.memory_space<hbm>> -> memref<40x128xi32, #tpu.memory_space<hbm>>
        tpu.wait_dma2 semaphore(%run_scoped3A : memref<!tpu.dma_semaphore, #tpu.memory_space<semaphore_mem>>) src(%dma_wait3A_201 : memref<40x128xi32, #tpu.memory_space<hbm>>) dst(%arg6 : memref<40x128xi32, #tpu.memory_space<vmem>>)
        tpu.yield
      }) : () -> ()
      %mul3A_140 = arith.constant 80 : i32
      %mul3A_141 = arith.muli %arg1, %mul3A_140 : i32
      %mul3A_142 = arith.constant 40 : i32
      %mul3A_143 = arith.muli %scan3A_134, %mul3A_142 : i32
      %add3A_144 = arith.addi %mul3A_141, %mul3A_143 : i32
      "tpu.region"() ({
        %run_scoped3A = tpu.sem_alloc : memref<!tpu.dma_semaphore, #tpu.memory_space<semaphore_mem>>
        %dma_start3A_195 = arith.constant 0 : i32
        %dma_start3A_196 = tpu.memref_slice %arg4[%add3A_144, %dma_start3A_195] : memref<1280x128xi32, #tpu.memory_space<hbm>> -> memref<40x128xi32, #tpu.memory_space<hbm>>
        %dma_start3A_197 = arith.constant 0 : i32
        %dma_start3A_198 = tpu.memref_slice %arg4[%add3A_144, %dma_start3A_197] : memref<1280x128xi32, #tpu.memory_space<hbm>> -> memref<40x128xi32, #tpu.memory_space<hbm>>
        tpu.enqueue_dma source(%dma_start3A_198 : memref<40x128xi32, #tpu.memory_space<hbm>>) target(%arg7 : memref<40x128xi32, #tpu.memory_space<vmem>>) target_semaphore(%run_scoped3A : memref<!tpu.dma_semaphore, #tpu.memory_space<semaphore_mem>>)
        %dma_wait3A = arith.constant 0 : i32
        %dma_wait3A_199 = tpu.memref_slice %arg4[%add3A_144, %dma_wait3A] : memref<1280x128xi32, #tpu.memory_space<hbm>> -> memref<40x128xi32, #tpu.memory_space<hbm>>
        %dma_wait3A_200 = arith.constant 0 : i32
        %dma_wait3A_201 = tpu.memref_slice %arg4[%add3A_144, %dma_wait3A_200] : memref<1280x128xi32, #tpu.memory_space<hbm>> -> memref<40x128xi32, #tpu.memory_space<hbm>>
        tpu.wait_dma2 semaphore(%run_scoped3A : memref<!tpu.dma_semaphore, #tpu.memory_space<semaphore_mem>>) src(%dma_wait3A_201 : memref<40x128xi32, #tpu.memory_space<hbm>>) dst(%arg7 : memref<40x128xi32, #tpu.memory_space<vmem>>)
        tpu.yield
      }) : () -> ()
      %dma_start3A = arith.constant 0 : i32
      %dma_start3A_145 = arith.constant 0 : i32
      %dma_start3A_146 = arith.constant 0 : i32
      %dma_start3A_147 = arith.constant 0 : i32
      %dma_start3A_148 = arith.constant 0 : i32
      %dma_start3A_149 = tpu.memref_slice %arg8[%dma_start3A_145, %dma_start3A_147, %dma_start3A_148] : memref<4x128x64xf32, #tpu.memory_space<vmem>> -> memref<1x128x64xf32, #tpu.memory_space<vmem>>
      %dma_start3A_150 = tpu.memref_squeeze %dma_start3A_149 : memref<1x128x64xf32, #tpu.memory_space<vmem>> -> memref<128x64xf32, #tpu.memory_space<vmem>>
      %dma_start3A_151 = arith.constant 0 : i32
      %dma_start3A_152 = tpu.memref_slice %arg6[%dma_start3A, %dma_start3A_151] : memref<40x128xi32, #tpu.memory_space<vmem>> -> memref<1x128xi32, #tpu.memory_space<vmem>>
      %dma_start3A_153 = tpu.memref_squeeze %dma_start3A_152 : memref<1x128xi32, #tpu.memory_space<vmem>> -> memref<128xi32, #tpu.memory_space<vmem>>
      %dma_start3A_154 = arith.constant 0 : i32
      %dma_start3A_155 = arith.constant 0 : i32
      %dma_start3A_156 = tpu.memref_slice %arg10[%dma_start3A_154, %dma_start3A_155] : memref<10240x64xf32, #tpu.memory_space<vmem_shared>> -> memref<10240x64xf32, #tpu.memory_space<vmem_shared>>
      %dma_start3A_157 = tpu.memref_slice %arg12[%dma_start3A_146] : memref<4x!tpu.dma_semaphore, #tpu.memory_space<semaphore_mem>> -> memref<1x!tpu.dma_semaphore, #tpu.memory_space<semaphore_mem>>
      %dma_start3A_158 = tpu.memref_squeeze %dma_start3A_157 : memref<1x!tpu.dma_semaphore, #tpu.memory_space<semaphore_mem>> -> memref<!tpu.dma_semaphore, #tpu.memory_space<semaphore_mem>>
      tpu.enqueue_indirect_dma source(%dma_start3A_156 : memref<10240x64xf32, #tpu.memory_space<vmem_shared>>) target(%dma_start3A_150 : memref<128x64xf32, #tpu.memory_space<vmem>>) offsets(%dma_start3A_153 : memref<128xi32, #tpu.memory_space<vmem>>) semaphore(%dma_start3A_158 : memref<!tpu.dma_semaphore, #tpu.memory_space<semaphore_mem>>)
      %dma_start3A_159 = arith.constant 1 : i32
      %dma_start3A_160 = arith.constant 1 : i32
      %dma_start3A_161 = arith.constant 1 : i32
      %dma_start3A_162 = arith.constant 0 : i32
      %dma_start3A_163 = arith.constant 0 : i32
      %dma_start3A_164 = tpu.memref_slice %arg8[%dma_start3A_160, %dma_start3A_162, %dma_start3A_163] : memref<4x128x64xf32, #tpu.memory_space<vmem>> -> memref<1x128x64xf32, #tpu.memory_space<vmem>>
      %dma_start3A_165 = tpu.memref_squeeze %dma_start3A_164 : memref<1x128x64xf32, #tpu.memory_space<vmem>> -> memref<128x64xf32, #tpu.memory_space<vmem>>
      %dma_start3A_166 = arith.constant 0 : i32
      %dma_start3A_167 = tpu.memref_slice %arg6[%dma_start3A_159, %dma_start3A_166] : memref<40x128xi32, #tpu.memory_space<vmem>> -> memref<1x128xi32, #tpu.memory_space<vmem>>
      %dma_start3A_168 = tpu.memref_squeeze %dma_start3A_167 : memref<1x128xi32, #tpu.memory_space<vmem>> -> memref<128xi32, #tpu.memory_space<vmem>>
      %dma_start3A_169 = arith.constant 0 : i32
      %dma_start3A_170 = arith.constant 0 : i32
      %dma_start3A_171 = tpu.memref_slice %arg10[%dma_start3A_169, %dma_start3A_170] : memref<10240x64xf32, #tpu.memory_space<vmem_shared>> -> memref<10240x64xf32, #tpu.memory_space<vmem_shared>>
      %dma_start3A_172 = tpu.memref_slice %arg12[%dma_start3A_161] : memref<4x!tpu.dma_semaphore, #tpu.memory_space<semaphore_mem>> -> memref<1x!tpu.dma_semaphore, #tpu.memory_space<semaphore_mem>>
      %dma_start3A_173 = tpu.memref_squeeze %dma_start3A_172 : memref<1x!tpu.dma_semaphore, #tpu.memory_space<semaphore_mem>> -> memref<!tpu.dma_semaphore, #tpu.memory_space<semaphore_mem>>
      tpu.enqueue_indirect_dma source(%dma_start3A_171 : memref<10240x64xf32, #tpu.memory_space<vmem_shared>>) target(%dma_start3A_165 : memref<128x64xf32, #tpu.memory_space<vmem>>) offsets(%dma_start3A_168 : memref<128xi32, #tpu.memory_space<vmem>>) semaphore(%dma_start3A_173 : memref<!tpu.dma_semaphore, #tpu.memory_space<semaphore_mem>>)
      %dma_start3A_174 = arith.constant 2 : i32
      %dma_start3A_175 = arith.constant 2 : i32
      %dma_start3A_176 = arith.constant 2 : i32
      %dma_start3A_177 = arith.constant 0 : i32
      %dma_start3A_178 = arith.constant 0 : i32
      %dma_start3A_179 = tpu.memref_slice %arg8[%dma_start3A_175, %dma_start3A_177, %dma_start3A_178] : memref<4x128x64xf32, #tpu.memory_space<vmem>> -> memref<1x128x64xf32, #tpu.memory_space<vmem>>
      %dma_start3A_180 = tpu.memref_squeeze %dma_start3A_179 : memref<1x128x64xf32, #tpu.memory_space<vmem>> -> memref<128x64xf32, #tpu.memory_space<vmem>>
      %dma_start3A_181 = arith.constant 0 : i32
      %dma_start3A_182 = tpu.memref_slice %arg6[%dma_start3A_174, %dma_start3A_181] : memref<40x128xi32, #tpu.memory_space<vmem>> -> memref<1x128xi32, #tpu.memory_space<vmem>>
      %dma_start3A_183 = tpu.memref_squeeze %dma_start3A_182 : memref<1x128xi32, #tpu.memory_space<vmem>> -> memref<128xi32, #tpu.memory_space<vmem>>
      %dma_start3A_184 = arith.constant 0 : i32
      %dma_start3A_185 = arith.constant 0 : i32
      %dma_start3A_186 = tpu.memref_slice %arg10[%dma_start3A_184, %dma_start3A_185] : memref<10240x64xf32, #tpu.memory_space<vmem_shared>> -> memref<10240x64xf32, #tpu.memory_space<vmem_shared>>
      %dma_start3A_187 = tpu.memref_slice %arg12[%dma_start3A_176] : memref<4x!tpu.dma_semaphore, #tpu.memory_space<semaphore_mem>> -> memref<1x!tpu.dma_semaphore, #tpu.memory_space<semaphore_mem>>
      %dma_start3A_188 = tpu.memref_squeeze %dma_start3A_187 : memref<1x!tpu.dma_semaphore, #tpu.memory_space<semaphore_mem>> -> memref<!tpu.dma_semaphore, #tpu.memory_space<semaphore_mem>>
      tpu.enqueue_indirect_dma source(%dma_start3A_186 : memref<10240x64xf32, #tpu.memory_space<vmem_shared>>) target(%dma_start3A_180 : memref<128x64xf32, #tpu.memory_space<vmem>>) offsets(%dma_start3A_183 : memref<128xi32, #tpu.memory_space<vmem>>) semaphore(%dma_start3A_188 : memref<!tpu.dma_semaphore, #tpu.memory_space<semaphore_mem>>)
      %scan3A_189 = arith.constant 0 : i32
      %scan3A_190 = arith.constant 0 : i32
      %scan3A_191 = arith.constant 40 : i32
      %scan3A_192 = arith.addi %scan3A_190, %scan3A_191 : i32
      %scan3A_193 = arith.constant 1 : i32
      scf.for %scan3A_195 = %scan3A_190 to %scan3A_192 step %scan3A_193  : i32 {
        %rem3A = arith.constant 4 : i32
        %rem3A_196 = arith.remsi %scan3A_195, %rem3A : i32
        %add3A_197 = arith.constant 3 : i32
        %add3A_198 = arith.addi %scan3A_195, %add3A_197 : i32
        %rem3A_199 = arith.constant 4 : i32
        %rem3A_200 = arith.remsi %add3A_198, %rem3A_199 : i32
        %lt3A = arith.constant 37 : i32
        %lt3A_201 = arith.cmpi slt, %scan3A_195, %lt3A : i32
        %convert_element_type3A = arith.extui %lt3A_201 : i1 to i32
        %cond3A = arith.constant 0 : i32
        %cond3A_202 = arith.cmpi ne, %convert_element_type3A, %cond3A : i32
        scf.if %cond3A_202 {
          %add3A_214 = arith.constant 3 : i32
          %add3A_215 = arith.addi %scan3A_195, %add3A_214 : i32
          %dma_start3A_216 = arith.constant 0 : i32
          %dma_start3A_217 = arith.constant 0 : i32
          %dma_start3A_218 = tpu.memref_slice %arg8[%rem3A_200, %dma_start3A_216, %dma_start3A_217] : memref<4x128x64xf32, #tpu.memory_space<vmem>> -> memref<1x128x64xf32, #tpu.memory_space<vmem>>
          %dma_start3A_219 = tpu.memref_squeeze %dma_start3A_218 : memref<1x128x64xf32, #tpu.memory_space<vmem>> -> memref<128x64xf32, #tpu.memory_space<vmem>>
          %dma_start3A_220 = arith.constant 0 : i32
          %dma_start3A_221 = tpu.memref_slice %arg6[%add3A_215, %dma_start3A_220] : memref<40x128xi32, #tpu.memory_space<vmem>> -> memref<1x128xi32, #tpu.memory_space<vmem>>
          %dma_start3A_222 = tpu.memref_squeeze %dma_start3A_221 : memref<1x128xi32, #tpu.memory_space<vmem>> -> memref<128xi32, #tpu.memory_space<vmem>>
          %dma_start3A_223 = arith.constant 0 : i32
          %dma_start3A_224 = arith.constant 0 : i32
          %dma_start3A_225 = tpu.memref_slice %arg10[%dma_start3A_223, %dma_start3A_224] : memref<10240x64xf32, #tpu.memory_space<vmem_shared>> -> memref<10240x64xf32, #tpu.memory_space<vmem_shared>>
          %dma_start3A_226 = tpu.memref_slice %arg12[%rem3A_200] : memref<4x!tpu.dma_semaphore, #tpu.memory_space<semaphore_mem>> -> memref<1x!tpu.dma_semaphore, #tpu.memory_space<semaphore_mem>>
          %dma_start3A_227 = tpu.memref_squeeze %dma_start3A_226 : memref<1x!tpu.dma_semaphore, #tpu.memory_space<semaphore_mem>> -> memref<!tpu.dma_semaphore, #tpu.memory_space<semaphore_mem>>
          tpu.enqueue_indirect_dma source(%dma_start3A_225 : memref<10240x64xf32, #tpu.memory_space<vmem_shared>>) target(%dma_start3A_219 : memref<128x64xf32, #tpu.memory_space<vmem>>) offsets(%dma_start3A_222 : memref<128xi32, #tpu.memory_space<vmem>>) semaphore(%dma_start3A_227 : memref<!tpu.dma_semaphore, #tpu.memory_space<semaphore_mem>>)
        } else {
        }
        %dma_wait3A = arith.constant 0 : i32
        %dma_wait3A_203 = arith.constant 0 : i32
        %dma_wait3A_204 = tpu.memref_slice %arg8[%rem3A_196, %dma_wait3A, %dma_wait3A_203] : memref<4x128x64xf32, #tpu.memory_space<vmem>> -> memref<1x128x64xf32, #tpu.memory_space<vmem>>
        %dma_wait3A_205 = tpu.memref_squeeze %dma_wait3A_204 : memref<1x128x64xf32, #tpu.memory_space<vmem>> -> memref<128x64xf32, #tpu.memory_space<vmem>>
        %dma_wait3A_206 = arith.constant 0 : i32
        %dma_wait3A_207 = tpu.memref_slice %arg6[%scan3A_195, %dma_wait3A_206] : memref<40x128xi32, #tpu.memory_space<vmem>> -> memref<1x128xi32, #tpu.memory_space<vmem>>
        %dma_wait3A_208 = tpu.memref_squeeze %dma_wait3A_207 : memref<1x128xi32, #tpu.memory_space<vmem>> -> memref<128xi32, #tpu.memory_space<vmem>>
        %dma_wait3A_209 = arith.constant 0 : i32
        %dma_wait3A_210 = arith.constant 0 : i32
        %dma_wait3A_211 = tpu.memref_slice %arg10[%dma_wait3A_209, %dma_wait3A_210] : memref<10240x64xf32, #tpu.memory_space<vmem_shared>> -> memref<10240x64xf32, #tpu.memory_space<vmem_shared>>
        %dma_wait3A_212 = tpu.memref_slice %arg12[%rem3A_196] : memref<4x!tpu.dma_semaphore, #tpu.memory_space<semaphore_mem>> -> memref<1x!tpu.dma_semaphore, #tpu.memory_space<semaphore_mem>>
        %dma_wait3A_213 = tpu.memref_squeeze %dma_wait3A_212 : memref<1x!tpu.dma_semaphore, #tpu.memory_space<semaphore_mem>> -> memref<!tpu.dma_semaphore, #tpu.memory_space<semaphore_mem>>
        tpu.wait_indirect_dma semaphore(%dma_wait3A_213 : memref<!tpu.dma_semaphore, #tpu.memory_space<semaphore_mem>>) src(%dma_wait3A_211 : memref<10240x64xf32, #tpu.memory_space<vmem_shared>>) dst(%dma_wait3A_205 : memref<128x64xf32, #tpu.memory_space<vmem>>)
        "tpu.region"() ({
          %run_scoped3A = tpu.sem_alloc : memref<!tpu.dma_semaphore, #tpu.memory_space<semaphore_mem>>
          %dma_start3A_214 = arith.constant 0 : i32
          %dma_start3A_215 = arith.constant 0 : i32
          %dma_start3A_216 = tpu.memref_slice %arg8[%rem3A_196, %dma_start3A_214, %dma_start3A_215] : memref<4x128x64xf32, #tpu.memory_space<vmem>> -> memref<1x128x64xf32, #tpu.memory_space<vmem>>
          %dma_start3A_217 = tpu.memref_squeeze %dma_start3A_216 : memref<1x128x64xf32, #tpu.memory_space<vmem>> -> memref<128x64xf32, #tpu.memory_space<vmem>>
          %dma_start3A_218 = arith.constant 0 : i32
          %dma_start3A_219 = tpu.memref_slice %arg7[%scan3A_195, %dma_start3A_218] : memref<40x128xi32, #tpu.memory_space<vmem>> -> memref<1x128xi32, #tpu.memory_space<vmem>>
          %dma_start3A_220 = tpu.memref_squeeze %dma_start3A_219 : memref<1x128xi32, #tpu.memory_space<vmem>> -> memref<128xi32, #tpu.memory_space<vmem>>
          %dma_start3A_221 = arith.constant 0 : i32
          %dma_start3A_222 = arith.constant 0 : i32
          %dma_start3A_223 = tpu.memref_slice %arg11[%dma_start3A_221, %dma_start3A_222] : memref<10240x64xf32, #tpu.memory_space<vmem_shared>> -> memref<10240x64xf32, #tpu.memory_space<vmem_shared>>
          tpu.enqueue_indirect_dma source(%dma_start3A_217 : memref<128x64xf32, #tpu.memory_space<vmem>>) target(%dma_start3A_223 : memref<10240x64xf32, #tpu.memory_space<vmem_shared>>) offsets(%dma_start3A_220 : memref<128xi32, #tpu.memory_space<vmem>>) semaphore(%run_scoped3A : memref<!tpu.dma_semaphore, #tpu.memory_space<semaphore_mem>>) {add = true}
          %dma_wait3A_224 = arith.constant 0 : i32
          %dma_wait3A_225 = arith.constant 0 : i32
          %dma_wait3A_226 = tpu.memref_slice %arg8[%rem3A_196, %dma_wait3A_224, %dma_wait3A_225] : memref<4x128x64xf32, #tpu.memory_space<vmem>> -> memref<1x128x64xf32, #tpu.memory_space<vmem>>
          %dma_wait3A_227 = tpu.memref_squeeze %dma_wait3A_226 : memref<1x128x64xf32, #tpu.memory_space<vmem>> -> memref<128x64xf32, #tpu.memory_space<vmem>>
          %dma_wait3A_228 = arith.constant 0 : i32
          %dma_wait3A_229 = tpu.memref_slice %arg7[%scan3A_195, %dma_wait3A_228] : memref<40x128xi32, #tpu.memory_space<vmem>> -> memref<1x128xi32, #tpu.memory_space<vmem>>
          %dma_wait3A_230 = tpu.memref_squeeze %dma_wait3A_229 : memref<1x128xi32, #tpu.memory_space<vmem>> -> memref<128xi32, #tpu.memory_space<vmem>>
          %dma_wait3A_231 = arith.constant 0 : i32
          %dma_wait3A_232 = arith.constant 0 : i32
          %dma_wait3A_233 = tpu.memref_slice %arg11[%dma_wait3A_231, %dma_wait3A_232] : memref<10240x64xf32, #tpu.memory_space<vmem_shared>> -> memref<10240x64xf32, #tpu.memory_space<vmem_shared>>
          tpu.wait_indirect_dma semaphore(%run_scoped3A : memref<!tpu.dma_semaphore, #tpu.memory_space<semaphore_mem>>) src(%dma_wait3A_227 : memref<128x64xf32, #tpu.memory_space<vmem>>) dst(%dma_wait3A_233 : memref<10240x64xf32, #tpu.memory_space<vmem_shared>>)
          tpu.yield
        }) : () -> ()
      }
      %scan3A_194 = arith.constant 40 : i32
    }
    %scan3A_58 = arith.constant 2 : i32
    %barrier3A_59 = arith.constant 0 : index
    tpu.barrier barrier_id(%barrier3A_59)
    %mul3A_60 = arith.constant 640 : i32
    %mul3A_61 = arith.muli %arg1, %mul3A_60 : i32
    %mul3A_62 = arith.constant 10240 : i32
    %mul3A_63 = arith.muli %add3A_38, %mul3A_62 : i32
    %mul3A_64 = arith.constant 640 : i32
    %mul3A_65 = arith.muli %arg1, %mul3A_64 : i32
    %add3A_66 = arith.addi %mul3A_63, %mul3A_65 : i32
    "tpu.region"() ({
      %run_scoped3A = tpu.sem_alloc : memref<!tpu.dma_semaphore, #tpu.memory_space<semaphore_mem>>
      %dma_start3A = arith.constant 0 : i32
      %dma_start3A_134 = tpu.memref_slice %arg5[%add3A_66, %dma_start3A] : memref<81920x64xf32, #tpu.memory_space<hbm>> -> memref<640x64xf32, #tpu.memory_space<hbm>>
      %dma_start3A_135 = arith.constant 0 : i32
      %dma_start3A_136 = tpu.memref_slice %arg11[%mul3A_61, %dma_start3A_135] : memref<10240x64xf32, #tpu.memory_space<vmem_shared>> -> memref<640x64xf32, #tpu.memory_space<vmem_shared>>
      tpu.enqueue_dma source(%dma_start3A_136 : memref<640x64xf32, #tpu.memory_space<vmem_shared>>) target(%dma_start3A_134 : memref<640x64xf32, #tpu.memory_space<hbm>>) target_semaphore(%run_scoped3A : memref<!tpu.dma_semaphore, #tpu.memory_space<semaphore_mem>>)
      %dma_wait3A = arith.constant 0 : i32
      %dma_wait3A_137 = tpu.memref_slice %arg5[%add3A_66, %dma_wait3A] : memref<81920x64xf32, #tpu.memory_space<hbm>> -> memref<640x64xf32, #tpu.memory_space<hbm>>
      %dma_wait3A_138 = arith.constant 0 : i32
      %dma_wait3A_139 = tpu.memref_slice %arg11[%mul3A_61, %dma_wait3A_138] : memref<10240x64xf32, #tpu.memory_space<vmem_shared>> -> memref<640x64xf32, #tpu.memory_space<vmem_shared>>
      tpu.wait_dma2 semaphore(%run_scoped3A : memref<!tpu.dma_semaphore, #tpu.memory_space<semaphore_mem>>) src(%dma_wait3A_139 : memref<640x64xf32, #tpu.memory_space<vmem_shared>>) dst(%dma_wait3A_137 : memref<640x64xf32, #tpu.memory_space<hbm>>)
      tpu.yield
    }) : () -> ()
    %barrier3A_67 = arith.constant 0 : index
    tpu.barrier barrier_id(%barrier3A_67)
    %mul3A_68 = arith.constant 4 : i32
    %mul3A_69 = arith.muli %arg0, %mul3A_68 : i32
    %add3A_70 = arith.constant 2 : i32
    %add3A_71 = arith.addi %mul3A_69, %add3A_70 : i32
    %mul3A_72 = arith.constant 10240 : i32
    %mul3A_73 = arith.muli %add3A_71, %mul3A_72 : i32
    %mul3A_74 = arith.constant 640 : i32
    %mul3A_75 = arith.muli %arg1, %mul3A_74 : i32
    %add3A_76 = arith.addi %mul3A_73, %mul3A_75 : i32
    %mul3A_77 = arith.constant 640 : i32
    %mul3A_78 = arith.muli %arg1, %mul3A_77 : i32
    "tpu.region"() ({
      %run_scoped3A = tpu.sem_alloc : memref<!tpu.dma_semaphore, #tpu.memory_space<semaphore_mem>>
      %dma_start3A = arith.constant 0 : i32
      %dma_start3A_134 = tpu.memref_slice %arg10[%mul3A_78, %dma_start3A] : memref<10240x64xf32, #tpu.memory_space<vmem_shared>> -> memref<640x64xf32, #tpu.memory_space<vmem_shared>>
      %dma_start3A_135 = arith.constant 0 : i32
      %dma_start3A_136 = tpu.memref_slice %arg2[%add3A_76, %dma_start3A_135] : memref<81920x64xf32, #tpu.memory_space<hbm>> -> memref<640x64xf32, #tpu.memory_space<hbm>>
      tpu.enqueue_dma source(%dma_start3A_136 : memref<640x64xf32, #tpu.memory_space<hbm>>) target(%dma_start3A_134 : memref<640x64xf32, #tpu.memory_space<vmem_shared>>) target_semaphore(%run_scoped3A : memref<!tpu.dma_semaphore, #tpu.memory_space<semaphore_mem>>)
      %dma_wait3A = arith.constant 0 : i32
      %dma_wait3A_137 = tpu.memref_slice %arg10[%mul3A_78, %dma_wait3A] : memref<10240x64xf32, #tpu.memory_space<vmem_shared>> -> memref<640x64xf32, #tpu.memory_space<vmem_shared>>
      %dma_wait3A_138 = arith.constant 0 : i32
      %dma_wait3A_139 = tpu.memref_slice %arg2[%add3A_76, %dma_wait3A_138] : memref<81920x64xf32, #tpu.memory_space<hbm>> -> memref<640x64xf32, #tpu.memory_space<hbm>>
      tpu.wait_dma2 semaphore(%run_scoped3A : memref<!tpu.dma_semaphore, #tpu.memory_space<semaphore_mem>>) src(%dma_wait3A_139 : memref<640x64xf32, #tpu.memory_space<hbm>>) dst(%dma_wait3A_137 : memref<640x64xf32, #tpu.memory_space<vmem_shared>>)
      tpu.yield
    }) : () -> ()
    %scan3A_79 = arith.constant 0 : i32
    %scan3A_80 = arith.constant 0 : i32
    %scan3A_81 = arith.constant 16 : i32
    %scan3A_82 = arith.addi %scan3A_80, %scan3A_81 : i32
    %scan3A_83 = arith.constant 1 : i32
    scf.for %scan3A_134 = %scan3A_80 to %scan3A_82 step %scan3A_83  : i32 {
      %mul3A_135 = arith.constant 640 : i32
      %mul3A_136 = arith.muli %arg1, %mul3A_135 : i32
      %mul3A_137 = arith.constant 40 : i32
      %mul3A_138 = arith.muli %scan3A_134, %mul3A_137 : i32
      %add3A_139 = arith.addi %mul3A_136, %mul3A_138 : i32
      "tpu.region"() ({
        %run_scoped3A = tpu.sem_alloc : memref<!tpu.dma_semaphore, #tpu.memory_space<semaphore_mem>>
        %dma_start3A = arith.constant 0 : i32
        %dma_start3A_140 = tpu.memref_slice %arg11[%add3A_139, %dma_start3A] : memref<10240x64xf32, #tpu.memory_space<vmem_shared>> -> memref<40x64xf32, #tpu.memory_space<vmem_shared>>
        %dma_start3A_141 = arith.constant 0 : i32
        %dma_start3A_142 = tpu.memref_slice %arg11[%add3A_139, %dma_start3A_141] : memref<10240x64xf32, #tpu.memory_space<vmem_shared>> -> memref<40x64xf32, #tpu.memory_space<vmem_shared>>
        tpu.enqueue_dma source(%arg9 : memref<40x64xf32, #tpu.memory_space<vmem>>) target(%dma_start3A_142 : memref<40x64xf32, #tpu.memory_space<vmem_shared>>) target_semaphore(%run_scoped3A : memref<!tpu.dma_semaphore, #tpu.memory_space<semaphore_mem>>)
        %dma_wait3A = arith.constant 0 : i32
        %dma_wait3A_143 = tpu.memref_slice %arg11[%add3A_139, %dma_wait3A] : memref<10240x64xf32, #tpu.memory_space<vmem_shared>> -> memref<40x64xf32, #tpu.memory_space<vmem_shared>>
        %dma_wait3A_144 = arith.constant 0 : i32
        %dma_wait3A_145 = tpu.memref_slice %arg11[%add3A_139, %dma_wait3A_144] : memref<10240x64xf32, #tpu.memory_space<vmem_shared>> -> memref<40x64xf32, #tpu.memory_space<vmem_shared>>
        tpu.wait_dma2 semaphore(%run_scoped3A : memref<!tpu.dma_semaphore, #tpu.memory_space<semaphore_mem>>) src(%arg9 : memref<40x64xf32, #tpu.memory_space<vmem>>) dst(%dma_wait3A_145 : memref<40x64xf32, #tpu.memory_space<vmem_shared>>)
        tpu.yield
      }) : () -> ()
    }
    %scan3A_84 = arith.constant 16 : i32
    %barrier3A_85 = arith.constant 0 : index
    tpu.barrier barrier_id(%barrier3A_85)
    %scan3A_86 = arith.constant 0 : i32
    %scan3A_87 = arith.constant 0 : i32
    %scan3A_88 = arith.constant 2 : i32
    %scan3A_89 = arith.addi %scan3A_87, %scan3A_88 : i32
    %scan3A_90 = arith.constant 1 : i32
    scf.for %scan3A_134 = %scan3A_87 to %scan3A_89 step %scan3A_90  : i32 {
      %mul3A_135 = arith.constant 80 : i32
      %mul3A_136 = arith.muli %arg1, %mul3A_135 : i32
      %mul3A_137 = arith.constant 40 : i32
      %mul3A_138 = arith.muli %scan3A_134, %mul3A_137 : i32
      %add3A_139 = arith.addi %mul3A_136, %mul3A_138 : i32
      "tpu.region"() ({
        %run_scoped3A = tpu.sem_alloc : memref<!tpu.dma_semaphore, #tpu.memory_space<semaphore_mem>>
        %dma_start3A_195 = arith.constant 0 : i32
        %dma_start3A_196 = tpu.memref_slice %arg3[%add3A_139, %dma_start3A_195] : memref<1280x128xi32, #tpu.memory_space<hbm>> -> memref<40x128xi32, #tpu.memory_space<hbm>>
        %dma_start3A_197 = arith.constant 0 : i32
        %dma_start3A_198 = tpu.memref_slice %arg3[%add3A_139, %dma_start3A_197] : memref<1280x128xi32, #tpu.memory_space<hbm>> -> memref<40x128xi32, #tpu.memory_space<hbm>>
        tpu.enqueue_dma source(%dma_start3A_198 : memref<40x128xi32, #tpu.memory_space<hbm>>) target(%arg6 : memref<40x128xi32, #tpu.memory_space<vmem>>) target_semaphore(%run_scoped3A : memref<!tpu.dma_semaphore, #tpu.memory_space<semaphore_mem>>)
        %dma_wait3A = arith.constant 0 : i32
        %dma_wait3A_199 = tpu.memref_slice %arg3[%add3A_139, %dma_wait3A] : memref<1280x128xi32, #tpu.memory_space<hbm>> -> memref<40x128xi32, #tpu.memory_space<hbm>>
        %dma_wait3A_200 = arith.constant 0 : i32
        %dma_wait3A_201 = tpu.memref_slice %arg3[%add3A_139, %dma_wait3A_200] : memref<1280x128xi32, #tpu.memory_space<hbm>> -> memref<40x128xi32, #tpu.memory_space<hbm>>
        tpu.wait_dma2 semaphore(%run_scoped3A : memref<!tpu.dma_semaphore, #tpu.memory_space<semaphore_mem>>) src(%dma_wait3A_201 : memref<40x128xi32, #tpu.memory_space<hbm>>) dst(%arg6 : memref<40x128xi32, #tpu.memory_space<vmem>>)
        tpu.yield
      }) : () -> ()
      %mul3A_140 = arith.constant 80 : i32
      %mul3A_141 = arith.muli %arg1, %mul3A_140 : i32
      %mul3A_142 = arith.constant 40 : i32
      %mul3A_143 = arith.muli %scan3A_134, %mul3A_142 : i32
      %add3A_144 = arith.addi %mul3A_141, %mul3A_143 : i32
      "tpu.region"() ({
        %run_scoped3A = tpu.sem_alloc : memref<!tpu.dma_semaphore, #tpu.memory_space<semaphore_mem>>
        %dma_start3A_195 = arith.constant 0 : i32
        %dma_start3A_196 = tpu.memref_slice %arg4[%add3A_144, %dma_start3A_195] : memref<1280x128xi32, #tpu.memory_space<hbm>> -> memref<40x128xi32, #tpu.memory_space<hbm>>
        %dma_start3A_197 = arith.constant 0 : i32
        %dma_start3A_198 = tpu.memref_slice %arg4[%add3A_144, %dma_start3A_197] : memref<1280x128xi32, #tpu.memory_space<hbm>> -> memref<40x128xi32, #tpu.memory_space<hbm>>
        tpu.enqueue_dma source(%dma_start3A_198 : memref<40x128xi32, #tpu.memory_space<hbm>>) target(%arg7 : memref<40x128xi32, #tpu.memory_space<vmem>>) target_semaphore(%run_scoped3A : memref<!tpu.dma_semaphore, #tpu.memory_space<semaphore_mem>>)
        %dma_wait3A = arith.constant 0 : i32
        %dma_wait3A_199 = tpu.memref_slice %arg4[%add3A_144, %dma_wait3A] : memref<1280x128xi32, #tpu.memory_space<hbm>> -> memref<40x128xi32, #tpu.memory_space<hbm>>
        %dma_wait3A_200 = arith.constant 0 : i32
        %dma_wait3A_201 = tpu.memref_slice %arg4[%add3A_144, %dma_wait3A_200] : memref<1280x128xi32, #tpu.memory_space<hbm>> -> memref<40x128xi32, #tpu.memory_space<hbm>>
        tpu.wait_dma2 semaphore(%run_scoped3A : memref<!tpu.dma_semaphore, #tpu.memory_space<semaphore_mem>>) src(%dma_wait3A_201 : memref<40x128xi32, #tpu.memory_space<hbm>>) dst(%arg7 : memref<40x128xi32, #tpu.memory_space<vmem>>)
        tpu.yield
      }) : () -> ()
      %dma_start3A = arith.constant 0 : i32
      %dma_start3A_145 = arith.constant 0 : i32
      %dma_start3A_146 = arith.constant 0 : i32
      %dma_start3A_147 = arith.constant 0 : i32
      %dma_start3A_148 = arith.constant 0 : i32
      %dma_start3A_149 = tpu.memref_slice %arg8[%dma_start3A_145, %dma_start3A_147, %dma_start3A_148] : memref<4x128x64xf32, #tpu.memory_space<vmem>> -> memref<1x128x64xf32, #tpu.memory_space<vmem>>
      %dma_start3A_150 = tpu.memref_squeeze %dma_start3A_149 : memref<1x128x64xf32, #tpu.memory_space<vmem>> -> memref<128x64xf32, #tpu.memory_space<vmem>>
      %dma_start3A_151 = arith.constant 0 : i32
      %dma_start3A_152 = tpu.memref_slice %arg6[%dma_start3A, %dma_start3A_151] : memref<40x128xi32, #tpu.memory_space<vmem>> -> memref<1x128xi32, #tpu.memory_space<vmem>>
      %dma_start3A_153 = tpu.memref_squeeze %dma_start3A_152 : memref<1x128xi32, #tpu.memory_space<vmem>> -> memref<128xi32, #tpu.memory_space<vmem>>
      %dma_start3A_154 = arith.constant 0 : i32
      %dma_start3A_155 = arith.constant 0 : i32
      %dma_start3A_156 = tpu.memref_slice %arg10[%dma_start3A_154, %dma_start3A_155] : memref<10240x64xf32, #tpu.memory_space<vmem_shared>> -> memref<10240x64xf32, #tpu.memory_space<vmem_shared>>
      %dma_start3A_157 = tpu.memref_slice %arg12[%dma_start3A_146] : memref<4x!tpu.dma_semaphore, #tpu.memory_space<semaphore_mem>> -> memref<1x!tpu.dma_semaphore, #tpu.memory_space<semaphore_mem>>
      %dma_start3A_158 = tpu.memref_squeeze %dma_start3A_157 : memref<1x!tpu.dma_semaphore, #tpu.memory_space<semaphore_mem>> -> memref<!tpu.dma_semaphore, #tpu.memory_space<semaphore_mem>>
      tpu.enqueue_indirect_dma source(%dma_start3A_156 : memref<10240x64xf32, #tpu.memory_space<vmem_shared>>) target(%dma_start3A_150 : memref<128x64xf32, #tpu.memory_space<vmem>>) offsets(%dma_start3A_153 : memref<128xi32, #tpu.memory_space<vmem>>) semaphore(%dma_start3A_158 : memref<!tpu.dma_semaphore, #tpu.memory_space<semaphore_mem>>)
      %dma_start3A_159 = arith.constant 1 : i32
      %dma_start3A_160 = arith.constant 1 : i32
      %dma_start3A_161 = arith.constant 1 : i32
      %dma_start3A_162 = arith.constant 0 : i32
      %dma_start3A_163 = arith.constant 0 : i32
      %dma_start3A_164 = tpu.memref_slice %arg8[%dma_start3A_160, %dma_start3A_162, %dma_start3A_163] : memref<4x128x64xf32, #tpu.memory_space<vmem>> -> memref<1x128x64xf32, #tpu.memory_space<vmem>>
      %dma_start3A_165 = tpu.memref_squeeze %dma_start3A_164 : memref<1x128x64xf32, #tpu.memory_space<vmem>> -> memref<128x64xf32, #tpu.memory_space<vmem>>
      %dma_start3A_166 = arith.constant 0 : i32
      %dma_start3A_167 = tpu.memref_slice %arg6[%dma_start3A_159, %dma_start3A_166] : memref<40x128xi32, #tpu.memory_space<vmem>> -> memref<1x128xi32, #tpu.memory_space<vmem>>
      %dma_start3A_168 = tpu.memref_squeeze %dma_start3A_167 : memref<1x128xi32, #tpu.memory_space<vmem>> -> memref<128xi32, #tpu.memory_space<vmem>>
      %dma_start3A_169 = arith.constant 0 : i32
      %dma_start3A_170 = arith.constant 0 : i32
      %dma_start3A_171 = tpu.memref_slice %arg10[%dma_start3A_169, %dma_start3A_170] : memref<10240x64xf32, #tpu.memory_space<vmem_shared>> -> memref<10240x64xf32, #tpu.memory_space<vmem_shared>>
      %dma_start3A_172 = tpu.memref_slice %arg12[%dma_start3A_161] : memref<4x!tpu.dma_semaphore, #tpu.memory_space<semaphore_mem>> -> memref<1x!tpu.dma_semaphore, #tpu.memory_space<semaphore_mem>>
      %dma_start3A_173 = tpu.memref_squeeze %dma_start3A_172 : memref<1x!tpu.dma_semaphore, #tpu.memory_space<semaphore_mem>> -> memref<!tpu.dma_semaphore, #tpu.memory_space<semaphore_mem>>
      tpu.enqueue_indirect_dma source(%dma_start3A_171 : memref<10240x64xf32, #tpu.memory_space<vmem_shared>>) target(%dma_start3A_165 : memref<128x64xf32, #tpu.memory_space<vmem>>) offsets(%dma_start3A_168 : memref<128xi32, #tpu.memory_space<vmem>>) semaphore(%dma_start3A_173 : memref<!tpu.dma_semaphore, #tpu.memory_space<semaphore_mem>>)
      %dma_start3A_174 = arith.constant 2 : i32
      %dma_start3A_175 = arith.constant 2 : i32
      %dma_start3A_176 = arith.constant 2 : i32
      %dma_start3A_177 = arith.constant 0 : i32
      %dma_start3A_178 = arith.constant 0 : i32
      %dma_start3A_179 = tpu.memref_slice %arg8[%dma_start3A_175, %dma_start3A_177, %dma_start3A_178] : memref<4x128x64xf32, #tpu.memory_space<vmem>> -> memref<1x128x64xf32, #tpu.memory_space<vmem>>
      %dma_start3A_180 = tpu.memref_squeeze %dma_start3A_179 : memref<1x128x64xf32, #tpu.memory_space<vmem>> -> memref<128x64xf32, #tpu.memory_space<vmem>>
      %dma_start3A_181 = arith.constant 0 : i32
      %dma_start3A_182 = tpu.memref_slice %arg6[%dma_start3A_174, %dma_start3A_181] : memref<40x128xi32, #tpu.memory_space<vmem>> -> memref<1x128xi32, #tpu.memory_space<vmem>>
      %dma_start3A_183 = tpu.memref_squeeze %dma_start3A_182 : memref<1x128xi32, #tpu.memory_space<vmem>> -> memref<128xi32, #tpu.memory_space<vmem>>
      %dma_start3A_184 = arith.constant 0 : i32
      %dma_start3A_185 = arith.constant 0 : i32
      %dma_start3A_186 = tpu.memref_slice %arg10[%dma_start3A_184, %dma_start3A_185] : memref<10240x64xf32, #tpu.memory_space<vmem_shared>> -> memref<10240x64xf32, #tpu.memory_space<vmem_shared>>
      %dma_start3A_187 = tpu.memref_slice %arg12[%dma_start3A_176] : memref<4x!tpu.dma_semaphore, #tpu.memory_space<semaphore_mem>> -> memref<1x!tpu.dma_semaphore, #tpu.memory_space<semaphore_mem>>
      %dma_start3A_188 = tpu.memref_squeeze %dma_start3A_187 : memref<1x!tpu.dma_semaphore, #tpu.memory_space<semaphore_mem>> -> memref<!tpu.dma_semaphore, #tpu.memory_space<semaphore_mem>>
      tpu.enqueue_indirect_dma source(%dma_start3A_186 : memref<10240x64xf32, #tpu.memory_space<vmem_shared>>) target(%dma_start3A_180 : memref<128x64xf32, #tpu.memory_space<vmem>>) offsets(%dma_start3A_183 : memref<128xi32, #tpu.memory_space<vmem>>) semaphore(%dma_start3A_188 : memref<!tpu.dma_semaphore, #tpu.memory_space<semaphore_mem>>)
      %scan3A_189 = arith.constant 0 : i32
      %scan3A_190 = arith.constant 0 : i32
      %scan3A_191 = arith.constant 40 : i32
      %scan3A_192 = arith.addi %scan3A_190, %scan3A_191 : i32
      %scan3A_193 = arith.constant 1 : i32
      scf.for %scan3A_195 = %scan3A_190 to %scan3A_192 step %scan3A_193  : i32 {
        %rem3A = arith.constant 4 : i32
        %rem3A_196 = arith.remsi %scan3A_195, %rem3A : i32
        %add3A_197 = arith.constant 3 : i32
        %add3A_198 = arith.addi %scan3A_195, %add3A_197 : i32
        %rem3A_199 = arith.constant 4 : i32
        %rem3A_200 = arith.remsi %add3A_198, %rem3A_199 : i32
        %lt3A = arith.constant 37 : i32
        %lt3A_201 = arith.cmpi slt, %scan3A_195, %lt3A : i32
        %convert_element_type3A = arith.extui %lt3A_201 : i1 to i32
        %cond3A = arith.constant 0 : i32
        %cond3A_202 = arith.cmpi ne, %convert_element_type3A, %cond3A : i32
        scf.if %cond3A_202 {
          %add3A_214 = arith.constant 3 : i32
          %add3A_215 = arith.addi %scan3A_195, %add3A_214 : i32
          %dma_start3A_216 = arith.constant 0 : i32
          %dma_start3A_217 = arith.constant 0 : i32
          %dma_start3A_218 = tpu.memref_slice %arg8[%rem3A_200, %dma_start3A_216, %dma_start3A_217] : memref<4x128x64xf32, #tpu.memory_space<vmem>> -> memref<1x128x64xf32, #tpu.memory_space<vmem>>
          %dma_start3A_219 = tpu.memref_squeeze %dma_start3A_218 : memref<1x128x64xf32, #tpu.memory_space<vmem>> -> memref<128x64xf32, #tpu.memory_space<vmem>>
          %dma_start3A_220 = arith.constant 0 : i32
          %dma_start3A_221 = tpu.memref_slice %arg6[%add3A_215, %dma_start3A_220] : memref<40x128xi32, #tpu.memory_space<vmem>> -> memref<1x128xi32, #tpu.memory_space<vmem>>
          %dma_start3A_222 = tpu.memref_squeeze %dma_start3A_221 : memref<1x128xi32, #tpu.memory_space<vmem>> -> memref<128xi32, #tpu.memory_space<vmem>>
          %dma_start3A_223 = arith.constant 0 : i32
          %dma_start3A_224 = arith.constant 0 : i32
          %dma_start3A_225 = tpu.memref_slice %arg10[%dma_start3A_223, %dma_start3A_224] : memref<10240x64xf32, #tpu.memory_space<vmem_shared>> -> memref<10240x64xf32, #tpu.memory_space<vmem_shared>>
          %dma_start3A_226 = tpu.memref_slice %arg12[%rem3A_200] : memref<4x!tpu.dma_semaphore, #tpu.memory_space<semaphore_mem>> -> memref<1x!tpu.dma_semaphore, #tpu.memory_space<semaphore_mem>>
          %dma_start3A_227 = tpu.memref_squeeze %dma_start3A_226 : memref<1x!tpu.dma_semaphore, #tpu.memory_space<semaphore_mem>> -> memref<!tpu.dma_semaphore, #tpu.memory_space<semaphore_mem>>
          tpu.enqueue_indirect_dma source(%dma_start3A_225 : memref<10240x64xf32, #tpu.memory_space<vmem_shared>>) target(%dma_start3A_219 : memref<128x64xf32, #tpu.memory_space<vmem>>) offsets(%dma_start3A_222 : memref<128xi32, #tpu.memory_space<vmem>>) semaphore(%dma_start3A_227 : memref<!tpu.dma_semaphore, #tpu.memory_space<semaphore_mem>>)
        } else {
        }
        %dma_wait3A = arith.constant 0 : i32
        %dma_wait3A_203 = arith.constant 0 : i32
        %dma_wait3A_204 = tpu.memref_slice %arg8[%rem3A_196, %dma_wait3A, %dma_wait3A_203] : memref<4x128x64xf32, #tpu.memory_space<vmem>> -> memref<1x128x64xf32, #tpu.memory_space<vmem>>
        %dma_wait3A_205 = tpu.memref_squeeze %dma_wait3A_204 : memref<1x128x64xf32, #tpu.memory_space<vmem>> -> memref<128x64xf32, #tpu.memory_space<vmem>>
        %dma_wait3A_206 = arith.constant 0 : i32
        %dma_wait3A_207 = tpu.memref_slice %arg6[%scan3A_195, %dma_wait3A_206] : memref<40x128xi32, #tpu.memory_space<vmem>> -> memref<1x128xi32, #tpu.memory_space<vmem>>
        %dma_wait3A_208 = tpu.memref_squeeze %dma_wait3A_207 : memref<1x128xi32, #tpu.memory_space<vmem>> -> memref<128xi32, #tpu.memory_space<vmem>>
        %dma_wait3A_209 = arith.constant 0 : i32
        %dma_wait3A_210 = arith.constant 0 : i32
        %dma_wait3A_211 = tpu.memref_slice %arg10[%dma_wait3A_209, %dma_wait3A_210] : memref<10240x64xf32, #tpu.memory_space<vmem_shared>> -> memref<10240x64xf32, #tpu.memory_space<vmem_shared>>
        %dma_wait3A_212 = tpu.memref_slice %arg12[%rem3A_196] : memref<4x!tpu.dma_semaphore, #tpu.memory_space<semaphore_mem>> -> memref<1x!tpu.dma_semaphore, #tpu.memory_space<semaphore_mem>>
        %dma_wait3A_213 = tpu.memref_squeeze %dma_wait3A_212 : memref<1x!tpu.dma_semaphore, #tpu.memory_space<semaphore_mem>> -> memref<!tpu.dma_semaphore, #tpu.memory_space<semaphore_mem>>
        tpu.wait_indirect_dma semaphore(%dma_wait3A_213 : memref<!tpu.dma_semaphore, #tpu.memory_space<semaphore_mem>>) src(%dma_wait3A_211 : memref<10240x64xf32, #tpu.memory_space<vmem_shared>>) dst(%dma_wait3A_205 : memref<128x64xf32, #tpu.memory_space<vmem>>)
        "tpu.region"() ({
          %run_scoped3A = tpu.sem_alloc : memref<!tpu.dma_semaphore, #tpu.memory_space<semaphore_mem>>
          %dma_start3A_214 = arith.constant 0 : i32
          %dma_start3A_215 = arith.constant 0 : i32
          %dma_start3A_216 = tpu.memref_slice %arg8[%rem3A_196, %dma_start3A_214, %dma_start3A_215] : memref<4x128x64xf32, #tpu.memory_space<vmem>> -> memref<1x128x64xf32, #tpu.memory_space<vmem>>
          %dma_start3A_217 = tpu.memref_squeeze %dma_start3A_216 : memref<1x128x64xf32, #tpu.memory_space<vmem>> -> memref<128x64xf32, #tpu.memory_space<vmem>>
          %dma_start3A_218 = arith.constant 0 : i32
          %dma_start3A_219 = tpu.memref_slice %arg7[%scan3A_195, %dma_start3A_218] : memref<40x128xi32, #tpu.memory_space<vmem>> -> memref<1x128xi32, #tpu.memory_space<vmem>>
          %dma_start3A_220 = tpu.memref_squeeze %dma_start3A_219 : memref<1x128xi32, #tpu.memory_space<vmem>> -> memref<128xi32, #tpu.memory_space<vmem>>
          %dma_start3A_221 = arith.constant 0 : i32
          %dma_start3A_222 = arith.constant 0 : i32
          %dma_start3A_223 = tpu.memref_slice %arg11[%dma_start3A_221, %dma_start3A_222] : memref<10240x64xf32, #tpu.memory_space<vmem_shared>> -> memref<10240x64xf32, #tpu.memory_space<vmem_shared>>
          tpu.enqueue_indirect_dma source(%dma_start3A_217 : memref<128x64xf32, #tpu.memory_space<vmem>>) target(%dma_start3A_223 : memref<10240x64xf32, #tpu.memory_space<vmem_shared>>) offsets(%dma_start3A_220 : memref<128xi32, #tpu.memory_space<vmem>>) semaphore(%run_scoped3A : memref<!tpu.dma_semaphore, #tpu.memory_space<semaphore_mem>>) {add = true}
          %dma_wait3A_224 = arith.constant 0 : i32
          %dma_wait3A_225 = arith.constant 0 : i32
          %dma_wait3A_226 = tpu.memref_slice %arg8[%rem3A_196, %dma_wait3A_224, %dma_wait3A_225] : memref<4x128x64xf32, #tpu.memory_space<vmem>> -> memref<1x128x64xf32, #tpu.memory_space<vmem>>
          %dma_wait3A_227 = tpu.memref_squeeze %dma_wait3A_226 : memref<1x128x64xf32, #tpu.memory_space<vmem>> -> memref<128x64xf32, #tpu.memory_space<vmem>>
          %dma_wait3A_228 = arith.constant 0 : i32
          %dma_wait3A_229 = tpu.memref_slice %arg7[%scan3A_195, %dma_wait3A_228] : memref<40x128xi32, #tpu.memory_space<vmem>> -> memref<1x128xi32, #tpu.memory_space<vmem>>
          %dma_wait3A_230 = tpu.memref_squeeze %dma_wait3A_229 : memref<1x128xi32, #tpu.memory_space<vmem>> -> memref<128xi32, #tpu.memory_space<vmem>>
          %dma_wait3A_231 = arith.constant 0 : i32
          %dma_wait3A_232 = arith.constant 0 : i32
          %dma_wait3A_233 = tpu.memref_slice %arg11[%dma_wait3A_231, %dma_wait3A_232] : memref<10240x64xf32, #tpu.memory_space<vmem_shared>> -> memref<10240x64xf32, #tpu.memory_space<vmem_shared>>
          tpu.wait_indirect_dma semaphore(%run_scoped3A : memref<!tpu.dma_semaphore, #tpu.memory_space<semaphore_mem>>) src(%dma_wait3A_227 : memref<128x64xf32, #tpu.memory_space<vmem>>) dst(%dma_wait3A_233 : memref<10240x64xf32, #tpu.memory_space<vmem_shared>>)
          tpu.yield
        }) : () -> ()
      }
      %scan3A_194 = arith.constant 40 : i32
    }
    %scan3A_91 = arith.constant 2 : i32
    %barrier3A_92 = arith.constant 0 : index
    tpu.barrier barrier_id(%barrier3A_92)
    %mul3A_93 = arith.constant 640 : i32
    %mul3A_94 = arith.muli %arg1, %mul3A_93 : i32
    %mul3A_95 = arith.constant 10240 : i32
    %mul3A_96 = arith.muli %add3A_71, %mul3A_95 : i32
    %mul3A_97 = arith.constant 640 : i32
    %mul3A_98 = arith.muli %arg1, %mul3A_97 : i32
    %add3A_99 = arith.addi %mul3A_96, %mul3A_98 : i32
    "tpu.region"() ({
      %run_scoped3A = tpu.sem_alloc : memref<!tpu.dma_semaphore, #tpu.memory_space<semaphore_mem>>
      %dma_start3A = arith.constant 0 : i32
      %dma_start3A_134 = tpu.memref_slice %arg5[%add3A_99, %dma_start3A] : memref<81920x64xf32, #tpu.memory_space<hbm>> -> memref<640x64xf32, #tpu.memory_space<hbm>>
      %dma_start3A_135 = arith.constant 0 : i32
      %dma_start3A_136 = tpu.memref_slice %arg11[%mul3A_94, %dma_start3A_135] : memref<10240x64xf32, #tpu.memory_space<vmem_shared>> -> memref<640x64xf32, #tpu.memory_space<vmem_shared>>
      tpu.enqueue_dma source(%dma_start3A_136 : memref<640x64xf32, #tpu.memory_space<vmem_shared>>) target(%dma_start3A_134 : memref<640x64xf32, #tpu.memory_space<hbm>>) target_semaphore(%run_scoped3A : memref<!tpu.dma_semaphore, #tpu.memory_space<semaphore_mem>>)
      %dma_wait3A = arith.constant 0 : i32
      %dma_wait3A_137 = tpu.memref_slice %arg5[%add3A_99, %dma_wait3A] : memref<81920x64xf32, #tpu.memory_space<hbm>> -> memref<640x64xf32, #tpu.memory_space<hbm>>
      %dma_wait3A_138 = arith.constant 0 : i32
      %dma_wait3A_139 = tpu.memref_slice %arg11[%mul3A_94, %dma_wait3A_138] : memref<10240x64xf32, #tpu.memory_space<vmem_shared>> -> memref<640x64xf32, #tpu.memory_space<vmem_shared>>
      tpu.wait_dma2 semaphore(%run_scoped3A : memref<!tpu.dma_semaphore, #tpu.memory_space<semaphore_mem>>) src(%dma_wait3A_139 : memref<640x64xf32, #tpu.memory_space<vmem_shared>>) dst(%dma_wait3A_137 : memref<640x64xf32, #tpu.memory_space<hbm>>)
      tpu.yield
    }) : () -> ()
    %barrier3A_100 = arith.constant 0 : index
    tpu.barrier barrier_id(%barrier3A_100)
    %mul3A_101 = arith.constant 4 : i32
    %mul3A_102 = arith.muli %arg0, %mul3A_101 : i32
    %add3A_103 = arith.constant 3 : i32
    %add3A_104 = arith.addi %mul3A_102, %add3A_103 : i32
    %mul3A_105 = arith.constant 10240 : i32
    %mul3A_106 = arith.muli %add3A_104, %mul3A_105 : i32
    %mul3A_107 = arith.constant 640 : i32
    %mul3A_108 = arith.muli %arg1, %mul3A_107 : i32
    %add3A_109 = arith.addi %mul3A_106, %mul3A_108 : i32
    %mul3A_110 = arith.constant 640 : i32
    %mul3A_111 = arith.muli %arg1, %mul3A_110 : i32
    "tpu.region"() ({
      %run_scoped3A = tpu.sem_alloc : memref<!tpu.dma_semaphore, #tpu.memory_space<semaphore_mem>>
      %dma_start3A = arith.constant 0 : i32
      %dma_start3A_134 = tpu.memref_slice %arg10[%mul3A_111, %dma_start3A] : memref<10240x64xf32, #tpu.memory_space<vmem_shared>> -> memref<640x64xf32, #tpu.memory_space<vmem_shared>>
      %dma_start3A_135 = arith.constant 0 : i32
      %dma_start3A_136 = tpu.memref_slice %arg2[%add3A_109, %dma_start3A_135] : memref<81920x64xf32, #tpu.memory_space<hbm>> -> memref<640x64xf32, #tpu.memory_space<hbm>>
      tpu.enqueue_dma source(%dma_start3A_136 : memref<640x64xf32, #tpu.memory_space<hbm>>) target(%dma_start3A_134 : memref<640x64xf32, #tpu.memory_space<vmem_shared>>) target_semaphore(%run_scoped3A : memref<!tpu.dma_semaphore, #tpu.memory_space<semaphore_mem>>)
      %dma_wait3A = arith.constant 0 : i32
      %dma_wait3A_137 = tpu.memref_slice %arg10[%mul3A_111, %dma_wait3A] : memref<10240x64xf32, #tpu.memory_space<vmem_shared>> -> memref<640x64xf32, #tpu.memory_space<vmem_shared>>
      %dma_wait3A_138 = arith.constant 0 : i32
      %dma_wait3A_139 = tpu.memref_slice %arg2[%add3A_109, %dma_wait3A_138] : memref<81920x64xf32, #tpu.memory_space<hbm>> -> memref<640x64xf32, #tpu.memory_space<hbm>>
      tpu.wait_dma2 semaphore(%run_scoped3A : memref<!tpu.dma_semaphore, #tpu.memory_space<semaphore_mem>>) src(%dma_wait3A_139 : memref<640x64xf32, #tpu.memory_space<hbm>>) dst(%dma_wait3A_137 : memref<640x64xf32, #tpu.memory_space<vmem_shared>>)
      tpu.yield
    }) : () -> ()
    %scan3A_112 = arith.constant 0 : i32
    %scan3A_113 = arith.constant 0 : i32
    %scan3A_114 = arith.constant 16 : i32
    %scan3A_115 = arith.addi %scan3A_113, %scan3A_114 : i32
    %scan3A_116 = arith.constant 1 : i32
    scf.for %scan3A_134 = %scan3A_113 to %scan3A_115 step %scan3A_116  : i32 {
      %mul3A_135 = arith.constant 640 : i32
      %mul3A_136 = arith.muli %arg1, %mul3A_135 : i32
      %mul3A_137 = arith.constant 40 : i32
      %mul3A_138 = arith.muli %scan3A_134, %mul3A_137 : i32
      %add3A_139 = arith.addi %mul3A_136, %mul3A_138 : i32
      "tpu.region"() ({
        %run_scoped3A = tpu.sem_alloc : memref<!tpu.dma_semaphore, #tpu.memory_space<semaphore_mem>>
        %dma_start3A = arith.constant 0 : i32
        %dma_start3A_140 = tpu.memref_slice %arg11[%add3A_139, %dma_start3A] : memref<10240x64xf32, #tpu.memory_space<vmem_shared>> -> memref<40x64xf32, #tpu.memory_space<vmem_shared>>
        %dma_start3A_141 = arith.constant 0 : i32
        %dma_start3A_142 = tpu.memref_slice %arg11[%add3A_139, %dma_start3A_141] : memref<10240x64xf32, #tpu.memory_space<vmem_shared>> -> memref<40x64xf32, #tpu.memory_space<vmem_shared>>
        tpu.enqueue_dma source(%arg9 : memref<40x64xf32, #tpu.memory_space<vmem>>) target(%dma_start3A_142 : memref<40x64xf32, #tpu.memory_space<vmem_shared>>) target_semaphore(%run_scoped3A : memref<!tpu.dma_semaphore, #tpu.memory_space<semaphore_mem>>)
        %dma_wait3A = arith.constant 0 : i32
        %dma_wait3A_143 = tpu.memref_slice %arg11[%add3A_139, %dma_wait3A] : memref<10240x64xf32, #tpu.memory_space<vmem_shared>> -> memref<40x64xf32, #tpu.memory_space<vmem_shared>>
        %dma_wait3A_144 = arith.constant 0 : i32
        %dma_wait3A_145 = tpu.memref_slice %arg11[%add3A_139, %dma_wait3A_144] : memref<10240x64xf32, #tpu.memory_space<vmem_shared>> -> memref<40x64xf32, #tpu.memory_space<vmem_shared>>
        tpu.wait_dma2 semaphore(%run_scoped3A : memref<!tpu.dma_semaphore, #tpu.memory_space<semaphore_mem>>) src(%arg9 : memref<40x64xf32, #tpu.memory_space<vmem>>) dst(%dma_wait3A_145 : memref<40x64xf32, #tpu.memory_space<vmem_shared>>)
        tpu.yield
      }) : () -> ()
    }
    %scan3A_117 = arith.constant 16 : i32
    %barrier3A_118 = arith.constant 0 : index
    tpu.barrier barrier_id(%barrier3A_118)
    %scan3A_119 = arith.constant 0 : i32
    %scan3A_120 = arith.constant 0 : i32
    %scan3A_121 = arith.constant 2 : i32
    %scan3A_122 = arith.addi %scan3A_120, %scan3A_121 : i32
    %scan3A_123 = arith.constant 1 : i32
    scf.for %scan3A_134 = %scan3A_120 to %scan3A_122 step %scan3A_123  : i32 {
      %mul3A_135 = arith.constant 80 : i32
      %mul3A_136 = arith.muli %arg1, %mul3A_135 : i32
      %mul3A_137 = arith.constant 40 : i32
      %mul3A_138 = arith.muli %scan3A_134, %mul3A_137 : i32
      %add3A_139 = arith.addi %mul3A_136, %mul3A_138 : i32
      "tpu.region"() ({
        %run_scoped3A = tpu.sem_alloc : memref<!tpu.dma_semaphore, #tpu.memory_space<semaphore_mem>>
        %dma_start3A_195 = arith.constant 0 : i32
        %dma_start3A_196 = tpu.memref_slice %arg3[%add3A_139, %dma_start3A_195] : memref<1280x128xi32, #tpu.memory_space<hbm>> -> memref<40x128xi32, #tpu.memory_space<hbm>>
        %dma_start3A_197 = arith.constant 0 : i32
        %dma_start3A_198 = tpu.memref_slice %arg3[%add3A_139, %dma_start3A_197] : memref<1280x128xi32, #tpu.memory_space<hbm>> -> memref<40x128xi32, #tpu.memory_space<hbm>>
        tpu.enqueue_dma source(%dma_start3A_198 : memref<40x128xi32, #tpu.memory_space<hbm>>) target(%arg6 : memref<40x128xi32, #tpu.memory_space<vmem>>) target_semaphore(%run_scoped3A : memref<!tpu.dma_semaphore, #tpu.memory_space<semaphore_mem>>)
        %dma_wait3A = arith.constant 0 : i32
        %dma_wait3A_199 = tpu.memref_slice %arg3[%add3A_139, %dma_wait3A] : memref<1280x128xi32, #tpu.memory_space<hbm>> -> memref<40x128xi32, #tpu.memory_space<hbm>>
        %dma_wait3A_200 = arith.constant 0 : i32
        %dma_wait3A_201 = tpu.memref_slice %arg3[%add3A_139, %dma_wait3A_200] : memref<1280x128xi32, #tpu.memory_space<hbm>> -> memref<40x128xi32, #tpu.memory_space<hbm>>
        tpu.wait_dma2 semaphore(%run_scoped3A : memref<!tpu.dma_semaphore, #tpu.memory_space<semaphore_mem>>) src(%dma_wait3A_201 : memref<40x128xi32, #tpu.memory_space<hbm>>) dst(%arg6 : memref<40x128xi32, #tpu.memory_space<vmem>>)
        tpu.yield
      }) : () -> ()
      %mul3A_140 = arith.constant 80 : i32
      %mul3A_141 = arith.muli %arg1, %mul3A_140 : i32
      %mul3A_142 = arith.constant 40 : i32
      %mul3A_143 = arith.muli %scan3A_134, %mul3A_142 : i32
      %add3A_144 = arith.addi %mul3A_141, %mul3A_143 : i32
      "tpu.region"() ({
        %run_scoped3A = tpu.sem_alloc : memref<!tpu.dma_semaphore, #tpu.memory_space<semaphore_mem>>
        %dma_start3A_195 = arith.constant 0 : i32
        %dma_start3A_196 = tpu.memref_slice %arg4[%add3A_144, %dma_start3A_195] : memref<1280x128xi32, #tpu.memory_space<hbm>> -> memref<40x128xi32, #tpu.memory_space<hbm>>
        %dma_start3A_197 = arith.constant 0 : i32
        %dma_start3A_198 = tpu.memref_slice %arg4[%add3A_144, %dma_start3A_197] : memref<1280x128xi32, #tpu.memory_space<hbm>> -> memref<40x128xi32, #tpu.memory_space<hbm>>
        tpu.enqueue_dma source(%dma_start3A_198 : memref<40x128xi32, #tpu.memory_space<hbm>>) target(%arg7 : memref<40x128xi32, #tpu.memory_space<vmem>>) target_semaphore(%run_scoped3A : memref<!tpu.dma_semaphore, #tpu.memory_space<semaphore_mem>>)
        %dma_wait3A = arith.constant 0 : i32
        %dma_wait3A_199 = tpu.memref_slice %arg4[%add3A_144, %dma_wait3A] : memref<1280x128xi32, #tpu.memory_space<hbm>> -> memref<40x128xi32, #tpu.memory_space<hbm>>
        %dma_wait3A_200 = arith.constant 0 : i32
        %dma_wait3A_201 = tpu.memref_slice %arg4[%add3A_144, %dma_wait3A_200] : memref<1280x128xi32, #tpu.memory_space<hbm>> -> memref<40x128xi32, #tpu.memory_space<hbm>>
        tpu.wait_dma2 semaphore(%run_scoped3A : memref<!tpu.dma_semaphore, #tpu.memory_space<semaphore_mem>>) src(%dma_wait3A_201 : memref<40x128xi32, #tpu.memory_space<hbm>>) dst(%arg7 : memref<40x128xi32, #tpu.memory_space<vmem>>)
        tpu.yield
      }) : () -> ()
      %dma_start3A = arith.constant 0 : i32
      %dma_start3A_145 = arith.constant 0 : i32
      %dma_start3A_146 = arith.constant 0 : i32
      %dma_start3A_147 = arith.constant 0 : i32
      %dma_start3A_148 = arith.constant 0 : i32
      %dma_start3A_149 = tpu.memref_slice %arg8[%dma_start3A_145, %dma_start3A_147, %dma_start3A_148] : memref<4x128x64xf32, #tpu.memory_space<vmem>> -> memref<1x128x64xf32, #tpu.memory_space<vmem>>
      %dma_start3A_150 = tpu.memref_squeeze %dma_start3A_149 : memref<1x128x64xf32, #tpu.memory_space<vmem>> -> memref<128x64xf32, #tpu.memory_space<vmem>>
      %dma_start3A_151 = arith.constant 0 : i32
      %dma_start3A_152 = tpu.memref_slice %arg6[%dma_start3A, %dma_start3A_151] : memref<40x128xi32, #tpu.memory_space<vmem>> -> memref<1x128xi32, #tpu.memory_space<vmem>>
      %dma_start3A_153 = tpu.memref_squeeze %dma_start3A_152 : memref<1x128xi32, #tpu.memory_space<vmem>> -> memref<128xi32, #tpu.memory_space<vmem>>
      %dma_start3A_154 = arith.constant 0 : i32
      %dma_start3A_155 = arith.constant 0 : i32
      %dma_start3A_156 = tpu.memref_slice %arg10[%dma_start3A_154, %dma_start3A_155] : memref<10240x64xf32, #tpu.memory_space<vmem_shared>> -> memref<10240x64xf32, #tpu.memory_space<vmem_shared>>
      %dma_start3A_157 = tpu.memref_slice %arg12[%dma_start3A_146] : memref<4x!tpu.dma_semaphore, #tpu.memory_space<semaphore_mem>> -> memref<1x!tpu.dma_semaphore, #tpu.memory_space<semaphore_mem>>
      %dma_start3A_158 = tpu.memref_squeeze %dma_start3A_157 : memref<1x!tpu.dma_semaphore, #tpu.memory_space<semaphore_mem>> -> memref<!tpu.dma_semaphore, #tpu.memory_space<semaphore_mem>>
      tpu.enqueue_indirect_dma source(%dma_start3A_156 : memref<10240x64xf32, #tpu.memory_space<vmem_shared>>) target(%dma_start3A_150 : memref<128x64xf32, #tpu.memory_space<vmem>>) offsets(%dma_start3A_153 : memref<128xi32, #tpu.memory_space<vmem>>) semaphore(%dma_start3A_158 : memref<!tpu.dma_semaphore, #tpu.memory_space<semaphore_mem>>)
      %dma_start3A_159 = arith.constant 1 : i32
      %dma_start3A_160 = arith.constant 1 : i32
      %dma_start3A_161 = arith.constant 1 : i32
      %dma_start3A_162 = arith.constant 0 : i32
      %dma_start3A_163 = arith.constant 0 : i32
      %dma_start3A_164 = tpu.memref_slice %arg8[%dma_start3A_160, %dma_start3A_162, %dma_start3A_163] : memref<4x128x64xf32, #tpu.memory_space<vmem>> -> memref<1x128x64xf32, #tpu.memory_space<vmem>>
      %dma_start3A_165 = tpu.memref_squeeze %dma_start3A_164 : memref<1x128x64xf32, #tpu.memory_space<vmem>> -> memref<128x64xf32, #tpu.memory_space<vmem>>
      %dma_start3A_166 = arith.constant 0 : i32
      %dma_start3A_167 = tpu.memref_slice %arg6[%dma_start3A_159, %dma_start3A_166] : memref<40x128xi32, #tpu.memory_space<vmem>> -> memref<1x128xi32, #tpu.memory_space<vmem>>
      %dma_start3A_168 = tpu.memref_squeeze %dma_start3A_167 : memref<1x128xi32, #tpu.memory_space<vmem>> -> memref<128xi32, #tpu.memory_space<vmem>>
      %dma_start3A_169 = arith.constant 0 : i32
      %dma_start3A_170 = arith.constant 0 : i32
      %dma_start3A_171 = tpu.memref_slice %arg10[%dma_start3A_169, %dma_start3A_170] : memref<10240x64xf32, #tpu.memory_space<vmem_shared>> -> memref<10240x64xf32, #tpu.memory_space<vmem_shared>>
      %dma_start3A_172 = tpu.memref_slice %arg12[%dma_start3A_161] : memref<4x!tpu.dma_semaphore, #tpu.memory_space<semaphore_mem>> -> memref<1x!tpu.dma_semaphore, #tpu.memory_space<semaphore_mem>>
      %dma_start3A_173 = tpu.memref_squeeze %dma_start3A_172 : memref<1x!tpu.dma_semaphore, #tpu.memory_space<semaphore_mem>> -> memref<!tpu.dma_semaphore, #tpu.memory_space<semaphore_mem>>
      tpu.enqueue_indirect_dma source(%dma_start3A_171 : memref<10240x64xf32, #tpu.memory_space<vmem_shared>>) target(%dma_start3A_165 : memref<128x64xf32, #tpu.memory_space<vmem>>) offsets(%dma_start3A_168 : memref<128xi32, #tpu.memory_space<vmem>>) semaphore(%dma_start3A_173 : memref<!tpu.dma_semaphore, #tpu.memory_space<semaphore_mem>>)
      %dma_start3A_174 = arith.constant 2 : i32
      %dma_start3A_175 = arith.constant 2 : i32
      %dma_start3A_176 = arith.constant 2 : i32
      %dma_start3A_177 = arith.constant 0 : i32
      %dma_start3A_178 = arith.constant 0 : i32
      %dma_start3A_179 = tpu.memref_slice %arg8[%dma_start3A_175, %dma_start3A_177, %dma_start3A_178] : memref<4x128x64xf32, #tpu.memory_space<vmem>> -> memref<1x128x64xf32, #tpu.memory_space<vmem>>
      %dma_start3A_180 = tpu.memref_squeeze %dma_start3A_179 : memref<1x128x64xf32, #tpu.memory_space<vmem>> -> memref<128x64xf32, #tpu.memory_space<vmem>>
      %dma_start3A_181 = arith.constant 0 : i32
      %dma_start3A_182 = tpu.memref_slice %arg6[%dma_start3A_174, %dma_start3A_181] : memref<40x128xi32, #tpu.memory_space<vmem>> -> memref<1x128xi32, #tpu.memory_space<vmem>>
      %dma_start3A_183 = tpu.memref_squeeze %dma_start3A_182 : memref<1x128xi32, #tpu.memory_space<vmem>> -> memref<128xi32, #tpu.memory_space<vmem>>
      %dma_start3A_184 = arith.constant 0 : i32
      %dma_start3A_185 = arith.constant 0 : i32
      %dma_start3A_186 = tpu.memref_slice %arg10[%dma_start3A_184, %dma_start3A_185] : memref<10240x64xf32, #tpu.memory_space<vmem_shared>> -> memref<10240x64xf32, #tpu.memory_space<vmem_shared>>
      %dma_start3A_187 = tpu.memref_slice %arg12[%dma_start3A_176] : memref<4x!tpu.dma_semaphore, #tpu.memory_space<semaphore_mem>> -> memref<1x!tpu.dma_semaphore, #tpu.memory_space<semaphore_mem>>
      %dma_start3A_188 = tpu.memref_squeeze %dma_start3A_187 : memref<1x!tpu.dma_semaphore, #tpu.memory_space<semaphore_mem>> -> memref<!tpu.dma_semaphore, #tpu.memory_space<semaphore_mem>>
      tpu.enqueue_indirect_dma source(%dma_start3A_186 : memref<10240x64xf32, #tpu.memory_space<vmem_shared>>) target(%dma_start3A_180 : memref<128x64xf32, #tpu.memory_space<vmem>>) offsets(%dma_start3A_183 : memref<128xi32, #tpu.memory_space<vmem>>) semaphore(%dma_start3A_188 : memref<!tpu.dma_semaphore, #tpu.memory_space<semaphore_mem>>)
      %scan3A_189 = arith.constant 0 : i32
      %scan3A_190 = arith.constant 0 : i32
      %scan3A_191 = arith.constant 40 : i32
      %scan3A_192 = arith.addi %scan3A_190, %scan3A_191 : i32
      %scan3A_193 = arith.constant 1 : i32
      scf.for %scan3A_195 = %scan3A_190 to %scan3A_192 step %scan3A_193  : i32 {
        %rem3A = arith.constant 4 : i32
        %rem3A_196 = arith.remsi %scan3A_195, %rem3A : i32
        %add3A_197 = arith.constant 3 : i32
        %add3A_198 = arith.addi %scan3A_195, %add3A_197 : i32
        %rem3A_199 = arith.constant 4 : i32
        %rem3A_200 = arith.remsi %add3A_198, %rem3A_199 : i32
        %lt3A = arith.constant 37 : i32
        %lt3A_201 = arith.cmpi slt, %scan3A_195, %lt3A : i32
        %convert_element_type3A = arith.extui %lt3A_201 : i1 to i32
        %cond3A = arith.constant 0 : i32
        %cond3A_202 = arith.cmpi ne, %convert_element_type3A, %cond3A : i32
        scf.if %cond3A_202 {
          %add3A_214 = arith.constant 3 : i32
          %add3A_215 = arith.addi %scan3A_195, %add3A_214 : i32
          %dma_start3A_216 = arith.constant 0 : i32
          %dma_start3A_217 = arith.constant 0 : i32
          %dma_start3A_218 = tpu.memref_slice %arg8[%rem3A_200, %dma_start3A_216, %dma_start3A_217] : memref<4x128x64xf32, #tpu.memory_space<vmem>> -> memref<1x128x64xf32, #tpu.memory_space<vmem>>
          %dma_start3A_219 = tpu.memref_squeeze %dma_start3A_218 : memref<1x128x64xf32, #tpu.memory_space<vmem>> -> memref<128x64xf32, #tpu.memory_space<vmem>>
          %dma_start3A_220 = arith.constant 0 : i32
          %dma_start3A_221 = tpu.memref_slice %arg6[%add3A_215, %dma_start3A_220] : memref<40x128xi32, #tpu.memory_space<vmem>> -> memref<1x128xi32, #tpu.memory_space<vmem>>
          %dma_start3A_222 = tpu.memref_squeeze %dma_start3A_221 : memref<1x128xi32, #tpu.memory_space<vmem>> -> memref<128xi32, #tpu.memory_space<vmem>>
          %dma_start3A_223 = arith.constant 0 : i32
          %dma_start3A_224 = arith.constant 0 : i32
          %dma_start3A_225 = tpu.memref_slice %arg10[%dma_start3A_223, %dma_start3A_224] : memref<10240x64xf32, #tpu.memory_space<vmem_shared>> -> memref<10240x64xf32, #tpu.memory_space<vmem_shared>>
          %dma_start3A_226 = tpu.memref_slice %arg12[%rem3A_200] : memref<4x!tpu.dma_semaphore, #tpu.memory_space<semaphore_mem>> -> memref<1x!tpu.dma_semaphore, #tpu.memory_space<semaphore_mem>>
          %dma_start3A_227 = tpu.memref_squeeze %dma_start3A_226 : memref<1x!tpu.dma_semaphore, #tpu.memory_space<semaphore_mem>> -> memref<!tpu.dma_semaphore, #tpu.memory_space<semaphore_mem>>
          tpu.enqueue_indirect_dma source(%dma_start3A_225 : memref<10240x64xf32, #tpu.memory_space<vmem_shared>>) target(%dma_start3A_219 : memref<128x64xf32, #tpu.memory_space<vmem>>) offsets(%dma_start3A_222 : memref<128xi32, #tpu.memory_space<vmem>>) semaphore(%dma_start3A_227 : memref<!tpu.dma_semaphore, #tpu.memory_space<semaphore_mem>>)
        } else {
        }
        %dma_wait3A = arith.constant 0 : i32
        %dma_wait3A_203 = arith.constant 0 : i32
        %dma_wait3A_204 = tpu.memref_slice %arg8[%rem3A_196, %dma_wait3A, %dma_wait3A_203] : memref<4x128x64xf32, #tpu.memory_space<vmem>> -> memref<1x128x64xf32, #tpu.memory_space<vmem>>
        %dma_wait3A_205 = tpu.memref_squeeze %dma_wait3A_204 : memref<1x128x64xf32, #tpu.memory_space<vmem>> -> memref<128x64xf32, #tpu.memory_space<vmem>>
        %dma_wait3A_206 = arith.constant 0 : i32
        %dma_wait3A_207 = tpu.memref_slice %arg6[%scan3A_195, %dma_wait3A_206] : memref<40x128xi32, #tpu.memory_space<vmem>> -> memref<1x128xi32, #tpu.memory_space<vmem>>
        %dma_wait3A_208 = tpu.memref_squeeze %dma_wait3A_207 : memref<1x128xi32, #tpu.memory_space<vmem>> -> memref<128xi32, #tpu.memory_space<vmem>>
        %dma_wait3A_209 = arith.constant 0 : i32
        %dma_wait3A_210 = arith.constant 0 : i32
        %dma_wait3A_211 = tpu.memref_slice %arg10[%dma_wait3A_209, %dma_wait3A_210] : memref<10240x64xf32, #tpu.memory_space<vmem_shared>> -> memref<10240x64xf32, #tpu.memory_space<vmem_shared>>
        %dma_wait3A_212 = tpu.memref_slice %arg12[%rem3A_196] : memref<4x!tpu.dma_semaphore, #tpu.memory_space<semaphore_mem>> -> memref<1x!tpu.dma_semaphore, #tpu.memory_space<semaphore_mem>>
        %dma_wait3A_213 = tpu.memref_squeeze %dma_wait3A_212 : memref<1x!tpu.dma_semaphore, #tpu.memory_space<semaphore_mem>> -> memref<!tpu.dma_semaphore, #tpu.memory_space<semaphore_mem>>
        tpu.wait_indirect_dma semaphore(%dma_wait3A_213 : memref<!tpu.dma_semaphore, #tpu.memory_space<semaphore_mem>>) src(%dma_wait3A_211 : memref<10240x64xf32, #tpu.memory_space<vmem_shared>>) dst(%dma_wait3A_205 : memref<128x64xf32, #tpu.memory_space<vmem>>)
        "tpu.region"() ({
          %run_scoped3A = tpu.sem_alloc : memref<!tpu.dma_semaphore, #tpu.memory_space<semaphore_mem>>
          %dma_start3A_214 = arith.constant 0 : i32
          %dma_start3A_215 = arith.constant 0 : i32
          %dma_start3A_216 = tpu.memref_slice %arg8[%rem3A_196, %dma_start3A_214, %dma_start3A_215] : memref<4x128x64xf32, #tpu.memory_space<vmem>> -> memref<1x128x64xf32, #tpu.memory_space<vmem>>
          %dma_start3A_217 = tpu.memref_squeeze %dma_start3A_216 : memref<1x128x64xf32, #tpu.memory_space<vmem>> -> memref<128x64xf32, #tpu.memory_space<vmem>>
          %dma_start3A_218 = arith.constant 0 : i32
          %dma_start3A_219 = tpu.memref_slice %arg7[%scan3A_195, %dma_start3A_218] : memref<40x128xi32, #tpu.memory_space<vmem>> -> memref<1x128xi32, #tpu.memory_space<vmem>>
          %dma_start3A_220 = tpu.memref_squeeze %dma_start3A_219 : memref<1x128xi32, #tpu.memory_space<vmem>> -> memref<128xi32, #tpu.memory_space<vmem>>
          %dma_start3A_221 = arith.constant 0 : i32
          %dma_start3A_222 = arith.constant 0 : i32
          %dma_start3A_223 = tpu.memref_slice %arg11[%dma_start3A_221, %dma_start3A_222] : memref<10240x64xf32, #tpu.memory_space<vmem_shared>> -> memref<10240x64xf32, #tpu.memory_space<vmem_shared>>
          tpu.enqueue_indirect_dma source(%dma_start3A_217 : memref<128x64xf32, #tpu.memory_space<vmem>>) target(%dma_start3A_223 : memref<10240x64xf32, #tpu.memory_space<vmem_shared>>) offsets(%dma_start3A_220 : memref<128xi32, #tpu.memory_space<vmem>>) semaphore(%run_scoped3A : memref<!tpu.dma_semaphore, #tpu.memory_space<semaphore_mem>>) {add = true}
          %dma_wait3A_224 = arith.constant 0 : i32
          %dma_wait3A_225 = arith.constant 0 : i32
          %dma_wait3A_226 = tpu.memref_slice %arg8[%rem3A_196, %dma_wait3A_224, %dma_wait3A_225] : memref<4x128x64xf32, #tpu.memory_space<vmem>> -> memref<1x128x64xf32, #tpu.memory_space<vmem>>
          %dma_wait3A_227 = tpu.memref_squeeze %dma_wait3A_226 : memref<1x128x64xf32, #tpu.memory_space<vmem>> -> memref<128x64xf32, #tpu.memory_space<vmem>>
          %dma_wait3A_228 = arith.constant 0 : i32
          %dma_wait3A_229 = tpu.memref_slice %arg7[%scan3A_195, %dma_wait3A_228] : memref<40x128xi32, #tpu.memory_space<vmem>> -> memref<1x128xi32, #tpu.memory_space<vmem>>
          %dma_wait3A_230 = tpu.memref_squeeze %dma_wait3A_229 : memref<1x128xi32, #tpu.memory_space<vmem>> -> memref<128xi32, #tpu.memory_space<vmem>>
          %dma_wait3A_231 = arith.constant 0 : i32
          %dma_wait3A_232 = arith.constant 0 : i32
          %dma_wait3A_233 = tpu.memref_slice %arg11[%dma_wait3A_231, %dma_wait3A_232] : memref<10240x64xf32, #tpu.memory_space<vmem_shared>> -> memref<10240x64xf32, #tpu.memory_space<vmem_shared>>
          tpu.wait_indirect_dma semaphore(%run_scoped3A : memref<!tpu.dma_semaphore, #tpu.memory_space<semaphore_mem>>) src(%dma_wait3A_227 : memref<128x64xf32, #tpu.memory_space<vmem>>) dst(%dma_wait3A_233 : memref<10240x64xf32, #tpu.memory_space<vmem_shared>>)
          tpu.yield
        }) : () -> ()
      }
      %scan3A_194 = arith.constant 40 : i32
    }
    %scan3A_124 = arith.constant 2 : i32
    %barrier3A_125 = arith.constant 0 : index
    tpu.barrier barrier_id(%barrier3A_125)
    %mul3A_126 = arith.constant 640 : i32
    %mul3A_127 = arith.muli %arg1, %mul3A_126 : i32
    %mul3A_128 = arith.constant 10240 : i32
    %mul3A_129 = arith.muli %add3A_104, %mul3A_128 : i32
    %mul3A_130 = arith.constant 640 : i32
    %mul3A_131 = arith.muli %arg1, %mul3A_130 : i32
    %add3A_132 = arith.addi %mul3A_129, %mul3A_131 : i32
    "tpu.region"() ({
      %run_scoped3A = tpu.sem_alloc : memref<!tpu.dma_semaphore, #tpu.memory_space<semaphore_mem>>
      %dma_start3A = arith.constant 0 : i32
      %dma_start3A_134 = tpu.memref_slice %arg5[%add3A_132, %dma_start3A] : memref<81920x64xf32, #tpu.memory_space<hbm>> -> memref<640x64xf32, #tpu.memory_space<hbm>>
      %dma_start3A_135 = arith.constant 0 : i32
      %dma_start3A_136 = tpu.memref_slice %arg11[%mul3A_127, %dma_start3A_135] : memref<10240x64xf32, #tpu.memory_space<vmem_shared>> -> memref<640x64xf32, #tpu.memory_space<vmem_shared>>
      tpu.enqueue_dma source(%dma_start3A_136 : memref<640x64xf32, #tpu.memory_space<vmem_shared>>) target(%dma_start3A_134 : memref<640x64xf32, #tpu.memory_space<hbm>>) target_semaphore(%run_scoped3A : memref<!tpu.dma_semaphore, #tpu.memory_space<semaphore_mem>>)
      %dma_wait3A = arith.constant 0 : i32
      %dma_wait3A_137 = tpu.memref_slice %arg5[%add3A_132, %dma_wait3A] : memref<81920x64xf32, #tpu.memory_space<hbm>> -> memref<640x64xf32, #tpu.memory_space<hbm>>
      %dma_wait3A_138 = arith.constant 0 : i32
      %dma_wait3A_139 = tpu.memref_slice %arg11[%mul3A_127, %dma_wait3A_138] : memref<10240x64xf32, #tpu.memory_space<vmem_shared>> -> memref<640x64xf32, #tpu.memory_space<vmem_shared>>
      tpu.wait_dma2 semaphore(%run_scoped3A : memref<!tpu.dma_semaphore, #tpu.memory_space<semaphore_mem>>) src(%dma_wait3A_139 : memref<640x64xf32, #tpu.memory_space<vmem_shared>>) dst(%dma_wait3A_137 : memref<640x64xf32, #tpu.memory_space<hbm>>)
      tpu.yield
    }) : () -> ()
    %barrier3A_133 = arith.constant 0 : index
    tpu.barrier barrier_id(%barrier3A_133)
    return
  }
}

#map = affine_map<(d0, d1) -> (0, 0)>
module attributes {stable_mosaic.version = 14 : i64} {
  func.func @_scatter_kernel(%arg0: i32, %arg1: i32, %arg2: memref<81920x64xf32, #tpu.memory_space<hbm>>, %arg3: memref<1280x128xi32, #tpu.memory_space<hbm>>, %arg4: memref<1280x128xi32, #tpu.memory_space<hbm>>, %arg5: memref<81920x64xf32, #tpu.memory_space<hbm>>, %arg6: memref<40x128xi32, #tpu.memory_space<vmem>>, %arg7: memref<40x128xi32, #tpu.memory_space<vmem>>, %arg8: memref<4x128x64xf32, #tpu.memory_space<vmem>>, %arg9: memref<40x64xf32, #tpu.memory_space<vmem>>, %arg10: memref<10240x64xf32, #tpu.memory_space<vmem_shared>>, %arg11: memref<10240x64xf32, #tpu.memory_space<vmem_shared>>, %arg12: memref<4x!tpu.dma_semaphore, #tpu.memory_space<semaphore_mem>>) attributes {dimension_semantics = [#tpu.dimension_semantics<core_parallel>, #tpu.dimension_semantics<subcore_parallel>], iteration_bounds = array<i64: 2, 16>, scalar_prefetch = 0 : i64, scratch_operands = 7 : i64, tpu.core_type = #tpu.core_type<sc_vector_subcore>, window_params = [{transform_indices = #map}, {transform_indices = #map}, {transform_indices = #map}, {transform_indices = #map}]} {
    %scan3A = arith.constant 0 : i32
    %scan3A_0 = arith.constant 0 : i32
    %scan3A_1 = arith.constant 160 : i32
    %scan3A_2 = arith.addi %scan3A_0, %scan3A_1 : i32
    %scan3A_3 = arith.constant 1 : i32
    scf.for %scan3A_134 = %scan3A_0 to %scan3A_2 step %scan3A_3  : i32 {
      %jit3A = arith.constant 4 : i32
      %div3A = arith.divsi %scan3A_134, %jit3A : i32
      %sign3A = arith.constant 0 : i32
      %sign3A_135 = arith.cmpi sgt, %scan3A_134, %sign3A : i32
      %sign3A_136 = arith.extui %sign3A_135 : i1 to i32
      %sign3A_137 = arith.constant 0 : i32
      %sign3A_138 = arith.cmpi slt, %scan3A_134, %sign3A_137 : i32
      %sign3A_139 = arith.extui %sign3A_138 : i1 to i32
      %sign3A_140 = arith.subi %sign3A_136, %sign3A_139 : i32
      %sign3A_141 = arith.constant 0 : i32
      %sign3A_142 = arith.cmpi sgt, %jit3A, %sign3A_141 : i32
      %sign3A_143 = arith.extui %sign3A_142 : i1 to i32
      %sign3A_144 = arith.constant 0 : i32
      %sign3A_145 = arith.cmpi slt, %jit3A, %sign3A_144 : i32
      %sign3A_146 = arith.extui %sign3A_145 : i1 to i32
      %sign3A_147 = arith.subi %sign3A_143, %sign3A_146 : i32
      %ne3A = arith.cmpi ne, %sign3A_140, %sign3A_147 : i32
      %rem3A = arith.remsi %scan3A_134, %jit3A : i32
      %ne3A_148 = arith.constant 0 : i32
      %ne3A_149 = arith.cmpi ne, %rem3A, %ne3A_148 : i32
      %and3A = arith.andi %ne3A, %ne3A_149 : i1
      %sub3A = arith.constant 1 : i32
      %sub3A_150 = arith.subi %div3A, %sub3A : i32
      %select_n3A = arith.select %and3A, %sub3A_150, %div3A : i32
      %jit3A_151 = arith.constant 4 : i32
      %eq3A = arith.constant 0 : i32
      %eq3A_152 = arith.cmpi eq, %jit3A_151, %eq3A : i32
      %jit3A_153 = arith.constant 1 : i32
      %select_n3A_154 = arith.select %eq3A_152, %jit3A_153, %jit3A_151 : i32
      %rem3A_155 = arith.remsi %scan3A_134, %select_n3A_154 : i32
      %ne3A_156 = arith.constant 0 : i32
      %ne3A_157 = arith.cmpi ne, %rem3A_155, %ne3A_156 : i32
      %lt3A = arith.constant 0 : i32
      %lt3A_158 = arith.cmpi slt, %rem3A_155, %lt3A : i32
      %lt3A_159 = arith.constant 0 : i32
      %lt3A_160 = arith.cmpi slt, %select_n3A_154, %lt3A_159 : i32
      %ne3A_161 = arith.xori %lt3A_158, %lt3A_160 : i1
      %and3A_162 = arith.andi %ne3A_161, %ne3A_157 : i1
      %add3A_163 = arith.addi %rem3A_155, %select_n3A_154 : i32
      %select_n3A_164 = arith.select %and3A_162, %add3A_163, %rem3A_155 : i32
      %broadcast_in_dim3A = arith.constant 0.000000e+00 : f32
      %broadcast_in_dim3A_165 = vector.broadcast %broadcast_in_dim3A : f32 to vector<16xf32>
      %mul3A_166 = arith.constant 16 : i32
      %mul3A_167 = arith.muli %select_n3A_164, %mul3A_166 : i32
      %swap3A = arith.index_cast %select_n3A : i32 to index
      %swap3A_168 = arith.index_cast %mul3A_167 : i32 to index
      %swap3A_169 = tpu.vector_load %arg9[%swap3A, %swap3A_168] {strides = array<i32>} : memref<40x64xf32, #tpu.memory_space<vmem>>, vector<1x16xf32>,
      %swap3A_170 = vector.shape_cast %swap3A_169 : vector<1x16xf32> to vector<16xf32>
      %swap3A_171 = vector.shape_cast %broadcast_in_dim3A_165 : vector<16xf32> to vector<1x16xf32>
      tpu.vector_store %arg9[%swap3A, %swap3A_168], %swap3A_171 {strides = array<i32>} : memref<40x64xf32, #tpu.memory_space<vmem>>, vector<1x16xf32>,
    }
    %scan3A_4 = arith.constant 160 : i32
    %mul3A = arith.constant 4 : i32
    %mul3A_5 = arith.muli %arg0, %mul3A : i32
    %add3A = arith.constant 0 : i32
    %add3A_6 = arith.addi %mul3A_5, %add3A : i32
    %mul3A_7 = arith.constant 10240 : i32
    %mul3A_8 = arith.muli %add3A_6, %mul3A_7 : i32
    %mul3A_9 = arith.constant 640 : i32
    %mul3A_10 = arith.muli %arg1, %mul3A_9 : i32
    %add3A_11 = arith.addi %mul3A_8, %mul3A_10 : i32
    %mul3A_12 = arith.constant 640 : i32
    %mul3A_13 = arith.muli %arg1, %mul3A_12 : i32
    "tpu.region"() ({
      %run_scoped3A = tpu.sem_alloc : memref<!tpu.dma_semaphore, #tpu.memory_space<semaphore_mem>>
      %dma_start3A = arith.constant 0 : i32
      %dma_start3A_134 = tpu.memref_slice %arg10[%mul3A_13, %dma_start3A] : memref<10240x64xf32, #tpu.memory_space<vmem_shared>> -> memref<640x64xf32, #tpu.memory_space<vmem_shared>>
      %dma_start3A_135 = arith.constant 0 : i32
      %dma_start3A_136 = tpu.memref_slice %arg2[%add3A_11, %dma_start3A_135] : memref<81920x64xf32, #tpu.memory_space<hbm>> -> memref<640x64xf32, #tpu.memory_space<hbm>>
      tpu.enqueue_dma source(%dma_start3A_136 : memref<640x64xf32, #tpu.memory_space<hbm>>) target(%dma_start3A_134 : memref<640x64xf32, #tpu.memory_space<vmem_shared>>) target_semaphore(%run_scoped3A : memref<!tpu.dma_semaphore, #tpu.memory_space<semaphore_mem>>)
      %dma_wait3A = arith.constant 0 : i32
      %dma_wait3A_137 = tpu.memref_slice %arg10[%mul3A_13, %dma_wait3A] : memref<10240x64xf32, #tpu.memory_space<vmem_shared>> -> memref<640x64xf32, #tpu.memory_space<vmem_shared>>
      %dma_wait3A_138 = arith.constant 0 : i32
      %dma_wait3A_139 = tpu.memref_slice %arg2[%add3A_11, %dma_wait3A_138] : memref<81920x64xf32, #tpu.memory_space<hbm>> -> memref<640x64xf32, #tpu.memory_space<hbm>>
      tpu.wait_dma2 semaphore(%run_scoped3A : memref<!tpu.dma_semaphore, #tpu.memory_space<semaphore_mem>>) src(%dma_wait3A_139 : memref<640x64xf32, #tpu.memory_space<hbm>>) dst(%dma_wait3A_137 : memref<640x64xf32, #tpu.memory_space<vmem_shared>>)
      tpu.yield
    }) : () -> ()
    %scan3A_14 = arith.constant 0 : i32
    %scan3A_15 = arith.constant 0 : i32
    %scan3A_16 = arith.constant 16 : i32
    %scan3A_17 = arith.addi %scan3A_15, %scan3A_16 : i32
    %scan3A_18 = arith.constant 1 : i32
    scf.for %scan3A_134 = %scan3A_15 to %scan3A_17 step %scan3A_18  : i32 {
      %mul3A_135 = arith.constant 640 : i32
      %mul3A_136 = arith.muli %arg1, %mul3A_135 : i32
      %mul3A_137 = arith.constant 40 : i32
      %mul3A_138 = arith.muli %scan3A_134, %mul3A_137 : i32
      %add3A_139 = arith.addi %mul3A_136, %mul3A_138 : i32
      "tpu.region"() ({
        %run_scoped3A = tpu.sem_alloc : memref<!tpu.dma_semaphore, #tpu.memory_space<semaphore_mem>>
        %dma_start3A = arith.constant 0 : i32
        %dma_start3A_140 = tpu.memref_slice %arg11[%add3A_139, %dma_start3A] : memref<10240x64xf32, #tpu.memory_space<vmem_shared>> -> memref<40x64xf32, #tpu.memory_space<vmem_shared>>
        %dma_start3A_141 = arith.constant 0 : i32
        %dma_start3A_142 = tpu.memref_slice %arg11[%add3A_139, %dma_start3A_141] : memref<10240x64xf32, #tpu.memory_space<vmem_shared>> -> memref<40x64xf32, #tpu.memory_space<vmem_shared>>
        tpu.enqueue_dma source(%arg9 : memref<40x64xf32, #tpu.memory_space<vmem>>) target(%dma_start3A_142 : memref<40x64xf32, #tpu.memory_space<vmem_shared>>) target_semaphore(%run_scoped3A : memref<!tpu.dma_semaphore, #tpu.memory_space<semaphore_mem>>)
        %dma_wait3A = arith.constant 0 : i32
        %dma_wait3A_143 = tpu.memref_slice %arg11[%add3A_139, %dma_wait3A] : memref<10240x64xf32, #tpu.memory_space<vmem_shared>> -> memref<40x64xf32, #tpu.memory_space<vmem_shared>>
        %dma_wait3A_144 = arith.constant 0 : i32
        %dma_wait3A_145 = tpu.memref_slice %arg11[%add3A_139, %dma_wait3A_144] : memref<10240x64xf32, #tpu.memory_space<vmem_shared>> -> memref<40x64xf32, #tpu.memory_space<vmem_shared>>
        tpu.wait_dma2 semaphore(%run_scoped3A : memref<!tpu.dma_semaphore, #tpu.memory_space<semaphore_mem>>) src(%arg9 : memref<40x64xf32, #tpu.memory_space<vmem>>) dst(%dma_wait3A_145 : memref<40x64xf32, #tpu.memory_space<vmem_shared>>)
        tpu.yield
      }) : () -> ()
    }
    %scan3A_19 = arith.constant 16 : i32
    %barrier3A = arith.constant 0 : index
    tpu.barrier barrier_id(%barrier3A)
    %scan3A_20 = arith.constant 0 : i32
    %scan3A_21 = arith.constant 0 : i32
    %scan3A_22 = arith.constant 2 : i32
    %scan3A_23 = arith.addi %scan3A_21, %scan3A_22 : i32
    %scan3A_24 = arith.constant 1 : i32
    scf.for %scan3A_134 = %scan3A_21 to %scan3A_23 step %scan3A_24  : i32 {
      %mul3A_135 = arith.constant 80 : i32
      %mul3A_136 = arith.muli %arg1, %mul3A_135 : i32
      %mul3A_137 = arith.constant 40 : i32
      %mul3A_138 = arith.muli %scan3A_134, %mul3A_137 : i32
      %add3A_139 = arith.addi %mul3A_136, %mul3A_138 : i32
      "tpu.region"() ({
        %run_scoped3A = tpu.sem_alloc : memref<!tpu.dma_semaphore, #tpu.memory_space<semaphore_mem>>
        %dma_start3A_195 = arith.constant 0 : i32
        %dma_start3A_196 = tpu.memref_slice %arg3[%add3A_139, %dma_start3A_195] : memref<1280x128xi32, #tpu.memory_space<hbm>> -> memref<40x128xi32, #tpu.memory_space<hbm>>
        %dma_start3A_197 = arith.constant 0 : i32
        %dma_start3A_198 = tpu.memref_slice %arg3[%add3A_139, %dma_start3A_197] : memref<1280x128xi32, #tpu.memory_space<hbm>> -> memref<40x128xi32, #tpu.memory_space<hbm>>
        tpu.enqueue_dma source(%dma_start3A_198 : memref<40x128xi32, #tpu.memory_space<hbm>>) target(%arg6 : memref<40x128xi32, #tpu.memory_space<vmem>>) target_semaphore(%run_scoped3A : memref<!tpu.dma_semaphore, #tpu.memory_space<semaphore_mem>>)
        %dma_wait3A = arith.constant 0 : i32
        %dma_wait3A_199 = tpu.memref_slice %arg3[%add3A_139, %dma_wait3A] : memref<1280x128xi32, #tpu.memory_space<hbm>> -> memref<40x128xi32, #tpu.memory_space<hbm>>
        %dma_wait3A_200 = arith.constant 0 : i32
        %dma_wait3A_201 = tpu.memref_slice %arg3[%add3A_139, %dma_wait3A_200] : memref<1280x128xi32, #tpu.memory_space<hbm>> -> memref<40x128xi32, #tpu.memory_space<hbm>>
        tpu.wait_dma2 semaphore(%run_scoped3A : memref<!tpu.dma_semaphore, #tpu.memory_space<semaphore_mem>>) src(%dma_wait3A_201 : memref<40x128xi32, #tpu.memory_space<hbm>>) dst(%arg6 : memref<40x128xi32, #tpu.memory_space<vmem>>)
        tpu.yield
      }) : () -> ()
      %mul3A_140 = arith.constant 80 : i32
      %mul3A_141 = arith.muli %arg1, %mul3A_140 : i32
      %mul3A_142 = arith.constant 40 : i32
      %mul3A_143 = arith.muli %scan3A_134, %mul3A_142 : i32
      %add3A_144 = arith.addi %mul3A_141, %mul3A_143 : i32
      "tpu.region"() ({
        %run_scoped3A = tpu.sem_alloc : memref<!tpu.dma_semaphore, #tpu.memory_space<semaphore_mem>>
        %dma_start3A_195 = arith.constant 0 : i32
        %dma_start3A_196 = tpu.memref_slice %arg4[%add3A_144, %dma_start3A_195] : memref<1280x128xi32, #tpu.memory_space<hbm>> -> memref<40x128xi32, #tpu.memory_space<hbm>>
        %dma_start3A_197 = arith.constant 0 : i32
        %dma_start3A_198 = tpu.memref_slice %arg4[%add3A_144, %dma_start3A_197] : memref<1280x128xi32, #tpu.memory_space<hbm>> -> memref<40x128xi32, #tpu.memory_space<hbm>>
        tpu.enqueue_dma source(%dma_start3A_198 : memref<40x128xi32, #tpu.memory_space<hbm>>) target(%arg7 : memref<40x128xi32, #tpu.memory_space<vmem>>) target_semaphore(%run_scoped3A : memref<!tpu.dma_semaphore, #tpu.memory_space<semaphore_mem>>)
        %dma_wait3A = arith.constant 0 : i32
        %dma_wait3A_199 = tpu.memref_slice %arg4[%add3A_144, %dma_wait3A] : memref<1280x128xi32, #tpu.memory_space<hbm>> -> memref<40x128xi32, #tpu.memory_space<hbm>>
        %dma_wait3A_200 = arith.constant 0 : i32
        %dma_wait3A_201 = tpu.memref_slice %arg4[%add3A_144, %dma_wait3A_200] : memref<1280x128xi32, #tpu.memory_space<hbm>> -> memref<40x128xi32, #tpu.memory_space<hbm>>
        tpu.wait_dma2 semaphore(%run_scoped3A : memref<!tpu.dma_semaphore, #tpu.memory_space<semaphore_mem>>) src(%dma_wait3A_201 : memref<40x128xi32, #tpu.memory_space<hbm>>) dst(%arg7 : memref<40x128xi32, #tpu.memory_space<vmem>>)
        tpu.yield
      }) : () -> ()
      %dma_start3A = arith.constant 0 : i32
      %dma_start3A_145 = arith.constant 0 : i32
      %dma_start3A_146 = arith.constant 0 : i32
      %dma_start3A_147 = arith.constant 0 : i32
      %dma_start3A_148 = arith.constant 0 : i32
      %dma_start3A_149 = tpu.memref_slice %arg8[%dma_start3A_145, %dma_start3A_147, %dma_start3A_148] : memref<4x128x64xf32, #tpu.memory_space<vmem>> -> memref<1x128x64xf32, #tpu.memory_space<vmem>>
      %dma_start3A_150 = tpu.memref_squeeze %dma_start3A_149 : memref<1x128x64xf32, #tpu.memory_space<vmem>> -> memref<128x64xf32, #tpu.memory_space<vmem>>
      %dma_start3A_151 = arith.constant 0 : i32
      %dma_start3A_152 = tpu.memref_slice %arg6[%dma_start3A, %dma_start3A_151] : memref<40x128xi32, #tpu.memory_space<vmem>> -> memref<1x128xi32, #tpu.memory_space<vmem>>
      %dma_start3A_153 = tpu.memref_squeeze %dma_start3A_152 : memref<1x128xi32, #tpu.memory_space<vmem>> -> memref<128xi32, #tpu.memory_space<vmem>>
      %dma_start3A_154 = arith.constant 0 : i32
      %dma_start3A_155 = arith.constant 0 : i32
      %dma_start3A_156 = tpu.memref_slice %arg10[%dma_start3A_154, %dma_start3A_155] : memref<10240x64xf32, #tpu.memory_space<vmem_shared>> -> memref<10240x64xf32, #tpu.memory_space<vmem_shared>>
      %dma_start3A_157 = tpu.memref_slice %arg12[%dma_start3A_146] : memref<4x!tpu.dma_semaphore, #tpu.memory_space<semaphore_mem>> -> memref<1x!tpu.dma_semaphore, #tpu.memory_space<semaphore_mem>>
      %dma_start3A_158 = tpu.memref_squeeze %dma_start3A_157 : memref<1x!tpu.dma_semaphore, #tpu.memory_space<semaphore_mem>> -> memref<!tpu.dma_semaphore, #tpu.memory_space<semaphore_mem>>
      tpu.enqueue_indirect_dma source(%dma_start3A_156 : memref<10240x64xf32, #tpu.memory_space<vmem_shared>>) target(%dma_start3A_150 : memref<128x64xf32, #tpu.memory_space<vmem>>) offsets(%dma_start3A_153 : memref<128xi32, #tpu.memory_space<vmem>>) semaphore(%dma_start3A_158 : memref<!tpu.dma_semaphore, #tpu.memory_space<semaphore_mem>>)
      %dma_start3A_159 = arith.constant 1 : i32
      %dma_start3A_160 = arith.constant 1 : i32
      %dma_start3A_161 = arith.constant 1 : i32
      %dma_start3A_162 = arith.constant 0 : i32
      %dma_start3A_163 = arith.constant 0 : i32
      %dma_start3A_164 = tpu.memref_slice %arg8[%dma_start3A_160, %dma_start3A_162, %dma_start3A_163] : memref<4x128x64xf32, #tpu.memory_space<vmem>> -> memref<1x128x64xf32, #tpu.memory_space<vmem>>
      %dma_start3A_165 = tpu.memref_squeeze %dma_start3A_164 : memref<1x128x64xf32, #tpu.memory_space<vmem>> -> memref<128x64xf32, #tpu.memory_space<vmem>>
      %dma_start3A_166 = arith.constant 0 : i32
      %dma_start3A_167 = tpu.memref_slice %arg6[%dma_start3A_159, %dma_start3A_166] : memref<40x128xi32, #tpu.memory_space<vmem>> -> memref<1x128xi32, #tpu.memory_space<vmem>>
      %dma_start3A_168 = tpu.memref_squeeze %dma_start3A_167 : memref<1x128xi32, #tpu.memory_space<vmem>> -> memref<128xi32, #tpu.memory_space<vmem>>
      %dma_start3A_169 = arith.constant 0 : i32
      %dma_start3A_170 = arith.constant 0 : i32
      %dma_start3A_171 = tpu.memref_slice %arg10[%dma_start3A_169, %dma_start3A_170] : memref<10240x64xf32, #tpu.memory_space<vmem_shared>> -> memref<10240x64xf32, #tpu.memory_space<vmem_shared>>
      %dma_start3A_172 = tpu.memref_slice %arg12[%dma_start3A_161] : memref<4x!tpu.dma_semaphore, #tpu.memory_space<semaphore_mem>> -> memref<1x!tpu.dma_semaphore, #tpu.memory_space<semaphore_mem>>
      %dma_start3A_173 = tpu.memref_squeeze %dma_start3A_172 : memref<1x!tpu.dma_semaphore, #tpu.memory_space<semaphore_mem>> -> memref<!tpu.dma_semaphore, #tpu.memory_space<semaphore_mem>>
      tpu.enqueue_indirect_dma source(%dma_start3A_171 : memref<10240x64xf32, #tpu.memory_space<vmem_shared>>) target(%dma_start3A_165 : memref<128x64xf32, #tpu.memory_space<vmem>>) offsets(%dma_start3A_168 : memref<128xi32, #tpu.memory_space<vmem>>) semaphore(%dma_start3A_173 : memref<!tpu.dma_semaphore, #tpu.memory_space<semaphore_mem>>)
      %dma_start3A_174 = arith.constant 2 : i32
      %dma_start3A_175 = arith.constant 2 : i32
      %dma_start3A_176 = arith.constant 2 : i32
      %dma_start3A_177 = arith.constant 0 : i32
      %dma_start3A_178 = arith.constant 0 : i32
      %dma_start3A_179 = tpu.memref_slice %arg8[%dma_start3A_175, %dma_start3A_177, %dma_start3A_178] : memref<4x128x64xf32, #tpu.memory_space<vmem>> -> memref<1x128x64xf32, #tpu.memory_space<vmem>>
      %dma_start3A_180 = tpu.memref_squeeze %dma_start3A_179 : memref<1x128x64xf32, #tpu.memory_space<vmem>> -> memref<128x64xf32, #tpu.memory_space<vmem>>
      %dma_start3A_181 = arith.constant 0 : i32
      %dma_start3A_182 = tpu.memref_slice %arg6[%dma_start3A_174, %dma_start3A_181] : memref<40x128xi32, #tpu.memory_space<vmem>> -> memref<1x128xi32, #tpu.memory_space<vmem>>
      %dma_start3A_183 = tpu.memref_squeeze %dma_start3A_182 : memref<1x128xi32, #tpu.memory_space<vmem>> -> memref<128xi32, #tpu.memory_space<vmem>>
      %dma_start3A_184 = arith.constant 0 : i32
      %dma_start3A_185 = arith.constant 0 : i32
      %dma_start3A_186 = tpu.memref_slice %arg10[%dma_start3A_184, %dma_start3A_185] : memref<10240x64xf32, #tpu.memory_space<vmem_shared>> -> memref<10240x64xf32, #tpu.memory_space<vmem_shared>>
      %dma_start3A_187 = tpu.memref_slice %arg12[%dma_start3A_176] : memref<4x!tpu.dma_semaphore, #tpu.memory_space<semaphore_mem>> -> memref<1x!tpu.dma_semaphore, #tpu.memory_space<semaphore_mem>>
      %dma_start3A_188 = tpu.memref_squeeze %dma_start3A_187 : memref<1x!tpu.dma_semaphore, #tpu.memory_space<semaphore_mem>> -> memref<!tpu.dma_semaphore, #tpu.memory_space<semaphore_mem>>
      tpu.enqueue_indirect_dma source(%dma_start3A_186 : memref<10240x64xf32, #tpu.memory_space<vmem_shared>>) target(%dma_start3A_180 : memref<128x64xf32, #tpu.memory_space<vmem>>) offsets(%dma_start3A_183 : memref<128xi32, #tpu.memory_space<vmem>>) semaphore(%dma_start3A_188 : memref<!tpu.dma_semaphore, #tpu.memory_space<semaphore_mem>>)
      %scan3A_189 = arith.constant 0 : i32
      %scan3A_190 = arith.constant 0 : i32
      %scan3A_191 = arith.constant 40 : i32
      %scan3A_192 = arith.addi %scan3A_190, %scan3A_191 : i32
      %scan3A_193 = arith.constant 1 : i32
      scf.for %scan3A_195 = %scan3A_190 to %scan3A_192 step %scan3A_193  : i32 {
        %rem3A = arith.constant 4 : i32
        %rem3A_196 = arith.remsi %scan3A_195, %rem3A : i32
        %add3A_197 = arith.constant 3 : i32
        %add3A_198 = arith.addi %scan3A_195, %add3A_197 : i32
        %rem3A_199 = arith.constant 4 : i32
        %rem3A_200 = arith.remsi %add3A_198, %rem3A_199 : i32
        %lt3A = arith.constant 37 : i32
        %lt3A_201 = arith.cmpi slt, %scan3A_195, %lt3A : i32
        %convert_element_type3A = arith.extui %lt3A_201 : i1 to i32
        %cond3A = arith.constant 0 : i32
        %cond3A_202 = arith.cmpi ne, %convert_element_type3A, %cond3A : i32
        scf.if %cond3A_202 {
          %add3A_214 = arith.constant 3 : i32
          %add3A_215 = arith.addi %scan3A_195, %add3A_214 : i32
          %dma_start3A_216 = arith.constant 0 : i32
          %dma_start3A_217 = arith.constant 0 : i32
          %dma_start3A_218 = tpu.memref_slice %arg8[%rem3A_200, %dma_start3A_216, %dma_start3A_217] : memref<4x128x64xf32, #tpu.memory_space<vmem>> -> memref<1x128x64xf32, #tpu.memory_space<vmem>>
          %dma_start3A_219 = tpu.memref_squeeze %dma_start3A_218 : memref<1x128x64xf32, #tpu.memory_space<vmem>> -> memref<128x64xf32, #tpu.memory_space<vmem>>
          %dma_start3A_220 = arith.constant 0 : i32
          %dma_start3A_221 = tpu.memref_slice %arg6[%add3A_215, %dma_start3A_220] : memref<40x128xi32, #tpu.memory_space<vmem>> -> memref<1x128xi32, #tpu.memory_space<vmem>>
          %dma_start3A_222 = tpu.memref_squeeze %dma_start3A_221 : memref<1x128xi32, #tpu.memory_space<vmem>> -> memref<128xi32, #tpu.memory_space<vmem>>
          %dma_start3A_223 = arith.constant 0 : i32
          %dma_start3A_224 = arith.constant 0 : i32
          %dma_start3A_225 = tpu.memref_slice %arg10[%dma_start3A_223, %dma_start3A_224] : memref<10240x64xf32, #tpu.memory_space<vmem_shared>> -> memref<10240x64xf32, #tpu.memory_space<vmem_shared>>
          %dma_start3A_226 = tpu.memref_slice %arg12[%rem3A_200] : memref<4x!tpu.dma_semaphore, #tpu.memory_space<semaphore_mem>> -> memref<1x!tpu.dma_semaphore, #tpu.memory_space<semaphore_mem>>
          %dma_start3A_227 = tpu.memref_squeeze %dma_start3A_226 : memref<1x!tpu.dma_semaphore, #tpu.memory_space<semaphore_mem>> -> memref<!tpu.dma_semaphore, #tpu.memory_space<semaphore_mem>>
          tpu.enqueue_indirect_dma source(%dma_start3A_225 : memref<10240x64xf32, #tpu.memory_space<vmem_shared>>) target(%dma_start3A_219 : memref<128x64xf32, #tpu.memory_space<vmem>>) offsets(%dma_start3A_222 : memref<128xi32, #tpu.memory_space<vmem>>) semaphore(%dma_start3A_227 : memref<!tpu.dma_semaphore, #tpu.memory_space<semaphore_mem>>)
        } else {
        }
        %dma_wait3A = arith.constant 0 : i32
        %dma_wait3A_203 = arith.constant 0 : i32
        %dma_wait3A_204 = tpu.memref_slice %arg8[%rem3A_196, %dma_wait3A, %dma_wait3A_203] : memref<4x128x64xf32, #tpu.memory_space<vmem>> -> memref<1x128x64xf32, #tpu.memory_space<vmem>>
        %dma_wait3A_205 = tpu.memref_squeeze %dma_wait3A_204 : memref<1x128x64xf32, #tpu.memory_space<vmem>> -> memref<128x64xf32, #tpu.memory_space<vmem>>
        %dma_wait3A_206 = arith.constant 0 : i32
        %dma_wait3A_207 = tpu.memref_slice %arg6[%scan3A_195, %dma_wait3A_206] : memref<40x128xi32, #tpu.memory_space<vmem>> -> memref<1x128xi32, #tpu.memory_space<vmem>>
        %dma_wait3A_208 = tpu.memref_squeeze %dma_wait3A_207 : memref<1x128xi32, #tpu.memory_space<vmem>> -> memref<128xi32, #tpu.memory_space<vmem>>
        %dma_wait3A_209 = arith.constant 0 : i32
        %dma_wait3A_210 = arith.constant 0 : i32
        %dma_wait3A_211 = tpu.memref_slice %arg10[%dma_wait3A_209, %dma_wait3A_210] : memref<10240x64xf32, #tpu.memory_space<vmem_shared>> -> memref<10240x64xf32, #tpu.memory_space<vmem_shared>>
        %dma_wait3A_212 = tpu.memref_slice %arg12[%rem3A_196] : memref<4x!tpu.dma_semaphore, #tpu.memory_space<semaphore_mem>> -> memref<1x!tpu.dma_semaphore, #tpu.memory_space<semaphore_mem>>
        %dma_wait3A_213 = tpu.memref_squeeze %dma_wait3A_212 : memref<1x!tpu.dma_semaphore, #tpu.memory_space<semaphore_mem>> -> memref<!tpu.dma_semaphore, #tpu.memory_space<semaphore_mem>>
        tpu.wait_indirect_dma semaphore(%dma_wait3A_213 : memref<!tpu.dma_semaphore, #tpu.memory_space<semaphore_mem>>) src(%dma_wait3A_211 : memref<10240x64xf32, #tpu.memory_space<vmem_shared>>) dst(%dma_wait3A_205 : memref<128x64xf32, #tpu.memory_space<vmem>>)
        "tpu.region"() ({
          %run_scoped3A = tpu.sem_alloc : memref<!tpu.dma_semaphore, #tpu.memory_space<semaphore_mem>>
          %dma_start3A_214 = arith.constant 0 : i32
          %dma_start3A_215 = arith.constant 0 : i32
          %dma_start3A_216 = tpu.memref_slice %arg8[%rem3A_196, %dma_start3A_214, %dma_start3A_215] : memref<4x128x64xf32, #tpu.memory_space<vmem>> -> memref<1x128x64xf32, #tpu.memory_space<vmem>>
          %dma_start3A_217 = tpu.memref_squeeze %dma_start3A_216 : memref<1x128x64xf32, #tpu.memory_space<vmem>> -> memref<128x64xf32, #tpu.memory_space<vmem>>
          %dma_start3A_218 = arith.constant 0 : i32
          %dma_start3A_219 = tpu.memref_slice %arg7[%scan3A_195, %dma_start3A_218] : memref<40x128xi32, #tpu.memory_space<vmem>> -> memref<1x128xi32, #tpu.memory_space<vmem>>
          %dma_start3A_220 = tpu.memref_squeeze %dma_start3A_219 : memref<1x128xi32, #tpu.memory_space<vmem>> -> memref<128xi32, #tpu.memory_space<vmem>>
          %dma_start3A_221 = arith.constant 0 : i32
          %dma_start3A_222 = arith.constant 0 : i32
          %dma_start3A_223 = tpu.memref_slice %arg11[%dma_start3A_221, %dma_start3A_222] : memref<10240x64xf32, #tpu.memory_space<vmem_shared>> -> memref<10240x64xf32, #tpu.memory_space<vmem_shared>>
          tpu.enqueue_indirect_dma source(%dma_start3A_217 : memref<128x64xf32, #tpu.memory_space<vmem>>) target(%dma_start3A_223 : memref<10240x64xf32, #tpu.memory_space<vmem_shared>>) offsets(%dma_start3A_220 : memref<128xi32, #tpu.memory_space<vmem>>) semaphore(%run_scoped3A : memref<!tpu.dma_semaphore, #tpu.memory_space<semaphore_mem>>) {add = true}
          %dma_wait3A_224 = arith.constant 0 : i32
          %dma_wait3A_225 = arith.constant 0 : i32
          %dma_wait3A_226 = tpu.memref_slice %arg8[%rem3A_196, %dma_wait3A_224, %dma_wait3A_225] : memref<4x128x64xf32, #tpu.memory_space<vmem>> -> memref<1x128x64xf32, #tpu.memory_space<vmem>>
          %dma_wait3A_227 = tpu.memref_squeeze %dma_wait3A_226 : memref<1x128x64xf32, #tpu.memory_space<vmem>> -> memref<128x64xf32, #tpu.memory_space<vmem>>
          %dma_wait3A_228 = arith.constant 0 : i32
          %dma_wait3A_229 = tpu.memref_slice %arg7[%scan3A_195, %dma_wait3A_228] : memref<40x128xi32, #tpu.memory_space<vmem>> -> memref<1x128xi32, #tpu.memory_space<vmem>>
          %dma_wait3A_230 = tpu.memref_squeeze %dma_wait3A_229 : memref<1x128xi32, #tpu.memory_space<vmem>> -> memref<128xi32, #tpu.memory_space<vmem>>
          %dma_wait3A_231 = arith.constant 0 : i32
          %dma_wait3A_232 = arith.constant 0 : i32
          %dma_wait3A_233 = tpu.memref_slice %arg11[%dma_wait3A_231, %dma_wait3A_232] : memref<10240x64xf32, #tpu.memory_space<vmem_shared>> -> memref<10240x64xf32, #tpu.memory_space<vmem_shared>>
          tpu.wait_indirect_dma semaphore(%run_scoped3A : memref<!tpu.dma_semaphore, #tpu.memory_space<semaphore_mem>>) src(%dma_wait3A_227 : memref<128x64xf32, #tpu.memory_space<vmem>>) dst(%dma_wait3A_233 : memref<10240x64xf32, #tpu.memory_space<vmem_shared>>)
          tpu.yield
        }) : () -> ()
      }
      %scan3A_194 = arith.constant 40 : i32
    }
    %scan3A_25 = arith.constant 2 : i32
    %barrier3A_26 = arith.constant 0 : index
    tpu.barrier barrier_id(%barrier3A_26)
    %mul3A_27 = arith.constant 640 : i32
    %mul3A_28 = arith.muli %arg1, %mul3A_27 : i32
    %mul3A_29 = arith.constant 10240 : i32
    %mul3A_30 = arith.muli %add3A_6, %mul3A_29 : i32
    %mul3A_31 = arith.constant 640 : i32
    %mul3A_32 = arith.muli %arg1, %mul3A_31 : i32
    %add3A_33 = arith.addi %mul3A_30, %mul3A_32 : i32
    "tpu.region"() ({
      %run_scoped3A = tpu.sem_alloc : memref<!tpu.dma_semaphore, #tpu.memory_space<semaphore_mem>>
      %dma_start3A = arith.constant 0 : i32
      %dma_start3A_134 = tpu.memref_slice %arg5[%add3A_33, %dma_start3A] : memref<81920x64xf32, #tpu.memory_space<hbm>> -> memref<640x64xf32, #tpu.memory_space<hbm>>
      %dma_start3A_135 = arith.constant 0 : i32
      %dma_start3A_136 = tpu.memref_slice %arg11[%mul3A_28, %dma_start3A_135] : memref<10240x64xf32, #tpu.memory_space<vmem_shared>> -> memref<640x64xf32, #tpu.memory_space<vmem_shared>>
      tpu.enqueue_dma source(%dma_start3A_136 : memref<640x64xf32, #tpu.memory_space<vmem_shared>>) target(%dma_start3A_134 : memref<640x64xf32, #tpu.memory_space<hbm>>) target_semaphore(%run_scoped3A : memref<!tpu.dma_semaphore, #tpu.memory_space<semaphore_mem>>)
      %dma_wait3A = arith.constant 0 : i32
      %dma_wait3A_137 = tpu.memref_slice %arg5[%add3A_33, %dma_wait3A] : memref<81920x64xf32, #tpu.memory_space<hbm>> -> memref<640x64xf32, #tpu.memory_space<hbm>>
      %dma_wait3A_138 = arith.constant 0 : i32
      %dma_wait3A_139 = tpu.memref_slice %arg11[%mul3A_28, %dma_wait3A_138] : memref<10240x64xf32, #tpu.memory_space<vmem_shared>> -> memref<640x64xf32, #tpu.memory_space<vmem_shared>>
      tpu.wait_dma2 semaphore(%run_scoped3A : memref<!tpu.dma_semaphore, #tpu.memory_space<semaphore_mem>>) src(%dma_wait3A_139 : memref<640x64xf32, #tpu.memory_space<vmem_shared>>) dst(%dma_wait3A_137 : memref<640x64xf32, #tpu.memory_space<hbm>>)
      tpu.yield
    }) : () -> ()
    %barrier3A_34 = arith.constant 0 : index
    tpu.barrier barrier_id(%barrier3A_34)
    %mul3A_35 = arith.constant 4 : i32
    %mul3A_36 = arith.muli %arg0, %mul3A_35 : i32
    %add3A_37 = arith.constant 1 : i32
    %add3A_38 = arith.addi %mul3A_36, %add3A_37 : i32
    %mul3A_39 = arith.constant 10240 : i32
    %mul3A_40 = arith.muli %add3A_38, %mul3A_39 : i32
    %mul3A_41 = arith.constant 640 : i32
    %mul3A_42 = arith.muli %arg1, %mul3A_41 : i32
    %add3A_43 = arith.addi %mul3A_40, %mul3A_42 : i32
    %mul3A_44 = arith.constant 640 : i32
    %mul3A_45 = arith.muli %arg1, %mul3A_44 : i32
    "tpu.region"() ({
      %run_scoped3A = tpu.sem_alloc : memref<!tpu.dma_semaphore, #tpu.memory_space<semaphore_mem>>
      %dma_start3A = arith.constant 0 : i32
      %dma_start3A_134 = tpu.memref_slice %arg10[%mul3A_45, %dma_start3A] : memref<10240x64xf32, #tpu.memory_space<vmem_shared>> -> memref<640x64xf32, #tpu.memory_space<vmem_shared>>
      %dma_start3A_135 = arith.constant 0 : i32
      %dma_start3A_136 = tpu.memref_slice %arg2[%add3A_43, %dma_start3A_135] : memref<81920x64xf32, #tpu.memory_space<hbm>> -> memref<640x64xf32, #tpu.memory_space<hbm>>
      tpu.enqueue_dma source(%dma_start3A_136 : memref<640x64xf32, #tpu.memory_space<hbm>>) target(%dma_start3A_134 : memref<640x64xf32, #tpu.memory_space<vmem_shared>>) target_semaphore(%run_scoped3A : memref<!tpu.dma_semaphore, #tpu.memory_space<semaphore_mem>>)
      %dma_wait3A = arith.constant 0 : i32
      %dma_wait3A_137 = tpu.memref_slice %arg10[%mul3A_45, %dma_wait3A] : memref<10240x64xf32, #tpu.memory_space<vmem_shared>> -> memref<640x64xf32, #tpu.memory_space<vmem_shared>>
      %dma_wait3A_138 = arith.constant 0 : i32
      %dma_wait3A_139 = tpu.memref_slice %arg2[%add3A_43, %dma_wait3A_138] : memref<81920x64xf32, #tpu.memory_space<hbm>> -> memref<640x64xf32, #tpu.memory_space<hbm>>
      tpu.wait_dma2 semaphore(%run_scoped3A : memref<!tpu.dma_semaphore, #tpu.memory_space<semaphore_mem>>) src(%dma_wait3A_139 : memref<640x64xf32, #tpu.memory_space<hbm>>) dst(%dma_wait3A_137 : memref<640x64xf32, #tpu.memory_space<vmem_shared>>)
      tpu.yield
    }) : () -> ()
    %scan3A_46 = arith.constant 0 : i32
    %scan3A_47 = arith.constant 0 : i32
    %scan3A_48 = arith.constant 16 : i32
    %scan3A_49 = arith.addi %scan3A_47, %scan3A_48 : i32
    %scan3A_50 = arith.constant 1 : i32
    scf.for %scan3A_134 = %scan3A_47 to %scan3A_49 step %scan3A_50  : i32 {
      %mul3A_135 = arith.constant 640 : i32
      %mul3A_136 = arith.muli %arg1, %mul3A_135 : i32
      %mul3A_137 = arith.constant 40 : i32
      %mul3A_138 = arith.muli %scan3A_134, %mul3A_137 : i32
      %add3A_139 = arith.addi %mul3A_136, %mul3A_138 : i32
      "tpu.region"() ({
        %run_scoped3A = tpu.sem_alloc : memref<!tpu.dma_semaphore, #tpu.memory_space<semaphore_mem>>
        %dma_start3A = arith.constant 0 : i32
        %dma_start3A_140 = tpu.memref_slice %arg11[%add3A_139, %dma_start3A] : memref<10240x64xf32, #tpu.memory_space<vmem_shared>> -> memref<40x64xf32, #tpu.memory_space<vmem_shared>>
        %dma_start3A_141 = arith.constant 0 : i32
        %dma_start3A_142 = tpu.memref_slice %arg11[%add3A_139, %dma_start3A_141] : memref<10240x64xf32, #tpu.memory_space<vmem_shared>> -> memref<40x64xf32, #tpu.memory_space<vmem_shared>>
        tpu.enqueue_dma source(%arg9 : memref<40x64xf32, #tpu.memory_space<vmem>>) target(%dma_start3A_142 : memref<40x64xf32, #tpu.memory_space<vmem_shared>>) target_semaphore(%run_scoped3A : memref<!tpu.dma_semaphore, #tpu.memory_space<semaphore_mem>>)
        %dma_wait3A = arith.constant 0 : i32
        %dma_wait3A_143 = tpu.memref_slice %arg11[%add3A_139, %dma_wait3A] : memref<10240x64xf32, #tpu.memory_space<vmem_shared>> -> memref<40x64xf32, #tpu.memory_space<vmem_shared>>
        %dma_wait3A_144 = arith.constant 0 : i32
        %dma_wait3A_145 = tpu.memref_slice %arg11[%add3A_139, %dma_wait3A_144] : memref<10240x64xf32, #tpu.memory_space<vmem_shared>> -> memref<40x64xf32, #tpu.memory_space<vmem_shared>>
        tpu.wait_dma2 semaphore(%run_scoped3A : memref<!tpu.dma_semaphore, #tpu.memory_space<semaphore_mem>>) src(%arg9 : memref<40x64xf32, #tpu.memory_space<vmem>>) dst(%dma_wait3A_145 : memref<40x64xf32, #tpu.memory_space<vmem_shared>>)
        tpu.yield
      }) : () -> ()
    }
    %scan3A_51 = arith.constant 16 : i32
    %barrier3A_52 = arith.constant 0 : index
    tpu.barrier barrier_id(%barrier3A_52)
    %scan3A_53 = arith.constant 0 : i32
    %scan3A_54 = arith.constant 0 : i32
    %scan3A_55 = arith.constant 2 : i32
    %scan3A_56 = arith.addi %scan3A_54, %scan3A_55 : i32
    %scan3A_57 = arith.constant 1 : i32
    scf.for %scan3A_134 = %scan3A_54 to %scan3A_56 step %scan3A_57  : i32 {
      %mul3A_135 = arith.constant 80 : i32
      %mul3A_136 = arith.muli %arg1, %mul3A_135 : i32
      %mul3A_137 = arith.constant 40 : i32
      %mul3A_138 = arith.muli %scan3A_134, %mul3A_137 : i32
      %add3A_139 = arith.addi %mul3A_136, %mul3A_138 : i32
      "tpu.region"() ({
        %run_scoped3A = tpu.sem_alloc : memref<!tpu.dma_semaphore, #tpu.memory_space<semaphore_mem>>
        %dma_start3A_195 = arith.constant 0 : i32
        %dma_start3A_196 = tpu.memref_slice %arg3[%add3A_139, %dma_start3A_195] : memref<1280x128xi32, #tpu.memory_space<hbm>> -> memref<40x128xi32, #tpu.memory_space<hbm>>
        %dma_start3A_197 = arith.constant 0 : i32
        %dma_start3A_198 = tpu.memref_slice %arg3[%add3A_139, %dma_start3A_197] : memref<1280x128xi32, #tpu.memory_space<hbm>> -> memref<40x128xi32, #tpu.memory_space<hbm>>
        tpu.enqueue_dma source(%dma_start3A_198 : memref<40x128xi32, #tpu.memory_space<hbm>>) target(%arg6 : memref<40x128xi32, #tpu.memory_space<vmem>>) target_semaphore(%run_scoped3A : memref<!tpu.dma_semaphore, #tpu.memory_space<semaphore_mem>>)
        %dma_wait3A = arith.constant 0 : i32
        %dma_wait3A_199 = tpu.memref_slice %arg3[%add3A_139, %dma_wait3A] : memref<1280x128xi32, #tpu.memory_space<hbm>> -> memref<40x128xi32, #tpu.memory_space<hbm>>
        %dma_wait3A_200 = arith.constant 0 : i32
        %dma_wait3A_201 = tpu.memref_slice %arg3[%add3A_139, %dma_wait3A_200] : memref<1280x128xi32, #tpu.memory_space<hbm>> -> memref<40x128xi32, #tpu.memory_space<hbm>>
        tpu.wait_dma2 semaphore(%run_scoped3A : memref<!tpu.dma_semaphore, #tpu.memory_space<semaphore_mem>>) src(%dma_wait3A_201 : memref<40x128xi32, #tpu.memory_space<hbm>>) dst(%arg6 : memref<40x128xi32, #tpu.memory_space<vmem>>)
        tpu.yield
      }) : () -> ()
      %mul3A_140 = arith.constant 80 : i32
      %mul3A_141 = arith.muli %arg1, %mul3A_140 : i32
      %mul3A_142 = arith.constant 40 : i32
      %mul3A_143 = arith.muli %scan3A_134, %mul3A_142 : i32
      %add3A_144 = arith.addi %mul3A_141, %mul3A_143 : i32
      "tpu.region"() ({
        %run_scoped3A = tpu.sem_alloc : memref<!tpu.dma_semaphore, #tpu.memory_space<semaphore_mem>>
        %dma_start3A_195 = arith.constant 0 : i32
        %dma_start3A_196 = tpu.memref_slice %arg4[%add3A_144, %dma_start3A_195] : memref<1280x128xi32, #tpu.memory_space<hbm>> -> memref<40x128xi32, #tpu.memory_space<hbm>>
        %dma_start3A_197 = arith.constant 0 : i32
        %dma_start3A_198 = tpu.memref_slice %arg4[%add3A_144, %dma_start3A_197] : memref<1280x128xi32, #tpu.memory_space<hbm>> -> memref<40x128xi32, #tpu.memory_space<hbm>>
        tpu.enqueue_dma source(%dma_start3A_198 : memref<40x128xi32, #tpu.memory_space<hbm>>) target(%arg7 : memref<40x128xi32, #tpu.memory_space<vmem>>) target_semaphore(%run_scoped3A : memref<!tpu.dma_semaphore, #tpu.memory_space<semaphore_mem>>)
        %dma_wait3A = arith.constant 0 : i32
        %dma_wait3A_199 = tpu.memref_slice %arg4[%add3A_144, %dma_wait3A] : memref<1280x128xi32, #tpu.memory_space<hbm>> -> memref<40x128xi32, #tpu.memory_space<hbm>>
        %dma_wait3A_200 = arith.constant 0 : i32
        %dma_wait3A_201 = tpu.memref_slice %arg4[%add3A_144, %dma_wait3A_200] : memref<1280x128xi32, #tpu.memory_space<hbm>> -> memref<40x128xi32, #tpu.memory_space<hbm>>
        tpu.wait_dma2 semaphore(%run_scoped3A : memref<!tpu.dma_semaphore, #tpu.memory_space<semaphore_mem>>) src(%dma_wait3A_201 : memref<40x128xi32, #tpu.memory_space<hbm>>) dst(%arg7 : memref<40x128xi32, #tpu.memory_space<vmem>>)
        tpu.yield
      }) : () -> ()
      %dma_start3A = arith.constant 0 : i32
      %dma_start3A_145 = arith.constant 0 : i32
      %dma_start3A_146 = arith.constant 0 : i32
      %dma_start3A_147 = arith.constant 0 : i32
      %dma_start3A_148 = arith.constant 0 : i32
      %dma_start3A_149 = tpu.memref_slice %arg8[%dma_start3A_145, %dma_start3A_147, %dma_start3A_148] : memref<4x128x64xf32, #tpu.memory_space<vmem>> -> memref<1x128x64xf32, #tpu.memory_space<vmem>>
      %dma_start3A_150 = tpu.memref_squeeze %dma_start3A_149 : memref<1x128x64xf32, #tpu.memory_space<vmem>> -> memref<128x64xf32, #tpu.memory_space<vmem>>
      %dma_start3A_151 = arith.constant 0 : i32
      %dma_start3A_152 = tpu.memref_slice %arg6[%dma_start3A, %dma_start3A_151] : memref<40x128xi32, #tpu.memory_space<vmem>> -> memref<1x128xi32, #tpu.memory_space<vmem>>
      %dma_start3A_153 = tpu.memref_squeeze %dma_start3A_152 : memref<1x128xi32, #tpu.memory_space<vmem>> -> memref<128xi32, #tpu.memory_space<vmem>>
      %dma_start3A_154 = arith.constant 0 : i32
      %dma_start3A_155 = arith.constant 0 : i32
      %dma_start3A_156 = tpu.memref_slice %arg10[%dma_start3A_154, %dma_start3A_155] : memref<10240x64xf32, #tpu.memory_space<vmem_shared>> -> memref<10240x64xf32, #tpu.memory_space<vmem_shared>>
      %dma_start3A_157 = tpu.memref_slice %arg12[%dma_start3A_146] : memref<4x!tpu.dma_semaphore, #tpu.memory_space<semaphore_mem>> -> memref<1x!tpu.dma_semaphore, #tpu.memory_space<semaphore_mem>>
      %dma_start3A_158 = tpu.memref_squeeze %dma_start3A_157 : memref<1x!tpu.dma_semaphore, #tpu.memory_space<semaphore_mem>> -> memref<!tpu.dma_semaphore, #tpu.memory_space<semaphore_mem>>
      tpu.enqueue_indirect_dma source(%dma_start3A_156 : memref<10240x64xf32, #tpu.memory_space<vmem_shared>>) target(%dma_start3A_150 : memref<128x64xf32, #tpu.memory_space<vmem>>) offsets(%dma_start3A_153 : memref<128xi32, #tpu.memory_space<vmem>>) semaphore(%dma_start3A_158 : memref<!tpu.dma_semaphore, #tpu.memory_space<semaphore_mem>>)
      %dma_start3A_159 = arith.constant 1 : i32
      %dma_start3A_160 = arith.constant 1 : i32
      %dma_start3A_161 = arith.constant 1 : i32
      %dma_start3A_162 = arith.constant 0 : i32
      %dma_start3A_163 = arith.constant 0 : i32
      %dma_start3A_164 = tpu.memref_slice %arg8[%dma_start3A_160, %dma_start3A_162, %dma_start3A_163] : memref<4x128x64xf32, #tpu.memory_space<vmem>> -> memref<1x128x64xf32, #tpu.memory_space<vmem>>
      %dma_start3A_165 = tpu.memref_squeeze %dma_start3A_164 : memref<1x128x64xf32, #tpu.memory_space<vmem>> -> memref<128x64xf32, #tpu.memory_space<vmem>>
      %dma_start3A_166 = arith.constant 0 : i32
      %dma_start3A_167 = tpu.memref_slice %arg6[%dma_start3A_159, %dma_start3A_166] : memref<40x128xi32, #tpu.memory_space<vmem>> -> memref<1x128xi32, #tpu.memory_space<vmem>>
      %dma_start3A_168 = tpu.memref_squeeze %dma_start3A_167 : memref<1x128xi32, #tpu.memory_space<vmem>> -> memref<128xi32, #tpu.memory_space<vmem>>
      %dma_start3A_169 = arith.constant 0 : i32
      %dma_start3A_170 = arith.constant 0 : i32
      %dma_start3A_171 = tpu.memref_slice %arg10[%dma_start3A_169, %dma_start3A_170] : memref<10240x64xf32, #tpu.memory_space<vmem_shared>> -> memref<10240x64xf32, #tpu.memory_space<vmem_shared>>
      %dma_start3A_172 = tpu.memref_slice %arg12[%dma_start3A_161] : memref<4x!tpu.dma_semaphore, #tpu.memory_space<semaphore_mem>> -> memref<1x!tpu.dma_semaphore, #tpu.memory_space<semaphore_mem>>
      %dma_start3A_173 = tpu.memref_squeeze %dma_start3A_172 : memref<1x!tpu.dma_semaphore, #tpu.memory_space<semaphore_mem>> -> memref<!tpu.dma_semaphore, #tpu.memory_space<semaphore_mem>>
      tpu.enqueue_indirect_dma source(%dma_start3A_171 : memref<10240x64xf32, #tpu.memory_space<vmem_shared>>) target(%dma_start3A_165 : memref<128x64xf32, #tpu.memory_space<vmem>>) offsets(%dma_start3A_168 : memref<128xi32, #tpu.memory_space<vmem>>) semaphore(%dma_start3A_173 : memref<!tpu.dma_semaphore, #tpu.memory_space<semaphore_mem>>)
      %dma_start3A_174 = arith.constant 2 : i32
      %dma_start3A_175 = arith.constant 2 : i32
      %dma_start3A_176 = arith.constant 2 : i32
      %dma_start3A_177 = arith.constant 0 : i32
      %dma_start3A_178 = arith.constant 0 : i32
      %dma_start3A_179 = tpu.memref_slice %arg8[%dma_start3A_175, %dma_start3A_177, %dma_start3A_178] : memref<4x128x64xf32, #tpu.memory_space<vmem>> -> memref<1x128x64xf32, #tpu.memory_space<vmem>>
      %dma_start3A_180 = tpu.memref_squeeze %dma_start3A_179 : memref<1x128x64xf32, #tpu.memory_space<vmem>> -> memref<128x64xf32, #tpu.memory_space<vmem>>
      %dma_start3A_181 = arith.constant 0 : i32
      %dma_start3A_182 = tpu.memref_slice %arg6[%dma_start3A_174, %dma_start3A_181] : memref<40x128xi32, #tpu.memory_space<vmem>> -> memref<1x128xi32, #tpu.memory_space<vmem>>
      %dma_start3A_183 = tpu.memref_squeeze %dma_start3A_182 : memref<1x128xi32, #tpu.memory_space<vmem>> -> memref<128xi32, #tpu.memory_space<vmem>>
      %dma_start3A_184 = arith.constant 0 : i32
      %dma_start3A_185 = arith.constant 0 : i32
      %dma_start3A_186 = tpu.memref_slice %arg10[%dma_start3A_184, %dma_start3A_185] : memref<10240x64xf32, #tpu.memory_space<vmem_shared>> -> memref<10240x64xf32, #tpu.memory_space<vmem_shared>>
      %dma_start3A_187 = tpu.memref_slice %arg12[%dma_start3A_176] : memref<4x!tpu.dma_semaphore, #tpu.memory_space<semaphore_mem>> -> memref<1x!tpu.dma_semaphore, #tpu.memory_space<semaphore_mem>>
      %dma_start3A_188 = tpu.memref_squeeze %dma_start3A_187 : memref<1x!tpu.dma_semaphore, #tpu.memory_space<semaphore_mem>> -> memref<!tpu.dma_semaphore, #tpu.memory_space<semaphore_mem>>
      tpu.enqueue_indirect_dma source(%dma_start3A_186 : memref<10240x64xf32, #tpu.memory_space<vmem_shared>>) target(%dma_start3A_180 : memref<128x64xf32, #tpu.memory_space<vmem>>) offsets(%dma_start3A_183 : memref<128xi32, #tpu.memory_space<vmem>>) semaphore(%dma_start3A_188 : memref<!tpu.dma_semaphore, #tpu.memory_space<semaphore_mem>>)
      %scan3A_189 = arith.constant 0 : i32
      %scan3A_190 = arith.constant 0 : i32
      %scan3A_191 = arith.constant 40 : i32
      %scan3A_192 = arith.addi %scan3A_190, %scan3A_191 : i32
      %scan3A_193 = arith.constant 1 : i32
      scf.for %scan3A_195 = %scan3A_190 to %scan3A_192 step %scan3A_193  : i32 {
        %rem3A = arith.constant 4 : i32
        %rem3A_196 = arith.remsi %scan3A_195, %rem3A : i32
        %add3A_197 = arith.constant 3 : i32
        %add3A_198 = arith.addi %scan3A_195, %add3A_197 : i32
        %rem3A_199 = arith.constant 4 : i32
        %rem3A_200 = arith.remsi %add3A_198, %rem3A_199 : i32
        %lt3A = arith.constant 37 : i32
        %lt3A_201 = arith.cmpi slt, %scan3A_195, %lt3A : i32
        %convert_element_type3A = arith.extui %lt3A_201 : i1 to i32
        %cond3A = arith.constant 0 : i32
        %cond3A_202 = arith.cmpi ne, %convert_element_type3A, %cond3A : i32
        scf.if %cond3A_202 {
          %add3A_214 = arith.constant 3 : i32
          %add3A_215 = arith.addi %scan3A_195, %add3A_214 : i32
          %dma_start3A_216 = arith.constant 0 : i32
          %dma_start3A_217 = arith.constant 0 : i32
          %dma_start3A_218 = tpu.memref_slice %arg8[%rem3A_200, %dma_start3A_216, %dma_start3A_217] : memref<4x128x64xf32, #tpu.memory_space<vmem>> -> memref<1x128x64xf32, #tpu.memory_space<vmem>>
          %dma_start3A_219 = tpu.memref_squeeze %dma_start3A_218 : memref<1x128x64xf32, #tpu.memory_space<vmem>> -> memref<128x64xf32, #tpu.memory_space<vmem>>
          %dma_start3A_220 = arith.constant 0 : i32
          %dma_start3A_221 = tpu.memref_slice %arg6[%add3A_215, %dma_start3A_220] : memref<40x128xi32, #tpu.memory_space<vmem>> -> memref<1x128xi32, #tpu.memory_space<vmem>>
          %dma_start3A_222 = tpu.memref_squeeze %dma_start3A_221 : memref<1x128xi32, #tpu.memory_space<vmem>> -> memref<128xi32, #tpu.memory_space<vmem>>
          %dma_start3A_223 = arith.constant 0 : i32
          %dma_start3A_224 = arith.constant 0 : i32
          %dma_start3A_225 = tpu.memref_slice %arg10[%dma_start3A_223, %dma_start3A_224] : memref<10240x64xf32, #tpu.memory_space<vmem_shared>> -> memref<10240x64xf32, #tpu.memory_space<vmem_shared>>
          %dma_start3A_226 = tpu.memref_slice %arg12[%rem3A_200] : memref<4x!tpu.dma_semaphore, #tpu.memory_space<semaphore_mem>> -> memref<1x!tpu.dma_semaphore, #tpu.memory_space<semaphore_mem>>
          %dma_start3A_227 = tpu.memref_squeeze %dma_start3A_226 : memref<1x!tpu.dma_semaphore, #tpu.memory_space<semaphore_mem>> -> memref<!tpu.dma_semaphore, #tpu.memory_space<semaphore_mem>>
          tpu.enqueue_indirect_dma source(%dma_start3A_225 : memref<10240x64xf32, #tpu.memory_space<vmem_shared>>) target(%dma_start3A_219 : memref<128x64xf32, #tpu.memory_space<vmem>>) offsets(%dma_start3A_222 : memref<128xi32, #tpu.memory_space<vmem>>) semaphore(%dma_start3A_227 : memref<!tpu.dma_semaphore, #tpu.memory_space<semaphore_mem>>)
        } else {
        }
        %dma_wait3A = arith.constant 0 : i32
        %dma_wait3A_203 = arith.constant 0 : i32
        %dma_wait3A_204 = tpu.memref_slice %arg8[%rem3A_196, %dma_wait3A, %dma_wait3A_203] : memref<4x128x64xf32, #tpu.memory_space<vmem>> -> memref<1x128x64xf32, #tpu.memory_space<vmem>>
        %dma_wait3A_205 = tpu.memref_squeeze %dma_wait3A_204 : memref<1x128x64xf32, #tpu.memory_space<vmem>> -> memref<128x64xf32, #tpu.memory_space<vmem>>
        %dma_wait3A_206 = arith.constant 0 : i32
        %dma_wait3A_207 = tpu.memref_slice %arg6[%scan3A_195, %dma_wait3A_206] : memref<40x128xi32, #tpu.memory_space<vmem>> -> memref<1x128xi32, #tpu.memory_space<vmem>>
        %dma_wait3A_208 = tpu.memref_squeeze %dma_wait3A_207 : memref<1x128xi32, #tpu.memory_space<vmem>> -> memref<128xi32, #tpu.memory_space<vmem>>
        %dma_wait3A_209 = arith.constant 0 : i32
        %dma_wait3A_210 = arith.constant 0 : i32
        %dma_wait3A_211 = tpu.memref_slice %arg10[%dma_wait3A_209, %dma_wait3A_210] : memref<10240x64xf32, #tpu.memory_space<vmem_shared>> -> memref<10240x64xf32, #tpu.memory_space<vmem_shared>>
        %dma_wait3A_212 = tpu.memref_slice %arg12[%rem3A_196] : memref<4x!tpu.dma_semaphore, #tpu.memory_space<semaphore_mem>> -> memref<1x!tpu.dma_semaphore, #tpu.memory_space<semaphore_mem>>
        %dma_wait3A_213 = tpu.memref_squeeze %dma_wait3A_212 : memref<1x!tpu.dma_semaphore, #tpu.memory_space<semaphore_mem>> -> memref<!tpu.dma_semaphore, #tpu.memory_space<semaphore_mem>>
        tpu.wait_indirect_dma semaphore(%dma_wait3A_213 : memref<!tpu.dma_semaphore, #tpu.memory_space<semaphore_mem>>) src(%dma_wait3A_211 : memref<10240x64xf32, #tpu.memory_space<vmem_shared>>) dst(%dma_wait3A_205 : memref<128x64xf32, #tpu.memory_space<vmem>>)
        "tpu.region"() ({
          %run_scoped3A = tpu.sem_alloc : memref<!tpu.dma_semaphore, #tpu.memory_space<semaphore_mem>>
          %dma_start3A_214 = arith.constant 0 : i32
          %dma_start3A_215 = arith.constant 0 : i32
          %dma_start3A_216 = tpu.memref_slice %arg8[%rem3A_196, %dma_start3A_214, %dma_start3A_215] : memref<4x128x64xf32, #tpu.memory_space<vmem>> -> memref<1x128x64xf32, #tpu.memory_space<vmem>>
          %dma_start3A_217 = tpu.memref_squeeze %dma_start3A_216 : memref<1x128x64xf32, #tpu.memory_space<vmem>> -> memref<128x64xf32, #tpu.memory_space<vmem>>
          %dma_start3A_218 = arith.constant 0 : i32
          %dma_start3A_219 = tpu.memref_slice %arg7[%scan3A_195, %dma_start3A_218] : memref<40x128xi32, #tpu.memory_space<vmem>> -> memref<1x128xi32, #tpu.memory_space<vmem>>
          %dma_start3A_220 = tpu.memref_squeeze %dma_start3A_219 : memref<1x128xi32, #tpu.memory_space<vmem>> -> memref<128xi32, #tpu.memory_space<vmem>>
          %dma_start3A_221 = arith.constant 0 : i32
          %dma_start3A_222 = arith.constant 0 : i32
          %dma_start3A_223 = tpu.memref_slice %arg11[%dma_start3A_221, %dma_start3A_222] : memref<10240x64xf32, #tpu.memory_space<vmem_shared>> -> memref<10240x64xf32, #tpu.memory_space<vmem_shared>>
          tpu.enqueue_indirect_dma source(%dma_start3A_217 : memref<128x64xf32, #tpu.memory_space<vmem>>) target(%dma_start3A_223 : memref<10240x64xf32, #tpu.memory_space<vmem_shared>>) offsets(%dma_start3A_220 : memref<128xi32, #tpu.memory_space<vmem>>) semaphore(%run_scoped3A : memref<!tpu.dma_semaphore, #tpu.memory_space<semaphore_mem>>) {add = true}
          %dma_wait3A_224 = arith.constant 0 : i32
          %dma_wait3A_225 = arith.constant 0 : i32
          %dma_wait3A_226 = tpu.memref_slice %arg8[%rem3A_196, %dma_wait3A_224, %dma_wait3A_225] : memref<4x128x64xf32, #tpu.memory_space<vmem>> -> memref<1x128x64xf32, #tpu.memory_space<vmem>>
          %dma_wait3A_227 = tpu.memref_squeeze %dma_wait3A_226 : memref<1x128x64xf32, #tpu.memory_space<vmem>> -> memref<128x64xf32, #tpu.memory_space<vmem>>
          %dma_wait3A_228 = arith.constant 0 : i32
          %dma_wait3A_229 = tpu.memref_slice %arg7[%scan3A_195, %dma_wait3A_228] : memref<40x128xi32, #tpu.memory_space<vmem>> -> memref<1x128xi32, #tpu.memory_space<vmem>>
          %dma_wait3A_230 = tpu.memref_squeeze %dma_wait3A_229 : memref<1x128xi32, #tpu.memory_space<vmem>> -> memref<128xi32, #tpu.memory_space<vmem>>
          %dma_wait3A_231 = arith.constant 0 : i32
          %dma_wait3A_232 = arith.constant 0 : i32
          %dma_wait3A_233 = tpu.memref_slice %arg11[%dma_wait3A_231, %dma_wait3A_232] : memref<10240x64xf32, #tpu.memory_space<vmem_shared>> -> memref<10240x64xf32, #tpu.memory_space<vmem_shared>>
          tpu.wait_indirect_dma semaphore(%run_scoped3A : memref<!tpu.dma_semaphore, #tpu.memory_space<semaphore_mem>>) src(%dma_wait3A_227 : memref<128x64xf32, #tpu.memory_space<vmem>>) dst(%dma_wait3A_233 : memref<10240x64xf32, #tpu.memory_space<vmem_shared>>)
          tpu.yield
        }) : () -> ()
      }
      %scan3A_194 = arith.constant 40 : i32
    }
    %scan3A_58 = arith.constant 2 : i32
    %barrier3A_59 = arith.constant 0 : index
    tpu.barrier barrier_id(%barrier3A_59)
    %mul3A_60 = arith.constant 640 : i32
    %mul3A_61 = arith.muli %arg1, %mul3A_60 : i32
    %mul3A_62 = arith.constant 10240 : i32
    %mul3A_63 = arith.muli %add3A_38, %mul3A_62 : i32
    %mul3A_64 = arith.constant 640 : i32
    %mul3A_65 = arith.muli %arg1, %mul3A_64 : i32
    %add3A_66 = arith.addi %mul3A_63, %mul3A_65 : i32
    "tpu.region"() ({
      %run_scoped3A = tpu.sem_alloc : memref<!tpu.dma_semaphore, #tpu.memory_space<semaphore_mem>>
      %dma_start3A = arith.constant 0 : i32
      %dma_start3A_134 = tpu.memref_slice %arg5[%add3A_66, %dma_start3A] : memref<81920x64xf32, #tpu.memory_space<hbm>> -> memref<640x64xf32, #tpu.memory_space<hbm>>
      %dma_start3A_135 = arith.constant 0 : i32
      %dma_start3A_136 = tpu.memref_slice %arg11[%mul3A_61, %dma_start3A_135] : memref<10240x64xf32, #tpu.memory_space<vmem_shared>> -> memref<640x64xf32, #tpu.memory_space<vmem_shared>>
      tpu.enqueue_dma source(%dma_start3A_136 : memref<640x64xf32, #tpu.memory_space<vmem_shared>>) target(%dma_start3A_134 : memref<640x64xf32, #tpu.memory_space<hbm>>) target_semaphore(%run_scoped3A : memref<!tpu.dma_semaphore, #tpu.memory_space<semaphore_mem>>)
      %dma_wait3A = arith.constant 0 : i32
      %dma_wait3A_137 = tpu.memref_slice %arg5[%add3A_66, %dma_wait3A] : memref<81920x64xf32, #tpu.memory_space<hbm>> -> memref<640x64xf32, #tpu.memory_space<hbm>>
      %dma_wait3A_138 = arith.constant 0 : i32
      %dma_wait3A_139 = tpu.memref_slice %arg11[%mul3A_61, %dma_wait3A_138] : memref<10240x64xf32, #tpu.memory_space<vmem_shared>> -> memref<640x64xf32, #tpu.memory_space<vmem_shared>>
      tpu.wait_dma2 semaphore(%run_scoped3A : memref<!tpu.dma_semaphore, #tpu.memory_space<semaphore_mem>>) src(%dma_wait3A_139 : memref<640x64xf32, #tpu.memory_space<vmem_shared>>) dst(%dma_wait3A_137 : memref<640x64xf32, #tpu.memory_space<hbm>>)
      tpu.yield
    }) : () -> ()
    %barrier3A_67 = arith.constant 0 : index
    tpu.barrier barrier_id(%barrier3A_67)
    %mul3A_68 = arith.constant 4 : i32
    %mul3A_69 = arith.muli %arg0, %mul3A_68 : i32
    %add3A_70 = arith.constant 2 : i32
    %add3A_71 = arith.addi %mul3A_69, %add3A_70 : i32
    %mul3A_72 = arith.constant 10240 : i32
    %mul3A_73 = arith.muli %add3A_71, %mul3A_72 : i32
    %mul3A_74 = arith.constant 640 : i32
    %mul3A_75 = arith.muli %arg1, %mul3A_74 : i32
    %add3A_76 = arith.addi %mul3A_73, %mul3A_75 : i32
    %mul3A_77 = arith.constant 640 : i32
    %mul3A_78 = arith.muli %arg1, %mul3A_77 : i32
    "tpu.region"() ({
      %run_scoped3A = tpu.sem_alloc : memref<!tpu.dma_semaphore, #tpu.memory_space<semaphore_mem>>
      %dma_start3A = arith.constant 0 : i32
      %dma_start3A_134 = tpu.memref_slice %arg10[%mul3A_78, %dma_start3A] : memref<10240x64xf32, #tpu.memory_space<vmem_shared>> -> memref<640x64xf32, #tpu.memory_space<vmem_shared>>
      %dma_start3A_135 = arith.constant 0 : i32
      %dma_start3A_136 = tpu.memref_slice %arg2[%add3A_76, %dma_start3A_135] : memref<81920x64xf32, #tpu.memory_space<hbm>> -> memref<640x64xf32, #tpu.memory_space<hbm>>
      tpu.enqueue_dma source(%dma_start3A_136 : memref<640x64xf32, #tpu.memory_space<hbm>>) target(%dma_start3A_134 : memref<640x64xf32, #tpu.memory_space<vmem_shared>>) target_semaphore(%run_scoped3A : memref<!tpu.dma_semaphore, #tpu.memory_space<semaphore_mem>>)
      %dma_wait3A = arith.constant 0 : i32
      %dma_wait3A_137 = tpu.memref_slice %arg10[%mul3A_78, %dma_wait3A] : memref<10240x64xf32, #tpu.memory_space<vmem_shared>> -> memref<640x64xf32, #tpu.memory_space<vmem_shared>>
      %dma_wait3A_138 = arith.constant 0 : i32
      %dma_wait3A_139 = tpu.memref_slice %arg2[%add3A_76, %dma_wait3A_138] : memref<81920x64xf32, #tpu.memory_space<hbm>> -> memref<640x64xf32, #tpu.memory_space<hbm>>
      tpu.wait_dma2 semaphore(%run_scoped3A : memref<!tpu.dma_semaphore, #tpu.memory_space<semaphore_mem>>) src(%dma_wait3A_139 : memref<640x64xf32, #tpu.memory_space<hbm>>) dst(%dma_wait3A_137 : memref<640x64xf32, #tpu.memory_space<vmem_shared>>)
      tpu.yield
    }) : () -> ()
    %scan3A_79 = arith.constant 0 : i32
    %scan3A_80 = arith.constant 0 : i32
    %scan3A_81 = arith.constant 16 : i32
    %scan3A_82 = arith.addi %scan3A_80, %scan3A_81 : i32
    %scan3A_83 = arith.constant 1 : i32
    scf.for %scan3A_134 = %scan3A_80 to %scan3A_82 step %scan3A_83  : i32 {
      %mul3A_135 = arith.constant 640 : i32
      %mul3A_136 = arith.muli %arg1, %mul3A_135 : i32
      %mul3A_137 = arith.constant 40 : i32
      %mul3A_138 = arith.muli %scan3A_134, %mul3A_137 : i32
      %add3A_139 = arith.addi %mul3A_136, %mul3A_138 : i32
      "tpu.region"() ({
        %run_scoped3A = tpu.sem_alloc : memref<!tpu.dma_semaphore, #tpu.memory_space<semaphore_mem>>
        %dma_start3A = arith.constant 0 : i32
        %dma_start3A_140 = tpu.memref_slice %arg11[%add3A_139, %dma_start3A] : memref<10240x64xf32, #tpu.memory_space<vmem_shared>> -> memref<40x64xf32, #tpu.memory_space<vmem_shared>>
        %dma_start3A_141 = arith.constant 0 : i32
        %dma_start3A_142 = tpu.memref_slice %arg11[%add3A_139, %dma_start3A_141] : memref<10240x64xf32, #tpu.memory_space<vmem_shared>> -> memref<40x64xf32, #tpu.memory_space<vmem_shared>>
        tpu.enqueue_dma source(%arg9 : memref<40x64xf32, #tpu.memory_space<vmem>>) target(%dma_start3A_142 : memref<40x64xf32, #tpu.memory_space<vmem_shared>>) target_semaphore(%run_scoped3A : memref<!tpu.dma_semaphore, #tpu.memory_space<semaphore_mem>>)
        %dma_wait3A = arith.constant 0 : i32
        %dma_wait3A_143 = tpu.memref_slice %arg11[%add3A_139, %dma_wait3A] : memref<10240x64xf32, #tpu.memory_space<vmem_shared>> -> memref<40x64xf32, #tpu.memory_space<vmem_shared>>
        %dma_wait3A_144 = arith.constant 0 : i32
        %dma_wait3A_145 = tpu.memref_slice %arg11[%add3A_139, %dma_wait3A_144] : memref<10240x64xf32, #tpu.memory_space<vmem_shared>> -> memref<40x64xf32, #tpu.memory_space<vmem_shared>>
        tpu.wait_dma2 semaphore(%run_scoped3A : memref<!tpu.dma_semaphore, #tpu.memory_space<semaphore_mem>>) src(%arg9 : memref<40x64xf32, #tpu.memory_space<vmem>>) dst(%dma_wait3A_145 : memref<40x64xf32, #tpu.memory_space<vmem_shared>>)
        tpu.yield
      }) : () -> ()
    }
    %scan3A_84 = arith.constant 16 : i32
    %barrier3A_85 = arith.constant 0 : index
    tpu.barrier barrier_id(%barrier3A_85)
    %scan3A_86 = arith.constant 0 : i32
    %scan3A_87 = arith.constant 0 : i32
    %scan3A_88 = arith.constant 2 : i32
    %scan3A_89 = arith.addi %scan3A_87, %scan3A_88 : i32
    %scan3A_90 = arith.constant 1 : i32
    scf.for %scan3A_134 = %scan3A_87 to %scan3A_89 step %scan3A_90  : i32 {
      %mul3A_135 = arith.constant 80 : i32
      %mul3A_136 = arith.muli %arg1, %mul3A_135 : i32
      %mul3A_137 = arith.constant 40 : i32
      %mul3A_138 = arith.muli %scan3A_134, %mul3A_137 : i32
      %add3A_139 = arith.addi %mul3A_136, %mul3A_138 : i32
      "tpu.region"() ({
        %run_scoped3A = tpu.sem_alloc : memref<!tpu.dma_semaphore, #tpu.memory_space<semaphore_mem>>
        %dma_start3A_195 = arith.constant 0 : i32
        %dma_start3A_196 = tpu.memref_slice %arg3[%add3A_139, %dma_start3A_195] : memref<1280x128xi32, #tpu.memory_space<hbm>> -> memref<40x128xi32, #tpu.memory_space<hbm>>
        %dma_start3A_197 = arith.constant 0 : i32
        %dma_start3A_198 = tpu.memref_slice %arg3[%add3A_139, %dma_start3A_197] : memref<1280x128xi32, #tpu.memory_space<hbm>> -> memref<40x128xi32, #tpu.memory_space<hbm>>
        tpu.enqueue_dma source(%dma_start3A_198 : memref<40x128xi32, #tpu.memory_space<hbm>>) target(%arg6 : memref<40x128xi32, #tpu.memory_space<vmem>>) target_semaphore(%run_scoped3A : memref<!tpu.dma_semaphore, #tpu.memory_space<semaphore_mem>>)
        %dma_wait3A = arith.constant 0 : i32
        %dma_wait3A_199 = tpu.memref_slice %arg3[%add3A_139, %dma_wait3A] : memref<1280x128xi32, #tpu.memory_space<hbm>> -> memref<40x128xi32, #tpu.memory_space<hbm>>
        %dma_wait3A_200 = arith.constant 0 : i32
        %dma_wait3A_201 = tpu.memref_slice %arg3[%add3A_139, %dma_wait3A_200] : memref<1280x128xi32, #tpu.memory_space<hbm>> -> memref<40x128xi32, #tpu.memory_space<hbm>>
        tpu.wait_dma2 semaphore(%run_scoped3A : memref<!tpu.dma_semaphore, #tpu.memory_space<semaphore_mem>>) src(%dma_wait3A_201 : memref<40x128xi32, #tpu.memory_space<hbm>>) dst(%arg6 : memref<40x128xi32, #tpu.memory_space<vmem>>)
        tpu.yield
      }) : () -> ()
      %mul3A_140 = arith.constant 80 : i32
      %mul3A_141 = arith.muli %arg1, %mul3A_140 : i32
      %mul3A_142 = arith.constant 40 : i32
      %mul3A_143 = arith.muli %scan3A_134, %mul3A_142 : i32
      %add3A_144 = arith.addi %mul3A_141, %mul3A_143 : i32
      "tpu.region"() ({
        %run_scoped3A = tpu.sem_alloc : memref<!tpu.dma_semaphore, #tpu.memory_space<semaphore_mem>>
        %dma_start3A_195 = arith.constant 0 : i32
        %dma_start3A_196 = tpu.memref_slice %arg4[%add3A_144, %dma_start3A_195] : memref<1280x128xi32, #tpu.memory_space<hbm>> -> memref<40x128xi32, #tpu.memory_space<hbm>>
        %dma_start3A_197 = arith.constant 0 : i32
        %dma_start3A_198 = tpu.memref_slice %arg4[%add3A_144, %dma_start3A_197] : memref<1280x128xi32, #tpu.memory_space<hbm>> -> memref<40x128xi32, #tpu.memory_space<hbm>>
        tpu.enqueue_dma source(%dma_start3A_198 : memref<40x128xi32, #tpu.memory_space<hbm>>) target(%arg7 : memref<40x128xi32, #tpu.memory_space<vmem>>) target_semaphore(%run_scoped3A : memref<!tpu.dma_semaphore, #tpu.memory_space<semaphore_mem>>)
        %dma_wait3A = arith.constant 0 : i32
        %dma_wait3A_199 = tpu.memref_slice %arg4[%add3A_144, %dma_wait3A] : memref<1280x128xi32, #tpu.memory_space<hbm>> -> memref<40x128xi32, #tpu.memory_space<hbm>>
        %dma_wait3A_200 = arith.constant 0 : i32
        %dma_wait3A_201 = tpu.memref_slice %arg4[%add3A_144, %dma_wait3A_200] : memref<1280x128xi32, #tpu.memory_space<hbm>> -> memref<40x128xi32, #tpu.memory_space<hbm>>
        tpu.wait_dma2 semaphore(%run_scoped3A : memref<!tpu.dma_semaphore, #tpu.memory_space<semaphore_mem>>) src(%dma_wait3A_201 : memref<40x128xi32, #tpu.memory_space<hbm>>) dst(%arg7 : memref<40x128xi32, #tpu.memory_space<vmem>>)
        tpu.yield
      }) : () -> ()
      %dma_start3A = arith.constant 0 : i32
      %dma_start3A_145 = arith.constant 0 : i32
      %dma_start3A_146 = arith.constant 0 : i32
      %dma_start3A_147 = arith.constant 0 : i32
      %dma_start3A_148 = arith.constant 0 : i32
      %dma_start3A_149 = tpu.memref_slice %arg8[%dma_start3A_145, %dma_start3A_147, %dma_start3A_148] : memref<4x128x64xf32, #tpu.memory_space<vmem>> -> memref<1x128x64xf32, #tpu.memory_space<vmem>>
      %dma_start3A_150 = tpu.memref_squeeze %dma_start3A_149 : memref<1x128x64xf32, #tpu.memory_space<vmem>> -> memref<128x64xf32, #tpu.memory_space<vmem>>
      %dma_start3A_151 = arith.constant 0 : i32
      %dma_start3A_152 = tpu.memref_slice %arg6[%dma_start3A, %dma_start3A_151] : memref<40x128xi32, #tpu.memory_space<vmem>> -> memref<1x128xi32, #tpu.memory_space<vmem>>
      %dma_start3A_153 = tpu.memref_squeeze %dma_start3A_152 : memref<1x128xi32, #tpu.memory_space<vmem>> -> memref<128xi32, #tpu.memory_space<vmem>>
      %dma_start3A_154 = arith.constant 0 : i32
      %dma_start3A_155 = arith.constant 0 : i32
      %dma_start3A_156 = tpu.memref_slice %arg10[%dma_start3A_154, %dma_start3A_155] : memref<10240x64xf32, #tpu.memory_space<vmem_shared>> -> memref<10240x64xf32, #tpu.memory_space<vmem_shared>>
      %dma_start3A_157 = tpu.memref_slice %arg12[%dma_start3A_146] : memref<4x!tpu.dma_semaphore, #tpu.memory_space<semaphore_mem>> -> memref<1x!tpu.dma_semaphore, #tpu.memory_space<semaphore_mem>>
      %dma_start3A_158 = tpu.memref_squeeze %dma_start3A_157 : memref<1x!tpu.dma_semaphore, #tpu.memory_space<semaphore_mem>> -> memref<!tpu.dma_semaphore, #tpu.memory_space<semaphore_mem>>
      tpu.enqueue_indirect_dma source(%dma_start3A_156 : memref<10240x64xf32, #tpu.memory_space<vmem_shared>>) target(%dma_start3A_150 : memref<128x64xf32, #tpu.memory_space<vmem>>) offsets(%dma_start3A_153 : memref<128xi32, #tpu.memory_space<vmem>>) semaphore(%dma_start3A_158 : memref<!tpu.dma_semaphore, #tpu.memory_space<semaphore_mem>>)
      %dma_start3A_159 = arith.constant 1 : i32
      %dma_start3A_160 = arith.constant 1 : i32
      %dma_start3A_161 = arith.constant 1 : i32
      %dma_start3A_162 = arith.constant 0 : i32
      %dma_start3A_163 = arith.constant 0 : i32
      %dma_start3A_164 = tpu.memref_slice %arg8[%dma_start3A_160, %dma_start3A_162, %dma_start3A_163] : memref<4x128x64xf32, #tpu.memory_space<vmem>> -> memref<1x128x64xf32, #tpu.memory_space<vmem>>
      %dma_start3A_165 = tpu.memref_squeeze %dma_start3A_164 : memref<1x128x64xf32, #tpu.memory_space<vmem>> -> memref<128x64xf32, #tpu.memory_space<vmem>>
      %dma_start3A_166 = arith.constant 0 : i32
      %dma_start3A_167 = tpu.memref_slice %arg6[%dma_start3A_159, %dma_start3A_166] : memref<40x128xi32, #tpu.memory_space<vmem>> -> memref<1x128xi32, #tpu.memory_space<vmem>>
      %dma_start3A_168 = tpu.memref_squeeze %dma_start3A_167 : memref<1x128xi32, #tpu.memory_space<vmem>> -> memref<128xi32, #tpu.memory_space<vmem>>
      %dma_start3A_169 = arith.constant 0 : i32
      %dma_start3A_170 = arith.constant 0 : i32
      %dma_start3A_171 = tpu.memref_slice %arg10[%dma_start3A_169, %dma_start3A_170] : memref<10240x64xf32, #tpu.memory_space<vmem_shared>> -> memref<10240x64xf32, #tpu.memory_space<vmem_shared>>
      %dma_start3A_172 = tpu.memref_slice %arg12[%dma_start3A_161] : memref<4x!tpu.dma_semaphore, #tpu.memory_space<semaphore_mem>> -> memref<1x!tpu.dma_semaphore, #tpu.memory_space<semaphore_mem>>
      %dma_start3A_173 = tpu.memref_squeeze %dma_start3A_172 : memref<1x!tpu.dma_semaphore, #tpu.memory_space<semaphore_mem>> -> memref<!tpu.dma_semaphore, #tpu.memory_space<semaphore_mem>>
      tpu.enqueue_indirect_dma source(%dma_start3A_171 : memref<10240x64xf32, #tpu.memory_space<vmem_shared>>) target(%dma_start3A_165 : memref<128x64xf32, #tpu.memory_space<vmem>>) offsets(%dma_start3A_168 : memref<128xi32, #tpu.memory_space<vmem>>) semaphore(%dma_start3A_173 : memref<!tpu.dma_semaphore, #tpu.memory_space<semaphore_mem>>)
      %dma_start3A_174 = arith.constant 2 : i32
      %dma_start3A_175 = arith.constant 2 : i32
      %dma_start3A_176 = arith.constant 2 : i32
      %dma_start3A_177 = arith.constant 0 : i32
      %dma_start3A_178 = arith.constant 0 : i32
      %dma_start3A_179 = tpu.memref_slice %arg8[%dma_start3A_175, %dma_start3A_177, %dma_start3A_178] : memref<4x128x64xf32, #tpu.memory_space<vmem>> -> memref<1x128x64xf32, #tpu.memory_space<vmem>>
      %dma_start3A_180 = tpu.memref_squeeze %dma_start3A_179 : memref<1x128x64xf32, #tpu.memory_space<vmem>> -> memref<128x64xf32, #tpu.memory_space<vmem>>
      %dma_start3A_181 = arith.constant 0 : i32
      %dma_start3A_182 = tpu.memref_slice %arg6[%dma_start3A_174, %dma_start3A_181] : memref<40x128xi32, #tpu.memory_space<vmem>> -> memref<1x128xi32, #tpu.memory_space<vmem>>
      %dma_start3A_183 = tpu.memref_squeeze %dma_start3A_182 : memref<1x128xi32, #tpu.memory_space<vmem>> -> memref<128xi32, #tpu.memory_space<vmem>>
      %dma_start3A_184 = arith.constant 0 : i32
      %dma_start3A_185 = arith.constant 0 : i32
      %dma_start3A_186 = tpu.memref_slice %arg10[%dma_start3A_184, %dma_start3A_185] : memref<10240x64xf32, #tpu.memory_space<vmem_shared>> -> memref<10240x64xf32, #tpu.memory_space<vmem_shared>>
      %dma_start3A_187 = tpu.memref_slice %arg12[%dma_start3A_176] : memref<4x!tpu.dma_semaphore, #tpu.memory_space<semaphore_mem>> -> memref<1x!tpu.dma_semaphore, #tpu.memory_space<semaphore_mem>>
      %dma_start3A_188 = tpu.memref_squeeze %dma_start3A_187 : memref<1x!tpu.dma_semaphore, #tpu.memory_space<semaphore_mem>> -> memref<!tpu.dma_semaphore, #tpu.memory_space<semaphore_mem>>
      tpu.enqueue_indirect_dma source(%dma_start3A_186 : memref<10240x64xf32, #tpu.memory_space<vmem_shared>>) target(%dma_start3A_180 : memref<128x64xf32, #tpu.memory_space<vmem>>) offsets(%dma_start3A_183 : memref<128xi32, #tpu.memory_space<vmem>>) semaphore(%dma_start3A_188 : memref<!tpu.dma_semaphore, #tpu.memory_space<semaphore_mem>>)
      %scan3A_189 = arith.constant 0 : i32
      %scan3A_190 = arith.constant 0 : i32
      %scan3A_191 = arith.constant 40 : i32
      %scan3A_192 = arith.addi %scan3A_190, %scan3A_191 : i32
      %scan3A_193 = arith.constant 1 : i32
      scf.for %scan3A_195 = %scan3A_190 to %scan3A_192 step %scan3A_193  : i32 {
        %rem3A = arith.constant 4 : i32
        %rem3A_196 = arith.remsi %scan3A_195, %rem3A : i32
        %add3A_197 = arith.constant 3 : i32
        %add3A_198 = arith.addi %scan3A_195, %add3A_197 : i32
        %rem3A_199 = arith.constant 4 : i32
        %rem3A_200 = arith.remsi %add3A_198, %rem3A_199 : i32
        %lt3A = arith.constant 37 : i32
        %lt3A_201 = arith.cmpi slt, %scan3A_195, %lt3A : i32
        %convert_element_type3A = arith.extui %lt3A_201 : i1 to i32
        %cond3A = arith.constant 0 : i32
        %cond3A_202 = arith.cmpi ne, %convert_element_type3A, %cond3A : i32
        scf.if %cond3A_202 {
          %add3A_214 = arith.constant 3 : i32
          %add3A_215 = arith.addi %scan3A_195, %add3A_214 : i32
          %dma_start3A_216 = arith.constant 0 : i32
          %dma_start3A_217 = arith.constant 0 : i32
          %dma_start3A_218 = tpu.memref_slice %arg8[%rem3A_200, %dma_start3A_216, %dma_start3A_217] : memref<4x128x64xf32, #tpu.memory_space<vmem>> -> memref<1x128x64xf32, #tpu.memory_space<vmem>>
          %dma_start3A_219 = tpu.memref_squeeze %dma_start3A_218 : memref<1x128x64xf32, #tpu.memory_space<vmem>> -> memref<128x64xf32, #tpu.memory_space<vmem>>
          %dma_start3A_220 = arith.constant 0 : i32
          %dma_start3A_221 = tpu.memref_slice %arg6[%add3A_215, %dma_start3A_220] : memref<40x128xi32, #tpu.memory_space<vmem>> -> memref<1x128xi32, #tpu.memory_space<vmem>>
          %dma_start3A_222 = tpu.memref_squeeze %dma_start3A_221 : memref<1x128xi32, #tpu.memory_space<vmem>> -> memref<128xi32, #tpu.memory_space<vmem>>
          %dma_start3A_223 = arith.constant 0 : i32
          %dma_start3A_224 = arith.constant 0 : i32
          %dma_start3A_225 = tpu.memref_slice %arg10[%dma_start3A_223, %dma_start3A_224] : memref<10240x64xf32, #tpu.memory_space<vmem_shared>> -> memref<10240x64xf32, #tpu.memory_space<vmem_shared>>
          %dma_start3A_226 = tpu.memref_slice %arg12[%rem3A_200] : memref<4x!tpu.dma_semaphore, #tpu.memory_space<semaphore_mem>> -> memref<1x!tpu.dma_semaphore, #tpu.memory_space<semaphore_mem>>
          %dma_start3A_227 = tpu.memref_squeeze %dma_start3A_226 : memref<1x!tpu.dma_semaphore, #tpu.memory_space<semaphore_mem>> -> memref<!tpu.dma_semaphore, #tpu.memory_space<semaphore_mem>>
          tpu.enqueue_indirect_dma source(%dma_start3A_225 : memref<10240x64xf32, #tpu.memory_space<vmem_shared>>) target(%dma_start3A_219 : memref<128x64xf32, #tpu.memory_space<vmem>>) offsets(%dma_start3A_222 : memref<128xi32, #tpu.memory_space<vmem>>) semaphore(%dma_start3A_227 : memref<!tpu.dma_semaphore, #tpu.memory_space<semaphore_mem>>)
        } else {
        }
        %dma_wait3A = arith.constant 0 : i32
        %dma_wait3A_203 = arith.constant 0 : i32
        %dma_wait3A_204 = tpu.memref_slice %arg8[%rem3A_196, %dma_wait3A, %dma_wait3A_203] : memref<4x128x64xf32, #tpu.memory_space<vmem>> -> memref<1x128x64xf32, #tpu.memory_space<vmem>>
        %dma_wait3A_205 = tpu.memref_squeeze %dma_wait3A_204 : memref<1x128x64xf32, #tpu.memory_space<vmem>> -> memref<128x64xf32, #tpu.memory_space<vmem>>
        %dma_wait3A_206 = arith.constant 0 : i32
        %dma_wait3A_207 = tpu.memref_slice %arg6[%scan3A_195, %dma_wait3A_206] : memref<40x128xi32, #tpu.memory_space<vmem>> -> memref<1x128xi32, #tpu.memory_space<vmem>>
        %dma_wait3A_208 = tpu.memref_squeeze %dma_wait3A_207 : memref<1x128xi32, #tpu.memory_space<vmem>> -> memref<128xi32, #tpu.memory_space<vmem>>
        %dma_wait3A_209 = arith.constant 0 : i32
        %dma_wait3A_210 = arith.constant 0 : i32
        %dma_wait3A_211 = tpu.memref_slice %arg10[%dma_wait3A_209, %dma_wait3A_210] : memref<10240x64xf32, #tpu.memory_space<vmem_shared>> -> memref<10240x64xf32, #tpu.memory_space<vmem_shared>>
        %dma_wait3A_212 = tpu.memref_slice %arg12[%rem3A_196] : memref<4x!tpu.dma_semaphore, #tpu.memory_space<semaphore_mem>> -> memref<1x!tpu.dma_semaphore, #tpu.memory_space<semaphore_mem>>
        %dma_wait3A_213 = tpu.memref_squeeze %dma_wait3A_212 : memref<1x!tpu.dma_semaphore, #tpu.memory_space<semaphore_mem>> -> memref<!tpu.dma_semaphore, #tpu.memory_space<semaphore_mem>>
        tpu.wait_indirect_dma semaphore(%dma_wait3A_213 : memref<!tpu.dma_semaphore, #tpu.memory_space<semaphore_mem>>) src(%dma_wait3A_211 : memref<10240x64xf32, #tpu.memory_space<vmem_shared>>) dst(%dma_wait3A_205 : memref<128x64xf32, #tpu.memory_space<vmem>>)
        "tpu.region"() ({
          %run_scoped3A = tpu.sem_alloc : memref<!tpu.dma_semaphore, #tpu.memory_space<semaphore_mem>>
          %dma_start3A_214 = arith.constant 0 : i32
          %dma_start3A_215 = arith.constant 0 : i32
          %dma_start3A_216 = tpu.memref_slice %arg8[%rem3A_196, %dma_start3A_214, %dma_start3A_215] : memref<4x128x64xf32, #tpu.memory_space<vmem>> -> memref<1x128x64xf32, #tpu.memory_space<vmem>>
          %dma_start3A_217 = tpu.memref_squeeze %dma_start3A_216 : memref<1x128x64xf32, #tpu.memory_space<vmem>> -> memref<128x64xf32, #tpu.memory_space<vmem>>
          %dma_start3A_218 = arith.constant 0 : i32
          %dma_start3A_219 = tpu.memref_slice %arg7[%scan3A_195, %dma_start3A_218] : memref<40x128xi32, #tpu.memory_space<vmem>> -> memref<1x128xi32, #tpu.memory_space<vmem>>
          %dma_start3A_220 = tpu.memref_squeeze %dma_start3A_219 : memref<1x128xi32, #tpu.memory_space<vmem>> -> memref<128xi32, #tpu.memory_space<vmem>>
          %dma_start3A_221 = arith.constant 0 : i32
          %dma_start3A_222 = arith.constant 0 : i32
          %dma_start3A_223 = tpu.memref_slice %arg11[%dma_start3A_221, %dma_start3A_222] : memref<10240x64xf32, #tpu.memory_space<vmem_shared>> -> memref<10240x64xf32, #tpu.memory_space<vmem_shared>>
          tpu.enqueue_indirect_dma source(%dma_start3A_217 : memref<128x64xf32, #tpu.memory_space<vmem>>) target(%dma_start3A_223 : memref<10240x64xf32, #tpu.memory_space<vmem_shared>>) offsets(%dma_start3A_220 : memref<128xi32, #tpu.memory_space<vmem>>) semaphore(%run_scoped3A : memref<!tpu.dma_semaphore, #tpu.memory_space<semaphore_mem>>) {add = true}
          %dma_wait3A_224 = arith.constant 0 : i32
          %dma_wait3A_225 = arith.constant 0 : i32
          %dma_wait3A_226 = tpu.memref_slice %arg8[%rem3A_196, %dma_wait3A_224, %dma_wait3A_225] : memref<4x128x64xf32, #tpu.memory_space<vmem>> -> memref<1x128x64xf32, #tpu.memory_space<vmem>>
          %dma_wait3A_227 = tpu.memref_squeeze %dma_wait3A_226 : memref<1x128x64xf32, #tpu.memory_space<vmem>> -> memref<128x64xf32, #tpu.memory_space<vmem>>
          %dma_wait3A_228 = arith.constant 0 : i32
          %dma_wait3A_229 = tpu.memref_slice %arg7[%scan3A_195, %dma_wait3A_228] : memref<40x128xi32, #tpu.memory_space<vmem>> -> memref<1x128xi32, #tpu.memory_space<vmem>>
          %dma_wait3A_230 = tpu.memref_squeeze %dma_wait3A_229 : memref<1x128xi32, #tpu.memory_space<vmem>> -> memref<128xi32, #tpu.memory_space<vmem>>
          %dma_wait3A_231 = arith.constant 0 : i32
          %dma_wait3A_232 = arith.constant 0 : i32
          %dma_wait3A_233 = tpu.memref_slice %arg11[%dma_wait3A_231, %dma_wait3A_232] : memref<10240x64xf32, #tpu.memory_space<vmem_shared>> -> memref<10240x64xf32, #tpu.memory_space<vmem_shared>>
          tpu.wait_indirect_dma semaphore(%run_scoped3A : memref<!tpu.dma_semaphore, #tpu.memory_space<semaphore_mem>>) src(%dma_wait3A_227 : memref<128x64xf32, #tpu.memory_space<vmem>>) dst(%dma_wait3A_233 : memref<10240x64xf32, #tpu.memory_space<vmem_shared>>)
          tpu.yield
        }) : () -> ()
      }
      %scan3A_194 = arith.constant 40 : i32
    }
    %scan3A_91 = arith.constant 2 : i32
    %barrier3A_92 = arith.constant 0 : index
    tpu.barrier barrier_id(%barrier3A_92)
    %mul3A_93 = arith.constant 640 : i32
    %mul3A_94 = arith.muli %arg1, %mul3A_93 : i32
    %mul3A_95 = arith.constant 10240 : i32
    %mul3A_96 = arith.muli %add3A_71, %mul3A_95 : i32
    %mul3A_97 = arith.constant 640 : i32
    %mul3A_98 = arith.muli %arg1, %mul3A_97 : i32
    %add3A_99 = arith.addi %mul3A_96, %mul3A_98 : i32
    "tpu.region"() ({
      %run_scoped3A = tpu.sem_alloc : memref<!tpu.dma_semaphore, #tpu.memory_space<semaphore_mem>>
      %dma_start3A = arith.constant 0 : i32
      %dma_start3A_134 = tpu.memref_slice %arg5[%add3A_99, %dma_start3A] : memref<81920x64xf32, #tpu.memory_space<hbm>> -> memref<640x64xf32, #tpu.memory_space<hbm>>
      %dma_start3A_135 = arith.constant 0 : i32
      %dma_start3A_136 = tpu.memref_slice %arg11[%mul3A_94, %dma_start3A_135] : memref<10240x64xf32, #tpu.memory_space<vmem_shared>> -> memref<640x64xf32, #tpu.memory_space<vmem_shared>>
      tpu.enqueue_dma source(%dma_start3A_136 : memref<640x64xf32, #tpu.memory_space<vmem_shared>>) target(%dma_start3A_134 : memref<640x64xf32, #tpu.memory_space<hbm>>) target_semaphore(%run_scoped3A : memref<!tpu.dma_semaphore, #tpu.memory_space<semaphore_mem>>)
      %dma_wait3A = arith.constant 0 : i32
      %dma_wait3A_137 = tpu.memref_slice %arg5[%add3A_99, %dma_wait3A] : memref<81920x64xf32, #tpu.memory_space<hbm>> -> memref<640x64xf32, #tpu.memory_space<hbm>>
      %dma_wait3A_138 = arith.constant 0 : i32
      %dma_wait3A_139 = tpu.memref_slice %arg11[%mul3A_94, %dma_wait3A_138] : memref<10240x64xf32, #tpu.memory_space<vmem_shared>> -> memref<640x64xf32, #tpu.memory_space<vmem_shared>>
      tpu.wait_dma2 semaphore(%run_scoped3A : memref<!tpu.dma_semaphore, #tpu.memory_space<semaphore_mem>>) src(%dma_wait3A_139 : memref<640x64xf32, #tpu.memory_space<vmem_shared>>) dst(%dma_wait3A_137 : memref<640x64xf32, #tpu.memory_space<hbm>>)
      tpu.yield
    }) : () -> ()
    %barrier3A_100 = arith.constant 0 : index
    tpu.barrier barrier_id(%barrier3A_100)
    %mul3A_101 = arith.constant 4 : i32
    %mul3A_102 = arith.muli %arg0, %mul3A_101 : i32
    %add3A_103 = arith.constant 3 : i32
    %add3A_104 = arith.addi %mul3A_102, %add3A_103 : i32
    %mul3A_105 = arith.constant 10240 : i32
    %mul3A_106 = arith.muli %add3A_104, %mul3A_105 : i32
    %mul3A_107 = arith.constant 640 : i32
    %mul3A_108 = arith.muli %arg1, %mul3A_107 : i32
    %add3A_109 = arith.addi %mul3A_106, %mul3A_108 : i32
    %mul3A_110 = arith.constant 640 : i32
    %mul3A_111 = arith.muli %arg1, %mul3A_110 : i32
    "tpu.region"() ({
      %run_scoped3A = tpu.sem_alloc : memref<!tpu.dma_semaphore, #tpu.memory_space<semaphore_mem>>
      %dma_start3A = arith.constant 0 : i32
      %dma_start3A_134 = tpu.memref_slice %arg10[%mul3A_111, %dma_start3A] : memref<10240x64xf32, #tpu.memory_space<vmem_shared>> -> memref<640x64xf32, #tpu.memory_space<vmem_shared>>
      %dma_start3A_135 = arith.constant 0 : i32
      %dma_start3A_136 = tpu.memref_slice %arg2[%add3A_109, %dma_start3A_135] : memref<81920x64xf32, #tpu.memory_space<hbm>> -> memref<640x64xf32, #tpu.memory_space<hbm>>
      tpu.enqueue_dma source(%dma_start3A_136 : memref<640x64xf32, #tpu.memory_space<hbm>>) target(%dma_start3A_134 : memref<640x64xf32, #tpu.memory_space<vmem_shared>>) target_semaphore(%run_scoped3A : memref<!tpu.dma_semaphore, #tpu.memory_space<semaphore_mem>>)
      %dma_wait3A = arith.constant 0 : i32
      %dma_wait3A_137 = tpu.memref_slice %arg10[%mul3A_111, %dma_wait3A] : memref<10240x64xf32, #tpu.memory_space<vmem_shared>> -> memref<640x64xf32, #tpu.memory_space<vmem_shared>>
      %dma_wait3A_138 = arith.constant 0 : i32
      %dma_wait3A_139 = tpu.memref_slice %arg2[%add3A_109, %dma_wait3A_138] : memref<81920x64xf32, #tpu.memory_space<hbm>> -> memref<640x64xf32, #tpu.memory_space<hbm>>
      tpu.wait_dma2 semaphore(%run_scoped3A : memref<!tpu.dma_semaphore, #tpu.memory_space<semaphore_mem>>) src(%dma_wait3A_139 : memref<640x64xf32, #tpu.memory_space<hbm>>) dst(%dma_wait3A_137 : memref<640x64xf32, #tpu.memory_space<vmem_shared>>)
      tpu.yield
    }) : () -> ()
    %scan3A_112 = arith.constant 0 : i32
    %scan3A_113 = arith.constant 0 : i32
    %scan3A_114 = arith.constant 16 : i32
    %scan3A_115 = arith.addi %scan3A_113, %scan3A_114 : i32
    %scan3A_116 = arith.constant 1 : i32
    scf.for %scan3A_134 = %scan3A_113 to %scan3A_115 step %scan3A_116  : i32 {
      %mul3A_135 = arith.constant 640 : i32
      %mul3A_136 = arith.muli %arg1, %mul3A_135 : i32
      %mul3A_137 = arith.constant 40 : i32
      %mul3A_138 = arith.muli %scan3A_134, %mul3A_137 : i32
      %add3A_139 = arith.addi %mul3A_136, %mul3A_138 : i32
      "tpu.region"() ({
        %run_scoped3A = tpu.sem_alloc : memref<!tpu.dma_semaphore, #tpu.memory_space<semaphore_mem>>
        %dma_start3A = arith.constant 0 : i32
        %dma_start3A_140 = tpu.memref_slice %arg11[%add3A_139, %dma_start3A] : memref<10240x64xf32, #tpu.memory_space<vmem_shared>> -> memref<40x64xf32, #tpu.memory_space<vmem_shared>>
        %dma_start3A_141 = arith.constant 0 : i32
        %dma_start3A_142 = tpu.memref_slice %arg11[%add3A_139, %dma_start3A_141] : memref<10240x64xf32, #tpu.memory_space<vmem_shared>> -> memref<40x64xf32, #tpu.memory_space<vmem_shared>>
        tpu.enqueue_dma source(%arg9 : memref<40x64xf32, #tpu.memory_space<vmem>>) target(%dma_start3A_142 : memref<40x64xf32, #tpu.memory_space<vmem_shared>>) target_semaphore(%run_scoped3A : memref<!tpu.dma_semaphore, #tpu.memory_space<semaphore_mem>>)
        %dma_wait3A = arith.constant 0 : i32
        %dma_wait3A_143 = tpu.memref_slice %arg11[%add3A_139, %dma_wait3A] : memref<10240x64xf32, #tpu.memory_space<vmem_shared>> -> memref<40x64xf32, #tpu.memory_space<vmem_shared>>
        %dma_wait3A_144 = arith.constant 0 : i32
        %dma_wait3A_145 = tpu.memref_slice %arg11[%add3A_139, %dma_wait3A_144] : memref<10240x64xf32, #tpu.memory_space<vmem_shared>> -> memref<40x64xf32, #tpu.memory_space<vmem_shared>>
        tpu.wait_dma2 semaphore(%run_scoped3A : memref<!tpu.dma_semaphore, #tpu.memory_space<semaphore_mem>>) src(%arg9 : memref<40x64xf32, #tpu.memory_space<vmem>>) dst(%dma_wait3A_145 : memref<40x64xf32, #tpu.memory_space<vmem_shared>>)
        tpu.yield
      }) : () -> ()
    }
    %scan3A_117 = arith.constant 16 : i32
    %barrier3A_118 = arith.constant 0 : index
    tpu.barrier barrier_id(%barrier3A_118)
    %scan3A_119 = arith.constant 0 : i32
    %scan3A_120 = arith.constant 0 : i32
    %scan3A_121 = arith.constant 2 : i32
    %scan3A_122 = arith.addi %scan3A_120, %scan3A_121 : i32
    %scan3A_123 = arith.constant 1 : i32
    scf.for %scan3A_134 = %scan3A_120 to %scan3A_122 step %scan3A_123  : i32 {
      %mul3A_135 = arith.constant 80 : i32
      %mul3A_136 = arith.muli %arg1, %mul3A_135 : i32
      %mul3A_137 = arith.constant 40 : i32
      %mul3A_138 = arith.muli %scan3A_134, %mul3A_137 : i32
      %add3A_139 = arith.addi %mul3A_136, %mul3A_138 : i32
      "tpu.region"() ({
        %run_scoped3A = tpu.sem_alloc : memref<!tpu.dma_semaphore, #tpu.memory_space<semaphore_mem>>
        %dma_start3A_195 = arith.constant 0 : i32
        %dma_start3A_196 = tpu.memref_slice %arg3[%add3A_139, %dma_start3A_195] : memref<1280x128xi32, #tpu.memory_space<hbm>> -> memref<40x128xi32, #tpu.memory_space<hbm>>
        %dma_start3A_197 = arith.constant 0 : i32
        %dma_start3A_198 = tpu.memref_slice %arg3[%add3A_139, %dma_start3A_197] : memref<1280x128xi32, #tpu.memory_space<hbm>> -> memref<40x128xi32, #tpu.memory_space<hbm>>
        tpu.enqueue_dma source(%dma_start3A_198 : memref<40x128xi32, #tpu.memory_space<hbm>>) target(%arg6 : memref<40x128xi32, #tpu.memory_space<vmem>>) target_semaphore(%run_scoped3A : memref<!tpu.dma_semaphore, #tpu.memory_space<semaphore_mem>>)
        %dma_wait3A = arith.constant 0 : i32
        %dma_wait3A_199 = tpu.memref_slice %arg3[%add3A_139, %dma_wait3A] : memref<1280x128xi32, #tpu.memory_space<hbm>> -> memref<40x128xi32, #tpu.memory_space<hbm>>
        %dma_wait3A_200 = arith.constant 0 : i32
        %dma_wait3A_201 = tpu.memref_slice %arg3[%add3A_139, %dma_wait3A_200] : memref<1280x128xi32, #tpu.memory_space<hbm>> -> memref<40x128xi32, #tpu.memory_space<hbm>>
        tpu.wait_dma2 semaphore(%run_scoped3A : memref<!tpu.dma_semaphore, #tpu.memory_space<semaphore_mem>>) src(%dma_wait3A_201 : memref<40x128xi32, #tpu.memory_space<hbm>>) dst(%arg6 : memref<40x128xi32, #tpu.memory_space<vmem>>)
        tpu.yield
      }) : () -> ()
      %mul3A_140 = arith.constant 80 : i32
      %mul3A_141 = arith.muli %arg1, %mul3A_140 : i32
      %mul3A_142 = arith.constant 40 : i32
      %mul3A_143 = arith.muli %scan3A_134, %mul3A_142 : i32
      %add3A_144 = arith.addi %mul3A_141, %mul3A_143 : i32
      "tpu.region"() ({
        %run_scoped3A = tpu.sem_alloc : memref<!tpu.dma_semaphore, #tpu.memory_space<semaphore_mem>>
        %dma_start3A_195 = arith.constant 0 : i32
        %dma_start3A_196 = tpu.memref_slice %arg4[%add3A_144, %dma_start3A_195] : memref<1280x128xi32, #tpu.memory_space<hbm>> -> memref<40x128xi32, #tpu.memory_space<hbm>>
        %dma_start3A_197 = arith.constant 0 : i32
        %dma_start3A_198 = tpu.memref_slice %arg4[%add3A_144, %dma_start3A_197] : memref<1280x128xi32, #tpu.memory_space<hbm>> -> memref<40x128xi32, #tpu.memory_space<hbm>>
        tpu.enqueue_dma source(%dma_start3A_198 : memref<40x128xi32, #tpu.memory_space<hbm>>) target(%arg7 : memref<40x128xi32, #tpu.memory_space<vmem>>) target_semaphore(%run_scoped3A : memref<!tpu.dma_semaphore, #tpu.memory_space<semaphore_mem>>)
        %dma_wait3A = arith.constant 0 : i32
        %dma_wait3A_199 = tpu.memref_slice %arg4[%add3A_144, %dma_wait3A] : memref<1280x128xi32, #tpu.memory_space<hbm>> -> memref<40x128xi32, #tpu.memory_space<hbm>>
        %dma_wait3A_200 = arith.constant 0 : i32
        %dma_wait3A_201 = tpu.memref_slice %arg4[%add3A_144, %dma_wait3A_200] : memref<1280x128xi32, #tpu.memory_space<hbm>> -> memref<40x128xi32, #tpu.memory_space<hbm>>
        tpu.wait_dma2 semaphore(%run_scoped3A : memref<!tpu.dma_semaphore, #tpu.memory_space<semaphore_mem>>) src(%dma_wait3A_201 : memref<40x128xi32, #tpu.memory_space<hbm>>) dst(%arg7 : memref<40x128xi32, #tpu.memory_space<vmem>>)
        tpu.yield
      }) : () -> ()
      %dma_start3A = arith.constant 0 : i32
      %dma_start3A_145 = arith.constant 0 : i32
      %dma_start3A_146 = arith.constant 0 : i32
      %dma_start3A_147 = arith.constant 0 : i32
      %dma_start3A_148 = arith.constant 0 : i32
      %dma_start3A_149 = tpu.memref_slice %arg8[%dma_start3A_145, %dma_start3A_147, %dma_start3A_148] : memref<4x128x64xf32, #tpu.memory_space<vmem>> -> memref<1x128x64xf32, #tpu.memory_space<vmem>>
      %dma_start3A_150 = tpu.memref_squeeze %dma_start3A_149 : memref<1x128x64xf32, #tpu.memory_space<vmem>> -> memref<128x64xf32, #tpu.memory_space<vmem>>
      %dma_start3A_151 = arith.constant 0 : i32
      %dma_start3A_152 = tpu.memref_slice %arg6[%dma_start3A, %dma_start3A_151] : memref<40x128xi32, #tpu.memory_space<vmem>> -> memref<1x128xi32, #tpu.memory_space<vmem>>
      %dma_start3A_153 = tpu.memref_squeeze %dma_start3A_152 : memref<1x128xi32, #tpu.memory_space<vmem>> -> memref<128xi32, #tpu.memory_space<vmem>>
      %dma_start3A_154 = arith.constant 0 : i32
      %dma_start3A_155 = arith.constant 0 : i32
      %dma_start3A_156 = tpu.memref_slice %arg10[%dma_start3A_154, %dma_start3A_155] : memref<10240x64xf32, #tpu.memory_space<vmem_shared>> -> memref<10240x64xf32, #tpu.memory_space<vmem_shared>>
      %dma_start3A_157 = tpu.memref_slice %arg12[%dma_start3A_146] : memref<4x!tpu.dma_semaphore, #tpu.memory_space<semaphore_mem>> -> memref<1x!tpu.dma_semaphore, #tpu.memory_space<semaphore_mem>>
      %dma_start3A_158 = tpu.memref_squeeze %dma_start3A_157 : memref<1x!tpu.dma_semaphore, #tpu.memory_space<semaphore_mem>> -> memref<!tpu.dma_semaphore, #tpu.memory_space<semaphore_mem>>
      tpu.enqueue_indirect_dma source(%dma_start3A_156 : memref<10240x64xf32, #tpu.memory_space<vmem_shared>>) target(%dma_start3A_150 : memref<128x64xf32, #tpu.memory_space<vmem>>) offsets(%dma_start3A_153 : memref<128xi32, #tpu.memory_space<vmem>>) semaphore(%dma_start3A_158 : memref<!tpu.dma_semaphore, #tpu.memory_space<semaphore_mem>>)
      %dma_start3A_159 = arith.constant 1 : i32
      %dma_start3A_160 = arith.constant 1 : i32
      %dma_start3A_161 = arith.constant 1 : i32
      %dma_start3A_162 = arith.constant 0 : i32
      %dma_start3A_163 = arith.constant 0 : i32
      %dma_start3A_164 = tpu.memref_slice %arg8[%dma_start3A_160, %dma_start3A_162, %dma_start3A_163] : memref<4x128x64xf32, #tpu.memory_space<vmem>> -> memref<1x128x64xf32, #tpu.memory_space<vmem>>
      %dma_start3A_165 = tpu.memref_squeeze %dma_start3A_164 : memref<1x128x64xf32, #tpu.memory_space<vmem>> -> memref<128x64xf32, #tpu.memory_space<vmem>>
      %dma_start3A_166 = arith.constant 0 : i32
      %dma_start3A_167 = tpu.memref_slice %arg6[%dma_start3A_159, %dma_start3A_166] : memref<40x128xi32, #tpu.memory_space<vmem>> -> memref<1x128xi32, #tpu.memory_space<vmem>>
      %dma_start3A_168 = tpu.memref_squeeze %dma_start3A_167 : memref<1x128xi32, #tpu.memory_space<vmem>> -> memref<128xi32, #tpu.memory_space<vmem>>
      %dma_start3A_169 = arith.constant 0 : i32
      %dma_start3A_170 = arith.constant 0 : i32
      %dma_start3A_171 = tpu.memref_slice %arg10[%dma_start3A_169, %dma_start3A_170] : memref<10240x64xf32, #tpu.memory_space<vmem_shared>> -> memref<10240x64xf32, #tpu.memory_space<vmem_shared>>
      %dma_start3A_172 = tpu.memref_slice %arg12[%dma_start3A_161] : memref<4x!tpu.dma_semaphore, #tpu.memory_space<semaphore_mem>> -> memref<1x!tpu.dma_semaphore, #tpu.memory_space<semaphore_mem>>
      %dma_start3A_173 = tpu.memref_squeeze %dma_start3A_172 : memref<1x!tpu.dma_semaphore, #tpu.memory_space<semaphore_mem>> -> memref<!tpu.dma_semaphore, #tpu.memory_space<semaphore_mem>>
      tpu.enqueue_indirect_dma source(%dma_start3A_171 : memref<10240x64xf32, #tpu.memory_space<vmem_shared>>) target(%dma_start3A_165 : memref<128x64xf32, #tpu.memory_space<vmem>>) offsets(%dma_start3A_168 : memref<128xi32, #tpu.memory_space<vmem>>) semaphore(%dma_start3A_173 : memref<!tpu.dma_semaphore, #tpu.memory_space<semaphore_mem>>)
      %dma_start3A_174 = arith.constant 2 : i32
      %dma_start3A_175 = arith.constant 2 : i32
      %dma_start3A_176 = arith.constant 2 : i32
      %dma_start3A_177 = arith.constant 0 : i32
      %dma_start3A_178 = arith.constant 0 : i32
      %dma_start3A_179 = tpu.memref_slice %arg8[%dma_start3A_175, %dma_start3A_177, %dma_start3A_178] : memref<4x128x64xf32, #tpu.memory_space<vmem>> -> memref<1x128x64xf32, #tpu.memory_space<vmem>>
      %dma_start3A_180 = tpu.memref_squeeze %dma_start3A_179 : memref<1x128x64xf32, #tpu.memory_space<vmem>> -> memref<128x64xf32, #tpu.memory_space<vmem>>
      %dma_start3A_181 = arith.constant 0 : i32
      %dma_start3A_182 = tpu.memref_slice %arg6[%dma_start3A_174, %dma_start3A_181] : memref<40x128xi32, #tpu.memory_space<vmem>> -> memref<1x128xi32, #tpu.memory_space<vmem>>
      %dma_start3A_183 = tpu.memref_squeeze %dma_start3A_182 : memref<1x128xi32, #tpu.memory_space<vmem>> -> memref<128xi32, #tpu.memory_space<vmem>>
      %dma_start3A_184 = arith.constant 0 : i32
      %dma_start3A_185 = arith.constant 0 : i32
      %dma_start3A_186 = tpu.memref_slice %arg10[%dma_start3A_184, %dma_start3A_185] : memref<10240x64xf32, #tpu.memory_space<vmem_shared>> -> memref<10240x64xf32, #tpu.memory_space<vmem_shared>>
      %dma_start3A_187 = tpu.memref_slice %arg12[%dma_start3A_176] : memref<4x!tpu.dma_semaphore, #tpu.memory_space<semaphore_mem>> -> memref<1x!tpu.dma_semaphore, #tpu.memory_space<semaphore_mem>>
      %dma_start3A_188 = tpu.memref_squeeze %dma_start3A_187 : memref<1x!tpu.dma_semaphore, #tpu.memory_space<semaphore_mem>> -> memref<!tpu.dma_semaphore, #tpu.memory_space<semaphore_mem>>
      tpu.enqueue_indirect_dma source(%dma_start3A_186 : memref<10240x64xf32, #tpu.memory_space<vmem_shared>>) target(%dma_start3A_180 : memref<128x64xf32, #tpu.memory_space<vmem>>) offsets(%dma_start3A_183 : memref<128xi32, #tpu.memory_space<vmem>>) semaphore(%dma_start3A_188 : memref<!tpu.dma_semaphore, #tpu.memory_space<semaphore_mem>>)
      %scan3A_189 = arith.constant 0 : i32
      %scan3A_190 = arith.constant 0 : i32
      %scan3A_191 = arith.constant 40 : i32
      %scan3A_192 = arith.addi %scan3A_190, %scan3A_191 : i32
      %scan3A_193 = arith.constant 1 : i32
      scf.for %scan3A_195 = %scan3A_190 to %scan3A_192 step %scan3A_193  : i32 {
        %rem3A = arith.constant 4 : i32
        %rem3A_196 = arith.remsi %scan3A_195, %rem3A : i32
        %add3A_197 = arith.constant 3 : i32
        %add3A_198 = arith.addi %scan3A_195, %add3A_197 : i32
        %rem3A_199 = arith.constant 4 : i32
        %rem3A_200 = arith.remsi %add3A_198, %rem3A_199 : i32
        %lt3A = arith.constant 37 : i32
        %lt3A_201 = arith.cmpi slt, %scan3A_195, %lt3A : i32
        %convert_element_type3A = arith.extui %lt3A_201 : i1 to i32
        %cond3A = arith.constant 0 : i32
        %cond3A_202 = arith.cmpi ne, %convert_element_type3A, %cond3A : i32
        scf.if %cond3A_202 {
          %add3A_214 = arith.constant 3 : i32
          %add3A_215 = arith.addi %scan3A_195, %add3A_214 : i32
          %dma_start3A_216 = arith.constant 0 : i32
          %dma_start3A_217 = arith.constant 0 : i32
          %dma_start3A_218 = tpu.memref_slice %arg8[%rem3A_200, %dma_start3A_216, %dma_start3A_217] : memref<4x128x64xf32, #tpu.memory_space<vmem>> -> memref<1x128x64xf32, #tpu.memory_space<vmem>>
          %dma_start3A_219 = tpu.memref_squeeze %dma_start3A_218 : memref<1x128x64xf32, #tpu.memory_space<vmem>> -> memref<128x64xf32, #tpu.memory_space<vmem>>
          %dma_start3A_220 = arith.constant 0 : i32
          %dma_start3A_221 = tpu.memref_slice %arg6[%add3A_215, %dma_start3A_220] : memref<40x128xi32, #tpu.memory_space<vmem>> -> memref<1x128xi32, #tpu.memory_space<vmem>>
          %dma_start3A_222 = tpu.memref_squeeze %dma_start3A_221 : memref<1x128xi32, #tpu.memory_space<vmem>> -> memref<128xi32, #tpu.memory_space<vmem>>
          %dma_start3A_223 = arith.constant 0 : i32
          %dma_start3A_224 = arith.constant 0 : i32
          %dma_start3A_225 = tpu.memref_slice %arg10[%dma_start3A_223, %dma_start3A_224] : memref<10240x64xf32, #tpu.memory_space<vmem_shared>> -> memref<10240x64xf32, #tpu.memory_space<vmem_shared>>
          %dma_start3A_226 = tpu.memref_slice %arg12[%rem3A_200] : memref<4x!tpu.dma_semaphore, #tpu.memory_space<semaphore_mem>> -> memref<1x!tpu.dma_semaphore, #tpu.memory_space<semaphore_mem>>
          %dma_start3A_227 = tpu.memref_squeeze %dma_start3A_226 : memref<1x!tpu.dma_semaphore, #tpu.memory_space<semaphore_mem>> -> memref<!tpu.dma_semaphore, #tpu.memory_space<semaphore_mem>>
          tpu.enqueue_indirect_dma source(%dma_start3A_225 : memref<10240x64xf32, #tpu.memory_space<vmem_shared>>) target(%dma_start3A_219 : memref<128x64xf32, #tpu.memory_space<vmem>>) offsets(%dma_start3A_222 : memref<128xi32, #tpu.memory_space<vmem>>) semaphore(%dma_start3A_227 : memref<!tpu.dma_semaphore, #tpu.memory_space<semaphore_mem>>)
        } else {
        }
        %dma_wait3A = arith.constant 0 : i32
        %dma_wait3A_203 = arith.constant 0 : i32
        %dma_wait3A_204 = tpu.memref_slice %arg8[%rem3A_196, %dma_wait3A, %dma_wait3A_203] : memref<4x128x64xf32, #tpu.memory_space<vmem>> -> memref<1x128x64xf32, #tpu.memory_space<vmem>>
        %dma_wait3A_205 = tpu.memref_squeeze %dma_wait3A_204 : memref<1x128x64xf32, #tpu.memory_space<vmem>> -> memref<128x64xf32, #tpu.memory_space<vmem>>
        %dma_wait3A_206 = arith.constant 0 : i32
        %dma_wait3A_207 = tpu.memref_slice %arg6[%scan3A_195, %dma_wait3A_206] : memref<40x128xi32, #tpu.memory_space<vmem>> -> memref<1x128xi32, #tpu.memory_space<vmem>>
        %dma_wait3A_208 = tpu.memref_squeeze %dma_wait3A_207 : memref<1x128xi32, #tpu.memory_space<vmem>> -> memref<128xi32, #tpu.memory_space<vmem>>
        %dma_wait3A_209 = arith.constant 0 : i32
        %dma_wait3A_210 = arith.constant 0 : i32
        %dma_wait3A_211 = tpu.memref_slice %arg10[%dma_wait3A_209, %dma_wait3A_210] : memref<10240x64xf32, #tpu.memory_space<vmem_shared>> -> memref<10240x64xf32, #tpu.memory_space<vmem_shared>>
        %dma_wait3A_212 = tpu.memref_slice %arg12[%rem3A_196] : memref<4x!tpu.dma_semaphore, #tpu.memory_space<semaphore_mem>> -> memref<1x!tpu.dma_semaphore, #tpu.memory_space<semaphore_mem>>
        %dma_wait3A_213 = tpu.memref_squeeze %dma_wait3A_212 : memref<1x!tpu.dma_semaphore, #tpu.memory_space<semaphore_mem>> -> memref<!tpu.dma_semaphore, #tpu.memory_space<semaphore_mem>>
        tpu.wait_indirect_dma semaphore(%dma_wait3A_213 : memref<!tpu.dma_semaphore, #tpu.memory_space<semaphore_mem>>) src(%dma_wait3A_211 : memref<10240x64xf32, #tpu.memory_space<vmem_shared>>) dst(%dma_wait3A_205 : memref<128x64xf32, #tpu.memory_space<vmem>>)
        "tpu.region"() ({
          %run_scoped3A = tpu.sem_alloc : memref<!tpu.dma_semaphore, #tpu.memory_space<semaphore_mem>>
          %dma_start3A_214 = arith.constant 0 : i32
          %dma_start3A_215 = arith.constant 0 : i32
          %dma_start3A_216 = tpu.memref_slice %arg8[%rem3A_196, %dma_start3A_214, %dma_start3A_215] : memref<4x128x64xf32, #tpu.memory_space<vmem>> -> memref<1x128x64xf32, #tpu.memory_space<vmem>>
          %dma_start3A_217 = tpu.memref_squeeze %dma_start3A_216 : memref<1x128x64xf32, #tpu.memory_space<vmem>> -> memref<128x64xf32, #tpu.memory_space<vmem>>
          %dma_start3A_218 = arith.constant 0 : i32
          %dma_start3A_219 = tpu.memref_slice %arg7[%scan3A_195, %dma_start3A_218] : memref<40x128xi32, #tpu.memory_space<vmem>> -> memref<1x128xi32, #tpu.memory_space<vmem>>
          %dma_start3A_220 = tpu.memref_squeeze %dma_start3A_219 : memref<1x128xi32, #tpu.memory_space<vmem>> -> memref<128xi32, #tpu.memory_space<vmem>>
          %dma_start3A_221 = arith.constant 0 : i32
          %dma_start3A_222 = arith.constant 0 : i32
          %dma_start3A_223 = tpu.memref_slice %arg11[%dma_start3A_221, %dma_start3A_222] : memref<10240x64xf32, #tpu.memory_space<vmem_shared>> -> memref<10240x64xf32, #tpu.memory_space<vmem_shared>>
          tpu.enqueue_indirect_dma source(%dma_start3A_217 : memref<128x64xf32, #tpu.memory_space<vmem>>) target(%dma_start3A_223 : memref<10240x64xf32, #tpu.memory_space<vmem_shared>>) offsets(%dma_start3A_220 : memref<128xi32, #tpu.memory_space<vmem>>) semaphore(%run_scoped3A : memref<!tpu.dma_semaphore, #tpu.memory_space<semaphore_mem>>) {add = true}
          %dma_wait3A_224 = arith.constant 0 : i32
          %dma_wait3A_225 = arith.constant 0 : i32
          %dma_wait3A_226 = tpu.memref_slice %arg8[%rem3A_196, %dma_wait3A_224, %dma_wait3A_225] : memref<4x128x64xf32, #tpu.memory_space<vmem>> -> memref<1x128x64xf32, #tpu.memory_space<vmem>>
          %dma_wait3A_227 = tpu.memref_squeeze %dma_wait3A_226 : memref<1x128x64xf32, #tpu.memory_space<vmem>> -> memref<128x64xf32, #tpu.memory_space<vmem>>
          %dma_wait3A_228 = arith.constant 0 : i32
          %dma_wait3A_229 = tpu.memref_slice %arg7[%scan3A_195, %dma_wait3A_228] : memref<40x128xi32, #tpu.memory_space<vmem>> -> memref<1x128xi32, #tpu.memory_space<vmem>>
          %dma_wait3A_230 = tpu.memref_squeeze %dma_wait3A_229 : memref<1x128xi32, #tpu.memory_space<vmem>> -> memref<128xi32, #tpu.memory_space<vmem>>
          %dma_wait3A_231 = arith.constant 0 : i32
          %dma_wait3A_232 = arith.constant 0 : i32
          %dma_wait3A_233 = tpu.memref_slice %arg11[%dma_wait3A_231, %dma_wait3A_232] : memref<10240x64xf32, #tpu.memory_space<vmem_shared>> -> memref<10240x64xf32, #tpu.memory_space<vmem_shared>>
          tpu.wait_indirect_dma semaphore(%run_scoped3A : memref<!tpu.dma_semaphore, #tpu.memory_space<semaphore_mem>>) src(%dma_wait3A_227 : memref<128x64xf32, #tpu.memory_space<vmem>>) dst(%dma_wait3A_233 : memref<10240x64xf32, #tpu.memory_space<vmem_shared>>)
          tpu.yield
        }) : () -> ()
      }
      %scan3A_194 = arith.constant 40 : i32
    }
    %scan3A_124 = arith.constant 2 : i32
    %barrier3A_125 = arith.constant 0 : index
    tpu.barrier barrier_id(%barrier3A_125)
    %mul3A_126 = arith.constant 640 : i32
    %mul3A_127 = arith.muli %arg1, %mul3A_126 : i32
    %mul3A_128 = arith.constant 10240 : i32
    %mul3A_129 = arith.muli %add3A_104, %mul3A_128 : i32
    %mul3A_130 = arith.constant 640 : i32
    %mul3A_131 = arith.muli %arg1, %mul3A_130 : i32
    %add3A_132 = arith.addi %mul3A_129, %mul3A_131 : i32
    "tpu.region"() ({
      %run_scoped3A = tpu.sem_alloc : memref<!tpu.dma_semaphore, #tpu.memory_space<semaphore_mem>>
      %dma_start3A = arith.constant 0 : i32
      %dma_start3A_134 = tpu.memref_slice %arg5[%add3A_132, %dma_start3A] : memref<81920x64xf32, #tpu.memory_space<hbm>> -> memref<640x64xf32, #tpu.memory_space<hbm>>
      %dma_start3A_135 = arith.constant 0 : i32
      %dma_start3A_136 = tpu.memref_slice %arg11[%mul3A_127, %dma_start3A_135] : memref<10240x64xf32, #tpu.memory_space<vmem_shared>> -> memref<640x64xf32, #tpu.memory_space<vmem_shared>>
      tpu.enqueue_dma source(%dma_start3A_136 : memref<640x64xf32, #tpu.memory_space<vmem_shared>>) target(%dma_start3A_134 : memref<640x64xf32, #tpu.memory_space<hbm>>) target_semaphore(%run_scoped3A : memref<!tpu.dma_semaphore, #tpu.memory_space<semaphore_mem>>)
      %dma_wait3A = arith.constant 0 : i32
      %dma_wait3A_137 = tpu.memref_slice %arg5[%add3A_132, %dma_wait3A] : memref<81920x64xf32, #tpu.memory_space<hbm>> -> memref<640x64xf32, #tpu.memory_space<hbm>>
      %dma_wait3A_138 = arith.constant 0 : i32
      %dma_wait3A_139 = tpu.memref_slice %arg11[%mul3A_127, %dma_wait3A_138] : memref<10240x64xf32, #tpu.memory_space<vmem_shared>> -> memref<640x64xf32, #tpu.memory_space<vmem_shared>>
      tpu.wait_dma2 semaphore(%run_scoped3A : memref<!tpu.dma_semaphore, #tpu.memory_space<semaphore_mem>>) src(%dma_wait3A_139 : memref<640x64xf32, #tpu.memory_space<vmem_shared>>) dst(%dma_wait3A_137 : memref<640x64xf32, #tpu.memory_space<hbm>>)
      tpu.yield
    }) : () -> ()
    %barrier3A_133 = arith.constant 0 : index
    tpu.barrier barrier_id(%barrier3A_133)
    return
  }
}

module attributes {stable_mosaic.version = 14 : i64} {
  func.func @_tc1_body(%arg0: i32, %arg1: i32, %arg2: memref<1024x256xf32, #tpu.memory_space<vmem>>, %arg3: memref<256x128xf32, #tpu.memory_space<vmem>>, %arg4: memref<2x1024xf32, #tpu.memory_space<vmem>>, %arg5: memref<2x1024x64xf32, #tpu.memory_space<vmem>>) attributes {dimension_semantics = [#tpu.dimension_semantics<arbitrary>, #tpu.dimension_semantics<arbitrary>], iteration_bounds = array<i64: 10, 4>, scalar_prefetch = 0 : i64, scratch_operands = 0 : i64, tpu.core_type = #tpu.core_type<tc>, window_params = [{transform_indices = @transform_0, window_bounds = array<i64: 1024, 256>}, {transform_indices = @transform_1, window_bounds = array<i64: 256, 128>}, {transform_indices = @transform_2, window_bounds = array<i64: 2, 1024>}, {transform_indices = @transform_3, window_bounds = array<i64: 2, 1024, 64>}]} {
    %get3A = arith.constant 0 : index
    %get3A_0 = arith.constant 0 : index
    %get3A_1 = vector.load %arg4[%get3A, %get3A_0] : memref<2x1024xf32, #tpu.memory_space<vmem>>, vector<1x1024xf32>
    %get3A_2 = vector.shape_cast %get3A_1 : vector<1x1024xf32> to vector<1024xf32>
    %get3A_3 = arith.constant 1 : index
    %get3A_4 = arith.constant 0 : index
    %get3A_5 = vector.load %arg4[%get3A_3, %get3A_4] : memref<2x1024xf32, #tpu.memory_space<vmem>>, vector<1x1024xf32>
    %get3A_6 = vector.shape_cast %get3A_5 : vector<1x1024xf32> to vector<1024xf32>
    %add3A = arith.addf %get3A_2, %get3A_6 : vector<1024xf32>
    %add3A_7 = arith.constant 1.000000e+00 : f32
    %add3A_8 = vector.broadcast %add3A_7 : f32 to vector<1024xf32>
    %add3A_9 = arith.addf %add3A, %add3A_8 : vector<1024xf32>
    %rsqrt3A = math.rsqrt %add3A_9 : vector<1024xf32>
    %broadcast_in_dim3A = vector.shape_cast %rsqrt3A : vector<1024xf32> to vector<1024x1xf32>
    %get3A_10 = arith.constant 0 : index
    %get3A_11 = arith.constant 0 : index
    %get3A_12 = vector.load %arg2[%get3A_10, %get3A_11] : memref<1024x256xf32, #tpu.memory_space<vmem>>, vector<1024x256xf32>
    %get3A_13 = arith.constant 0 : index
    %get3A_14 = arith.constant 0 : index
    %get3A_15 = vector.load %arg3[%get3A_13, %get3A_14] : memref<256x128xf32, #tpu.memory_space<vmem>>, vector<256x128xf32>
    %dot_general3A = arith.constant dense<0.000000e+00> : vector<1024x128xf32>
    %dot_general3A_16 = tpu.matmul %get3A_12, %get3A_15, %dot_general3A {dimension_numbers = #tpu.dot_dimension_numbers<[1], [0], [0], [1], [0, 0, 1, 1], [], []>, transpose_lhs_hint = false} : vector<1024x256xf32>, vector<256x128xf32>, vector<1024x128xf32> -> vector<1024x128xf32>
    %mul3A = vector.broadcast %broadcast_in_dim3A : vector<1024x1xf32> to vector<1024x128xf32>
    %mul3A_17 = arith.mulf %dot_general3A_16, %mul3A : vector<1024x128xf32>
    %slice3A = vector.extract_strided_slice %mul3A_17 {offsets = [0, 0], sizes = [1024, 64], strides = [1, 1]} : vector<1024x128xf32> to vector<1024x64xf32>
    %swap3A = arith.constant 0 : index
    %swap3A_18 = arith.constant 0 : index
    %swap3A_19 = arith.constant 0 : index
    %swap3A_20 = vector.load %arg5[%swap3A, %swap3A_18, %swap3A_19] : memref<2x1024x64xf32, #tpu.memory_space<vmem>>, vector<1x1024x64xf32>
    %swap3A_21 = vector.shape_cast %swap3A_20 : vector<1x1024x64xf32> to vector<1024x64xf32>
    %swap3A_22 = vector.shape_cast %slice3A : vector<1024x64xf32> to vector<1x1024x64xf32>
    tpu.vector_store %arg5[%swap3A, %swap3A_18, %swap3A_19], %swap3A_22 {strides = array<i32>} : memref<2x1024x64xf32, #tpu.memory_space<vmem>>, vector<1x1024x64xf32>,
    %slice3A_23 = vector.extract_strided_slice %mul3A_17 {offsets = [0, 64], sizes = [1024, 64], strides = [1, 1]} : vector<1024x128xf32> to vector<1024x64xf32>
    %swap3A_24 = arith.constant 1 : index
    %swap3A_25 = arith.constant 0 : index
    %swap3A_26 = arith.constant 0 : index
    %swap3A_27 = vector.load %arg5[%swap3A_24, %swap3A_25, %swap3A_26] : memref<2x1024x64xf32, #tpu.memory_space<vmem>>, vector<1x1024x64xf32>
    %swap3A_28 = vector.shape_cast %swap3A_27 : vector<1x1024x64xf32> to vector<1024x64xf32>
    %swap3A_29 = vector.shape_cast %slice3A_23 : vector<1024x64xf32> to vector<1x1024x64xf32>
    tpu.vector_store %arg5[%swap3A_24, %swap3A_25, %swap3A_26], %swap3A_29 {strides = array<i32>} : memref<2x1024x64xf32, #tpu.memory_space<vmem>>, vector<1x1024x64xf32>,
    return
  }
  func.func @transform_0(%arg0: i32, %arg1: i32) -> (i32, i32) {
    %c0_i32 = arith.constant 0 : i32
    %c0_i32_0 = arith.constant 0 : i32
    return %arg0, %c0_i32 : i32, i32
  }
  func.func @transform_1(%arg0: i32, %arg1: i32) -> (i32, i32) {
    %c0_i32 = arith.constant 0 : i32
    %c0_i32_0 = arith.constant 0 : i32
    return %c0_i32, %arg1 : i32, i32
  }
  func.func @transform_2(%arg0: i32, %arg1: i32) -> (i32, i32) {
    %c0_i32 = arith.constant 0 : i32
    %c0_i32_0 = arith.constant 0 : i32
    return %c0_i32, %arg0 : i32, i32
  }
  func.func @transform_3(%arg0: i32, %arg1: i32) -> (i32, i32, i32) {
    %c0_i32 = arith.constant 0 : i32
    %c0_i32_0 = arith.constant 0 : i32
    return %arg1, %arg0, %c0_i32 : i32, i32, i32
  }
}

module attributes {stable_mosaic.version = 14 : i64} {
  func.func @_tc3_body(%arg0: i32, %arg1: i32, %arg2: memref<2x1024x64xf32, #tpu.memory_space<vmem>>, %arg3: memref<2x1024x64xf32, #tpu.memory_space<vmem>>, %arg4: memref<2x1024xf32, #tpu.memory_space<vmem>>, %arg5: memref<1x1x128xf32, #tpu.memory_space<vmem>>, %arg6: memref<1x1x1024xi32, #tpu.memory_space<vmem>>, %arg7: memref<1024x128xf32, #tpu.memory_space<vmem>>, %arg8: memref<16x128xf32, #tpu.memory_space<vmem>>, %arg9: memref<16x128xf32, #tpu.memory_space<vmem>>, %arg10: memref<16x1xf32, #tpu.memory_space<vmem>>) attributes {dimension_semantics = [#tpu.dimension_semantics<arbitrary>, #tpu.dimension_semantics<arbitrary>], iteration_bounds = array<i64: 4, 10>, scalar_prefetch = 0 : i64, scratch_operands = 2 : i64, tpu.core_type = #tpu.core_type<tc>, window_params = [{transform_indices = @transform_0, window_bounds = array<i64: 2, 1024, 64>}, {transform_indices = @transform_1, window_bounds = array<i64: 2, 1024, 64>}, {transform_indices = @transform_2, window_bounds = array<i64: 2, 1024>}, {transform_indices = @transform_3, window_bounds = array<i64: 1, 1, 128>}, {transform_indices = @transform_4, window_bounds = array<i64: 1, 1, 1024>}, {transform_indices = @transform_5, window_bounds = array<i64: 1024, 128>}, {transform_indices = @transform_6, window_bounds = array<i64: 16, 128>}]} {
    %get3A = arith.constant 0 : index
    %get3A_0 = arith.constant 0 : index
    %get3A_1 = vector.load %arg4[%get3A, %get3A_0] : memref<2x1024xf32, #tpu.memory_space<vmem>>, vector<1x1024xf32>
    %get3A_2 = vector.shape_cast %get3A_1 : vector<1x1024xf32> to vector<1024xf32>
    %get3A_3 = arith.constant 1 : index
    %get3A_4 = arith.constant 0 : index
    %get3A_5 = vector.load %arg4[%get3A_3, %get3A_4] : memref<2x1024xf32, #tpu.memory_space<vmem>>, vector<1x1024xf32>
    %get3A_6 = vector.shape_cast %get3A_5 : vector<1x1024xf32> to vector<1024xf32>
    %add3A = arith.addf %get3A_2, %get3A_6 : vector<1024xf32>
    %add3A_7 = arith.constant 1.000000e+00 : f32
    %add3A_8 = vector.broadcast %add3A_7 : f32 to vector<1024xf32>
    %add3A_9 = arith.addf %add3A, %add3A_8 : vector<1024xf32>
    %rsqrt3A = math.rsqrt %add3A_9 : vector<1024xf32>
    %broadcast_in_dim3A = vector.shape_cast %rsqrt3A : vector<1024xf32> to vector<1024x1xf32>
    %get3A_10 = arith.constant 0 : index
    %get3A_11 = arith.constant 0 : index
    %get3A_12 = arith.constant 0 : index
    %get3A_13 = vector.load %arg2[%get3A_10, %get3A_11, %get3A_12] : memref<2x1024x64xf32, #tpu.memory_space<vmem>>, vector<1x1024x64xf32>
    %get3A_14 = vector.shape_cast %get3A_13 : vector<1x1024x64xf32> to vector<1024x64xf32>
    %get3A_15 = arith.constant 1 : index
    %get3A_16 = arith.constant 0 : index
    %get3A_17 = arith.constant 0 : index
    %get3A_18 = vector.load %arg2[%get3A_15, %get3A_16, %get3A_17] : memref<2x1024x64xf32, #tpu.memory_space<vmem>>, vector<1x1024x64xf32>
    %get3A_19 = vector.shape_cast %get3A_18 : vector<1x1024x64xf32> to vector<1024x64xf32>
    %concatenate3A = tpu.concatenate %get3A_14, %get3A_19 in 1 : vector<1024x64xf32>, vector<1024x64xf32> -> vector<1024x128xf32>
    %get3A_20 = arith.constant 0 : index
    %get3A_21 = arith.constant 0 : index
    %get3A_22 = arith.constant 0 : index
    %get3A_23 = vector.load %arg3[%get3A_20, %get3A_21, %get3A_22] : memref<2x1024x64xf32, #tpu.memory_space<vmem>>, vector<1x1024x64xf32>
    %get3A_24 = vector.shape_cast %get3A_23 : vector<1x1024x64xf32> to vector<1024x64xf32>
    %get3A_25 = arith.constant 1 : index
    %get3A_26 = arith.constant 0 : index
    %get3A_27 = arith.constant 0 : index
    %get3A_28 = vector.load %arg3[%get3A_25, %get3A_26, %get3A_27] : memref<2x1024x64xf32, #tpu.memory_space<vmem>>, vector<1x1024x64xf32>
    %get3A_29 = vector.shape_cast %get3A_28 : vector<1x1024x64xf32> to vector<1024x64xf32>
    %concatenate3A_30 = tpu.concatenate %get3A_24, %get3A_29 in 1 : vector<1024x64xf32>, vector<1024x64xf32> -> vector<1024x128xf32>
    %add3A_31 = arith.addf %concatenate3A, %concatenate3A_30 : vector<1024x128xf32>
    %mul3A = vector.broadcast %broadcast_in_dim3A : vector<1024x1xf32> to vector<1024x128xf32>
    %mul3A_32 = arith.mulf %mul3A, %add3A_31 : vector<1024x128xf32>
    %get3A_33 = arith.constant 0 : index
    %get3A_34 = arith.constant 0 : index
    %get3A_35 = arith.constant 0 : index
    %get3A_36 = vector.load %arg5[%get3A_33, %get3A_34, %get3A_35] : memref<1x1x128xf32, #tpu.memory_space<vmem>>, vector<1x1x128xf32>
    %get3A_37 = vector.shape_cast %get3A_36 : vector<1x1x128xf32> to vector<1x128xf32>
    %add3A_38 = vector.broadcast %get3A_37 : vector<1x128xf32> to vector<1024x128xf32>
    %add3A_39 = arith.addf %mul3A_32, %add3A_38 : vector<1024x128xf32>
    %swap3A = arith.constant 0 : index
    %swap3A_40 = arith.constant 0 : index
    %swap3A_41 = vector.load %arg7[%swap3A, %swap3A_40] : memref<1024x128xf32, #tpu.memory_space<vmem>>, vector<1024x128xf32>
    tpu.vector_store %arg7[%swap3A, %swap3A_40], %add3A_39 {strides = array<i32>} : memref<1024x128xf32, #tpu.memory_space<vmem>>, vector<1024x128xf32>,
    %get3A_42 = arith.constant 0 : index
    %get3A_43 = arith.constant 0 : index
    %get3A_44 = arith.constant 0 : index
    %get3A_45 = vector.load %arg6[%get3A_42, %get3A_43, %get3A_44] : memref<1x1x1024xi32, #tpu.memory_space<vmem>>, vector<1x1x1024xi32>
    %get3A_46 = vector.shape_cast %get3A_45 : vector<1x1x1024xi32> to vector<1x1024xi32>
    %iota3A = tpu.iota {dimensions = array<i32: 0>} : vector<16x1024xi32>
    %eq3A = vector.broadcast %get3A_46 : vector<1x1024xi32> to vector<16x1024xi32>
    %eq3A_47 = arith.cmpi eq, %iota3A, %eq3A : vector<16x1024xi32>
    %convert_element_type3A = arith.extui %eq3A_47 : vector<16x1024xi1> to vector<16x1024xi32>
    %convert_element_type3A_48 = arith.sitofp %convert_element_type3A : vector<16x1024xi32> to vector<16x1024xf32>
    %dot_general3A = arith.constant dense<0.000000e+00> : vector<16x128xf32>
    %dot_general3A_49 = tpu.matmul %convert_element_type3A_48, %add3A_39, %dot_general3A {dimension_numbers = #tpu.dot_dimension_numbers<[1], [0], [0], [1], [0, 0, 1, 1], [], []>, transpose_lhs_hint = false} : vector<16x1024xf32>, vector<1024x128xf32>, vector<16x128xf32> -> vector<16x128xf32>
    %reduce_sum3A = arith.constant dense<0.000000e+00> : vector<16xf32>
    %reduce_sum3A_50 = vector.multi_reduction <add>, %convert_element_type3A_48, %reduce_sum3A [1] : vector<16x1024xf32> to vector<16xf32>
    %broadcast_in_dim3A_51 = vector.shape_cast %reduce_sum3A_50 : vector<16xf32> to vector<16x1xf32>
    %eq3A_52 = arith.constant 0 : i32
    %eq3A_53 = arith.cmpi eq, %arg1, %eq3A_52 : i32
    %convert_element_type3A_54 = arith.extui %eq3A_53 : i1 to i32
    %cond3A = arith.constant 0 : i32
    %cond3A_55 = arith.cmpi ne, %convert_element_type3A_54, %cond3A : i32
    scf.if %cond3A_55 {
      %swap3A_65 = arith.constant 0 : index
      %swap3A_66 = arith.constant 0 : index
      %swap3A_67 = vector.load %arg9[%swap3A_65, %swap3A_66] : memref<16x128xf32, #tpu.memory_space<vmem>>, vector<16x128xf32>
      tpu.vector_store %arg9[%swap3A_65, %swap3A_66], %dot_general3A_49 {strides = array<i32>} : memref<16x128xf32, #tpu.memory_space<vmem>>, vector<16x128xf32>,
      %swap3A_68 = arith.constant 0 : index
      %swap3A_69 = arith.constant 0 : index
      %swap3A_70 = vector.load %arg10[%swap3A_68, %swap3A_69] : memref<16x1xf32, #tpu.memory_space<vmem>>, vector<16x1xf32>
      tpu.vector_store %arg10[%swap3A_68, %swap3A_69], %broadcast_in_dim3A_51 {strides = array<i32>} : memref<16x1xf32, #tpu.memory_space<vmem>>, vector<16x1xf32>,
    } else {
    }
    %gt3A = arith.constant 0 : i32
    %gt3A_56 = arith.cmpi sgt, %arg1, %gt3A : i32
    %convert_element_type3A_57 = arith.extui %gt3A_56 : i1 to i32
    %cond3A_58 = arith.constant 0 : i32
    %cond3A_59 = arith.cmpi ne, %convert_element_type3A_57, %cond3A_58 : i32
    scf.if %cond3A_59 {
      %get3A_65 = arith.constant 0 : index
      %get3A_66 = arith.constant 0 : index
      %get3A_67 = vector.load %arg9[%get3A_65, %get3A_66] : memref<16x128xf32, #tpu.memory_space<vmem>>, vector<16x128xf32>
      %add3A_68 = arith.addf %get3A_67, %dot_general3A_49 : vector<16x128xf32>
      %swap3A_69 = arith.constant 0 : index
      %swap3A_70 = arith.constant 0 : index
      %swap3A_71 = vector.load %arg9[%swap3A_69, %swap3A_70] : memref<16x128xf32, #tpu.memory_space<vmem>>, vector<16x128xf32>
      tpu.vector_store %arg9[%swap3A_69, %swap3A_70], %add3A_68 {strides = array<i32>} : memref<16x128xf32, #tpu.memory_space<vmem>>, vector<16x128xf32>,
      %get3A_72 = arith.constant 0 : index
      %get3A_73 = arith.constant 0 : index
      %get3A_74 = vector.load %arg10[%get3A_72, %get3A_73] : memref<16x1xf32, #tpu.memory_space<vmem>>, vector<16x1xf32>
      %add3A_75 = arith.addf %get3A_74, %broadcast_in_dim3A_51 : vector<16x1xf32>
      %swap3A_76 = arith.constant 0 : index
      %swap3A_77 = arith.constant 0 : index
      %swap3A_78 = vector.load %arg10[%swap3A_76, %swap3A_77] : memref<16x1xf32, #tpu.memory_space<vmem>>, vector<16x1xf32>
      tpu.vector_store %arg10[%swap3A_76, %swap3A_77], %add3A_75 {strides = array<i32>} : memref<16x1xf32, #tpu.memory_space<vmem>>, vector<16x1xf32>,
    } else {
    }
    %eq3A_60 = arith.constant 9 : i32
    %eq3A_61 = arith.cmpi eq, %arg1, %eq3A_60 : i32
    %convert_element_type3A_62 = arith.extui %eq3A_61 : i1 to i32
    %cond3A_63 = arith.constant 0 : i32
    %cond3A_64 = arith.cmpi ne, %convert_element_type3A_62, %cond3A_63 : i32
    scf.if %cond3A_64 {
      %get3A_65 = arith.constant 0 : index
      %get3A_66 = arith.constant 0 : index
      %get3A_67 = vector.load %arg9[%get3A_65, %get3A_66] : memref<16x128xf32, #tpu.memory_space<vmem>>, vector<16x128xf32>
      %get3A_68 = arith.constant 0 : index
      %get3A_69 = arith.constant 0 : index
      %get3A_70 = vector.load %arg10[%get3A_68, %get3A_69] : memref<16x1xf32, #tpu.memory_space<vmem>>, vector<16x1xf32>
      %max3A = arith.constant 1.000000e+00 : f32
      %max3A_71 = vector.broadcast %max3A : f32 to vector<16x1xf32>
      %max3A_72 = arith.maximumf %get3A_70, %max3A_71 : vector<16x1xf32>
      %div3A = vector.broadcast %max3A_72 : vector<16x1xf32> to vector<16x128xf32>
      %div3A_73 = arith.divf %get3A_67, %div3A : vector<16x128xf32>
      %swap3A_74 = arith.constant 0 : index
      %swap3A_75 = arith.constant 0 : index
      %swap3A_76 = vector.load %arg8[%swap3A_74, %swap3A_75] : memref<16x128xf32, #tpu.memory_space<vmem>>, vector<16x128xf32>
      tpu.vector_store %arg8[%swap3A_74, %swap3A_75], %div3A_73 {strides = array<i32>} : memref<16x128xf32, #tpu.memory_space<vmem>>, vector<16x128xf32>,
    } else {
    }
    return
  }
  func.func @transform_0(%arg0: i32, %arg1: i32) -> (i32, i32, i32) {
    %c0_i32 = arith.constant 0 : i32
    %c0_i32_0 = arith.constant 0 : i32
    return %arg0, %arg1, %c0_i32 : i32, i32, i32
  }
  func.func @transform_1(%arg0: i32, %arg1: i32) -> (i32, i32, i32) {
    %c0_i32 = arith.constant 0 : i32
    %c0_i32_0 = arith.constant 0 : i32
    return %arg0, %arg1, %c0_i32 : i32, i32, i32
  }
  func.func @transform_2(%arg0: i32, %arg1: i32) -> (i32, i32) {
    %c0_i32 = arith.constant 0 : i32
    %c0_i32_0 = arith.constant 0 : i32
    return %c0_i32, %arg1 : i32, i32
  }
  func.func @transform_3(%arg0: i32, %arg1: i32) -> (i32, i32, i32) {
    %c0_i32 = arith.constant 0 : i32
    %c0_i32_0 = arith.constant 0 : i32
    %c0_i32_1 = arith.constant 0 : i32
    return %arg0, %c0_i32, %c0_i32_0 : i32, i32, i32
  }
  func.func @transform_4(%arg0: i32, %arg1: i32) -> (i32, i32, i32) {
    %c0_i32 = arith.constant 0 : i32
    %c0_i32_0 = arith.constant 0 : i32
    %c0_i32_1 = arith.constant 0 : i32
    return %arg1, %c0_i32, %c0_i32_0 : i32, i32, i32
  }
  func.func @transform_5(%arg0: i32, %arg1: i32) -> (i32, i32) {
    %c0_i32 = arith.constant 0 : i32
    return %arg1, %arg0 : i32, i32
  }
  func.func @transform_6(%arg0: i32, %arg1: i32) -> (i32, i32) {
    %c0_i32 = arith.constant 0 : i32
    %c0_i32_0 = arith.constant 0 : i32
    return %c0_i32, %arg0 : i32, i32
  }
}

module attributes {stable_mosaic.version = 14 : i64} {
  func.func @_tc2_body(%arg0: i32, %arg1: i32, %arg2: i32, %arg3: memref<2x1024x64xf32, #tpu.memory_space<vmem>>, %arg4: memref<2x1024x64xf32, #tpu.memory_space<vmem>>, %arg5: memref<2x1024xf32, #tpu.memory_space<vmem>>, %arg6: memref<1x1x128xf32, #tpu.memory_space<vmem>>, %arg7: memref<128x128xf32, #tpu.memory_space<vmem>>, %arg8: memref<2x1024x64xf32, #tpu.memory_space<vmem>>, %arg9: memref<1024x128xf32, #tpu.memory_space<vmem>>) attributes {dimension_semantics = [#tpu.dimension_semantics<arbitrary>, #tpu.dimension_semantics<arbitrary>, #tpu.dimension_semantics<arbitrary>], iteration_bounds = array<i64: 10, 4, 4>, scalar_prefetch = 0 : i64, scratch_operands = 1 : i64, tpu.core_type = #tpu.core_type<tc>, window_params = [{transform_indices = @transform_0, window_bounds = array<i64: 2, 1024, 64>}, {transform_indices = @transform_1, window_bounds = array<i64: 2, 1024, 64>}, {transform_indices = @transform_2, window_bounds = array<i64: 2, 1024>}, {transform_indices = @transform_3, window_bounds = array<i64: 1, 1, 128>}, {transform_indices = @transform_4, window_bounds = array<i64: 128, 128>}, {transform_indices = @transform_5, window_bounds = array<i64: 2, 1024, 64>}]} {
    %get3A = arith.constant 0 : index
    %get3A_0 = arith.constant 0 : index
    %get3A_1 = vector.load %arg5[%get3A, %get3A_0] : memref<2x1024xf32, #tpu.memory_space<vmem>>, vector<1x1024xf32>
    %get3A_2 = vector.shape_cast %get3A_1 : vector<1x1024xf32> to vector<1024xf32>
    %get3A_3 = arith.constant 1 : index
    %get3A_4 = arith.constant 0 : index
    %get3A_5 = vector.load %arg5[%get3A_3, %get3A_4] : memref<2x1024xf32, #tpu.memory_space<vmem>>, vector<1x1024xf32>
    %get3A_6 = vector.shape_cast %get3A_5 : vector<1x1024xf32> to vector<1024xf32>
    %add3A = arith.addf %get3A_2, %get3A_6 : vector<1024xf32>
    %add3A_7 = arith.constant 1.000000e+00 : f32
    %add3A_8 = vector.broadcast %add3A_7 : f32 to vector<1024xf32>
    %add3A_9 = arith.addf %add3A, %add3A_8 : vector<1024xf32>
    %rsqrt3A = math.rsqrt %add3A_9 : vector<1024xf32>
    %broadcast_in_dim3A = vector.shape_cast %rsqrt3A : vector<1024xf32> to vector<1024x1xf32>
    %get3A_10 = arith.constant 0 : index
    %get3A_11 = arith.constant 0 : index
    %get3A_12 = arith.constant 0 : index
    %get3A_13 = vector.load %arg3[%get3A_10, %get3A_11, %get3A_12] : memref<2x1024x64xf32, #tpu.memory_space<vmem>>, vector<1x1024x64xf32>
    %get3A_14 = vector.shape_cast %get3A_13 : vector<1x1024x64xf32> to vector<1024x64xf32>
    %get3A_15 = arith.constant 1 : index
    %get3A_16 = arith.constant 0 : index
    %get3A_17 = arith.constant 0 : index
    %get3A_18 = vector.load %arg3[%get3A_15, %get3A_16, %get3A_17] : memref<2x1024x64xf32, #tpu.memory_space<vmem>>, vector<1x1024x64xf32>
    %get3A_19 = vector.shape_cast %get3A_18 : vector<1x1024x64xf32> to vector<1024x64xf32>
    %concatenate3A = tpu.concatenate %get3A_14, %get3A_19 in 1 : vector<1024x64xf32>, vector<1024x64xf32> -> vector<1024x128xf32>
    %get3A_20 = arith.constant 0 : index
    %get3A_21 = arith.constant 0 : index
    %get3A_22 = arith.constant 0 : index
    %get3A_23 = vector.load %arg4[%get3A_20, %get3A_21, %get3A_22] : memref<2x1024x64xf32, #tpu.memory_space<vmem>>, vector<1x1024x64xf32>
    %get3A_24 = vector.shape_cast %get3A_23 : vector<1x1024x64xf32> to vector<1024x64xf32>
    %get3A_25 = arith.constant 1 : index
    %get3A_26 = arith.constant 0 : index
    %get3A_27 = arith.constant 0 : index
    %get3A_28 = vector.load %arg4[%get3A_25, %get3A_26, %get3A_27] : memref<2x1024x64xf32, #tpu.memory_space<vmem>>, vector<1x1024x64xf32>
    %get3A_29 = vector.shape_cast %get3A_28 : vector<1x1024x64xf32> to vector<1024x64xf32>
    %concatenate3A_30 = tpu.concatenate %get3A_24, %get3A_29 in 1 : vector<1024x64xf32>, vector<1024x64xf32> -> vector<1024x128xf32>
    %add3A_31 = arith.addf %concatenate3A, %concatenate3A_30 : vector<1024x128xf32>
    %mul3A = vector.broadcast %broadcast_in_dim3A : vector<1024x1xf32> to vector<1024x128xf32>
    %mul3A_32 = arith.mulf %mul3A, %add3A_31 : vector<1024x128xf32>
    %get3A_33 = arith.constant 0 : index
    %get3A_34 = arith.constant 0 : index
    %get3A_35 = arith.constant 0 : index
    %get3A_36 = vector.load %arg6[%get3A_33, %get3A_34, %get3A_35] : memref<1x1x128xf32, #tpu.memory_space<vmem>>, vector<1x1x128xf32>
    %get3A_37 = vector.shape_cast %get3A_36 : vector<1x1x128xf32> to vector<1x128xf32>
    %add3A_38 = vector.broadcast %get3A_37 : vector<1x128xf32> to vector<1024x128xf32>
    %add3A_39 = arith.addf %mul3A_32, %add3A_38 : vector<1024x128xf32>
    %max3A = arith.constant 0.000000e+00 : f32
    %max3A_40 = vector.broadcast %max3A : f32 to vector<1024x128xf32>
    %max3A_41 = arith.maximumf %add3A_39, %max3A_40 : vector<1024x128xf32>
    %get3A_42 = arith.constant 0 : index
    %get3A_43 = arith.constant 0 : index
    %get3A_44 = vector.load %arg7[%get3A_42, %get3A_43] : memref<128x128xf32, #tpu.memory_space<vmem>>, vector<128x128xf32>
    %dot_general3A = arith.constant dense<0.000000e+00> : vector<1024x128xf32>
    %dot_general3A_45 = tpu.matmul %max3A_41, %get3A_44, %dot_general3A {dimension_numbers = #tpu.dot_dimension_numbers<[1], [0], [0], [1], [0, 0, 1, 1], [], []>, transpose_lhs_hint = false} : vector<1024x128xf32>, vector<128x128xf32>, vector<1024x128xf32> -> vector<1024x128xf32>
    %eq3A = arith.constant 0 : i32
    %eq3A_46 = arith.cmpi eq, %arg2, %eq3A : i32
    %convert_element_type3A = arith.extui %eq3A_46 : i1 to i32
    %cond3A = arith.constant 0 : i32
    %cond3A_47 = arith.cmpi ne, %convert_element_type3A, %cond3A : i32
    scf.if %cond3A_47 {
      %swap3A = arith.constant 0 : index
      %swap3A_57 = arith.constant 0 : index
      %swap3A_58 = vector.load %arg9[%swap3A, %swap3A_57] : memref<1024x128xf32, #tpu.memory_space<vmem>>, vector<1024x128xf32>
      tpu.vector_store %arg9[%swap3A, %swap3A_57], %dot_general3A_45 {strides = array<i32>} : memref<1024x128xf32, #tpu.memory_space<vmem>>, vector<1024x128xf32>,
    } else {
    }
    %gt3A = arith.constant 0 : i32
    %gt3A_48 = arith.cmpi sgt, %arg2, %gt3A : i32
    %convert_element_type3A_49 = arith.extui %gt3A_48 : i1 to i32
    %cond3A_50 = arith.constant 0 : i32
    %cond3A_51 = arith.cmpi ne, %convert_element_type3A_49, %cond3A_50 : i32
    scf.if %cond3A_51 {
      %get3A_57 = arith.constant 0 : index
      %get3A_58 = arith.constant 0 : index
      %get3A_59 = vector.load %arg9[%get3A_57, %get3A_58] : memref<1024x128xf32, #tpu.memory_space<vmem>>, vector<1024x128xf32>
      %add3A_60 = arith.addf %get3A_59, %dot_general3A_45 : vector<1024x128xf32>
      %swap3A = arith.constant 0 : index
      %swap3A_61 = arith.constant 0 : index
      %swap3A_62 = vector.load %arg9[%swap3A, %swap3A_61] : memref<1024x128xf32, #tpu.memory_space<vmem>>, vector<1024x128xf32>
      tpu.vector_store %arg9[%swap3A, %swap3A_61], %add3A_60 {strides = array<i32>} : memref<1024x128xf32, #tpu.memory_space<vmem>>, vector<1024x128xf32>,
    } else {
    }
    %eq3A_52 = arith.constant 3 : i32
    %eq3A_53 = arith.cmpi eq, %arg2, %eq3A_52 : i32
    %convert_element_type3A_54 = arith.extui %eq3A_53 : i1 to i32
    %cond3A_55 = arith.constant 0 : i32
    %cond3A_56 = arith.cmpi ne, %convert_element_type3A_54, %cond3A_55 : i32
    scf.if %cond3A_56 {
      %get3A_57 = arith.constant 0 : index
      %get3A_58 = arith.constant 0 : index
      %get3A_59 = vector.load %arg9[%get3A_57, %get3A_58] : memref<1024x128xf32, #tpu.memory_space<vmem>>, vector<1024x128xf32>
      %mul3A_60 = vector.broadcast %broadcast_in_dim3A : vector<1024x1xf32> to vector<1024x128xf32>
      %mul3A_61 = arith.mulf %get3A_59, %mul3A_60 : vector<1024x128xf32>
      %slice3A = vector.extract_strided_slice %mul3A_61 {offsets = [0, 0], sizes = [1024, 64], strides = [1, 1]} : vector<1024x128xf32> to vector<1024x64xf32>
      %swap3A = arith.constant 0 : index
      %swap3A_62 = arith.constant 0 : index
      %swap3A_63 = arith.constant 0 : index
      %swap3A_64 = vector.load %arg8[%swap3A, %swap3A_62, %swap3A_63] : memref<2x1024x64xf32, #tpu.memory_space<vmem>>, vector<1x1024x64xf32>
      %swap3A_65 = vector.shape_cast %swap3A_64 : vector<1x1024x64xf32> to vector<1024x64xf32>
      %swap3A_66 = vector.shape_cast %slice3A : vector<1024x64xf32> to vector<1x1024x64xf32>
      tpu.vector_store %arg8[%swap3A, %swap3A_62, %swap3A_63], %swap3A_66 {strides = array<i32>} : memref<2x1024x64xf32, #tpu.memory_space<vmem>>, vector<1x1024x64xf32>,
      %slice3A_67 = vector.extract_strided_slice %mul3A_61 {offsets = [0, 64], sizes = [1024, 64], strides = [1, 1]} : vector<1024x128xf32> to vector<1024x64xf32>
      %swap3A_68 = arith.constant 1 : index
      %swap3A_69 = arith.constant 0 : index
      %swap3A_70 = arith.constant 0 : index
      %swap3A_71 = vector.load %arg8[%swap3A_68, %swap3A_69, %swap3A_70] : memref<2x1024x64xf32, #tpu.memory_space<vmem>>, vector<1x1024x64xf32>
      %swap3A_72 = vector.shape_cast %swap3A_71 : vector<1x1024x64xf32> to vector<1024x64xf32>
      %swap3A_73 = vector.shape_cast %slice3A_67 : vector<1024x64xf32> to vector<1x1024x64xf32>
      tpu.vector_store %arg8[%swap3A_68, %swap3A_69, %swap3A_70], %swap3A_73 {strides = array<i32>} : memref<2x1024x64xf32, #tpu.memory_space<vmem>>, vector<1x1024x64xf32>,
    } else {
    }
    return
  }
  func.func @transform_0(%arg0: i32, %arg1: i32, %arg2: i32) -> (i32, i32, i32) {
    %c0_i32 = arith.constant 0 : i32
    %c0_i32_0 = arith.constant 0 : i32
    return %arg2, %arg0, %c0_i32 : i32, i32, i32
  }
  func.func @transform_1(%arg0: i32, %arg1: i32, %arg2: i32) -> (i32, i32, i32) {
    %c0_i32 = arith.constant 0 : i32
    %c0_i32_0 = arith.constant 0 : i32
    return %arg2, %arg0, %c0_i32 : i32, i32, i32
  }
  func.func @transform_2(%arg0: i32, %arg1: i32, %arg2: i32) -> (i32, i32) {
    %c0_i32 = arith.constant 0 : i32
    %c0_i32_0 = arith.constant 0 : i32
    return %c0_i32, %arg0 : i32, i32
  }
  func.func @transform_3(%arg0: i32, %arg1: i32, %arg2: i32) -> (i32, i32, i32) {
    %c0_i32 = arith.constant 0 : i32
    %c0_i32_0 = arith.constant 0 : i32
    %c0_i32_1 = arith.constant 0 : i32
    return %arg2, %c0_i32, %c0_i32_0 : i32, i32, i32
  }
  func.func @transform_4(%arg0: i32, %arg1: i32, %arg2: i32) -> (i32, i32) {
    %c0_i32 = arith.constant 0 : i32
    return %arg2, %arg1 : i32, i32
  }
  func.func @transform_5(%arg0: i32, %arg1: i32, %arg2: i32) -> (i32, i32, i32) {
    %c0_i32 = arith.constant 0 : i32
    %c0_i32_0 = arith.constant 0 : i32
    return %arg1, %arg0, %c0_i32 : i32, i32, i32
  }
}

</mosaic_0001>

<sc_bundles>
// kernel: kernel.11.cloned.1.call-start
scs
__scs_entry_jumppad:
0x0: {  	(pc) =	sbr.rel $0x88, $3  }
0x1: {  	(tag) =	ssettag $0x0;
	lr =	simm.s32 $0x1  }
0x2: {  	[smem:$0x3F9A] =	sst lr;
	_ =	strace $0xD0000000  }
0x3: {  	_ = 	snop  }
0x4: {  	_ = 	snop  }
0x5: {  	_ = 	snop  }
0x6: {  	_ = 	snop  }
0x7: {  	_ = 	snop  }
__scs_overlays_trampoline_lowered:
0x8: {  	[smem:$0x3FA9] =	sst s0  }
0x9: {  	[smem:$0x3FAA] =	sst s1  }
0xa: {  	[smem:$0x3FAB] =	sst s2  }
0xb: {  	[smem:$0x3FAC] =	sst s3  }
0xc: {  	[smem:$0x3FAD] =	sst s4  }
0xd: {  	[smem:$0x3FAE] =	sst s5  }
0xe: {  	[smem:$0x3FAF] =	sst s6  }
0xf: {  	[smem:$0x3FB0] =	sst s7  }
0x10: {  	[smem:$0x3FB1] =	sst s8  }
0x11: {  	[smem:$0x3FB2] =	sst s9;
	s0 =	simm.s32 @!p0 $0x0  }
0x12: {  	s1 =	sld [smem:$0x3F98];
	s0 =	simm.s32 @p0 $0x1  }
0x13: {  	[smem:$0x3FB3] =	sst s0;
	s0 =	simm.s32 @!p1 $0x0  }
0x14: {  	s2 =	sld [smem:$0x3F97];
	s0 =	simm.s32 @p1 $0x1  }
0x15: {  	[smem:$0x3FB4] =	sst s0;
	s0 =	simm.s32 @!p2 $0x0  }
0x16: {  	s3 =	sld [smem:$0x3FDB];
	s0 =	simm.s32 @p2 $0x1  }
0x17: {  	s4 =	simm.s32 $0x1BF5;
	[smem:$0x3FB6] =	sst s0  }
0x18: {  	s0 =	sld [smem:$0x3F99];
	_ =	swait.ge [sflag:s4], $0x0  }
0x19: {  	s7 =	sld [smem:$0x3F9A]  }
0x1a: {  	s8 =	sadd.s32 $0xFFFFE003, lr  }
0x1b: {  	s9 =	sadd.s32 $0xFFFFFEF7, lr;
	s5 =	simm.s32 $0xFFFFFFFF;
	p2 =	slt.u32 s8, $0xFFFFF086  }
0x1c: {  	p1 =	slt.u32 s9, $0xF7A;
	s5 =	simm.s32 @!p2 $0x0  }
0x1d: {  	s5 =	simm.s32 @p1 $0x1;
	p0 =	seq.s32 s7, s2  }
0x1e: {  	s7 =	smul.u32 @!p0 $0xF7A, s2;
	p2 =	seq.s32 @!p0 s5, $0x0  }
0x1f: {  	s9 =	smul.u32 $0xF7A, s1;
	s8 =	simm.s32 @!p0 $0x1BF5;
	p2 =	por !p2, p0  }
0x20: {  	[sflag:s8] =	ssyncset.s32 @!p0 $0xFFFFF086;
	s6 =	sadd.s32 @!p0 s3, s7;
	s7 =	simm.s32 @!p0 $0x108  }
0x21: {  	s3 =	sadd.s32 s3, s9;
	s6 =	sadd.s32 @!p0 $0x88, s6;
	s7 =	simm.s32 @p2 $0x1082  }
0x22: {  	[simem:s7], [sflag:s8] =	dma.local @!p0 [hbm:s6], $0xF7A  }
0x23: {  	s9 =	sor.u32 $0xD0000000, s2;
	s6 =	simm.s32 $0x108;
	_ =	swait.ge @!p0 [sflag:s8], $0x0  }
0x24: {  	s3 =	sadd.s32 $0x88, s3;
	s6 =	simm.s32 @!p1 $0x1082;
	[sflag:s4] =	ssyncset.s32 $0xFFFFF086  }
0x25: {  	[simem:s6], [sflag:s4] =	dma.local [hbm:s3], $0xF7A  }
0x26: {  	[smem:$0x3F9A] =	sst s1;
	(tag) =	ssettag s2;
	_ =	strace s9  }
0x27: {  	s1 =	sld [smem:$0x3FAA]  }
0x28: {  	s2 =	sld [smem:$0x3FAB]  }
0x29: {  	s4 =	sld [smem:$0x3FAD]  }
0x2a: {  	p0 =	seq.s32 s5, $0x0;
	s5 =	sld [smem:$0x3FAE]  }
0x2b: {  	s6 =	sld [smem:$0x3FAF]  }
0x2c: {  	s7 =	sld [smem:$0x3FB0]  }
0x2d: {  	s3 =	simm.s32 $0x108;
	s8 =	sld [smem:$0x3FB1]  }
0x2e: {  	s3 =	simm.s32 @!p0 $0x1082;
	s9 =	sld [smem:$0x3FB2]  }
0x2f: {  	lr =	sadd.s32 s0, s3;
	s0 =	sld [smem:$0x3FA9]  }
0x30: {  	s3 =	sld [smem:$0x3FAC]  }
0x31: {  	[smem:$0x3FB5] =	sst s10  }
0x32: {  	s10 =	sld [smem:$0x3FB3];
	_ =	sdelay $0x3  }
0x33: {  	p0 =	seq.s32 s10, $0x1;
	s10 =	sld [smem:$0x3FB5];
	_ =	sdelay $0x3  }
0x34: {  	[smem:$0x3FB5] =	sst s10  }
0x35: {  	s10 =	sld [smem:$0x3FB4];
	_ =	sdelay $0x3  }
0x36: {  	p1 =	seq.s32 s10, $0x1;
	s10 =	sld [smem:$0x3FB5];
	_ =	sdelay $0x3  }
0x37: {  	[smem:$0x3FB5] =	sst s10  }
0x38: {  	s10 =	sld [smem:$0x3FB6]  }
0x39: {  	_ = 	snop;
	(pc) =	sbr.ind lr, $3  }
0x3a: {  	_ = 	snop  }
0x3b: {  	_ = 	snop  }
0x3c: {  	p2 =	seq.s32 s10, $0x1;
	s10 =	sld [smem:$0x3FB5]  }
0x3d: {  	_ =	shalt  }
0x3e: {  	_ =	shalt  }
0x3f: {  	_ =	shalt  }
0x40: {  	_ =	shalt  }
0x41: {  	_ =	shalt  }
0x42: {  	_ =	shalt  }
0x43: {  	_ =	shalt  }
0x44: {  	_ =	shalt  }
0x45: {  	_ =	shalt  }
0x46: {  	_ =	shalt  }
0x47: {  	_ =	shalt  }
0x48: {  	_ =	shalt  }
0x49: {  	_ =	shalt  }
0x4a: {  	_ =	shalt  }
0x4b: {  	_ =	shalt  }
0x4c: {  	_ =	shalt  }
0x4d: {  	_ =	shalt  }
0x4e: {  	_ =	shalt  }
0x4f: {  	_ =	shalt  }
0x50: {  	_ =	shalt  }
0x51: {  	_ =	shalt  }
0x52: {  	_ =	shalt  }
0x53: {  	_ =	shalt  }
0x54: {  	_ =	shalt  }
0x55: {  	_ =	shalt  }
0x56: {  	_ =	shalt  }
0x57: {  	_ =	shalt  }
0x58: {  	_ =	shalt  }
0x59: {  	_ =	shalt  }
0x5a: {  	_ =	shalt  }
0x5b: {  	_ =	shalt  }
0x5c: {  	_ =	shalt  }
0x5d: {  	_ =	shalt  }
0x5e: {  	_ =	shalt  }
0x5f: {  	_ =	shalt  }
0x60: {  	_ =	shalt  }
0x61: {  	_ =	shalt  }
0x62: {  	_ =	shalt  }
0x63: {  	_ =	shalt  }
0x64: {  	_ =	shalt  }
0x65: {  	_ =	shalt  }
0x66: {  	_ =	shalt  }
0x67: {  	_ =	shalt  }
0x68: {  	_ =	shalt  }
0x69: {  	_ =	shalt  }
0x6a: {  	_ =	shalt  }
0x6b: {  	_ =	shalt  }
0x6c: {  	_ =	shalt  }
0x6d: {  	_ =	shalt  }
0x6e: {  	_ =	shalt  }
0x6f: {  	_ =	shalt  }
0x70: {  	_ =	shalt  }
0x71: {  	_ =	shalt  }
0x72: {  	_ =	shalt  }
0x73: {  	_ =	shalt  }
0x74: {  	_ =	shalt  }
0x75: {  	_ =	shalt  }
0x76: {  	_ =	shalt  }
0x77: {  	_ =	shalt  }
0x78: {  	_ =	shalt  }
0x79: {  	_ =	shalt  }
0x7a: {  	_ =	shalt  }
0x7b: {  	_ =	shalt  }
0x7c: {  	_ =	shalt  }
0x7d: {  	_ =	shalt  }
0x7e: {  	_ =	shalt  }
0x7f: {  	_ =	shalt  }
0x80: {  	_ =	shalt  }
0x81: {  	_ =	shalt  }
0x82: {  	_ =	shalt  }
0x83: {  	_ =	shalt  }
0x84: {  	_ =	shalt  }
0x85: {  	_ =	shalt  }
0x86: {  	_ =	shalt  }
0x87: {  	_ =	shalt  }
.Lfunc_end0:
.L_simem_size_0:
called_computation.1_lowered:
.L_overlay_start_0:
0x88: {  	s2 =	sld [smem:$0x3FD9]  }
0x89: {  	s3 =	sld [smem:$0x3FFE];
	_ =	sdelay $0x1  }
0x8a: {  	s1 =	srdreg.scid  }
0x8b: {  	s0 =	sand.u32 $0x1, s1  }
0x8c: {  	s14 =	sshll.u32 s0, $0xA;
	s2 =	sadd.s32 s3, s2  }
0x8d: {  	s2 =	sadd.s32 s2, s14  }
0x8e: {  	[smem:$0x3FC1] =	sst s2  }
0x8f: {  	_ = 	snop  }
0x90: {  	s2 =	sld [smem:$0x3FD0];
	_ =	sdelay $0x2  }
0x91: {  	s15 =	simm.s32 $0xA;
	s4 =	simm.s32 $0x10  }
0x92: {  	[smem:s4], [sflag:s15] =	dma.local [hbm:s2], $0x1  }
0x93: {  	_ =	swait.eq [sflag:s15], $0x1  }
0x94: {  	[sflag:s15] =	ssyncset.done $0x0  }
0x95: {  	[sflag:s15] =	ssyncadd.s32 $0xFFFFFFFF  }
0x96: {  	s16 =	sld [smem:$0x10];
	(tm) =	ssettm $0x1  }
0x97: {  	s17 =	sld [smem:$0x3FFB];
	_ =	sdelay $0x3  }
0x98: {  	_ =	strace s17  }
0x99: {  	s3 =	sld [smem:$0x3FFC];
	_ =	sdelay $0x3  }
0x9a: {  	_ =	strace s3  }
0x9b: {  	s3 =	sld [smem:$0x3FFD];
	_ =	sdelay $0x3  }
0x9c: {  	_ =	strace s3  }
0x9d: {  	_ =	strace $0x8FFFFFFF  }
0x9e: {  	s18 =	sld [smem:$0x3FDB];
	_ =	sdelay $0x1  }
0x9f: {  	s19 =	simm.s32 $_scs_section_size  }
0xa0: {  	s5 =	simm.s32 $_size__tile_overlayer_lowered;
	s6 =	simm.s32 $_tile_overlayer_lowered  }
0xa1: {  	s22 =	simm.s32 $0x1BFF;
	s21 =	sshll.u32 s6, $0x1;
	s3 =	sadd.s32 s19, s18  }
0xa2: {  	s7 =	simm.s32 $0x0;
	s20 =	sshll.u32 s5, $0x1;
	s5 =	sadd.s32 s21, s3  }
0xa3: {  	[timem:s7], [sflag:s22] =	dma.local [hbm:s5], s20  }
0xa4: {  	_ =	swait.ge [sflag:s22], s20  }
0xa5: {  	s4 =	ssub.s32 $0x0, s20;
	[sflag:s22] =	ssyncset.done $0x0  }
0xa6: {  	[sflag:s22] =	ssyncadd.s32 s4;
	_ =	sdelay $0x1  }
0xa7: {  	s23 =	simm.s32 $0x1B8B  }
0xa8: {  	_ =	swait.ge [sflag:s23], $0x1  }
0xa9: {  	[sflag:s23] =	ssyncset.done $0x0  }
0xaa: {  	s25 =	simm.s32 $0x1B8E;
	s24 =	sld [smem:$0x3FFE];
	[sflag:s23] =	ssyncadd.s32 $0xFFFFFFFF  }
0xab: {  	s26 =	simm.s32 $execute0_lowered;
	[smem:$0x3FD2] =	sst s25  }
0xac: {  	s5 =	sshll.u32 s26, $0x1;
	_ =	strace $0x80000049;
	[dreg:$0x1] =	wrdreg $0xFFFFFFFF  }
0xad: {  	s28 =	simm.s32 $_size_execute0_lowered;
	s3 =	sadd.s32 s3, s5;
	[dreg:$0x0] =	wrdreg $0x0  }
0xae: {  	s5 =	sshll.u32 s28, $0x1;
	[dreg:$0x2] =	wrdreg s3  }
0xaf: {  	[dreg:$0x3] =	wrdreg s5  }
0xb0: {  	[dreg:$0x4] =	wrdreg $0xC0  }
0xb1: {  	_ =	task [dreg:s7], $0x5FFFF  }
0xb2: {  	[dreg:$0x1] =	wrdreg $0xFFFFFFFF  }
0xb3: {  	[dreg:$0x0] =	wrdreg $0x60  }
0xb4: {  	[dreg:$0x2] =	wrdreg s24  }
0xb5: {  	[dreg:$0x3] =	wrdreg s16  }
0xb6: {  	[dreg:$0x4] =	wrdreg $0xB2000  }
0xb7: {  	[dreg:$0x5] =	wrdreg $0x152000  }
0xb8: {  	[dreg:$0x6] =	wrdreg $0x9  }
0xb9: {  	_ =	task.clear_ibuf [dreg:s7], $0x7FFFF;
	_ =	strace $0x90000049  }
0xba: {  	s29 =	simm.s32 $0x9;
	_ =	strace $0x8000004B  }
0xbb: {  	_ =	swait.ge [sflag:s29], $0x1  }
0xbc: {  	[sflag:s29] =	ssyncadd.s32 $0xFFFFFFFF  }
0xbd: {  	_ =	strace $0x9000004B  }
0xbe: {  	_ =	sfence  }
0xbf: {  	s30 =	sld [smem:$0x0];
	_ =	sdelay $0x2  }
0xc0: {  	s31 =	sshll.u32 s1, $0xD;
	s1 =	sshrl.u32 s1, $0x2  }
0xc1: {  	s3 =	sand.u32 $0x4000, s31;
	s1 =	sadd.s32 s1, s30  }
0xc2: {  	s0 =	sor.u32 s3, s0;
	s1 =	sshll.u32 s1, $0x11  }
0xc3: {  	s0 =	sor.u32 s1, s0  }
0xc4: {  	s0 =	sadd.s32 $0x8F2B, s0  }
0xc5: {  	[sflag:s0] =	ssyncadd.remote.s32 $0x1  }
0xc6: {  	_ =	sfence.sel $0xFFFF  }
0xc7: {  	[dreg:$0x0] =	wrdreg $0xFFFFFFFF;
	(pc) =	sbr.abs _section_cstart, $3  }
0xc8: {  	[dreg:$0x1] =	wrdreg $0xFFFFFFFF  }
0xc9: {  	_ =	task.clear_ibuf [dreg:s7], $0x2FFFF;
	_ =	strace $0x9FFFFFFF  }
0xca: {  	(tm) =	ssettm $0x7FFFFFFF  }
0xcb: {  	_ =	shalt  }
tec
execute0_lowered:
.L_overlay_start_1:
0x0: {  	(tag) =	ssettag $0x1  }
0x1: {  	s0 =	rddreg [dreg:$0x0]  }
0x2: {  	s2 =	rddreg [dreg:$0x1]  }
0x3: {  	s1 =	rddreg [dreg:$0x2]  }
0x4: {  	s3 =	rddreg [dreg:$0x3];
	s13 =	stileid.u32  }
0x5: {  	s4 =	simm.s32 $0x0;
	s5 =	srdreg.scid;
	s6 =	smul.u32 $0x280, s13  }
0x6: {  	[smem:$0x7FF] =	sst s4;
	s5 =	sand.u32 $0x1, s5;
	s11 =	smul.u32 $0xA000, s13  }
0x7: {  	s8 =	sadd.s32 $0x14BC00, s0;
	s9 =	sadd.s32 $0x6C00, s0;
	s12 =	smul.u32 $0x28000, s13  }
0x8: {  	_ =	strace $0x8000004A;
	s7 =	smul.u32 $0xA000, s5;
	s5 =	ssub.s32 $0x2, s5  }
0x9: {  	s10 =	sshrl.u32 s5, $0x1;
	s22 =	sadd.s32 s11, s1;
	s26 =	sadd.s32 s11, s3  }
0xa: {  	s12 =	sshrl.u32 s12, $0x2;
	s5 =	ssub.s32 s5, s10;
	[dreg:$0x5] =	wrdreg s22  }
0xb: {  	[dreg:$0x8] =	wrdreg s26;
	s15 =	sadd.s32 s12, s3;
	s16 =	smax.u32 s5, $0x1  }
0xc: {  	s24 =	sshll.u32 s13, $0x6;
	s17 =	sadd.s32 $0x1400, s15;
	[dreg:$0xf] =	wrdreg s16  }
0xd: {  	s6 =	sadd.s32 s6, s7;
	s18 =	sadd.s32 $0x1E00, s15;
	[dreg:$0x10] =	wrdreg s17  }
0xe: {  	s7 =	sor.u32 $0x1C05, s24;
	s24 =	sadd.s32 $0x3200, s15;
	[dreg:$0x11] =	wrdreg s18  }
0xf: {  	s6 =	sshll.u32 s6, $0x3;
	s26 =	sadd.s32 $0x4600, s15;
	[dreg:$0x17] =	wrdreg s24  }
0x10: {  	s0 =	sadd.s32 $0x1EBC00, s0;
	s23 =	sadd.s32 s8, s6;
	[dreg:$0x19] =	wrdreg s26  }
0x11: {  	s25 =	sadd.s32 s0, s6;
	s28 =	sadd.s32 $0x14000, s6;
	[dreg:$0x6] =	wrdreg s23  }
0x12: {  	[dreg:$0x7] =	wrdreg s25;
	s14 =	sadd.s32 s8, s28  }
0x13: {  	s29 =	sadd.s32 $0x28000, s6;
	s10 =	sadd.s32 s0, s28;
	[dreg:$0x9] =	wrdreg s14  }
0x14: {  	s30 =	sadd.s32 s8, s29;
	[dreg:$0xa] =	wrdreg s10  }
0x15: {  	s6 =	sadd.s32 $0x3C000, s6;
	s11 =	sadd.s32 s0, s29;
	[dreg:$0xb] =	wrdreg s30  }
0x16: {  	s12 =	simm.s32 $0x80;
	s8 =	sadd.s32 s8, s6;
	[dreg:$0xc] =	wrdreg s11  }
0x17: {  	s31 =	sadd.s32 $0xA00, s15;
	s0 =	sadd.s32 s0, s6;
	[dreg:$0xd] =	wrdreg s8  }
0x18: {  	s5 =	sadd.s32 $0x7800, s15;
	s23 =	sadd.s32 $0x2800, s15;
	[dreg:$0xe] =	wrdreg s0  }
0x19: {  	s16 =	simm.s32 $0x100;
	s25 =	sadd.s32 $0x3C00, s15;
	[dreg:$0x16] =	wrdreg s23  }
0x1a: {  	s17 =	simm.s32 $0x6800;
	s28 =	sadd.s32 $0x5000, s15;
	[dreg:$0x18] =	wrdreg s25  }
0x1b: {  	s18 =	simm.s32 $0x0;
	s29 =	sadd.s32 $0x5A00, s15;
	[dreg:$0x1a] =	wrdreg s28  }
0x1c: {  	s6 =	sadd.s32 $0x8200, s15;
	s14 =	smul.u32 $0x500, s13;
	[dreg:$0x1b] =	wrdreg s29  }
0x1d: {  	s30 =	sadd.s32 $0x6400, s15;
	s8 =	sadd.s32 $0x8C00, s15;
	s10 =	simm.s32 $0x5  }
0x1e: {  	s11 =	simm.s32 $0xA800;
	[dreg:$0x1c] =	wrdreg s30;
	s20 =	sadd.s32 s9, s14  }
0x1f: {  	s19 =	sadd.s32 $0x280, s14;
	s21 =	sadd.s32 s2, s14;
	[dreg:$0x12] =	wrdreg s20  }
0x20: {  	s13 =	simm.s32 $0x2800;
	[dreg:$0x13] =	wrdreg s21;
	s22 =	sadd.s32 s9, s19  }
0x21: {  	s14 =	simm.s32 $0x4800;
	s0 =	sadd.s32 s2, s19;
	[dreg:$0x14] =	wrdreg s22  }
0x22: {  	v0 =	vimm.f32 $0.0e+00;
	s2 =	sadd.s32 $0x6E00, s15;
	s9 =	sadd.s32 $0x9600, s15;
	[dreg:$0x15] =	wrdreg s0  }
.LBB2_1:
0x23: {  	s19 =	sand.u32 $0x3F00, s4  }
0x24: {  	s20 =	sand.u32 $0x30, s4;
	s21 =	sshrl.u32 s19, $0x2  }
0x25: {  	s19 =	simm.s32 $0x40;
	s21 =	sor.u32 s20, s21;
	s20 =	simm.s32 $0x0  }
.LBB2_2:
0x26: {  	p0 =	sne.s32 s19, $0x27C0  }
0x27: {  	[tilespmem:s21+$0xA800] =	vst v0;
	s20 =	sadd.s32 $0x10, s20;
	s21 =	smov.u32 s19;
	s19 =	sadd.s32 $0x40, s19  }
.Ltmp0:
0x28: {  	(pc) =	sbr.rel @p0 .LBB2_2-.Ltmp0, $4  }
0x29: {  	_ = 	snop  }
0x2a: {  	s21 =	sand.u32 $0x3F00, s21  }
0x2b: {  	s22 =	sand.u32 $0x30, s20;
	s21 =	sshrl.u32 s21, $0x2  }
0x2c: {  	s21 =	sor.u32 s22, s21  }
0x2d: {  	s19 =	rddreg [dreg:$0x5]  }
0x2e: {  	[tilespmem:s21+$0xA800] =	vst v0;
	s20 =	rddreg [dreg:$0x6];
	s19 =	sshrl.u32 s19, $0x3  }
0x2f: {  	[spmem:s19], [sflag:s7] =	dma.local [hbm:s20], $0x1400  }
0x30: {  	_ =	swait.ge [sflag:s10], $0x1400  }
0x31: {  	[sflag:s10] =	ssyncset.done $0x0  }
0x32: {  	[sflag:s10] =	ssyncadd.s32 $0xFFFFEC00  }
0x33: {  	[spmem:s15] =	stream.linear.scatter [tilespmem:s11], [sflag:$0x5], $0xA00, $0x38;
	[tilespmem:$0x1F200] =	vst v63  }
0x34: {  	_ =	swait.ge [sflag:s10], $0xA00  }
0x35: {  	[sflag:s10] =	ssyncset.done $0x0  }
0x36: {  	[sflag:s10] =	ssyncadd.s32 $0xFFFFF600  }
0x37: {  	[spmem:s31] =	stream.linear.scatter [tilespmem:s11], [sflag:$0x5], $0xA00, $0x38;
	[tilespmem:$0x1F200] =	vst v63  }
0x38: {  	_ =	swait.ge [sflag:s10], $0xA00  }
0x39: {  	[sflag:s10] =	ssyncset.done $0x0  }
0x3a: {  	s0 =	rddreg [dreg:$0x10];
	[sflag:s10] =	ssyncadd.s32 $0xFFFFF600  }
0x3b: {  	[spmem:s0] =	stream.linear.scatter [tilespmem:s11], [sflag:$0x5], $0xA00, $0x38;
	[tilespmem:$0x1F200] =	vst v63  }
0x3c: {  	_ =	swait.ge [sflag:s10], $0xA00  }
0x3d: {  	[sflag:s10] =	ssyncset.done $0x0  }
0x3e: {  	s28 =	rddreg [dreg:$0x11];
	[sflag:s10] =	ssyncadd.s32 $0xFFFFF600  }
0x3f: {  	[spmem:s28] =	stream.linear.scatter [tilespmem:s11], [sflag:$0x5], $0xA00, $0x38;
	[tilespmem:$0x1F200] =	vst v63  }
0x40: {  	_ =	swait.ge [sflag:s10], $0xA00  }
0x41: {  	[sflag:s10] =	ssyncset.done $0x0  }
0x42: {  	s29 =	rddreg [dreg:$0x16];
	[sflag:s10] =	ssyncadd.s32 $0xFFFFF600  }
0x43: {  	[spmem:s29] =	stream.linear.scatter [tilespmem:s11], [sflag:$0x5], $0xA00, $0x38;
	[tilespmem:$0x1F200] =	vst v63  }
0x44: {  	_ =	swait.ge [sflag:s10], $0xA00  }
0x45: {  	[sflag:s10] =	ssyncset.done $0x0  }
0x46: {  	s30 =	rddreg [dreg:$0x17];
	[sflag:s10] =	ssyncadd.s32 $0xFFFFF600  }
0x47: {  	[spmem:s30] =	stream.linear.scatter [tilespmem:s11], [sflag:$0x5], $0xA00, $0x38;
	[tilespmem:$0x1F200] =	vst v63  }
0x48: {  	_ =	swait.ge [sflag:s10], $0xA00  }
0x49: {  	[sflag:s10] =	ssyncset.done $0x0  }
0x4a: {  	s20 =	rddreg [dreg:$0x18];
	[sflag:s10] =	ssyncadd.s32 $0xFFFFF600  }
0x4b: {  	[spmem:s20] =	stream.linear.scatter [tilespmem:s11], [sflag:$0x5], $0xA00, $0x38;
	[tilespmem:$0x1F200] =	vst v63  }
0x4c: {  	_ =	swait.ge [sflag:s10], $0xA00  }
0x4d: {  	[sflag:s10] =	ssyncset.done $0x0  }
0x4e: {  	s21 =	rddreg [dreg:$0x19];
	[sflag:s10] =	ssyncadd.s32 $0xFFFFF600  }
0x4f: {  	[spmem:s21] =	stream.linear.scatter [tilespmem:s11], [sflag:$0x5], $0xA00, $0x38;
	[tilespmem:$0x1F200] =	vst v63  }
0x50: {  	_ =	swait.ge [sflag:s10], $0xA00  }
0x51: {  	[sflag:s10] =	ssyncset.done $0x0  }
0x52: {  	s22 =	rddreg [dreg:$0x1a];
	[sflag:s10] =	ssyncadd.s32 $0xFFFFF600  }
0x53: {  	[spmem:s22] =	stream.linear.scatter [tilespmem:s11], [sflag:$0x5], $0xA00, $0x38;
	[tilespmem:$0x1F200] =	vst v63  }
0x54: {  	_ =	swait.ge [sflag:s10], $0xA00  }
0x55: {  	[sflag:s10] =	ssyncset.done $0x0  }
0x56: {  	s23 =	rddreg [dreg:$0x1b];
	[sflag:s10] =	ssyncadd.s32 $0xFFFFF600  }
0x57: {  	[spmem:s23] =	stream.linear.scatter [tilespmem:s11], [sflag:$0x5], $0xA00, $0x38;
	[tilespmem:$0x1F200] =	vst v63  }
0x58: {  	_ =	swait.ge [sflag:s10], $0xA00  }
0x59: {  	[sflag:s10] =	ssyncset.done $0x0  }
0x5a: {  	s24 =	rddreg [dreg:$0x1c];
	[sflag:s10] =	ssyncadd.s32 $0xFFFFF600  }
0x5b: {  	[spmem:s24] =	stream.linear.scatter [tilespmem:s11], [sflag:$0x5], $0xA00, $0x38;
	[tilespmem:$0x1F200] =	vst v63  }
0x5c: {  	_ =	swait.ge [sflag:s10], $0xA00  }
0x5d: {  	[sflag:s10] =	ssyncset.done $0x0  }
0x5e: {  	[sflag:s10] =	ssyncadd.s32 $0xFFFFF600  }
0x5f: {  	[spmem:s2] =	stream.linear.scatter [tilespmem:s11], [sflag:$0x5], $0xA00, $0x38;
	[tilespmem:$0x1F200] =	vst v63  }
0x60: {  	_ =	swait.ge [sflag:s10], $0xA00  }
0x61: {  	[sflag:s10] =	ssyncset.done $0x0  }
0x62: {  	[sflag:s10] =	ssyncadd.s32 $0xFFFFF600  }
0x63: {  	[spmem:s5] =	stream.linear.scatter [tilespmem:s11], [sflag:$0x5], $0xA00, $0x38;
	[tilespmem:$0x1F200] =	vst v63  }
0x64: {  	_ =	swait.ge [sflag:s10], $0xA00  }
0x65: {  	[sflag:s10] =	ssyncset.done $0x0  }
0x66: {  	[sflag:s10] =	ssyncadd.s32 $0xFFFFF600  }
0x67: {  	[spmem:s6] =	stream.linear.scatter [tilespmem:s11], [sflag:$0x5], $0xA00, $0x38;
	[tilespmem:$0x1F200] =	vst v63  }
0x68: {  	_ =	swait.ge [sflag:s10], $0xA00  }
0x69: {  	[sflag:s10] =	ssyncset.done $0x0  }
0x6a: {  	[sflag:s10] =	ssyncadd.s32 $0xFFFFF600  }
0x6b: {  	[spmem:s8] =	stream.linear.scatter [tilespmem:s11], [sflag:$0x5], $0xA00, $0x38;
	[tilespmem:$0x1F200] =	vst v63  }
0x6c: {  	_ =	swait.ge [sflag:s10], $0xA00  }
0x6d: {  	[sflag:s10] =	ssyncset.done $0x0  }
0x6e: {  	[sflag:s10] =	ssyncadd.s32 $0xFFFFF600  }
0x6f: {  	[spmem:s9] =	stream.linear.scatter [tilespmem:s11], [sflag:$0x5], $0xA00, $0x38;
	[tilespmem:$0x1F200] =	vst v63  }
0x70: {  	_ =	swait.ge [sflag:s10], $0xA00  }
0x71: {  	[sflag:s10] =	ssyncset.done $0x0  }
0x72: {  	[sflag:s10] =	ssyncadd.s32 $0xFFFFF600  }
0x73: {  	[bflag:$0x0] =	sbarrier.arrive $0xFFFF  }
0x74: {  	s25 =	rddreg [dreg:$0x12]  }
0x75: {  	[tilespmem:s4], [sflag:$0x5] =	stream.linear.gather [hbm4b:s25+s4], $0x1400, $0x38;
	[tilespmem:$0x1F200] =	vst v63  }
0x76: {  	_ =	swait.ge [sflag:s10], $0x1400  }
0x77: {  	[sflag:s10] =	ssyncset.done $0x0  }
0x78: {  	s23 =	simm.s32 $0x1400;
	s26 =	rddreg [dreg:$0x13];
	[sflag:s10] =	ssyncadd.s32 $0xFFFFEC00  }
0x79: {  	[tilespmem:s23], [sflag:$0x5] =	stream.linear.gather [hbm4b:s26+s4], $0x1400, $0x38;
	[tilespmem:$0x1F200] =	vst v63  }
0x7a: {  	_ =	swait.ge [sflag:s10], $0x1400  }
0x7b: {  	[sflag:s10] =	ssyncset.done $0x0  }
0x7c: {  	p0 =	por $0x0, $0x0;
	s20 =	simm.s32 $0x3;
	[sflag:s10] =	ssyncadd.s32 $0xFFFFEC00  }
0x7d: {  	[tilespmem:s13], [sflag:$0x1] =	stream.indirect.gather [spmem:s1], $0x40, s4, s12, $0xb8;
	[tilespmem:$0x1F200] =	vst v63  }
0x7e: {  	s20 =	sand.u32 @!p0 $0x3, s20  }
0x7f: {  	[tilespmem:s14], [sflag:$0x2] =	stream.indirect.gather [spmem:s1], $0x40, s12, s12, $0xb8;
	[tilespmem:$0x1F200] =	vst v63  }
0x80: {  	s28 =	simm.s32 $0x0;
	s21 =	simm.s32 $0x180;
	s22 =	sshll.u32 @!p0 s20, $0xD  }
0x81: {  	[tilespmem:s17], [sflag:$0x3] =	stream.indirect.gather [spmem:s1], $0x40, s16, s12, $0xb8;
	[tilespmem:$0x1F200] =	vst v63  }
0x82: {  	s20 =	sadd.s32 @!p0 $0x1, s20;
	s22 =	sadd.s32 @!p0 $0x2800, s22;
	s24 =	simm.s32 @!p0 $0x80  }
0x83: {  	[tilespmem:s22], [sflag:s20] =	stream.indirect.gather @!p0 [spmem:s1], $0x40, s21, s24, $0xb8;
	[tilespmem:$0x1F200] =	vst v63  }
0x84: {  	s20 =	sand.u32 $0x3, s28  }
0x85: {  	s29 =	sadd.s32 $0x1, s20  }
0x86: {  	s30 =	simm.s32 $0x1;
	_ =	swait.ge [sflag:s29], $0x2000  }
0x87: {  	s21 =	simm.s32 $0x4;
	s20 =	sshll.u32 s20, $0xD;
	[sflag:s29] =	ssyncset.done $0x0  }
0x88: {  	s22 =	simm.s32 $0x5;
	s25 =	sadd.s32 $0x2800, s20;
	[sflag:s29] =	ssyncadd.s32 $0xFFFFE000  }
0x89: {  	[spmem:s3] =	stream.indirect.scatter.add.f32 [tilespmem:s25], [sflag:$0x5], $0x40, s23, s12, $0xb8;
	[tilespmem:$0x1F200] =	vst v63  }
0x8a: {  	s24 =	sand.u32 $0x3, s30;
	p0 =	por $0x0, $0x0;
	_ =	swait.ge [sflag:s10], $0x2000  }
0x8b: {  	s20 =	simm.s32 $0x1480;
	s23 =	simm.s32 $0x200;
	[sflag:s10] =	ssyncset.done $0x0  }
.LBB2_4:
0x8c: {  	s25 =	sand.u32 @!p0 $0x3, s21;
	[sflag:s10] =	ssyncadd.s32 $0xFFFFE000  }
0x8d: {  	s21 =	smov.u32 s22;
	s22 =	sadd.s32 $0x1, s22;
	s26 =	smov.u32 s20  }
0x8e: {  	p1 =	sne.s32 s22, $0x2B;
	s28 =	sshll.u32 @!p0 s25, $0xD;
	s25 =	sadd.s32 @!p0 $0x1, s25  }
0x8f: {  	s29 =	simm.s32 @!p0 $0x80;
	s30 =	sadd.s32 $0x1, s24;
	s28 =	sadd.s32 @!p0 $0x2800, s28  }
0x90: {  	[tilespmem:s28], [sflag:s25] =	stream.indirect.gather @!p0 [spmem:s1], $0x40, s23, s29, $0xb8;
	[tilespmem:$0x1F200] =	vst v63  }
0x91: {  	_ =	swait.ge [sflag:s30], $0x2000  }
.Ltmp1:
0x92: {  	s24 =	sshll.u32 s24, $0xD;
	[sflag:s30] =	ssyncset.done $0x0;
	(pc) =	sbr.rel @p1 .LBB2_4-.Ltmp1, $4  }
0x93: {  	s20 =	sadd.s32 $0x80, s20;
	s24 =	sadd.s32 $0x2800, s24;
	[sflag:s30] =	ssyncadd.s32 $0xFFFFE000  }
0x94: {  	[spmem:s3] =	stream.indirect.scatter.add.f32 [tilespmem:s24], [sflag:$0x5], $0x40, s26, s12, $0xb8;
	[tilespmem:$0x1F200] =	vst v63  }
0x95: {  	s25 =	sadd.s32 $0xFFFFFFFD, s21;
	s23 =	sadd.s32 $0x80, s23;
	_ =	swait.ge [sflag:s10], $0x2000  }
0x96: {  	p0 =	sgt.u32 s25, $0x24;
	s24 =	sand.u32 $0x3, s25;
	[sflag:s10] =	ssyncset.done $0x0  }
0x97: {  	s21 =	sand.u32 @!p0 $0x3, s21  }
0x98: {  	[sflag:s10] =	ssyncadd.s32 $0xFFFFE000;
	s25 =	simm.s32 @!p0 $0x80;
	s22 =	sshll.u32 @!p0 s21, $0xD  }
0x99: {  	s26 =	sadd.s32 $0x1, s24;
	s21 =	sadd.s32 @!p0 $0x1, s21;
	s22 =	sadd.s32 @!p0 $0x2800, s22  }
0x9a: {  	[tilespmem:s22], [sflag:s21] =	stream.indirect.gather @!p0 [spmem:s1], $0x40, s23, s25, $0xb8;
	[tilespmem:$0x1F200] =	vst v63  }
0x9b: {  	_ =	swait.ge [sflag:s26], $0x2000  }
0x9c: {  	s29 =	sshll.u32 s24, $0xD;
	[sflag:s26] =	ssyncset.done $0x0  }
0x9d: {  	s21 =	sadd.s32 $0x2800, s29;
	[sflag:s26] =	ssyncadd.s32 $0xFFFFE000  }
0x9e: {  	[spmem:s3] =	stream.indirect.scatter.add.f32 [tilespmem:s21], [sflag:$0x5], $0x40, s20, s12, $0xb8;
	[tilespmem:$0x1F200] =	vst v63  }
0x9f: {  	_ =	swait.ge [sflag:s10], $0x2000  }
0xa0: {  	[sflag:s10] =	ssyncset.done $0x0  }
0xa1: {  	s0 =	rddreg [dreg:$0x14];
	[sflag:s10] =	ssyncadd.s32 $0xFFFFE000  }
0xa2: {  	[tilespmem:s4], [sflag:$0x5] =	stream.linear.gather [hbm4b:s0+s4], $0x1400, $0x38;
	[tilespmem:$0x1F200] =	vst v63  }
0xa3: {  	_ =	swait.ge [sflag:s10], $0x1400  }
0xa4: {  	[sflag:s10] =	ssyncset.done $0x0  }
0xa5: {  	s30 =	simm.s32 $0x1400;
	s24 =	rddreg [dreg:$0x15];
	[sflag:s10] =	ssyncadd.s32 $0xFFFFEC00  }
0xa6: {  	[tilespmem:s30], [sflag:$0x5] =	stream.linear.gather [hbm4b:s24+s4], $0x1400, $0x38;
	[tilespmem:$0x1F200] =	vst v63  }
0xa7: {  	_ =	swait.ge [sflag:s10], $0x1400  }
0xa8: {  	p0 =	por $0x0, $0x0;
	[sflag:s10] =	ssyncset.done $0x0  }
0xa9: {  	s25 =	simm.s32 $0x0;
	s20 =	simm.s32 $0x3;
	[sflag:s10] =	ssyncadd.s32 $0xFFFFEC00  }
0xaa: {  	[tilespmem:s13], [sflag:$0x1] =	stream.indirect.gather [spmem:s1], $0x40, s4, s12, $0xb8;
	[tilespmem:$0x1F200] =	vst v63  }
0xab: {  	s26 =	sand.u32 $0x3, s25;
	s20 =	sand.u32 @!p0 $0x3, s20  }
0xac: {  	[tilespmem:s14], [sflag:$0x2] =	stream.indirect.gather [spmem:s1], $0x40, s12, s12, $0xb8;
	[tilespmem:$0x1F200] =	vst v63  }
0xad: {  	s25 =	simm.s32 @!p0 $0x80;
	s21 =	simm.s32 $0x180;
	s22 =	sshll.u32 @!p0 s20, $0xD  }
0xae: {  	[tilespmem:s17], [sflag:$0x3] =	stream.indirect.gather [spmem:s1], $0x40, s16, s12, $0xb8;
	[tilespmem:$0x1F200] =	vst v63  }
0xaf: {  	s28 =	sadd.s32 $0x1, s26;
	s20 =	sadd.s32 @!p0 $0x1, s20;
	s22 =	sadd.s32 @!p0 $0x2800, s22  }
0xb0: {  	[tilespmem:s22], [sflag:s20] =	stream.indirect.gather @!p0 [spmem:s1], $0x40, s21, s25, $0xb8;
	[tilespmem:$0x1F200] =	vst v63  }
0xb1: {  	s29 =	sshll.u32 s26, $0xD;
	_ =	swait.ge [sflag:s28], $0x2000  }
0xb2: {  	s23 =	simm.s32 $0x200;
	s24 =	sadd.s32 $0x2800, s29;
	[sflag:s28] =	ssyncset.done $0x0  }
0xb3: {  	s21 =	simm.s32 $0x4;
	s22 =	simm.s32 $0x5;
	[sflag:s28] =	ssyncadd.s32 $0xFFFFE000  }
0xb4: {  	[spmem:s3] =	stream.indirect.scatter.add.f32 [tilespmem:s24], [sflag:$0x5], $0x40, s30, s12, $0xb8;
	[tilespmem:$0x1F200] =	vst v63  }
0xb5: {  	s20 =	simm.s32 $0x1480;
	s30 =	simm.s32 $0x1;
	_ =	swait.ge [sflag:s10], $0x2000  }
0xb6: {  	p0 =	por $0x0, $0x0;
	s24 =	sand.u32 $0x3, s30;
	[sflag:s10] =	ssyncset.done $0x0  }
.LBB2_6:
0xb7: {  	s25 =	sand.u32 @!p0 $0x3, s21;
	[sflag:s10] =	ssyncadd.s32 $0xFFFFE000  }
0xb8: {  	s21 =	smov.u32 s22;
	s22 =	sadd.s32 $0x1, s22;
	s26 =	smov.u32 s20  }
0xb9: {  	p1 =	sne.s32 s22, $0x2B;
	s28 =	sshll.u32 @!p0 s25, $0xD;
	s25 =	sadd.s32 @!p0 $0x1, s25  }
0xba: {  	s29 =	simm.s32 @!p0 $0x80;
	s30 =	sadd.s32 $0x1, s24;
	s28 =	sadd.s32 @!p0 $0x2800, s28  }
0xbb: {  	[tilespmem:s28], [sflag:s25] =	stream.indirect.gather @!p0 [spmem:s1], $0x40, s23, s29, $0xb8;
	[tilespmem:$0x1F200] =	vst v63  }
0xbc: {  	_ =	swait.ge [sflag:s30], $0x2000  }
.Ltmp2:
0xbd: {  	s24 =	sshll.u32 s24, $0xD;
	[sflag:s30] =	ssyncset.done $0x0;
	(pc) =	sbr.rel @p1 .LBB2_6-.Ltmp2, $4  }
0xbe: {  	s20 =	sadd.s32 $0x80, s20;
	s24 =	sadd.s32 $0x2800, s24;
	[sflag:s30] =	ssyncadd.s32 $0xFFFFE000  }
0xbf: {  	[spmem:s3] =	stream.indirect.scatter.add.f32 [tilespmem:s24], [sflag:$0x5], $0x40, s26, s12, $0xb8;
	[tilespmem:$0x1F200] =	vst v63  }
0xc0: {  	s25 =	sadd.s32 $0xFFFFFFFD, s21;
	s23 =	sadd.s32 $0x80, s23;
	_ =	swait.ge [sflag:s10], $0x2000  }
0xc1: {  	p0 =	sgt.u32 s25, $0x24;
	s24 =	sand.u32 $0x3, s25;
	[sflag:s10] =	ssyncset.done $0x0  }
0xc2: {  	s21 =	sand.u32 @!p0 $0x3, s21  }
0xc3: {  	[sflag:s10] =	ssyncadd.s32 $0xFFFFE000;
	s22 =	sshll.u32 @!p0 s21, $0xD  }
0xc4: {  	s25 =	simm.s32 @!p0 $0x80;
	s21 =	sadd.s32 @!p0 $0x1, s21;
	s22 =	sadd.s32 @!p0 $0x2800, s22  }
0xc5: {  	[tilespmem:s22], [sflag:s21] =	stream.indirect.gather @!p0 [spmem:s1], $0x40, s23, s25, $0xb8;
	[tilespmem:$0x1F200] =	vst v63  }
0xc6: {  	s23 =	sadd.s32 $0x1, s24  }
0xc7: {  	_ =	swait.ge [sflag:s23], $0x2000  }
0xc8: {  	s25 =	sshll.u32 s24, $0xD;
	[sflag:s23] =	ssyncset.done $0x0  }
0xc9: {  	s22 =	sadd.s32 $0x2800, s25;
	[sflag:s23] =	ssyncadd.s32 $0xFFFFE000  }
0xca: {  	[spmem:s3] =	stream.indirect.scatter.add.f32 [tilespmem:s22], [sflag:$0x5], $0x40, s20, s12, $0xb8;
	[tilespmem:$0x1F200] =	vst v63  }
0xcb: {  	_ =	swait.ge [sflag:s10], $0x2000  }
0xcc: {  	[sflag:s10] =	ssyncset.done $0x0  }
0xcd: {  	[sflag:s10] =	ssyncadd.s32 $0xFFFFE000  }
0xce: {  	[bflag:$0x0] =	sbarrier.arrive $0xFFFF  }
0xcf: {  	s26 =	rddreg [dreg:$0x8]  }
0xd0: {  	s28 =	rddreg [dreg:$0x7];
	s20 =	sshrl.u32 s26, $0x3  }
0xd1: {  	[hbm:s28], [sflag:s7] =	dma.local [spmem:s20], $0x1400  }
0xd2: {  	_ =	swait.ge [sflag:s10], $0x1400  }
0xd3: {  	[sflag:s10] =	ssyncset.done $0x0  }
0xd4: {  	[sflag:s10] =	ssyncadd.s32 $0xFFFFEC00  }
0xd5: {  	[bflag:$0x0] =	sbarrier.arrive $0xFFFF  }
0xd6: {  	s29 =	rddreg [dreg:$0x9]  }
0xd7: {  	[spmem:s19], [sflag:s7] =	dma.local [hbm:s29], $0x1400  }
0xd8: {  	_ =	swait.ge [sflag:s10], $0x1400  }
0xd9: {  	[sflag:s10] =	ssyncset.done $0x0  }
0xda: {  	[sflag:s10] =	ssyncadd.s32 $0xFFFFEC00  }
0xdb: {  	[spmem:s15] =	stream.linear.scatter [tilespmem:s11], [sflag:$0x5], $0xA00, $0x38;
	[tilespmem:$0x1F200] =	vst v63  }
0xdc: {  	_ =	swait.ge [sflag:s10], $0xA00  }
0xdd: {  	[sflag:s10] =	ssyncset.done $0x0  }
0xde: {  	[sflag:s10] =	ssyncadd.s32 $0xFFFFF600  }
0xdf: {  	[spmem:s31] =	stream.linear.scatter [tilespmem:s11], [sflag:$0x5], $0xA00, $0x38;
	[tilespmem:$0x1F200] =	vst v63  }
0xe0: {  	_ =	swait.ge [sflag:s10], $0xA00  }
0xe1: {  	[sflag:s10] =	ssyncset.done $0x0  }
0xe2: {  	s30 =	rddreg [dreg:$0x10];
	[sflag:s10] =	ssyncadd.s32 $0xFFFFF600  }
0xe3: {  	[spmem:s30] =	stream.linear.scatter [tilespmem:s11], [sflag:$0x5], $0xA00, $0x38;
	[tilespmem:$0x1F200] =	vst v63  }
0xe4: {  	_ =	swait.ge [sflag:s10], $0xA00  }
0xe5: {  	[sflag:s10] =	ssyncset.done $0x0  }
0xe6: {  	s0 =	smov.u32 s31;
	s31 =	rddreg [dreg:$0x11];
	[sflag:s10] =	ssyncadd.s32 $0xFFFFF600  }
0xe7: {  	[spmem:s31] =	stream.linear.scatter [tilespmem:s11], [sflag:$0x5], $0xA00, $0x38;
	[tilespmem:$0x1F200] =	vst v63  }
0xe8: {  	_ =	swait.ge [sflag:s10], $0xA00  }
0xe9: {  	[sflag:s10] =	ssyncset.done $0x0  }
0xea: {  	s22 =	rddreg [dreg:$0x16];
	[sflag:s10] =	ssyncadd.s32 $0xFFFFF600  }
0xeb: {  	[spmem:s22] =	stream.linear.scatter [tilespmem:s11], [sflag:$0x5], $0xA00, $0x38;
	[tilespmem:$0x1F200] =	vst v63  }
0xec: {  	_ =	swait.ge [sflag:s10], $0xA00  }
0xed: {  	[sflag:s10] =	ssyncset.done $0x0  }
0xee: {  	s23 =	rddreg [dreg:$0x17];
	[sflag:s10] =	ssyncadd.s32 $0xFFFFF600  }
0xef: {  	[spmem:s23] =	stream.linear.scatter [tilespmem:s11], [sflag:$0x5], $0xA00, $0x38;
	[tilespmem:$0x1F200] =	vst v63  }
0xf0: {  	_ =	swait.ge [sflag:s10], $0xA00  }
0xf1: {  	[sflag:s10] =	ssyncset.done $0x0  }
0xf2: {  	s24 =	rddreg [dreg:$0x18];
	[sflag:s10] =	ssyncadd.s32 $0xFFFFF600  }
0xf3: {  	[spmem:s24] =	stream.linear.scatter [tilespmem:s11], [sflag:$0x5], $0xA00, $0x38;
	[tilespmem:$0x1F200] =	vst v63  }
0xf4: {  	_ =	swait.ge [sflag:s10], $0xA00  }
0xf5: {  	[sflag:s10] =	ssyncset.done $0x0  }
0xf6: {  	s25 =	rddreg [dreg:$0x19];
	[sflag:s10] =	ssyncadd.s32 $0xFFFFF600  }
0xf7: {  	[spmem:s25] =	stream.linear.scatter [tilespmem:s11], [sflag:$0x5], $0xA00, $0x38;
	[tilespmem:$0x1F200] =	vst v63  }
0xf8: {  	_ =	swait.ge [sflag:s10], $0xA00  }
0xf9: {  	[sflag:s10] =	ssyncset.done $0x0  }
0xfa: {  	s26 =	rddreg [dreg:$0x1a];
	[sflag:s10] =	ssyncadd.s32 $0xFFFFF600  }
0xfb: {  	[spmem:s26] =	stream.linear.scatter [tilespmem:s11], [sflag:$0x5], $0xA00, $0x38;
	[tilespmem:$0x1F200] =	vst v63  }
0xfc: {  	_ =	swait.ge [sflag:s10], $0xA00  }
0xfd: {  	[sflag:s10] =	ssyncset.done $0x0  }
0xfe: {  	s28 =	rddreg [dreg:$0x1b];
	[sflag:s10] =	ssyncadd.s32 $0xFFFFF600  }
0xff: {  	[spmem:s28] =	stream.linear.scatter [tilespmem:s11], [sflag:$0x5], $0xA00, $0x38;
	[tilespmem:$0x1F200] =	vst v63  }
0x100: {  	_ =	swait.ge [sflag:s10], $0xA00  }
0x101: {  	[sflag:s10] =	ssyncset.done $0x0  }
0x102: {  	s29 =	rddreg [dreg:$0x1c];
	[sflag:s10] =	ssyncadd.s32 $0xFFFFF600  }
0x103: {  	[spmem:s29] =	stream.linear.scatter [tilespmem:s11], [sflag:$0x5], $0xA00, $0x38;
	[tilespmem:$0x1F200] =	vst v63  }
0x104: {  	_ =	swait.ge [sflag:s10], $0xA00  }
0x105: {  	[sflag:s10] =	ssyncset.done $0x0  }
0x106: {  	[sflag:s10] =	ssyncadd.s32 $0xFFFFF600  }
0x107: {  	[spmem:s2] =	stream.linear.scatter [tilespmem:s11], [sflag:$0x5], $0xA00, $0x38;
	[tilespmem:$0x1F200] =	vst v63  }
0x108: {  	_ =	swait.ge [sflag:s10], $0xA00  }
0x109: {  	[sflag:s10] =	ssyncset.done $0x0  }
0x10a: {  	[sflag:s10] =	ssyncadd.s32 $0xFFFFF600  }
0x10b: {  	[spmem:s5] =	stream.linear.scatter [tilespmem:s11], [sflag:$0x5], $0xA00, $0x38;
	[tilespmem:$0x1F200] =	vst v63  }
0x10c: {  	_ =	swait.ge [sflag:s10], $0xA00  }
0x10d: {  	[sflag:s10] =	ssyncset.done $0x0  }
0x10e: {  	[sflag:s10] =	ssyncadd.s32 $0xFFFFF600  }
0x10f: {  	[spmem:s6] =	stream.linear.scatter [tilespmem:s11], [sflag:$0x5], $0xA00, $0x38;
	[tilespmem:$0x1F200] =	vst v63  }
0x110: {  	_ =	swait.ge [sflag:s10], $0xA00  }
0x111: {  	[sflag:s10] =	ssyncset.done $0x0  }
0x112: {  	[sflag:s10] =	ssyncadd.s32 $0xFFFFF600  }
0x113: {  	[spmem:s8] =	stream.linear.scatter [tilespmem:s11], [sflag:$0x5], $0xA00, $0x38;
	[tilespmem:$0x1F200] =	vst v63  }
0x114: {  	_ =	swait.ge [sflag:s10], $0xA00  }
0x115: {  	[sflag:s10] =	ssyncset.done $0x0  }
0x116: {  	[sflag:s10] =	ssyncadd.s32 $0xFFFFF600  }
0x117: {  	[spmem:s9] =	stream.linear.scatter [tilespmem:s11], [sflag:$0x5], $0xA00, $0x38;
	[tilespmem:$0x1F200] =	vst v63  }
0x118: {  	_ =	swait.ge [sflag:s10], $0xA00  }
0x119: {  	[sflag:s10] =	ssyncset.done $0x0  }
0x11a: {  	[sflag:s10] =	ssyncadd.s32 $0xFFFFF600  }
0x11b: {  	[bflag:$0x0] =	sbarrier.arrive $0xFFFF  }
0x11c: {  	s30 =	rddreg [dreg:$0x12]  }
0x11d: {  	[tilespmem:s4], [sflag:$0x5] =	stream.linear.gather [hbm4b:s30+s4], $0x1400, $0x38;
	[tilespmem:$0x1F200] =	vst v63  }
0x11e: {  	_ =	swait.ge [sflag:s10], $0x1400  }
0x11f: {  	[sflag:s10] =	ssyncset.done $0x0  }
0x120: {  	s31 =	simm.s32 $0x1400;
	s28 =	rddreg [dreg:$0x13];
	[sflag:s10] =	ssyncadd.s32 $0xFFFFEC00  }
0x121: {  	[tilespmem:s31], [sflag:$0x5] =	stream.linear.gather [hbm4b:s28+s4], $0x1400, $0x38;
	[tilespmem:$0x1F200] =	vst v63  }
0x122: {  	_ =	swait.ge [sflag:s10], $0x1400  }
0x123: {  	[sflag:s10] =	ssyncset.done $0x0  }
0x124: {  	s21 =	simm.s32 $0x3;
	p0 =	por $0x0, $0x0;
	[sflag:s10] =	ssyncadd.s32 $0xFFFFEC00  }
0x125: {  	[tilespmem:s13], [sflag:$0x1] =	stream.indirect.gather [spmem:s1], $0x40, s4, s12, $0xb8;
	[tilespmem:$0x1F200] =	vst v63  }
0x126: {  	s21 =	sand.u32 @!p0 $0x3, s21  }
0x127: {  	[tilespmem:s14], [sflag:$0x2] =	stream.indirect.gather [spmem:s1], $0x40, s12, s12, $0xb8;
	[tilespmem:$0x1F200] =	vst v63  }
0x128: {  	s22 =	simm.s32 $0x180;
	s23 =	sshll.u32 @!p0 s21, $0xD;
	s21 =	sadd.s32 @!p0 $0x1, s21  }
0x129: {  	[tilespmem:s17], [sflag:$0x3] =	stream.indirect.gather [spmem:s1], $0x40, s16, s12, $0xb8;
	[tilespmem:$0x1F200] =	vst v63  }
0x12a: {  	s23 =	sadd.s32 @!p0 $0x2800, s23;
	s25 =	simm.s32 @!p0 $0x80;
	s29 =	simm.s32 $0x0  }
0x12b: {  	[tilespmem:s23], [sflag:s21] =	stream.indirect.gather @!p0 [spmem:s1], $0x40, s22, s25, $0xb8;
	[tilespmem:$0x1F200] =	vst v63  }
0x12c: {  	s21 =	sand.u32 $0x3, s29  }
0x12d: {  	s30 =	sadd.s32 $0x1, s21  }
0x12e: {  	s24 =	simm.s32 $0x200;
	_ =	swait.ge [sflag:s30], $0x2000  }
0x12f: {  	s22 =	simm.s32 $0x4;
	s21 =	sshll.u32 s21, $0xD;
	[sflag:s30] =	ssyncset.done $0x0  }
0x130: {  	s23 =	simm.s32 $0x5;
	s26 =	sadd.s32 $0x2800, s21;
	[sflag:s30] =	ssyncadd.s32 $0xFFFFE000  }
0x131: {  	[spmem:s3] =	stream.indirect.scatter.add.f32 [tilespmem:s26], [sflag:$0x5], $0x40, s31, s12, $0xb8;
	[tilespmem:$0x1F200] =	vst v63  }
0x132: {  	p0 =	por $0x0, $0x0;
	s31 =	simm.s32 $0x1;
	_ =	swait.ge [sflag:s10], $0x2000  }
0x133: {  	s21 =	simm.s32 $0x1480;
	s25 =	sand.u32 $0x3, s31;
	[sflag:s10] =	ssyncset.done $0x0  }
.LBB2_8:
0x134: {  	s26 =	sand.u32 @!p0 $0x3, s22;
	[sflag:s10] =	ssyncadd.s32 $0xFFFFE000  }
0x135: {  	s22 =	smov.u32 s23;
	s23 =	sadd.s32 $0x1, s23;
	s28 =	smov.u32 s21  }
0x136: {  	p1 =	sne.s32 s23, $0x2B;
	s29 =	sshll.u32 @!p0 s26, $0xD;
	s26 =	sadd.s32 @!p0 $0x1, s26  }
0x137: {  	s30 =	simm.s32 @!p0 $0x80;
	s31 =	sadd.s32 $0x1, s25;
	s29 =	sadd.s32 @!p0 $0x2800, s29  }
0x138: {  	[tilespmem:s29], [sflag:s26] =	stream.indirect.gather @!p0 [spmem:s1], $0x40, s24, s30, $0xb8;
	[tilespmem:$0x1F200] =	vst v63  }
0x139: {  	_ =	swait.ge [sflag:s31], $0x2000  }
.Ltmp3:
0x13a: {  	s25 =	sshll.u32 s25, $0xD;
	[sflag:s31] =	ssyncset.done $0x0;
	(pc) =	sbr.rel @p1 .LBB2_8-.Ltmp3, $4  }
0x13b: {  	s21 =	sadd.s32 $0x80, s21;
	s25 =	sadd.s32 $0x2800, s25;
	[sflag:s31] =	ssyncadd.s32 $0xFFFFE000  }
0x13c: {  	[spmem:s3] =	stream.indirect.scatter.add.f32 [tilespmem:s25], [sflag:$0x5], $0x40, s28, s12, $0xb8;
	[tilespmem:$0x1F200] =	vst v63  }
0x13d: {  	s26 =	sadd.s32 $0xFFFFFFFD, s22;
	s24 =	sadd.s32 $0x80, s24;
	_ =	swait.ge [sflag:s10], $0x2000  }
0x13e: {  	p0 =	sgt.u32 s26, $0x24;
	s25 =	sand.u32 $0x3, s26;
	[sflag:s10] =	ssyncset.done $0x0  }
0x13f: {  	s22 =	sand.u32 @!p0 $0x3, s22  }
0x140: {  	[sflag:s10] =	ssyncadd.s32 $0xFFFFE000;
	s26 =	simm.s32 @!p0 $0x80;
	s23 =	sshll.u32 @!p0 s22, $0xD  }
0x141: {  	s28 =	sadd.s32 $0x1, s25;
	s22 =	sadd.s32 @!p0 $0x1, s22;
	s23 =	sadd.s32 @!p0 $0x2800, s23  }
0x142: {  	[tilespmem:s23], [sflag:s22] =	stream.indirect.gather @!p0 [spmem:s1], $0x40, s24, s26, $0xb8;
	[tilespmem:$0x1F200] =	vst v63  }
0x143: {  	_ =	swait.ge [sflag:s28], $0x2000  }
0x144: {  	s26 =	sshll.u32 s25, $0xD;
	[sflag:s28] =	ssyncset.done $0x0  }
0x145: {  	s22 =	sadd.s32 $0x2800, s26;
	[sflag:s28] =	ssyncadd.s32 $0xFFFFE000  }
0x146: {  	[spmem:s3] =	stream.indirect.scatter.add.f32 [tilespmem:s22], [sflag:$0x5], $0x40, s21, s12, $0xb8;
	[tilespmem:$0x1F200] =	vst v63  }
0x147: {  	_ =	swait.ge [sflag:s10], $0x2000  }
0x148: {  	[sflag:s10] =	ssyncset.done $0x0  }
0x149: {  	s28 =	rddreg [dreg:$0x14];
	[sflag:s10] =	ssyncadd.s32 $0xFFFFE000  }
0x14a: {  	[tilespmem:s4], [sflag:$0x5] =	stream.linear.gather [hbm4b:s28+s4], $0x1400, $0x38;
	[tilespmem:$0x1F200] =	vst v63  }
0x14b: {  	_ =	swait.ge [sflag:s10], $0x1400  }
0x14c: {  	[sflag:s10] =	ssyncset.done $0x0  }
0x14d: {  	s24 =	simm.s32 $0x1400;
	s29 =	rddreg [dreg:$0x15];
	[sflag:s10] =	ssyncadd.s32 $0xFFFFEC00  }
0x14e: {  	[tilespmem:s24], [sflag:$0x5] =	stream.linear.gather [hbm4b:s29+s4], $0x1400, $0x38;
	[tilespmem:$0x1F200] =	vst v63  }
0x14f: {  	_ =	swait.ge [sflag:s10], $0x1400  }
0x150: {  	s30 =	simm.s32 $0x0;
	[sflag:s10] =	ssyncset.done $0x0  }
0x151: {  	p0 =	por $0x0, $0x0;
	s21 =	simm.s32 $0x3;
	[sflag:s10] =	ssyncadd.s32 $0xFFFFEC00  }
0x152: {  	[tilespmem:s13], [sflag:$0x1] =	stream.indirect.gather [spmem:s1], $0x40, s4, s12, $0xb8;
	[tilespmem:$0x1F200] =	vst v63  }
0x153: {  	s31 =	sand.u32 $0x3, s30;
	s21 =	sand.u32 @!p0 $0x3, s21  }
0x154: {  	[tilespmem:s14], [sflag:$0x2] =	stream.indirect.gather [spmem:s1], $0x40, s12, s12, $0xb8;
	[tilespmem:$0x1F200] =	vst v63  }
0x155: {  	s26 =	simm.s32 @!p0 $0x80;
	s22 =	simm.s32 $0x180;
	s23 =	sshll.u32 @!p0 s21, $0xD  }
0x156: {  	[tilespmem:s17], [sflag:$0x3] =	stream.indirect.gather [spmem:s1], $0x40, s16, s12, $0xb8;
	[tilespmem:$0x1F200] =	vst v63  }
0x157: {  	s21 =	sadd.s32 @!p0 $0x1, s21;
	s23 =	sadd.s32 @!p0 $0x2800, s23;
	s29 =	sadd.s32 $0x1, s31  }
0x158: {  	[tilespmem:s23], [sflag:s21] =	stream.indirect.gather @!p0 [spmem:s1], $0x40, s22, s26, $0xb8;
	[tilespmem:$0x1F200] =	vst v63  }
0x159: {  	s30 =	sshll.u32 s31, $0xD;
	_ =	swait.ge [sflag:s29], $0x2000  }
0x15a: {  	s25 =	sadd.s32 $0x2800, s30;
	s31 =	simm.s32 $0x1;
	[sflag:s29] =	ssyncset.done $0x0  }
0x15b: {  	s22 =	simm.s32 $0x4;
	s23 =	simm.s32 $0x5;
	[sflag:s29] =	ssyncadd.s32 $0xFFFFE000  }
0x15c: {  	[spmem:s3] =	stream.indirect.scatter.add.f32 [tilespmem:s25], [sflag:$0x5], $0x40, s24, s12, $0xb8;
	[tilespmem:$0x1F200] =	vst v63  }
0x15d: {  	s21 =	simm.s32 $0x1480;
	p0 =	por $0x0, $0x0;
	_ =	swait.ge [sflag:s10], $0x2000  }
0x15e: {  	s24 =	simm.s32 $0x200;
	s25 =	sand.u32 $0x3, s31;
	[sflag:s10] =	ssyncset.done $0x0  }
.LBB2_10:
0x15f: {  	s26 =	sand.u32 @!p0 $0x3, s22;
	[sflag:s10] =	ssyncadd.s32 $0xFFFFE000  }
0x160: {  	s22 =	smov.u32 s23;
	s23 =	sadd.s32 $0x1, s23;
	s28 =	smov.u32 s21  }
0x161: {  	p1 =	sne.s32 s23, $0x2B;
	s29 =	sshll.u32 @!p0 s26, $0xD;
	s26 =	sadd.s32 @!p0 $0x1, s26  }
0x162: {  	s30 =	simm.s32 @!p0 $0x80;
	s31 =	sadd.s32 $0x1, s25;
	s29 =	sadd.s32 @!p0 $0x2800, s29  }
0x163: {  	[tilespmem:s29], [sflag:s26] =	stream.indirect.gather @!p0 [spmem:s1], $0x40, s24, s30, $0xb8;
	[tilespmem:$0x1F200] =	vst v63  }
0x164: {  	_ =	swait.ge [sflag:s31], $0x2000  }
.Ltmp4:
0x165: {  	s25 =	sshll.u32 s25, $0xD;
	[sflag:s31] =	ssyncset.done $0x0;
	(pc) =	sbr.rel @p1 .LBB2_10-.Ltmp4, $4  }
0x166: {  	s21 =	sadd.s32 $0x80, s21;
	s25 =	sadd.s32 $0x2800, s25;
	[sflag:s31] =	ssyncadd.s32 $0xFFFFE000  }
0x167: {  	[spmem:s3] =	stream.indirect.scatter.add.f32 [tilespmem:s25], [sflag:$0x5], $0x40, s28, s12, $0xb8;
	[tilespmem:$0x1F200] =	vst v63  }
0x168: {  	s26 =	sadd.s32 $0xFFFFFFFD, s22;
	s24 =	sadd.s32 $0x80, s24;
	_ =	swait.ge [sflag:s10], $0x2000  }
0x169: {  	p0 =	sgt.u32 s26, $0x24;
	s25 =	sand.u32 $0x3, s26;
	[sflag:s10] =	ssyncset.done $0x0  }
0x16a: {  	s22 =	sand.u32 @!p0 $0x3, s22  }
0x16b: {  	[sflag:s10] =	ssyncadd.s32 $0xFFFFE000;
	s23 =	sshll.u32 @!p0 s22, $0xD  }
0x16c: {  	s26 =	simm.s32 @!p0 $0x80;
	s22 =	sadd.s32 @!p0 $0x1, s22;
	s23 =	sadd.s32 @!p0 $0x2800, s23  }
0x16d: {  	[tilespmem:s23], [sflag:s22] =	stream.indirect.gather @!p0 [spmem:s1], $0x40, s24, s26, $0xb8;
	[tilespmem:$0x1F200] =	vst v63  }
0x16e: {  	s24 =	sadd.s32 $0x1, s25  }
0x16f: {  	_ =	swait.ge [sflag:s24], $0x2000  }
0x170: {  	s26 =	sshll.u32 s25, $0xD;
	[sflag:s24] =	ssyncset.done $0x0  }
0x171: {  	s23 =	sadd.s32 $0x2800, s26;
	[sflag:s24] =	ssyncadd.s32 $0xFFFFE000  }
0x172: {  	[spmem:s3] =	stream.indirect.scatter.add.f32 [tilespmem:s23], [sflag:$0x5], $0x40, s21, s12, $0xb8;
	[tilespmem:$0x1F200] =	vst v63  }
0x173: {  	_ =	swait.ge [sflag:s10], $0x2000  }
0x174: {  	[sflag:s10] =	ssyncset.done $0x0  }
0x175: {  	[sflag:s10] =	ssyncadd.s32 $0xFFFFE000  }
0x176: {  	[bflag:$0x0] =	sbarrier.arrive $0xFFFF  }
0x177: {  	s28 =	rddreg [dreg:$0xa]  }
0x178: {  	[hbm:s28], [sflag:s7] =	dma.local [spmem:s20], $0x1400  }
0x179: {  	_ =	swait.ge [sflag:s10], $0x1400  }
0x17a: {  	[sflag:s10] =	ssyncset.done $0x0  }
0x17b: {  	[sflag:s10] =	ssyncadd.s32 $0xFFFFEC00  }
0x17c: {  	[bflag:$0x0] =	sbarrier.arrive $0xFFFF  }
0x17d: {  	s29 =	rddreg [dreg:$0xb]  }
0x17e: {  	[spmem:s19], [sflag:s7] =	dma.local [hbm:s29], $0x1400  }
0x17f: {  	_ =	swait.ge [sflag:s10], $0x1400  }
0x180: {  	[sflag:s10] =	ssyncset.done $0x0  }
0x181: {  	[sflag:s10] =	ssyncadd.s32 $0xFFFFEC00  }
0x182: {  	[spmem:s15] =	stream.linear.scatter [tilespmem:s11], [sflag:$0x5], $0xA00, $0x38;
	[tilespmem:$0x1F200] =	vst v63  }
0x183: {  	_ =	swait.ge [sflag:s10], $0xA00  }
0x184: {  	[sflag:s10] =	ssyncset.done $0x0  }
0x185: {  	[sflag:s10] =	ssyncadd.s32 $0xFFFFF600  }
0x186: {  	[spmem:s0] =	stream.linear.scatter [tilespmem:s11], [sflag:$0x5], $0xA00, $0x38;
	[tilespmem:$0x1F200] =	vst v63  }
0x187: {  	_ =	swait.ge [sflag:s10], $0xA00  }
0x188: {  	[sflag:s10] =	ssyncset.done $0x0  }
0x189: {  	s30 =	rddreg [dreg:$0x10];
	[sflag:s10] =	ssyncadd.s32 $0xFFFFF600  }
0x18a: {  	[spmem:s30] =	stream.linear.scatter [tilespmem:s11], [sflag:$0x5], $0xA00, $0x38;
	[tilespmem:$0x1F200] =	vst v63  }
0x18b: {  	_ =	swait.ge [sflag:s10], $0xA00  }
0x18c: {  	[sflag:s10] =	ssyncset.done $0x0  }
0x18d: {  	s31 =	rddreg [dreg:$0x11];
	[sflag:s10] =	ssyncadd.s32 $0xFFFFF600  }
0x18e: {  	[spmem:s31] =	stream.linear.scatter [tilespmem:s11], [sflag:$0x5], $0xA00, $0x38;
	[tilespmem:$0x1F200] =	vst v63  }
0x18f: {  	_ =	swait.ge [sflag:s10], $0xA00  }
0x190: {  	[sflag:s10] =	ssyncset.done $0x0  }
0x191: {  	s22 =	rddreg [dreg:$0x16];
	[sflag:s10] =	ssyncadd.s32 $0xFFFFF600  }
0x192: {  	[spmem:s22] =	stream.linear.scatter [tilespmem:s11], [sflag:$0x5], $0xA00, $0x38;
	[tilespmem:$0x1F200] =	vst v63  }
0x193: {  	_ =	swait.ge [sflag:s10], $0xA00  }
0x194: {  	[sflag:s10] =	ssyncset.done $0x0  }
0x195: {  	s23 =	rddreg [dreg:$0x17];
	[sflag:s10] =	ssyncadd.s32 $0xFFFFF600  }
0x196: {  	[spmem:s23] =	stream.linear.scatter [tilespmem:s11], [sflag:$0x5], $0xA00, $0x38;
	[tilespmem:$0x1F200] =	vst v63  }
0x197: {  	_ =	swait.ge [sflag:s10], $0xA00  }
0x198: {  	[sflag:s10] =	ssyncset.done $0x0  }
0x199: {  	s24 =	rddreg [dreg:$0x18];
	[sflag:s10] =	ssyncadd.s32 $0xFFFFF600  }
0x19a: {  	[spmem:s24] =	stream.linear.scatter [tilespmem:s11], [sflag:$0x5], $0xA00, $0x38;
	[tilespmem:$0x1F200] =	vst v63  }
0x19b: {  	_ =	swait.ge [sflag:s10], $0xA00  }
0x19c: {  	[sflag:s10] =	ssyncset.done $0x0  }
0x19d: {  	s25 =	rddreg [dreg:$0x19];
	[sflag:s10] =	ssyncadd.s32 $0xFFFFF600  }
0x19e: {  	[spmem:s25] =	stream.linear.scatter [tilespmem:s11], [sflag:$0x5], $0xA00, $0x38;
	[tilespmem:$0x1F200] =	vst v63  }
0x19f: {  	_ =	swait.ge [sflag:s10], $0xA00  }
0x1a0: {  	[sflag:s10] =	ssyncset.done $0x0  }
0x1a1: {  	s26 =	rddreg [dreg:$0x1a];
	[sflag:s10] =	ssyncadd.s32 $0xFFFFF600  }
0x1a2: {  	[spmem:s26] =	stream.linear.scatter [tilespmem:s11], [sflag:$0x5], $0xA00, $0x38;
	[tilespmem:$0x1F200] =	vst v63  }
0x1a3: {  	_ =	swait.ge [sflag:s10], $0xA00  }
0x1a4: {  	[sflag:s10] =	ssyncset.done $0x0  }
0x1a5: {  	s28 =	rddreg [dreg:$0x1b];
	[sflag:s10] =	ssyncadd.s32 $0xFFFFF600  }
0x1a6: {  	[spmem:s28] =	stream.linear.scatter [tilespmem:s11], [sflag:$0x5], $0xA00, $0x38;
	[tilespmem:$0x1F200] =	vst v63  }
0x1a7: {  	_ =	swait.ge [sflag:s10], $0xA00  }
0x1a8: {  	[sflag:s10] =	ssyncset.done $0x0  }
0x1a9: {  	s29 =	rddreg [dreg:$0x1c];
	[sflag:s10] =	ssyncadd.s32 $0xFFFFF600  }
0x1aa: {  	[spmem:s29] =	stream.linear.scatter [tilespmem:s11], [sflag:$0x5], $0xA00, $0x38;
	[tilespmem:$0x1F200] =	vst v63  }
0x1ab: {  	_ =	swait.ge [sflag:s10], $0xA00  }
0x1ac: {  	[sflag:s10] =	ssyncset.done $0x0  }
0x1ad: {  	[sflag:s10] =	ssyncadd.s32 $0xFFFFF600  }
0x1ae: {  	[spmem:s2] =	stream.linear.scatter [tilespmem:s11], [sflag:$0x5], $0xA00, $0x38;
	[tilespmem:$0x1F200] =	vst v63  }
0x1af: {  	_ =	swait.ge [sflag:s10], $0xA00  }
0x1b0: {  	[sflag:s10] =	ssyncset.done $0x0  }
0x1b1: {  	[sflag:s10] =	ssyncadd.s32 $0xFFFFF600  }
0x1b2: {  	[spmem:s5] =	stream.linear.scatter [tilespmem:s11], [sflag:$0x5], $0xA00, $0x38;
	[tilespmem:$0x1F200] =	vst v63  }
0x1b3: {  	_ =	swait.ge [sflag:s10], $0xA00  }
0x1b4: {  	[sflag:s10] =	ssyncset.done $0x0  }
0x1b5: {  	[sflag:s10] =	ssyncadd.s32 $0xFFFFF600  }
0x1b6: {  	[spmem:s6] =	stream.linear.scatter [tilespmem:s11], [sflag:$0x5], $0xA00, $0x38;
	[tilespmem:$0x1F200] =	vst v63  }
0x1b7: {  	_ =	swait.ge [sflag:s10], $0xA00  }
0x1b8: {  	[sflag:s10] =	ssyncset.done $0x0  }
0x1b9: {  	[sflag:s10] =	ssyncadd.s32 $0xFFFFF600  }
0x1ba: {  	[spmem:s8] =	stream.linear.scatter [tilespmem:s11], [sflag:$0x5], $0xA00, $0x38;
	[tilespmem:$0x1F200] =	vst v63  }
0x1bb: {  	_ =	swait.ge [sflag:s10], $0xA00  }
0x1bc: {  	[sflag:s10] =	ssyncset.done $0x0  }
0x1bd: {  	[sflag:s10] =	ssyncadd.s32 $0xFFFFF600  }
0x1be: {  	[spmem:s9] =	stream.linear.scatter [tilespmem:s11], [sflag:$0x5], $0xA00, $0x38;
	[tilespmem:$0x1F200] =	vst v63  }
0x1bf: {  	_ =	swait.ge [sflag:s10], $0xA00  }
0x1c0: {  	[sflag:s10] =	ssyncset.done $0x0  }
0x1c1: {  	[sflag:s10] =	ssyncadd.s32 $0xFFFFF600  }
0x1c2: {  	[bflag:$0x0] =	sbarrier.arrive $0xFFFF  }
0x1c3: {  	s30 =	rddreg [dreg:$0x12]  }
0x1c4: {  	[tilespmem:s4], [sflag:$0x5] =	stream.linear.gather [hbm4b:s30+s4], $0x1400, $0x38;
	[tilespmem:$0x1F200] =	vst v63  }
0x1c5: {  	_ =	swait.ge [sflag:s10], $0x1400  }
0x1c6: {  	[sflag:s10] =	ssyncset.done $0x0  }
0x1c7: {  	s31 =	simm.s32 $0x1400;
	s26 =	rddreg [dreg:$0x13];
	[sflag:s10] =	ssyncadd.s32 $0xFFFFEC00  }
0x1c8: {  	[tilespmem:s31], [sflag:$0x5] =	stream.linear.gather [hbm4b:s26+s4], $0x1400, $0x38;
	[tilespmem:$0x1F200] =	vst v63  }
0x1c9: {  	_ =	swait.ge [sflag:s10], $0x1400  }
0x1ca: {  	[sflag:s10] =	ssyncset.done $0x0  }
0x1cb: {  	p0 =	por $0x0, $0x0;
	s21 =	simm.s32 $0x3;
	[sflag:s10] =	ssyncadd.s32 $0xFFFFEC00  }
0x1cc: {  	[tilespmem:s13], [sflag:$0x1] =	stream.indirect.gather [spmem:s1], $0x40, s4, s12, $0xb8;
	[tilespmem:$0x1F200] =	vst v63  }
0x1cd: {  	s21 =	sand.u32 @!p0 $0x3, s21  }
0x1ce: {  	[tilespmem:s14], [sflag:$0x2] =	stream.indirect.gather [spmem:s1], $0x40, s12, s12, $0xb8;
	[tilespmem:$0x1F200] =	vst v63  }
0x1cf: {  	s22 =	simm.s32 $0x180;
	s23 =	sshll.u32 @!p0 s21, $0xD;
	s21 =	sadd.s32 @!p0 $0x1, s21  }
0x1d0: {  	[tilespmem:s17], [sflag:$0x3] =	stream.indirect.gather [spmem:s1], $0x40, s16, s12, $0xb8;
	[tilespmem:$0x1F200] =	vst v63  }
0x1d1: {  	s23 =	sadd.s32 @!p0 $0x2800, s23;
	s25 =	simm.s32 @!p0 $0x80;
	s28 =	simm.s32 $0x0  }
0x1d2: {  	[tilespmem:s23], [sflag:s21] =	stream.indirect.gather @!p0 [spmem:s1], $0x40, s22, s25, $0xb8;
	[tilespmem:$0x1F200] =	vst v63  }
0x1d3: {  	s21 =	sand.u32 $0x3, s28  }
0x1d4: {  	s29 =	sadd.s32 $0x1, s21  }
0x1d5: {  	s24 =	simm.s32 $0x200;
	_ =	swait.ge [sflag:s29], $0x2000  }
0x1d6: {  	s22 =	simm.s32 $0x4;
	s21 =	sshll.u32 s21, $0xD;
	[sflag:s29] =	ssyncset.done $0x0  }
0x1d7: {  	s23 =	simm.s32 $0x5;
	s30 =	sadd.s32 $0x2800, s21;
	[sflag:s29] =	ssyncadd.s32 $0xFFFFE000  }
0x1d8: {  	[spmem:s3] =	stream.indirect.scatter.add.f32 [tilespmem:s30], [sflag:$0x5], $0x40, s31, s12, $0xb8;
	[tilespmem:$0x1F200] =	vst v63  }
0x1d9: {  	p0 =	por $0x0, $0x0;
	s31 =	simm.s32 $0x1;
	_ =	swait.ge [sflag:s10], $0x2000  }
0x1da: {  	s21 =	simm.s32 $0x1480;
	s25 =	sand.u32 $0x3, s31;
	[sflag:s10] =	ssyncset.done $0x0  }
.LBB2_12:
0x1db: {  	s26 =	sand.u32 @!p0 $0x3, s22;
	[sflag:s10] =	ssyncadd.s32 $0xFFFFE000  }
0x1dc: {  	s22 =	smov.u32 s23;
	s23 =	sadd.s32 $0x1, s23;
	s28 =	smov.u32 s21  }
0x1dd: {  	p1 =	sne.s32 s23, $0x2B;
	s29 =	sshll.u32 @!p0 s26, $0xD;
	s26 =	sadd.s32 @!p0 $0x1, s26  }
0x1de: {  	s30 =	simm.s32 @!p0 $0x80;
	s31 =	sadd.s32 $0x1, s25;
	s29 =	sadd.s32 @!p0 $0x2800, s29  }
0x1df: {  	[tilespmem:s29], [sflag:s26] =	stream.indirect.gather @!p0 [spmem:s1], $0x40, s24, s30, $0xb8;
	[tilespmem:$0x1F200] =	vst v63  }
0x1e0: {  	_ =	swait.ge [sflag:s31], $0x2000  }
.Ltmp5:
0x1e1: {  	s25 =	sshll.u32 s25, $0xD;
	[sflag:s31] =	ssyncset.done $0x0;
	(pc) =	sbr.rel @p1 .LBB2_12-.Ltmp5, $4  }
0x1e2: {  	s21 =	sadd.s32 $0x80, s21;
	s25 =	sadd.s32 $0x2800, s25;
	[sflag:s31] =	ssyncadd.s32 $0xFFFFE000  }
0x1e3: {  	[spmem:s3] =	stream.indirect.scatter.add.f32 [tilespmem:s25], [sflag:$0x5], $0x40, s28, s12, $0xb8;
	[tilespmem:$0x1F200] =	vst v63  }
0x1e4: {  	s26 =	sadd.s32 $0xFFFFFFFD, s22;
	s24 =	sadd.s32 $0x80, s24;
	_ =	swait.ge [sflag:s10], $0x2000  }
0x1e5: {  	p0 =	sgt.u32 s26, $0x24;
	s25 =	sand.u32 $0x3, s26;
	[sflag:s10] =	ssyncset.done $0x0  }
0x1e6: {  	s22 =	sand.u32 @!p0 $0x3, s22  }
0x1e7: {  	[sflag:s10] =	ssyncadd.s32 $0xFFFFE000;
	s26 =	simm.s32 @!p0 $0x80;
	s23 =	sshll.u32 @!p0 s22, $0xD  }
0x1e8: {  	s28 =	sadd.s32 $0x1, s25;
	s22 =	sadd.s32 @!p0 $0x1, s22;
	s23 =	sadd.s32 @!p0 $0x2800, s23  }
0x1e9: {  	[tilespmem:s23], [sflag:s22] =	stream.indirect.gather @!p0 [spmem:s1], $0x40, s24, s26, $0xb8;
	[tilespmem:$0x1F200] =	vst v63  }
0x1ea: {  	_ =	swait.ge [sflag:s28], $0x2000  }
0x1eb: {  	s26 =	sshll.u32 s25, $0xD;
	[sflag:s28] =	ssyncset.done $0x0  }
0x1ec: {  	s22 =	sadd.s32 $0x2800, s26;
	[sflag:s28] =	ssyncadd.s32 $0xFFFFE000  }
0x1ed: {  	[spmem:s3] =	stream.indirect.scatter.add.f32 [tilespmem:s22], [sflag:$0x5], $0x40, s21, s12, $0xb8;
	[tilespmem:$0x1F200] =	vst v63  }
0x1ee: {  	_ =	swait.ge [sflag:s10], $0x2000  }
0x1ef: {  	[sflag:s10] =	ssyncset.done $0x0  }
0x1f0: {  	s28 =	rddreg [dreg:$0x14];
	[sflag:s10] =	ssyncadd.s32 $0xFFFFE000  }
0x1f1: {  	[tilespmem:s4], [sflag:$0x5] =	stream.linear.gather [hbm4b:s28+s4], $0x1400, $0x38;
	[tilespmem:$0x1F200] =	vst v63  }
0x1f2: {  	_ =	swait.ge [sflag:s10], $0x1400  }
0x1f3: {  	[sflag:s10] =	ssyncset.done $0x0  }
0x1f4: {  	s24 =	simm.s32 $0x1400;
	s29 =	rddreg [dreg:$0x15];
	[sflag:s10] =	ssyncadd.s32 $0xFFFFEC00  }
0x1f5: {  	[tilespmem:s24], [sflag:$0x5] =	stream.linear.gather [hbm4b:s29+s4], $0x1400, $0x38;
	[tilespmem:$0x1F200] =	vst v63  }
0x1f6: {  	_ =	swait.ge [sflag:s10], $0x1400  }
0x1f7: {  	s30 =	simm.s32 $0x0;
	[sflag:s10] =	ssyncset.done $0x0  }
0x1f8: {  	p0 =	por $0x0, $0x0;
	s21 =	simm.s32 $0x3;
	[sflag:s10] =	ssyncadd.s32 $0xFFFFEC00  }
0x1f9: {  	[tilespmem:s13], [sflag:$0x1] =	stream.indirect.gather [spmem:s1], $0x40, s4, s12, $0xb8;
	[tilespmem:$0x1F200] =	vst v63  }
0x1fa: {  	s31 =	sand.u32 $0x3, s30;
	s21 =	sand.u32 @!p0 $0x3, s21  }
0x1fb: {  	[tilespmem:s14], [sflag:$0x2] =	stream.indirect.gather [spmem:s1], $0x40, s12, s12, $0xb8;
	[tilespmem:$0x1F200] =	vst v63  }
0x1fc: {  	s26 =	simm.s32 @!p0 $0x80;
	s22 =	simm.s32 $0x180;
	s23 =	sshll.u32 @!p0 s21, $0xD  }
0x1fd: {  	[tilespmem:s17], [sflag:$0x3] =	stream.indirect.gather [spmem:s1], $0x40, s16, s12, $0xb8;
	[tilespmem:$0x1F200] =	vst v63  }
0x1fe: {  	s21 =	sadd.s32 @!p0 $0x1, s21;
	s23 =	sadd.s32 @!p0 $0x2800, s23;
	s29 =	sadd.s32 $0x1, s31  }
0x1ff: {  	[tilespmem:s23], [sflag:s21] =	stream.indirect.gather @!p0 [spmem:s1], $0x40, s22, s26, $0xb8;
	[tilespmem:$0x1F200] =	vst v63  }
0x200: {  	s30 =	sshll.u32 s31, $0xD;
	_ =	swait.ge [sflag:s29], $0x2000  }
0x201: {  	s25 =	sadd.s32 $0x2800, s30;
	s31 =	simm.s32 $0x1;
	[sflag:s29] =	ssyncset.done $0x0  }
0x202: {  	s22 =	simm.s32 $0x4;
	s23 =	simm.s32 $0x5;
	[sflag:s29] =	ssyncadd.s32 $0xFFFFE000  }
0x203: {  	[spmem:s3] =	stream.indirect.scatter.add.f32 [tilespmem:s25], [sflag:$0x5], $0x40, s24, s12, $0xb8;
	[tilespmem:$0x1F200] =	vst v63  }
0x204: {  	s21 =	simm.s32 $0x1480;
	p0 =	por $0x0, $0x0;
	_ =	swait.ge [sflag:s10], $0x2000  }
0x205: {  	s24 =	simm.s32 $0x200;
	s25 =	sand.u32 $0x3, s31;
	[sflag:s10] =	ssyncset.done $0x0  }
.LBB2_14:
0x206: {  	s26 =	sand.u32 @!p0 $0x3, s22;
	[sflag:s10] =	ssyncadd.s32 $0xFFFFE000  }
0x207: {  	s22 =	smov.u32 s23;
	s23 =	sadd.s32 $0x1, s23;
	s28 =	smov.u32 s21  }
0x208: {  	p1 =	sne.s32 s23, $0x2B;
	s29 =	sshll.u32 @!p0 s26, $0xD;
	s26 =	sadd.s32 @!p0 $0x1, s26  }
0x209: {  	s30 =	simm.s32 @!p0 $0x80;
	s31 =	sadd.s32 $0x1, s25;
	s29 =	sadd.s32 @!p0 $0x2800, s29  }
0x20a: {  	[tilespmem:s29], [sflag:s26] =	stream.indirect.gather @!p0 [spmem:s1], $0x40, s24, s30, $0xb8;
	[tilespmem:$0x1F200] =	vst v63  }
0x20b: {  	_ =	swait.ge [sflag:s31], $0x2000  }
.Ltmp6:
0x20c: {  	s25 =	sshll.u32 s25, $0xD;
	[sflag:s31] =	ssyncset.done $0x0;
	(pc) =	sbr.rel @p1 .LBB2_14-.Ltmp6, $4  }
0x20d: {  	s21 =	sadd.s32 $0x80, s21;
	s25 =	sadd.s32 $0x2800, s25;
	[sflag:s31] =	ssyncadd.s32 $0xFFFFE000  }
0x20e: {  	[spmem:s3] =	stream.indirect.scatter.add.f32 [tilespmem:s25], [sflag:$0x5], $0x40, s28, s12, $0xb8;
	[tilespmem:$0x1F200] =	vst v63  }
0x20f: {  	s26 =	sadd.s32 $0xFFFFFFFD, s22;
	s24 =	sadd.s32 $0x80, s24;
	_ =	swait.ge [sflag:s10], $0x2000  }
0x210: {  	p0 =	sgt.u32 s26, $0x24;
	s25 =	sand.u32 $0x3, s26;
	[sflag:s10] =	ssyncset.done $0x0  }
0x211: {  	s22 =	sand.u32 @!p0 $0x3, s22  }
0x212: {  	[sflag:s10] =	ssyncadd.s32 $0xFFFFE000;
	s23 =	sshll.u32 @!p0 s22, $0xD  }
0x213: {  	s26 =	simm.s32 @!p0 $0x80;
	s22 =	sadd.s32 @!p0 $0x1, s22;
	s23 =	sadd.s32 @!p0 $0x2800, s23  }
0x214: {  	[tilespmem:s23], [sflag:s22] =	stream.indirect.gather @!p0 [spmem:s1], $0x40, s24, s26, $0xb8;
	[tilespmem:$0x1F200] =	vst v63  }
0x215: {  	s24 =	sadd.s32 $0x1, s25  }
0x216: {  	_ =	swait.ge [sflag:s24], $0x2000  }
0x217: {  	s26 =	sshll.u32 s25, $0xD;
	[sflag:s24] =	ssyncset.done $0x0  }
0x218: {  	s23 =	sadd.s32 $0x2800, s26;
	[sflag:s24] =	ssyncadd.s32 $0xFFFFE000  }
0x219: {  	[spmem:s3] =	stream.indirect.scatter.add.f32 [tilespmem:s23], [sflag:$0x5], $0x40, s21, s12, $0xb8;
	[tilespmem:$0x1F200] =	vst v63  }
0x21a: {  	_ =	swait.ge [sflag:s10], $0x2000  }
0x21b: {  	[sflag:s10] =	ssyncset.done $0x0  }
0x21c: {  	[sflag:s10] =	ssyncadd.s32 $0xFFFFE000  }
0x21d: {  	[bflag:$0x0] =	sbarrier.arrive $0xFFFF  }
0x21e: {  	s28 =	rddreg [dreg:$0xc]  }
0x21f: {  	[hbm:s28], [sflag:s7] =	dma.local [spmem:s20], $0x1400  }
0x220: {  	_ =	swait.ge [sflag:s10], $0x1400  }
0x221: {  	[sflag:s10] =	ssyncset.done $0x0  }
0x222: {  	[sflag:s10] =	ssyncadd.s32 $0xFFFFEC00  }
0x223: {  	[bflag:$0x0] =	sbarrier.arrive $0xFFFF  }
0x224: {  	s29 =	rddreg [dreg:$0xd]  }
0x225: {  	[spmem:s19], [sflag:s7] =	dma.local [hbm:s29], $0x1400  }
0x226: {  	_ =	swait.ge [sflag:s10], $0x1400  }
0x227: {  	[sflag:s10] =	ssyncset.done $0x0  }
0x228: {  	[sflag:s10] =	ssyncadd.s32 $0xFFFFEC00  }
0x229: {  	[spmem:s15] =	stream.linear.scatter [tilespmem:s11], [sflag:$0x5], $0xA00, $0x38;
	[tilespmem:$0x1F200] =	vst v63  }
0x22a: {  	_ =	swait.ge [sflag:s10], $0xA00  }
0x22b: {  	[sflag:s10] =	ssyncset.done $0x0  }
0x22c: {  	[sflag:s10] =	ssyncadd.s32 $0xFFFFF600  }
0x22d: {  	[spmem:s0] =	stream.linear.scatter [tilespmem:s11], [sflag:$0x5], $0xA00, $0x38;
	[tilespmem:$0x1F200] =	vst v63  }
0x22e: {  	_ =	swait.ge [sflag:s10], $0xA00  }
0x22f: {  	[sflag:s10] =	ssyncset.done $0x0  }
0x230: {  	s30 =	rddreg [dreg:$0x10];
	[sflag:s10] =	ssyncadd.s32 $0xFFFFF600  }
0x231: {  	[spmem:s30] =	stream.linear.scatter [tilespmem:s11], [sflag:$0x5], $0xA00, $0x38;
	[tilespmem:$0x1F200] =	vst v63  }
0x232: {  	_ =	swait.ge [sflag:s10], $0xA00  }
0x233: {  	[sflag:s10] =	ssyncset.done $0x0  }
0x234: {  	s19 =	rddreg [dreg:$0x11];
	[sflag:s10] =	ssyncadd.s32 $0xFFFFF600  }
0x235: {  	[spmem:s19] =	stream.linear.scatter [tilespmem:s11], [sflag:$0x5], $0xA00, $0x38;
	[tilespmem:$0x1F200] =	vst v63  }
0x236: {  	_ =	swait.ge [sflag:s10], $0xA00  }
0x237: {  	[sflag:s10] =	ssyncset.done $0x0  }
0x238: {  	s21 =	rddreg [dreg:$0x16];
	[sflag:s10] =	ssyncadd.s32 $0xFFFFF600  }
0x239: {  	[spmem:s21] =	stream.linear.scatter [tilespmem:s11], [sflag:$0x5], $0xA00, $0x38;
	[tilespmem:$0x1F200] =	vst v63  }
0x23a: {  	_ =	swait.ge [sflag:s10], $0xA00  }
0x23b: {  	[sflag:s10] =	ssyncset.done $0x0  }
0x23c: {  	s22 =	rddreg [dreg:$0x17];
	[sflag:s10] =	ssyncadd.s32 $0xFFFFF600  }
0x23d: {  	[spmem:s22] =	stream.linear.scatter [tilespmem:s11], [sflag:$0x5], $0xA00, $0x38;
	[tilespmem:$0x1F200] =	vst v63  }
0x23e: {  	_ =	swait.ge [sflag:s10], $0xA00  }
0x23f: {  	[sflag:s10] =	ssyncset.done $0x0  }
0x240: {  	s23 =	rddreg [dreg:$0x18];
	[sflag:s10] =	ssyncadd.s32 $0xFFFFF600  }
0x241: {  	[spmem:s23] =	stream.linear.scatter [tilespmem:s11], [sflag:$0x5], $0xA00, $0x38;
	[tilespmem:$0x1F200] =	vst v63  }
0x242: {  	_ =	swait.ge [sflag:s10], $0xA00  }
0x243: {  	[sflag:s10] =	ssyncset.done $0x0  }
0x244: {  	s24 =	rddreg [dreg:$0x19];
	[sflag:s10] =	ssyncadd.s32 $0xFFFFF600  }
0x245: {  	[spmem:s24] =	stream.linear.scatter [tilespmem:s11], [sflag:$0x5], $0xA00, $0x38;
	[tilespmem:$0x1F200] =	vst v63  }
0x246: {  	_ =	swait.ge [sflag:s10], $0xA00  }
0x247: {  	[sflag:s10] =	ssyncset.done $0x0  }
0x248: {  	s25 =	rddreg [dreg:$0x1a];
	[sflag:s10] =	ssyncadd.s32 $0xFFFFF600  }
0x249: {  	[spmem:s25] =	stream.linear.scatter [tilespmem:s11], [sflag:$0x5], $0xA00, $0x38;
	[tilespmem:$0x1F200] =	vst v63  }
0x24a: {  	_ =	swait.ge [sflag:s10], $0xA00  }
0x24b: {  	[sflag:s10] =	ssyncset.done $0x0  }
0x24c: {  	s26 =	rddreg [dreg:$0x1b];
	[sflag:s10] =	ssyncadd.s32 $0xFFFFF600  }
0x24d: {  	[spmem:s26] =	stream.linear.scatter [tilespmem:s11], [sflag:$0x5], $0xA00, $0x38;
	[tilespmem:$0x1F200] =	vst v63  }
0x24e: {  	_ =	swait.ge [sflag:s10], $0xA00  }
0x24f: {  	[sflag:s10] =	ssyncset.done $0x0  }
0x250: {  	s28 =	rddreg [dreg:$0x1c];
	[sflag:s10] =	ssyncadd.s32 $0xFFFFF600  }
0x251: {  	[spmem:s28] =	stream.linear.scatter [tilespmem:s11], [sflag:$0x5], $0xA00, $0x38;
	[tilespmem:$0x1F200] =	vst v63  }
0x252: {  	_ =	swait.ge [sflag:s10], $0xA00  }
0x253: {  	[sflag:s10] =	ssyncset.done $0x0  }
0x254: {  	[sflag:s10] =	ssyncadd.s32 $0xFFFFF600  }
0x255: {  	[spmem:s2] =	stream.linear.scatter [tilespmem:s11], [sflag:$0x5], $0xA00, $0x38;
	[tilespmem:$0x1F200] =	vst v63  }
0x256: {  	_ =	swait.ge [sflag:s10], $0xA00  }
0x257: {  	[sflag:s10] =	ssyncset.done $0x0  }
0x258: {  	[sflag:s10] =	ssyncadd.s32 $0xFFFFF600  }
0x259: {  	[spmem:s5] =	stream.linear.scatter [tilespmem:s11], [sflag:$0x5], $0xA00, $0x38;
	[tilespmem:$0x1F200] =	vst v63  }
0x25a: {  	_ =	swait.ge [sflag:s10], $0xA00  }
0x25b: {  	[sflag:s10] =	ssyncset.done $0x0  }
0x25c: {  	[sflag:s10] =	ssyncadd.s32 $0xFFFFF600  }
0x25d: {  	[spmem:s6] =	stream.linear.scatter [tilespmem:s11], [sflag:$0x5], $0xA00, $0x38;
	[tilespmem:$0x1F200] =	vst v63  }
0x25e: {  	_ =	swait.ge [sflag:s10], $0xA00  }
0x25f: {  	[sflag:s10] =	ssyncset.done $0x0  }
0x260: {  	[sflag:s10] =	ssyncadd.s32 $0xFFFFF600  }
0x261: {  	[spmem:s8] =	stream.linear.scatter [tilespmem:s11], [sflag:$0x5], $0xA00, $0x38;
	[tilespmem:$0x1F200] =	vst v63  }
0x262: {  	_ =	swait.ge [sflag:s10], $0xA00  }
0x263: {  	[sflag:s10] =	ssyncset.done $0x0  }
0x264: {  	[sflag:s10] =	ssyncadd.s32 $0xFFFFF600  }
0x265: {  	[spmem:s9] =	stream.linear.scatter [tilespmem:s11], [sflag:$0x5], $0xA00, $0x38;
	[tilespmem:$0x1F200] =	vst v63  }
0x266: {  	_ =	swait.ge [sflag:s10], $0xA00  }
0x267: {  	[sflag:s10] =	ssyncset.done $0x0  }
0x268: {  	[sflag:s10] =	ssyncadd.s32 $0xFFFFF600  }
0x269: {  	[bflag:$0x0] =	sbarrier.arrive $0xFFFF  }
0x26a: {  	s29 =	rddreg [dreg:$0x12]  }
0x26b: {  	[tilespmem:s4], [sflag:$0x5] =	stream.linear.gather [hbm4b:s29+s4], $0x1400, $0x38;
	[tilespmem:$0x1F200] =	vst v63  }
0x26c: {  	_ =	swait.ge [sflag:s10], $0x1400  }
0x26d: {  	[sflag:s10] =	ssyncset.done $0x0  }
0x26e: {  	s30 =	simm.s32 $0x1400;
	s25 =	rddreg [dreg:$0x13];
	[sflag:s10] =	ssyncadd.s32 $0xFFFFEC00  }
0x26f: {  	[tilespmem:s30], [sflag:$0x5] =	stream.linear.gather [hbm4b:s25+s4], $0x1400, $0x38;
	[tilespmem:$0x1F200] =	vst v63  }
0x270: {  	_ =	swait.ge [sflag:s10], $0x1400  }
0x271: {  	[sflag:s10] =	ssyncset.done $0x0  }
0x272: {  	p0 =	por $0x0, $0x0;
	s19 =	simm.s32 $0x3;
	[sflag:s10] =	ssyncadd.s32 $0xFFFFEC00  }
0x273: {  	[tilespmem:s13], [sflag:$0x1] =	stream.indirect.gather [spmem:s1], $0x40, s4, s12, $0xb8;
	[tilespmem:$0x1F200] =	vst v63  }
0x274: {  	s19 =	sand.u32 @!p0 $0x3, s19  }
0x275: {  	[tilespmem:s14], [sflag:$0x2] =	stream.indirect.gather [spmem:s1], $0x40, s12, s12, $0xb8;
	[tilespmem:$0x1F200] =	vst v63  }
0x276: {  	s21 =	simm.s32 $0x180;
	s22 =	sshll.u32 @!p0 s19, $0xD;
	s19 =	sadd.s32 @!p0 $0x1, s19  }
0x277: {  	[tilespmem:s17], [sflag:$0x3] =	stream.indirect.gather [spmem:s1], $0x40, s16, s12, $0xb8;
	[tilespmem:$0x1F200] =	vst v63  }
0x278: {  	s22 =	sadd.s32 @!p0 $0x2800, s22;
	s24 =	simm.s32 @!p0 $0x80;
	s26 =	simm.s32 $0x0  }
0x279: {  	[tilespmem:s22], [sflag:s19] =	stream.indirect.gather @!p0 [spmem:s1], $0x40, s21, s24, $0xb8;
	[tilespmem:$0x1F200] =	vst v63  }
0x27a: {  	s19 =	sand.u32 $0x3, s26  }
0x27b: {  	s28 =	sadd.s32 $0x1, s19  }
0x27c: {  	s31 =	smov.u32 s0;
	s23 =	simm.s32 $0x200;
	_ =	swait.ge [sflag:s28], $0x2000  }
0x27d: {  	s21 =	simm.s32 $0x4;
	s19 =	sshll.u32 s19, $0xD;
	[sflag:s28] =	ssyncset.done $0x0  }
0x27e: {  	s22 =	simm.s32 $0x5;
	s29 =	sadd.s32 $0x2800, s19;
	[sflag:s28] =	ssyncadd.s32 $0xFFFFE000  }
0x27f: {  	[spmem:s3] =	stream.indirect.scatter.add.f32 [tilespmem:s29], [sflag:$0x5], $0x40, s30, s12, $0xb8;
	[tilespmem:$0x1F200] =	vst v63  }
0x280: {  	p0 =	por $0x0, $0x0;
	s30 =	simm.s32 $0x1;
	_ =	swait.ge [sflag:s10], $0x2000  }
0x281: {  	s19 =	simm.s32 $0x1480;
	s24 =	sand.u32 $0x3, s30;
	[sflag:s10] =	ssyncset.done $0x0  }
.LBB2_16:
0x282: {  	s25 =	sand.u32 @!p0 $0x3, s21;
	[sflag:s10] =	ssyncadd.s32 $0xFFFFE000  }
0x283: {  	s21 =	smov.u32 s22;
	s22 =	sadd.s32 $0x1, s22;
	s26 =	smov.u32 s19  }
0x284: {  	p1 =	sne.s32 s22, $0x2B;
	s28 =	sshll.u32 @!p0 s25, $0xD;
	s25 =	sadd.s32 @!p0 $0x1, s25  }
0x285: {  	s29 =	simm.s32 @!p0 $0x80;
	s30 =	sadd.s32 $0x1, s24;
	s28 =	sadd.s32 @!p0 $0x2800, s28  }
0x286: {  	[tilespmem:s28], [sflag:s25] =	stream.indirect.gather @!p0 [spmem:s1], $0x40, s23, s29, $0xb8;
	[tilespmem:$0x1F200] =	vst v63  }
0x287: {  	_ =	swait.ge [sflag:s30], $0x2000  }
.Ltmp7:
0x288: {  	s24 =	sshll.u32 s24, $0xD;
	[sflag:s30] =	ssyncset.done $0x0;
	(pc) =	sbr.rel @p1 .LBB2_16-.Ltmp7, $4  }
0x289: {  	s19 =	sadd.s32 $0x80, s19;
	s24 =	sadd.s32 $0x2800, s24;
	[sflag:s30] =	ssyncadd.s32 $0xFFFFE000  }
0x28a: {  	[spmem:s3] =	stream.indirect.scatter.add.f32 [tilespmem:s24], [sflag:$0x5], $0x40, s26, s12, $0xb8;
	[tilespmem:$0x1F200] =	vst v63  }
0x28b: {  	s25 =	sadd.s32 $0xFFFFFFFD, s21;
	s23 =	sadd.s32 $0x80, s23;
	_ =	swait.ge [sflag:s10], $0x2000  }
0x28c: {  	p0 =	sgt.u32 s25, $0x24;
	s24 =	sand.u32 $0x3, s25;
	[sflag:s10] =	ssyncset.done $0x0  }
0x28d: {  	s21 =	sand.u32 @!p0 $0x3, s21  }
0x28e: {  	[sflag:s10] =	ssyncadd.s32 $0xFFFFE000;
	s25 =	simm.s32 @!p0 $0x80;
	s22 =	sshll.u32 @!p0 s21, $0xD  }
0x28f: {  	s26 =	sadd.s32 $0x1, s24;
	s21 =	sadd.s32 @!p0 $0x1, s21;
	s22 =	sadd.s32 @!p0 $0x2800, s22  }
0x290: {  	[tilespmem:s22], [sflag:s21] =	stream.indirect.gather @!p0 [spmem:s1], $0x40, s23, s25, $0xb8;
	[tilespmem:$0x1F200] =	vst v63  }
0x291: {  	_ =	swait.ge [sflag:s26], $0x2000  }
0x292: {  	s29 =	sshll.u32 s24, $0xD;
	[sflag:s26] =	ssyncset.done $0x0  }
0x293: {  	s21 =	sadd.s32 $0x2800, s29;
	[sflag:s26] =	ssyncadd.s32 $0xFFFFE000  }
0x294: {  	[spmem:s3] =	stream.indirect.scatter.add.f32 [tilespmem:s21], [sflag:$0x5], $0x40, s19, s12, $0xb8;
	[tilespmem:$0x1F200] =	vst v63  }
0x295: {  	_ =	swait.ge [sflag:s10], $0x2000  }
0x296: {  	[sflag:s10] =	ssyncset.done $0x0  }
0x297: {  	s0 =	rddreg [dreg:$0x14];
	[sflag:s10] =	ssyncadd.s32 $0xFFFFE000  }
0x298: {  	[tilespmem:s4], [sflag:$0x5] =	stream.linear.gather [hbm4b:s0+s4], $0x1400, $0x38;
	[tilespmem:$0x1F200] =	vst v63  }
0x299: {  	_ =	swait.ge [sflag:s10], $0x1400  }
0x29a: {  	[sflag:s10] =	ssyncset.done $0x0  }
0x29b: {  	s30 =	simm.s32 $0x1400;
	s24 =	rddreg [dreg:$0x15];
	[sflag:s10] =	ssyncadd.s32 $0xFFFFEC00  }
0x29c: {  	[tilespmem:s30], [sflag:$0x5] =	stream.linear.gather [hbm4b:s24+s4], $0x1400, $0x38;
	[tilespmem:$0x1F200] =	vst v63  }
0x29d: {  	_ =	swait.ge [sflag:s10], $0x1400  }
0x29e: {  	p0 =	por $0x0, $0x0;
	[sflag:s10] =	ssyncset.done $0x0  }
0x29f: {  	s25 =	simm.s32 $0x0;
	s19 =	simm.s32 $0x3;
	[sflag:s10] =	ssyncadd.s32 $0xFFFFEC00  }
0x2a0: {  	[tilespmem:s13], [sflag:$0x1] =	stream.indirect.gather [spmem:s1], $0x40, s4, s12, $0xb8;
	[tilespmem:$0x1F200] =	vst v63  }
0x2a1: {  	s26 =	sand.u32 $0x3, s25;
	s19 =	sand.u32 @!p0 $0x3, s19  }
0x2a2: {  	[tilespmem:s14], [sflag:$0x2] =	stream.indirect.gather [spmem:s1], $0x40, s12, s12, $0xb8;
	[tilespmem:$0x1F200] =	vst v63  }
0x2a3: {  	s25 =	simm.s32 @!p0 $0x80;
	s21 =	simm.s32 $0x180;
	s22 =	sshll.u32 @!p0 s19, $0xD  }
0x2a4: {  	[tilespmem:s17], [sflag:$0x3] =	stream.indirect.gather [spmem:s1], $0x40, s16, s12, $0xb8;
	[tilespmem:$0x1F200] =	vst v63  }
0x2a5: {  	s28 =	sadd.s32 $0x1, s26;
	s19 =	sadd.s32 @!p0 $0x1, s19;
	s22 =	sadd.s32 @!p0 $0x2800, s22  }
0x2a6: {  	[tilespmem:s22], [sflag:s19] =	stream.indirect.gather @!p0 [spmem:s1], $0x40, s21, s25, $0xb8;
	[tilespmem:$0x1F200] =	vst v63  }
0x2a7: {  	s29 =	sshll.u32 s26, $0xD;
	_ =	swait.ge [sflag:s28], $0x2000  }
0x2a8: {  	s23 =	simm.s32 $0x200;
	s24 =	sadd.s32 $0x2800, s29;
	[sflag:s28] =	ssyncset.done $0x0  }
0x2a9: {  	s21 =	simm.s32 $0x4;
	s22 =	simm.s32 $0x5;
	[sflag:s28] =	ssyncadd.s32 $0xFFFFE000  }
0x2aa: {  	[spmem:s3] =	stream.indirect.scatter.add.f32 [tilespmem:s24], [sflag:$0x5], $0x40, s30, s12, $0xb8;
	[tilespmem:$0x1F200] =	vst v63  }
0x2ab: {  	s19 =	simm.s32 $0x1480;
	s30 =	simm.s32 $0x1;
	_ =	swait.ge [sflag:s10], $0x2000  }
0x2ac: {  	p0 =	por $0x0, $0x0;
	s24 =	sand.u32 $0x3, s30;
	[sflag:s10] =	ssyncset.done $0x0  }
.LBB2_18:
0x2ad: {  	s25 =	sand.u32 @!p0 $0x3, s21;
	[sflag:s10] =	ssyncadd.s32 $0xFFFFE000  }
0x2ae: {  	s21 =	smov.u32 s22;
	s22 =	sadd.s32 $0x1, s22;
	s26 =	smov.u32 s19  }
0x2af: {  	p1 =	sne.s32 s22, $0x2B;
	s28 =	sshll.u32 @!p0 s25, $0xD;
	s25 =	sadd.s32 @!p0 $0x1, s25  }
0x2b0: {  	s29 =	simm.s32 @!p0 $0x80;
	s30 =	sadd.s32 $0x1, s24;
	s28 =	sadd.s32 @!p0 $0x2800, s28  }
0x2b1: {  	[tilespmem:s28], [sflag:s25] =	stream.indirect.gather @!p0 [spmem:s1], $0x40, s23, s29, $0xb8;
	[tilespmem:$0x1F200] =	vst v63  }
0x2b2: {  	_ =	swait.ge [sflag:s30], $0x2000  }
.Ltmp8:
0x2b3: {  	s24 =	sshll.u32 s24, $0xD;
	[sflag:s30] =	ssyncset.done $0x0;
	(pc) =	sbr.rel @p1 .LBB2_18-.Ltmp8, $4  }
0x2b4: {  	s19 =	sadd.s32 $0x80, s19;
	s24 =	sadd.s32 $0x2800, s24;
	[sflag:s30] =	ssyncadd.s32 $0xFFFFE000  }
0x2b5: {  	[spmem:s3] =	stream.indirect.scatter.add.f32 [tilespmem:s24], [sflag:$0x5], $0x40, s26, s12, $0xb8;
	[tilespmem:$0x1F200] =	vst v63  }
0x2b6: {  	s25 =	sadd.s32 $0xFFFFFFFD, s21;
	s23 =	sadd.s32 $0x80, s23;
	_ =	swait.ge [sflag:s10], $0x2000  }
0x2b7: {  	p0 =	sgt.u32 s25, $0x24;
	s24 =	sand.u32 $0x3, s25;
	[sflag:s10] =	ssyncset.done $0x0  }
0x2b8: {  	s21 =	sand.u32 @!p0 $0x3, s21  }
0x2b9: {  	[sflag:s10] =	ssyncadd.s32 $0xFFFFE000;
	s25 =	simm.s32 @!p0 $0x80;
	s22 =	sshll.u32 @!p0 s21, $0xD  }
0x2ba: {  	s26 =	sadd.s32 $0x1, s24;
	s21 =	sadd.s32 @!p0 $0x1, s21;
	s22 =	sadd.s32 @!p0 $0x2800, s22  }
0x2bb: {  	[tilespmem:s22], [sflag:s21] =	stream.indirect.gather @!p0 [spmem:s1], $0x40, s23, s25, $0xb8;
	[tilespmem:$0x1F200] =	vst v63  }
0x2bc: {  	_ =	swait.ge [sflag:s26], $0x2000  }
0x2bd: {  	s28 =	sshll.u32 s24, $0xD;
	[sflag:s26] =	ssyncset.done $0x0  }
0x2be: {  	s21 =	sadd.s32 $0x2800, s28;
	[sflag:s26] =	ssyncadd.s32 $0xFFFFE000  }
0x2bf: {  	[spmem:s3] =	stream.indirect.scatter.add.f32 [tilespmem:s21], [sflag:$0x5], $0x40, s19, s12, $0xb8;
	[tilespmem:$0x1F200] =	vst v63  }
0x2c0: {  	_ =	swait.ge [sflag:s10], $0x2000  }
0x2c1: {  	[sflag:s10] =	ssyncset.done $0x0  }
0x2c2: {  	[sflag:s10] =	ssyncadd.s32 $0xFFFFE000  }
0x2c3: {  	[bflag:$0x0] =	sbarrier.arrive $0xFFFF  }
0x2c4: {  	s29 =	rddreg [dreg:$0xe]  }
0x2c5: {  	[hbm:s29], [sflag:s7] =	dma.local [spmem:s20], $0x1400  }
0x2c6: {  	_ =	swait.ge [sflag:s10], $0x1400  }
0x2c7: {  	s18 =	sadd.s32 $0x1, s18;
	s30 =	rddreg [dreg:$0xf]  }
0x2c8: {  	p0 =	sne.s32 s18, s30  }
.Ltmp9:
0x2c9: {  	_ = 	snop;
	(pc) =	sbr.rel @p0 .LBB2_1-.Ltmp9, $3  }
0x2ca: {  	[sflag:s10] =	ssyncset.done $0x0  }
0x2cb: {  	[sflag:s10] =	ssyncadd.s32 $0xFFFFEC00  }
0x2cc: {  	[bflag:$0x0] =	sbarrier.arrive $0xFFFF;
	_ =	sdelay $0x1  }
0x2cd: {  	_ =	sfence.sel $0x180000  }
0x2ce: {  	[bflag:$0x0] =	sbarrier.arrive $0xFFFF  }
0x2cf: {  	_ =	strace $0x9000004A  }
0x2d0: {  	s0 =	stileid.u32;
	[bflag:$0x2] =	sbarrier.arrive $0xFFFF  }
0x2d1: {  	p0 =	sne.s32 s0, $0x0;
	s0 =	rddreg [dreg:$0x4]  }
0x2d2: {  	s0 =	sadd.s32 @!p0 $0x100000, s0  }
0x2d3: {  	[sflag:s0] =	ssyncadd.tile.s32 @!p0 $0x1;
	_ =	shalt  }
.Lfunc_end2:
_tile_overlayer_lowered:
.L_overlay_start_2:
0x2d4: {  	(tag) =	ssettag $0x2  }
0x2d5: {  	s0 =	rddreg [dreg:$0x0];
	s2 =	stileid.u32  }
0x2d6: {  	s1 =	rddreg [dreg:$0x1];
	p0 =	sne.s32 s2, $0x0  }
0x2d7: {  	s3 =	rddreg [dreg:$0x2];
	[bflag:$0x3] =	sbarrier.arrive $0xFFFF;
	s2 =	simm.s32 @!p0 $0x1C05  }
0x2d8: {  	[timem:s3], [sflag:s2] =	dma.local @!p0 [hbm:s0], s1  }
0x2d9: {  	s0 =	simm.s32 @!p0 $0x5  }
0x2da: {  	_ =	swait.ge @!p0 [sflag:s0], s1  }
0x2db: {  	s1 =	ssub.s32 @!p0 $0x0, s1;
	[sflag:s0] =	ssyncset.done @!p0 $0x0  }
0x2dc: {  	[sflag:s0] =	ssyncadd.s32 @!p0 s1  }
0x2dd: {  	[bflag:$0x3] =	sbarrier.arrive $0xFFFF  }
0x2de: {  	_ =	shalt  }

// kernel: kernel.14.cloned.1.call-start
scs
__scs_entry_jumppad:
0x0: {  	(pc) =	sbr.rel $0x88, $3  }
0x1: {  	(tag) =	ssettag $0x0;
	lr =	simm.s32 $0x1  }
0x2: {  	[smem:$0x3F9A] =	sst lr;
	_ =	strace $0xD0000000  }
0x3: {  	_ = 	snop  }
0x4: {  	_ = 	snop  }
0x5: {  	_ = 	snop  }
0x6: {  	_ = 	snop  }
0x7: {  	_ = 	snop  }
__scs_overlays_trampoline_lowered:
0x8: {  	[smem:$0x3FA9] =	sst s0  }
0x9: {  	[smem:$0x3FAA] =	sst s1  }
0xa: {  	[smem:$0x3FAB] =	sst s2  }
0xb: {  	[smem:$0x3FAC] =	sst s3  }
0xc: {  	[smem:$0x3FAD] =	sst s4  }
0xd: {  	[smem:$0x3FAE] =	sst s5  }
0xe: {  	[smem:$0x3FAF] =	sst s6  }
0xf: {  	[smem:$0x3FB0] =	sst s7  }
0x10: {  	[smem:$0x3FB1] =	sst s8  }
0x11: {  	[smem:$0x3FB2] =	sst s9;
	s0 =	simm.s32 @!p0 $0x0  }
0x12: {  	s1 =	sld [smem:$0x3F98];
	s0 =	simm.s32 @p0 $0x1  }
0x13: {  	[smem:$0x3FB3] =	sst s0;
	s0 =	simm.s32 @!p1 $0x0  }
0x14: {  	s2 =	sld [smem:$0x3F97];
	s0 =	simm.s32 @p1 $0x1  }
0x15: {  	[smem:$0x3FB4] =	sst s0;
	s0 =	simm.s32 @!p2 $0x0  }
0x16: {  	s3 =	sld [smem:$0x3FDB];
	s0 =	simm.s32 @p2 $0x1  }
0x17: {  	s4 =	simm.s32 $0x1BF5;
	[smem:$0x3FB6] =	sst s0  }
0x18: {  	s0 =	sld [smem:$0x3F99];
	_ =	swait.ge [sflag:s4], $0x0  }
0x19: {  	s7 =	sld [smem:$0x3F9A]  }
0x1a: {  	s8 =	sadd.s32 $0xFFFFE003, lr  }
0x1b: {  	s9 =	sadd.s32 $0xFFFFFEF7, lr;
	s5 =	simm.s32 $0xFFFFFFFF;
	p2 =	slt.u32 s8, $0xFFFFF086  }
0x1c: {  	p1 =	slt.u32 s9, $0xF7A;
	s5 =	simm.s32 @!p2 $0x0  }
0x1d: {  	s5 =	simm.s32 @p1 $0x1;
	p0 =	seq.s32 s7, s2  }
0x1e: {  	s7 =	smul.u32 @!p0 $0xF7A, s2;
	p2 =	seq.s32 @!p0 s5, $0x0  }
0x1f: {  	s9 =	smul.u32 $0xF7A, s1;
	s8 =	simm.s32 @!p0 $0x1BF5;
	p2 =	por !p2, p0  }
0x20: {  	[sflag:s8] =	ssyncset.s32 @!p0 $0xFFFFF086;
	s6 =	sadd.s32 @!p0 s3, s7;
	s7 =	simm.s32 @!p0 $0x108  }
0x21: {  	s3 =	sadd.s32 s3, s9;
	s6 =	sadd.s32 @!p0 $0x88, s6;
	s7 =	simm.s32 @p2 $0x1082  }
0x22: {  	[simem:s7], [sflag:s8] =	dma.local @!p0 [hbm:s6], $0xF7A  }
0x23: {  	s9 =	sor.u32 $0xD0000000, s2;
	s6 =	simm.s32 $0x108;
	_ =	swait.ge @!p0 [sflag:s8], $0x0  }
0x24: {  	s3 =	sadd.s32 $0x88, s3;
	s6 =	simm.s32 @!p1 $0x1082;
	[sflag:s4] =	ssyncset.s32 $0xFFFFF086  }
0x25: {  	[simem:s6], [sflag:s4] =	dma.local [hbm:s3], $0xF7A  }
0x26: {  	[smem:$0x3F9A] =	sst s1;
	(tag) =	ssettag s2;
	_ =	strace s9  }
0x27: {  	s1 =	sld [smem:$0x3FAA]  }
0x28: {  	s2 =	sld [smem:$0x3FAB]  }
0x29: {  	s4 =	sld [smem:$0x3FAD]  }
0x2a: {  	p0 =	seq.s32 s5, $0x0;
	s5 =	sld [smem:$0x3FAE]  }
0x2b: {  	s6 =	sld [smem:$0x3FAF]  }
0x2c: {  	s7 =	sld [smem:$0x3FB0]  }
0x2d: {  	s3 =	simm.s32 $0x108;
	s8 =	sld [smem:$0x3FB1]  }
0x2e: {  	s3 =	simm.s32 @!p0 $0x1082;
	s9 =	sld [smem:$0x3FB2]  }
0x2f: {  	lr =	sadd.s32 s0, s3;
	s0 =	sld [smem:$0x3FA9]  }
0x30: {  	s3 =	sld [smem:$0x3FAC]  }
0x31: {  	[smem:$0x3FB5] =	sst s10  }
0x32: {  	s10 =	sld [smem:$0x3FB3];
	_ =	sdelay $0x3  }
0x33: {  	p0 =	seq.s32 s10, $0x1;
	s10 =	sld [smem:$0x3FB5];
	_ =	sdelay $0x3  }
0x34: {  	[smem:$0x3FB5] =	sst s10  }
0x35: {  	s10 =	sld [smem:$0x3FB4];
	_ =	sdelay $0x3  }
0x36: {  	p1 =	seq.s32 s10, $0x1;
	s10 =	sld [smem:$0x3FB5];
	_ =	sdelay $0x3  }
0x37: {  	[smem:$0x3FB5] =	sst s10  }
0x38: {  	s10 =	sld [smem:$0x3FB6]  }
0x39: {  	_ = 	snop;
	(pc) =	sbr.ind lr, $3  }
0x3a: {  	_ = 	snop  }
0x3b: {  	_ = 	snop  }
0x3c: {  	p2 =	seq.s32 s10, $0x1;
	s10 =	sld [smem:$0x3FB5]  }
0x3d: {  	_ =	shalt  }
0x3e: {  	_ =	shalt  }
0x3f: {  	_ =	shalt  }
0x40: {  	_ =	shalt  }
0x41: {  	_ =	shalt  }
0x42: {  	_ =	shalt  }
0x43: {  	_ =	shalt  }
0x44: {  	_ =	shalt  }
0x45: {  	_ =	shalt  }
0x46: {  	_ =	shalt  }
0x47: {  	_ =	shalt  }
0x48: {  	_ =	shalt  }
0x49: {  	_ =	shalt  }
0x4a: {  	_ =	shalt  }
0x4b: {  	_ =	shalt  }
0x4c: {  	_ =	shalt  }
0x4d: {  	_ =	shalt  }
0x4e: {  	_ =	shalt  }
0x4f: {  	_ =	shalt  }
0x50: {  	_ =	shalt  }
0x51: {  	_ =	shalt  }
0x52: {  	_ =	shalt  }
0x53: {  	_ =	shalt  }
0x54: {  	_ =	shalt  }
0x55: {  	_ =	shalt  }
0x56: {  	_ =	shalt  }
0x57: {  	_ =	shalt  }
0x58: {  	_ =	shalt  }
0x59: {  	_ =	shalt  }
0x5a: {  	_ =	shalt  }
0x5b: {  	_ =	shalt  }
0x5c: {  	_ =	shalt  }
0x5d: {  	_ =	shalt  }
0x5e: {  	_ =	shalt  }
0x5f: {  	_ =	shalt  }
0x60: {  	_ =	shalt  }
0x61: {  	_ =	shalt  }
0x62: {  	_ =	shalt  }
0x63: {  	_ =	shalt  }
0x64: {  	_ =	shalt  }
0x65: {  	_ =	shalt  }
0x66: {  	_ =	shalt  }
0x67: {  	_ =	shalt  }
0x68: {  	_ =	shalt  }
0x69: {  	_ =	shalt  }
0x6a: {  	_ =	shalt  }
0x6b: {  	_ =	shalt  }
0x6c: {  	_ =	shalt  }
0x6d: {  	_ =	shalt  }
0x6e: {  	_ =	shalt  }
0x6f: {  	_ =	shalt  }
0x70: {  	_ =	shalt  }
0x71: {  	_ =	shalt  }
0x72: {  	_ =	shalt  }
0x73: {  	_ =	shalt  }
0x74: {  	_ =	shalt  }
0x75: {  	_ =	shalt  }
0x76: {  	_ =	shalt  }
0x77: {  	_ =	shalt  }
0x78: {  	_ =	shalt  }
0x79: {  	_ =	shalt  }
0x7a: {  	_ =	shalt  }
0x7b: {  	_ =	shalt  }
0x7c: {  	_ =	shalt  }
0x7d: {  	_ =	shalt  }
0x7e: {  	_ =	shalt  }
0x7f: {  	_ =	shalt  }
0x80: {  	_ =	shalt  }
0x81: {  	_ =	shalt  }
0x82: {  	_ =	shalt  }
0x83: {  	_ =	shalt  }
0x84: {  	_ =	shalt  }
0x85: {  	_ =	shalt  }
0x86: {  	_ =	shalt  }
0x87: {  	_ =	shalt  }
.Lfunc_end0:
.L_simem_size_0:
called_computation.2_lowered:
.L_overlay_start_0:
0x88: {  	s2 =	sld [smem:$0x3FD9]  }
0x89: {  	s3 =	sld [smem:$0x3FFE];
	_ =	sdelay $0x1  }
0x8a: {  	s1 =	srdreg.scid  }
0x8b: {  	s0 =	sand.u32 $0x1, s1  }
0x8c: {  	s14 =	sshll.u32 s0, $0xA;
	s2 =	sadd.s32 s3, s2  }
0x8d: {  	s2 =	sadd.s32 s2, s14  }
0x8e: {  	[smem:$0x3FC1] =	sst s2  }
0x8f: {  	_ = 	snop  }
0x90: {  	s2 =	sld [smem:$0x3FD0];
	_ =	sdelay $0x2  }
0x91: {  	s15 =	simm.s32 $0xA;
	s4 =	simm.s32 $0x10  }
0x92: {  	[smem:s4], [sflag:s15] =	dma.local [hbm:s2], $0x1  }
0x93: {  	_ =	swait.eq [sflag:s15], $0x1  }
0x94: {  	[sflag:s15] =	ssyncset.done $0x0  }
0x95: {  	[sflag:s15] =	ssyncadd.s32 $0xFFFFFFFF  }
0x96: {  	s16 =	sld [smem:$0x10];
	(tm) =	ssettm $0x1  }
0x97: {  	s17 =	sld [smem:$0x3FFB];
	_ =	sdelay $0x3  }
0x98: {  	_ =	strace s17  }
0x99: {  	s3 =	sld [smem:$0x3FFC];
	_ =	sdelay $0x3  }
0x9a: {  	_ =	strace s3  }
0x9b: {  	s3 =	sld [smem:$0x3FFD];
	_ =	sdelay $0x3  }
0x9c: {  	_ =	strace s3  }
0x9d: {  	_ =	strace $0x8FFFFFFF  }
0x9e: {  	s18 =	sld [smem:$0x3FDB];
	_ =	sdelay $0x1  }
0x9f: {  	s19 =	simm.s32 $_scs_section_size  }
0xa0: {  	s5 =	simm.s32 $_size__tile_overlayer_lowered;
	s6 =	simm.s32 $_tile_overlayer_lowered  }
0xa1: {  	s22 =	simm.s32 $0x1BFF;
	s21 =	sshll.u32 s6, $0x1;
	s3 =	sadd.s32 s19, s18  }
0xa2: {  	s7 =	simm.s32 $0x0;
	s20 =	sshll.u32 s5, $0x1;
	s5 =	sadd.s32 s21, s3  }
0xa3: {  	[timem:s7], [sflag:s22] =	dma.local [hbm:s5], s20  }
0xa4: {  	_ =	swait.ge [sflag:s22], s20  }
0xa5: {  	s4 =	ssub.s32 $0x0, s20;
	[sflag:s22] =	ssyncset.done $0x0  }
0xa6: {  	[sflag:s22] =	ssyncadd.s32 s4;
	_ =	sdelay $0x1  }
0xa7: {  	s23 =	simm.s32 $0x1B8B  }
0xa8: {  	_ =	swait.ge [sflag:s23], $0x1  }
0xa9: {  	[sflag:s23] =	ssyncset.done $0x0  }
0xaa: {  	s25 =	simm.s32 $0x1B8E;
	s24 =	sld [smem:$0x3FFE];
	[sflag:s23] =	ssyncadd.s32 $0xFFFFFFFF  }
0xab: {  	s26 =	simm.s32 $execute0_lowered;
	[smem:$0x3FD2] =	sst s25  }
0xac: {  	s5 =	sshll.u32 s26, $0x1;
	_ =	strace $0x8000004C;
	[dreg:$0x1] =	wrdreg $0xFFFFFFFF  }
0xad: {  	s28 =	simm.s32 $_size_execute0_lowered;
	s3 =	sadd.s32 s3, s5;
	[dreg:$0x0] =	wrdreg $0x0  }
0xae: {  	s5 =	sshll.u32 s28, $0x1;
	[dreg:$0x2] =	wrdreg s3  }
0xaf: {  	[dreg:$0x3] =	wrdreg s5  }
0xb0: {  	[dreg:$0x4] =	wrdreg $0xC0  }
0xb1: {  	_ =	task [dreg:s7], $0x5FFFF  }
0xb2: {  	[dreg:$0x1] =	wrdreg $0xFFFFFFFF  }
0xb3: {  	[dreg:$0x0] =	wrdreg $0x60  }
0xb4: {  	[dreg:$0x2] =	wrdreg s24  }
0xb5: {  	[dreg:$0x3] =	wrdreg s16  }
0xb6: {  	[dreg:$0x4] =	wrdreg $0xB2000  }
0xb7: {  	[dreg:$0x5] =	wrdreg $0x152000  }
0xb8: {  	[dreg:$0x6] =	wrdreg $0x9  }
0xb9: {  	_ =	task.clear_ibuf [dreg:s7], $0x7FFFF;
	_ =	strace $0x9000004C  }
0xba: {  	s29 =	simm.s32 $0x9;
	_ =	strace $0x8000004E  }
0xbb: {  	_ =	swait.ge [sflag:s29], $0x1  }
0xbc: {  	[sflag:s29] =	ssyncadd.s32 $0xFFFFFFFF  }
0xbd: {  	_ =	strace $0x9000004E  }
0xbe: {  	_ =	sfence  }
0xbf: {  	s30 =	sld [smem:$0x0];
	_ =	sdelay $0x2  }
0xc0: {  	s31 =	sshll.u32 s1, $0xD;
	s1 =	sshrl.u32 s1, $0x2  }
0xc1: {  	s3 =	sand.u32 $0x4000, s31;
	s1 =	sadd.s32 s1, s30  }
0xc2: {  	s0 =	sor.u32 s3, s0;
	s1 =	sshll.u32 s1, $0x11  }
0xc3: {  	s0 =	sor.u32 s1, s0  }
0xc4: {  	s0 =	sadd.s32 $0x8F2B, s0  }
0xc5: {  	[sflag:s0] =	ssyncadd.remote.s32 $0x1  }
0xc6: {  	_ =	sfence.sel $0xFFFF  }
0xc7: {  	[dreg:$0x0] =	wrdreg $0xFFFFFFFF;
	(pc) =	sbr.abs _section_cstart, $3  }
0xc8: {  	[dreg:$0x1] =	wrdreg $0xFFFFFFFF  }
0xc9: {  	_ =	task.clear_ibuf [dreg:s7], $0x2FFFF;
	_ =	strace $0x9FFFFFFF  }
0xca: {  	(tm) =	ssettm $0x7FFFFFFF  }
0xcb: {  	_ =	shalt  }
tec
execute0_lowered:
.L_overlay_start_1:
0x0: {  	(tag) =	ssettag $0x1  }
0x1: {  	s0 =	rddreg [dreg:$0x0]  }
0x2: {  	s2 =	rddreg [dreg:$0x1]  }
0x3: {  	s1 =	rddreg [dreg:$0x2]  }
0x4: {  	s3 =	rddreg [dreg:$0x3];
	s13 =	stileid.u32  }
0x5: {  	s4 =	simm.s32 $0x0;
	s5 =	srdreg.scid;
	s6 =	smul.u32 $0x280, s13  }
0x6: {  	[smem:$0x7FF] =	sst s4;
	s5 =	sand.u32 $0x1, s5;
	s11 =	smul.u32 $0xA000, s13  }
0x7: {  	s8 =	sadd.s32 $0xBC00, s0;
	s9 =	sadd.s32 $0x6C00, s0;
	s12 =	smul.u32 $0x28000, s13  }
0x8: {  	_ =	strace $0x8000004D;
	s7 =	smul.u32 $0xA000, s5;
	s5 =	ssub.s32 $0x2, s5  }
0x9: {  	s10 =	sshrl.u32 s5, $0x1;
	s22 =	sadd.s32 s11, s1;
	s26 =	sadd.s32 s11, s3  }
0xa: {  	s12 =	sshrl.u32 s12, $0x2;
	s5 =	ssub.s32 s5, s10;
	[dreg:$0x5] =	wrdreg s22  }
0xb: {  	[dreg:$0x8] =	wrdreg s26;
	s15 =	sadd.s32 s12, s3;
	s16 =	smax.u32 s5, $0x1  }
0xc: {  	s24 =	sshll.u32 s13, $0x6;
	s17 =	sadd.s32 $0x1400, s15;
	[dreg:$0xf] =	wrdreg s16  }
0xd: {  	s6 =	sadd.s32 s6, s7;
	s18 =	sadd.s32 $0x1E00, s15;
	[dreg:$0x10] =	wrdreg s17  }
0xe: {  	s7 =	sor.u32 $0x1C05, s24;
	s24 =	sadd.s32 $0x3200, s15;
	[dreg:$0x11] =	wrdreg s18  }
0xf: {  	s6 =	sshll.u32 s6, $0x3;
	s26 =	sadd.s32 $0x4600, s15;
	[dreg:$0x17] =	wrdreg s24  }
0x10: {  	s0 =	sadd.s32 $0xABC00, s0;
	s23 =	sadd.s32 s8, s6;
	[dreg:$0x19] =	wrdreg s26  }
0x11: {  	s25 =	sadd.s32 s0, s6;
	s28 =	sadd.s32 $0x14000, s6;
	[dreg:$0x6] =	wrdreg s23  }
0x12: {  	[dreg:$0x7] =	wrdreg s25;
	s14 =	sadd.s32 s8, s28  }
0x13: {  	s29 =	sadd.s32 $0x28000, s6;
	s10 =	sadd.s32 s0, s28;
	[dreg:$0x9] =	wrdreg s14  }
0x14: {  	s30 =	sadd.s32 s8, s29;
	[dreg:$0xa] =	wrdreg s10  }
0x15: {  	s6 =	sadd.s32 $0x3C000, s6;
	s11 =	sadd.s32 s0, s29;
	[dreg:$0xb] =	wrdreg s30  }
0x16: {  	s12 =	simm.s32 $0x80;
	s8 =	sadd.s32 s8, s6;
	[dreg:$0xc] =	wrdreg s11  }
0x17: {  	s31 =	sadd.s32 $0xA00, s15;
	s0 =	sadd.s32 s0, s6;
	[dreg:$0xd] =	wrdreg s8  }
0x18: {  	s5 =	sadd.s32 $0x7800, s15;
	s23 =	sadd.s32 $0x2800, s15;
	[dreg:$0xe] =	wrdreg s0  }
0x19: {  	s16 =	simm.s32 $0x100;
	s25 =	sadd.s32 $0x3C00, s15;
	[dreg:$0x16] =	wrdreg s23  }
0x1a: {  	s17 =	simm.s32 $0x6800;
	s28 =	sadd.s32 $0x5000, s15;
	[dreg:$0x18] =	wrdreg s25  }
0x1b: {  	s18 =	simm.s32 $0x0;
	s29 =	sadd.s32 $0x5A00, s15;
	[dreg:$0x1a] =	wrdreg s28  }
0x1c: {  	s6 =	sadd.s32 $0x8200, s15;
	s14 =	smul.u32 $0x500, s13;
	[dreg:$0x1b] =	wrdreg s29  }
0x1d: {  	s30 =	sadd.s32 $0x6400, s15;
	s8 =	sadd.s32 $0x8C00, s15;
	s10 =	simm.s32 $0x5  }
0x1e: {  	s11 =	simm.s32 $0xA800;
	[dreg:$0x1c] =	wrdreg s30;
	s20 =	sadd.s32 s9, s14  }
0x1f: {  	s19 =	sadd.s32 $0x280, s14;
	s21 =	sadd.s32 s2, s14;
	[dreg:$0x12] =	wrdreg s20  }
0x20: {  	s13 =	simm.s32 $0x2800;
	[dreg:$0x13] =	wrdreg s21;
	s22 =	sadd.s32 s9, s19  }
0x21: {  	s14 =	simm.s32 $0x4800;
	s0 =	sadd.s32 s2, s19;
	[dreg:$0x14] =	wrdreg s22  }
0x22: {  	v0 =	vimm.f32 $0.0e+00;
	s2 =	sadd.s32 $0x6E00, s15;
	s9 =	sadd.s32 $0x9600, s15;
	[dreg:$0x15] =	wrdreg s0  }
.LBB2_1:
0x23: {  	s19 =	sand.u32 $0x3F00, s4  }
0x24: {  	s20 =	sand.u32 $0x30, s4;
	s21 =	sshrl.u32 s19, $0x2  }
0x25: {  	s19 =	simm.s32 $0x40;
	s21 =	sor.u32 s20, s21;
	s20 =	simm.s32 $0x0  }
.LBB2_2:
0x26: {  	p0 =	sne.s32 s19, $0x27C0  }
0x27: {  	[tilespmem:s21+$0xA800] =	vst v0;
	s20 =	sadd.s32 $0x10, s20;
	s21 =	smov.u32 s19;
	s19 =	sadd.s32 $0x40, s19  }
.Ltmp0:
0x28: {  	(pc) =	sbr.rel @p0 .LBB2_2-.Ltmp0, $4  }
0x29: {  	_ = 	snop  }
0x2a: {  	s21 =	sand.u32 $0x3F00, s21  }
0x2b: {  	s22 =	sand.u32 $0x30, s20;
	s21 =	sshrl.u32 s21, $0x2  }
0x2c: {  	s21 =	sor.u32 s22, s21  }
0x2d: {  	s19 =	rddreg [dreg:$0x5]  }
0x2e: {  	[tilespmem:s21+$0xA800] =	vst v0;
	s20 =	rddreg [dreg:$0x6];
	s19 =	sshrl.u32 s19, $0x3  }
0x2f: {  	[spmem:s19], [sflag:s7] =	dma.local [hbm:s20], $0x1400  }
0x30: {  	_ =	swait.ge [sflag:s10], $0x1400  }
0x31: {  	[sflag:s10] =	ssyncset.done $0x0  }
0x32: {  	[sflag:s10] =	ssyncadd.s32 $0xFFFFEC00  }
0x33: {  	[spmem:s15] =	stream.linear.scatter [tilespmem:s11], [sflag:$0x5], $0xA00, $0x38;
	[tilespmem:$0x1F200] =	vst v63  }
0x34: {  	_ =	swait.ge [sflag:s10], $0xA00  }
0x35: {  	[sflag:s10] =	ssyncset.done $0x0  }
0x36: {  	[sflag:s10] =	ssyncadd.s32 $0xFFFFF600  }
0x37: {  	[spmem:s31] =	stream.linear.scatter [tilespmem:s11], [sflag:$0x5], $0xA00, $0x38;
	[tilespmem:$0x1F200] =	vst v63  }
0x38: {  	_ =	swait.ge [sflag:s10], $0xA00  }
0x39: {  	[sflag:s10] =	ssyncset.done $0x0  }
0x3a: {  	s0 =	rddreg [dreg:$0x10];
	[sflag:s10] =	ssyncadd.s32 $0xFFFFF600  }
0x3b: {  	[spmem:s0] =	stream.linear.scatter [tilespmem:s11], [sflag:$0x5], $0xA00, $0x38;
	[tilespmem:$0x1F200] =	vst v63  }
0x3c: {  	_ =	swait.ge [sflag:s10], $0xA00  }
0x3d: {  	[sflag:s10] =	ssyncset.done $0x0  }
0x3e: {  	s28 =	rddreg [dreg:$0x11];
	[sflag:s10] =	ssyncadd.s32 $0xFFFFF600  }
0x3f: {  	[spmem:s28] =	stream.linear.scatter [tilespmem:s11], [sflag:$0x5], $0xA00, $0x38;
	[tilespmem:$0x1F200] =	vst v63  }
0x40: {  	_ =	swait.ge [sflag:s10], $0xA00  }
0x41: {  	[sflag:s10] =	ssyncset.done $0x0  }
0x42: {  	s29 =	rddreg [dreg:$0x16];
	[sflag:s10] =	ssyncadd.s32 $0xFFFFF600  }
0x43: {  	[spmem:s29] =	stream.linear.scatter [tilespmem:s11], [sflag:$0x5], $0xA00, $0x38;
	[tilespmem:$0x1F200] =	vst v63  }
0x44: {  	_ =	swait.ge [sflag:s10], $0xA00  }
0x45: {  	[sflag:s10] =	ssyncset.done $0x0  }
0x46: {  	s30 =	rddreg [dreg:$0x17];
	[sflag:s10] =	ssyncadd.s32 $0xFFFFF600  }
0x47: {  	[spmem:s30] =	stream.linear.scatter [tilespmem:s11], [sflag:$0x5], $0xA00, $0x38;
	[tilespmem:$0x1F200] =	vst v63  }
0x48: {  	_ =	swait.ge [sflag:s10], $0xA00  }
0x49: {  	[sflag:s10] =	ssyncset.done $0x0  }
0x4a: {  	s20 =	rddreg [dreg:$0x18];
	[sflag:s10] =	ssyncadd.s32 $0xFFFFF600  }
0x4b: {  	[spmem:s20] =	stream.linear.scatter [tilespmem:s11], [sflag:$0x5], $0xA00, $0x38;
	[tilespmem:$0x1F200] =	vst v63  }
0x4c: {  	_ =	swait.ge [sflag:s10], $0xA00  }
0x4d: {  	[sflag:s10] =	ssyncset.done $0x0  }
0x4e: {  	s21 =	rddreg [dreg:$0x19];
	[sflag:s10] =	ssyncadd.s32 $0xFFFFF600  }
0x4f: {  	[spmem:s21] =	stream.linear.scatter [tilespmem:s11], [sflag:$0x5], $0xA00, $0x38;
	[tilespmem:$0x1F200] =	vst v63  }
0x50: {  	_ =	swait.ge [sflag:s10], $0xA00  }
0x51: {  	[sflag:s10] =	ssyncset.done $0x0  }
0x52: {  	s22 =	rddreg [dreg:$0x1a];
	[sflag:s10] =	ssyncadd.s32 $0xFFFFF600  }
0x53: {  	[spmem:s22] =	stream.linear.scatter [tilespmem:s11], [sflag:$0x5], $0xA00, $0x38;
	[tilespmem:$0x1F200] =	vst v63  }
0x54: {  	_ =	swait.ge [sflag:s10], $0xA00  }
0x55: {  	[sflag:s10] =	ssyncset.done $0x0  }
0x56: {  	s23 =	rddreg [dreg:$0x1b];
	[sflag:s10] =	ssyncadd.s32 $0xFFFFF600  }
0x57: {  	[spmem:s23] =	stream.linear.scatter [tilespmem:s11], [sflag:$0x5], $0xA00, $0x38;
	[tilespmem:$0x1F200] =	vst v63  }
0x58: {  	_ =	swait.ge [sflag:s10], $0xA00  }
0x59: {  	[sflag:s10] =	ssyncset.done $0x0  }
0x5a: {  	s24 =	rddreg [dreg:$0x1c];
	[sflag:s10] =	ssyncadd.s32 $0xFFFFF600  }
0x5b: {  	[spmem:s24] =	stream.linear.scatter [tilespmem:s11], [sflag:$0x5], $0xA00, $0x38;
	[tilespmem:$0x1F200] =	vst v63  }
0x5c: {  	_ =	swait.ge [sflag:s10], $0xA00  }
0x5d: {  	[sflag:s10] =	ssyncset.done $0x0  }
0x5e: {  	[sflag:s10] =	ssyncadd.s32 $0xFFFFF600  }
0x5f: {  	[spmem:s2] =	stream.linear.scatter [tilespmem:s11], [sflag:$0x5], $0xA00, $0x38;
	[tilespmem:$0x1F200] =	vst v63  }
0x60: {  	_ =	swait.ge [sflag:s10], $0xA00  }
0x61: {  	[sflag:s10] =	ssyncset.done $0x0  }
0x62: {  	[sflag:s10] =	ssyncadd.s32 $0xFFFFF600  }
0x63: {  	[spmem:s5] =	stream.linear.scatter [tilespmem:s11], [sflag:$0x5], $0xA00, $0x38;
	[tilespmem:$0x1F200] =	vst v63  }
0x64: {  	_ =	swait.ge [sflag:s10], $0xA00  }
0x65: {  	[sflag:s10] =	ssyncset.done $0x0  }
0x66: {  	[sflag:s10] =	ssyncadd.s32 $0xFFFFF600  }
0x67: {  	[spmem:s6] =	stream.linear.scatter [tilespmem:s11], [sflag:$0x5], $0xA00, $0x38;
	[tilespmem:$0x1F200] =	vst v63  }
0x68: {  	_ =	swait.ge [sflag:s10], $0xA00  }
0x69: {  	[sflag:s10] =	ssyncset.done $0x0  }
0x6a: {  	[sflag:s10] =	ssyncadd.s32 $0xFFFFF600  }
0x6b: {  	[spmem:s8] =	stream.linear.scatter [tilespmem:s11], [sflag:$0x5], $0xA00, $0x38;
	[tilespmem:$0x1F200] =	vst v63  }
0x6c: {  	_ =	swait.ge [sflag:s10], $0xA00  }
0x6d: {  	[sflag:s10] =	ssyncset.done $0x0  }
0x6e: {  	[sflag:s10] =	ssyncadd.s32 $0xFFFFF600  }
0x6f: {  	[spmem:s9] =	stream.linear.scatter [tilespmem:s11], [sflag:$0x5], $0xA00, $0x38;
	[tilespmem:$0x1F200] =	vst v63  }
0x70: {  	_ =	swait.ge [sflag:s10], $0xA00  }
0x71: {  	[sflag:s10] =	ssyncset.done $0x0  }
0x72: {  	[sflag:s10] =	ssyncadd.s32 $0xFFFFF600  }
0x73: {  	[bflag:$0x0] =	sbarrier.arrive $0xFFFF  }
0x74: {  	s25 =	rddreg [dreg:$0x12]  }
0x75: {  	[tilespmem:s4], [sflag:$0x5] =	stream.linear.gather [hbm4b:s25+s4], $0x1400, $0x38;
	[tilespmem:$0x1F200] =	vst v63  }
0x76: {  	_ =	swait.ge [sflag:s10], $0x1400  }
0x77: {  	[sflag:s10] =	ssyncset.done $0x0  }
0x78: {  	s23 =	simm.s32 $0x1400;
	s26 =	rddreg [dreg:$0x13];
	[sflag:s10] =	ssyncadd.s32 $0xFFFFEC00  }
0x79: {  	[tilespmem:s23], [sflag:$0x5] =	stream.linear.gather [hbm4b:s26+s4], $0x1400, $0x38;
	[tilespmem:$0x1F200] =	vst v63  }
0x7a: {  	_ =	swait.ge [sflag:s10], $0x1400  }
0x7b: {  	[sflag:s10] =	ssyncset.done $0x0  }
0x7c: {  	p0 =	por $0x0, $0x0;
	s20 =	simm.s32 $0x3;
	[sflag:s10] =	ssyncadd.s32 $0xFFFFEC00  }
0x7d: {  	[tilespmem:s13], [sflag:$0x1] =	stream.indirect.gather [spmem:s1], $0x40, s4, s12, $0xb8;
	[tilespmem:$0x1F200] =	vst v63  }
0x7e: {  	s20 =	sand.u32 @!p0 $0x3, s20  }
0x7f: {  	[tilespmem:s14], [sflag:$0x2] =	stream.indirect.gather [spmem:s1], $0x40, s12, s12, $0xb8;
	[tilespmem:$0x1F200] =	vst v63  }
0x80: {  	s28 =	simm.s32 $0x0;
	s21 =	simm.s32 $0x180;
	s22 =	sshll.u32 @!p0 s20, $0xD  }
0x81: {  	[tilespmem:s17], [sflag:$0x3] =	stream.indirect.gather [spmem:s1], $0x40, s16, s12, $0xb8;
	[tilespmem:$0x1F200] =	vst v63  }
0x82: {  	s20 =	sadd.s32 @!p0 $0x1, s20;
	s22 =	sadd.s32 @!p0 $0x2800, s22;
	s24 =	simm.s32 @!p0 $0x80  }
0x83: {  	[tilespmem:s22], [sflag:s20] =	stream.indirect.gather @!p0 [spmem:s1], $0x40, s21, s24, $0xb8;
	[tilespmem:$0x1F200] =	vst v63  }
0x84: {  	s20 =	sand.u32 $0x3, s28  }
0x85: {  	s29 =	sadd.s32 $0x1, s20  }
0x86: {  	s30 =	simm.s32 $0x1;
	_ =	swait.ge [sflag:s29], $0x2000  }
0x87: {  	s21 =	simm.s32 $0x4;
	s20 =	sshll.u32 s20, $0xD;
	[sflag:s29] =	ssyncset.done $0x0  }
0x88: {  	s22 =	simm.s32 $0x5;
	s25 =	sadd.s32 $0x2800, s20;
	[sflag:s29] =	ssyncadd.s32 $0xFFFFE000  }
0x89: {  	[spmem:s3] =	stream.indirect.scatter.add.f32 [tilespmem:s25], [sflag:$0x5], $0x40, s23, s12, $0xb8;
	[tilespmem:$0x1F200] =	vst v63  }
0x8a: {  	s24 =	sand.u32 $0x3, s30;
	p0 =	por $0x0, $0x0;
	_ =	swait.ge [sflag:s10], $0x2000  }
0x8b: {  	s20 =	simm.s32 $0x1480;
	s23 =	simm.s32 $0x200;
	[sflag:s10] =	ssyncset.done $0x0  }
.LBB2_4:
0x8c: {  	s25 =	sand.u32 @!p0 $0x3, s21;
	[sflag:s10] =	ssyncadd.s32 $0xFFFFE000  }
0x8d: {  	s21 =	smov.u32 s22;
	s22 =	sadd.s32 $0x1, s22;
	s26 =	smov.u32 s20  }
0x8e: {  	p1 =	sne.s32 s22, $0x2B;
	s28 =	sshll.u32 @!p0 s25, $0xD;
	s25 =	sadd.s32 @!p0 $0x1, s25  }
0x8f: {  	s29 =	simm.s32 @!p0 $0x80;
	s30 =	sadd.s32 $0x1, s24;
	s28 =	sadd.s32 @!p0 $0x2800, s28  }
0x90: {  	[tilespmem:s28], [sflag:s25] =	stream.indirect.gather @!p0 [spmem:s1], $0x40, s23, s29, $0xb8;
	[tilespmem:$0x1F200] =	vst v63  }
0x91: {  	_ =	swait.ge [sflag:s30], $0x2000  }
.Ltmp1:
0x92: {  	s24 =	sshll.u32 s24, $0xD;
	[sflag:s30] =	ssyncset.done $0x0;
	(pc) =	sbr.rel @p1 .LBB2_4-.Ltmp1, $4  }
0x93: {  	s20 =	sadd.s32 $0x80, s20;
	s24 =	sadd.s32 $0x2800, s24;
	[sflag:s30] =	ssyncadd.s32 $0xFFFFE000  }
0x94: {  	[spmem:s3] =	stream.indirect.scatter.add.f32 [tilespmem:s24], [sflag:$0x5], $0x40, s26, s12, $0xb8;
	[tilespmem:$0x1F200] =	vst v63  }
0x95: {  	s25 =	sadd.s32 $0xFFFFFFFD, s21;
	s23 =	sadd.s32 $0x80, s23;
	_ =	swait.ge [sflag:s10], $0x2000  }
0x96: {  	p0 =	sgt.u32 s25, $0x24;
	s24 =	sand.u32 $0x3, s25;
	[sflag:s10] =	ssyncset.done $0x0  }
0x97: {  	s21 =	sand.u32 @!p0 $0x3, s21  }
0x98: {  	[sflag:s10] =	ssyncadd.s32 $0xFFFFE000;
	s25 =	simm.s32 @!p0 $0x80;
	s22 =	sshll.u32 @!p0 s21, $0xD  }
0x99: {  	s26 =	sadd.s32 $0x1, s24;
	s21 =	sadd.s32 @!p0 $0x1, s21;
	s22 =	sadd.s32 @!p0 $0x2800, s22  }
0x9a: {  	[tilespmem:s22], [sflag:s21] =	stream.indirect.gather @!p0 [spmem:s1], $0x40, s23, s25, $0xb8;
	[tilespmem:$0x1F200] =	vst v63  }
0x9b: {  	_ =	swait.ge [sflag:s26], $0x2000  }
0x9c: {  	s29 =	sshll.u32 s24, $0xD;
	[sflag:s26] =	ssyncset.done $0x0  }
0x9d: {  	s21 =	sadd.s32 $0x2800, s29;
	[sflag:s26] =	ssyncadd.s32 $0xFFFFE000  }
0x9e: {  	[spmem:s3] =	stream.indirect.scatter.add.f32 [tilespmem:s21], [sflag:$0x5], $0x40, s20, s12, $0xb8;
	[tilespmem:$0x1F200] =	vst v63  }
0x9f: {  	_ =	swait.ge [sflag:s10], $0x2000  }
0xa0: {  	[sflag:s10] =	ssyncset.done $0x0  }
0xa1: {  	s0 =	rddreg [dreg:$0x14];
	[sflag:s10] =	ssyncadd.s32 $0xFFFFE000  }
0xa2: {  	[tilespmem:s4], [sflag:$0x5] =	stream.linear.gather [hbm4b:s0+s4], $0x1400, $0x38;
	[tilespmem:$0x1F200] =	vst v63  }
0xa3: {  	_ =	swait.ge [sflag:s10], $0x1400  }
0xa4: {  	[sflag:s10] =	ssyncset.done $0x0  }
0xa5: {  	s30 =	simm.s32 $0x1400;
	s24 =	rddreg [dreg:$0x15];
	[sflag:s10] =	ssyncadd.s32 $0xFFFFEC00  }
0xa6: {  	[tilespmem:s30], [sflag:$0x5] =	stream.linear.gather [hbm4b:s24+s4], $0x1400, $0x38;
	[tilespmem:$0x1F200] =	vst v63  }
0xa7: {  	_ =	swait.ge [sflag:s10], $0x1400  }
0xa8: {  	p0 =	por $0x0, $0x0;
	[sflag:s10] =	ssyncset.done $0x0  }
0xa9: {  	s25 =	simm.s32 $0x0;
	s20 =	simm.s32 $0x3;
	[sflag:s10] =	ssyncadd.s32 $0xFFFFEC00  }
0xaa: {  	[tilespmem:s13], [sflag:$0x1] =	stream.indirect.gather [spmem:s1], $0x40, s4, s12, $0xb8;
	[tilespmem:$0x1F200] =	vst v63  }
0xab: {  	s26 =	sand.u32 $0x3, s25;
	s20 =	sand.u32 @!p0 $0x3, s20  }
0xac: {  	[tilespmem:s14], [sflag:$0x2] =	stream.indirect.gather [spmem:s1], $0x40, s12, s12, $0xb8;
	[tilespmem:$0x1F200] =	vst v63  }
0xad: {  	s25 =	simm.s32 @!p0 $0x80;
	s21 =	simm.s32 $0x180;
	s22 =	sshll.u32 @!p0 s20, $0xD  }
0xae: {  	[tilespmem:s17], [sflag:$0x3] =	stream.indirect.gather [spmem:s1], $0x40, s16, s12, $0xb8;
	[tilespmem:$0x1F200] =	vst v63  }
0xaf: {  	s28 =	sadd.s32 $0x1, s26;
	s20 =	sadd.s32 @!p0 $0x1, s20;
	s22 =	sadd.s32 @!p0 $0x2800, s22  }
0xb0: {  	[tilespmem:s22], [sflag:s20] =	stream.indirect.gather @!p0 [spmem:s1], $0x40, s21, s25, $0xb8;
	[tilespmem:$0x1F200] =	vst v63  }
0xb1: {  	s29 =	sshll.u32 s26, $0xD;
	_ =	swait.ge [sflag:s28], $0x2000  }
0xb2: {  	s23 =	simm.s32 $0x200;
	s24 =	sadd.s32 $0x2800, s29;
	[sflag:s28] =	ssyncset.done $0x0  }
0xb3: {  	s21 =	simm.s32 $0x4;
	s22 =	simm.s32 $0x5;
	[sflag:s28] =	ssyncadd.s32 $0xFFFFE000  }
0xb4: {  	[spmem:s3] =	stream.indirect.scatter.add.f32 [tilespmem:s24], [sflag:$0x5], $0x40, s30, s12, $0xb8;
	[tilespmem:$0x1F200] =	vst v63  }
0xb5: {  	s20 =	simm.s32 $0x1480;
	s30 =	simm.s32 $0x1;
	_ =	swait.ge [sflag:s10], $0x2000  }
0xb6: {  	p0 =	por $0x0, $0x0;
	s24 =	sand.u32 $0x3, s30;
	[sflag:s10] =	ssyncset.done $0x0  }
.LBB2_6:
0xb7: {  	s25 =	sand.u32 @!p0 $0x3, s21;
	[sflag:s10] =	ssyncadd.s32 $0xFFFFE000  }
0xb8: {  	s21 =	smov.u32 s22;
	s22 =	sadd.s32 $0x1, s22;
	s26 =	smov.u32 s20  }
0xb9: {  	p1 =	sne.s32 s22, $0x2B;
	s28 =	sshll.u32 @!p0 s25, $0xD;
	s25 =	sadd.s32 @!p0 $0x1, s25  }
0xba: {  	s29 =	simm.s32 @!p0 $0x80;
	s30 =	sadd.s32 $0x1, s24;
	s28 =	sadd.s32 @!p0 $0x2800, s28  }
0xbb: {  	[tilespmem:s28], [sflag:s25] =	stream.indirect.gather @!p0 [spmem:s1], $0x40, s23, s29, $0xb8;
	[tilespmem:$0x1F200] =	vst v63  }
0xbc: {  	_ =	swait.ge [sflag:s30], $0x2000  }
.Ltmp2:
0xbd: {  	s24 =	sshll.u32 s24, $0xD;
	[sflag:s30] =	ssyncset.done $0x0;
	(pc) =	sbr.rel @p1 .LBB2_6-.Ltmp2, $4  }
0xbe: {  	s20 =	sadd.s32 $0x80, s20;
	s24 =	sadd.s32 $0x2800, s24;
	[sflag:s30] =	ssyncadd.s32 $0xFFFFE000  }
0xbf: {  	[spmem:s3] =	stream.indirect.scatter.add.f32 [tilespmem:s24], [sflag:$0x5], $0x40, s26, s12, $0xb8;
	[tilespmem:$0x1F200] =	vst v63  }
0xc0: {  	s25 =	sadd.s32 $0xFFFFFFFD, s21;
	s23 =	sadd.s32 $0x80, s23;
	_ =	swait.ge [sflag:s10], $0x2000  }
0xc1: {  	p0 =	sgt.u32 s25, $0x24;
	s24 =	sand.u32 $0x3, s25;
	[sflag:s10] =	ssyncset.done $0x0  }
0xc2: {  	s21 =	sand.u32 @!p0 $0x3, s21  }
0xc3: {  	[sflag:s10] =	ssyncadd.s32 $0xFFFFE000;
	s22 =	sshll.u32 @!p0 s21, $0xD  }
0xc4: {  	s25 =	simm.s32 @!p0 $0x80;
	s21 =	sadd.s32 @!p0 $0x1, s21;
	s22 =	sadd.s32 @!p0 $0x2800, s22  }
0xc5: {  	[tilespmem:s22], [sflag:s21] =	stream.indirect.gather @!p0 [spmem:s1], $0x40, s23, s25, $0xb8;
	[tilespmem:$0x1F200] =	vst v63  }
0xc6: {  	s23 =	sadd.s32 $0x1, s24  }
0xc7: {  	_ =	swait.ge [sflag:s23], $0x2000  }
0xc8: {  	s25 =	sshll.u32 s24, $0xD;
	[sflag:s23] =	ssyncset.done $0x0  }
0xc9: {  	s22 =	sadd.s32 $0x2800, s25;
	[sflag:s23] =	ssyncadd.s32 $0xFFFFE000  }
0xca: {  	[spmem:s3] =	stream.indirect.scatter.add.f32 [tilespmem:s22], [sflag:$0x5], $0x40, s20, s12, $0xb8;
	[tilespmem:$0x1F200] =	vst v63  }
0xcb: {  	_ =	swait.ge [sflag:s10], $0x2000  }
0xcc: {  	[sflag:s10] =	ssyncset.done $0x0  }
0xcd: {  	[sflag:s10] =	ssyncadd.s32 $0xFFFFE000  }
0xce: {  	[bflag:$0x0] =	sbarrier.arrive $0xFFFF  }
0xcf: {  	s26 =	rddreg [dreg:$0x8]  }
0xd0: {  	s28 =	rddreg [dreg:$0x7];
	s20 =	sshrl.u32 s26, $0x3  }
0xd1: {  	[hbm:s28], [sflag:s7] =	dma.local [spmem:s20], $0x1400  }
0xd2: {  	_ =	swait.ge [sflag:s10], $0x1400  }
0xd3: {  	[sflag:s10] =	ssyncset.done $0x0  }
0xd4: {  	[sflag:s10] =	ssyncadd.s32 $0xFFFFEC00  }
0xd5: {  	[bflag:$0x0] =	sbarrier.arrive $0xFFFF  }
0xd6: {  	s29 =	rddreg [dreg:$0x9]  }
0xd7: {  	[spmem:s19], [sflag:s7] =	dma.local [hbm:s29], $0x1400  }
0xd8: {  	_ =	swait.ge [sflag:s10], $0x1400  }
0xd9: {  	[sflag:s10] =	ssyncset.done $0x0  }
0xda: {  	[sflag:s10] =	ssyncadd.s32 $0xFFFFEC00  }
0xdb: {  	[spmem:s15] =	stream.linear.scatter [tilespmem:s11], [sflag:$0x5], $0xA00, $0x38;
	[tilespmem:$0x1F200] =	vst v63  }
0xdc: {  	_ =	swait.ge [sflag:s10], $0xA00  }
0xdd: {  	[sflag:s10] =	ssyncset.done $0x0  }
0xde: {  	[sflag:s10] =	ssyncadd.s32 $0xFFFFF600  }
0xdf: {  	[spmem:s31] =	stream.linear.scatter [tilespmem:s11], [sflag:$0x5], $0xA00, $0x38;
	[tilespmem:$0x1F200] =	vst v63  }
0xe0: {  	_ =	swait.ge [sflag:s10], $0xA00  }
0xe1: {  	[sflag:s10] =	ssyncset.done $0x0  }
0xe2: {  	s30 =	rddreg [dreg:$0x10];
	[sflag:s10] =	ssyncadd.s32 $0xFFFFF600  }
0xe3: {  	[spmem:s30] =	stream.linear.scatter [tilespmem:s11], [sflag:$0x5], $0xA00, $0x38;
	[tilespmem:$0x1F200] =	vst v63  }
0xe4: {  	_ =	swait.ge [sflag:s10], $0xA00  }
0xe5: {  	[sflag:s10] =	ssyncset.done $0x0  }
0xe6: {  	s0 =	smov.u32 s31;
	s31 =	rddreg [dreg:$0x11];
	[sflag:s10] =	ssyncadd.s32 $0xFFFFF600  }
0xe7: {  	[spmem:s31] =	stream.linear.scatter [tilespmem:s11], [sflag:$0x5], $0xA00, $0x38;
	[tilespmem:$0x1F200] =	vst v63  }
0xe8: {  	_ =	swait.ge [sflag:s10], $0xA00  }
0xe9: {  	[sflag:s10] =	ssyncset.done $0x0  }
0xea: {  	s22 =	rddreg [dreg:$0x16];
	[sflag:s10] =	ssyncadd.s32 $0xFFFFF600  }
0xeb: {  	[spmem:s22] =	stream.linear.scatter [tilespmem:s11], [sflag:$0x5], $0xA00, $0x38;
	[tilespmem:$0x1F200] =	vst v63  }
0xec: {  	_ =	swait.ge [sflag:s10], $0xA00  }
0xed: {  	[sflag:s10] =	ssyncset.done $0x0  }
0xee: {  	s23 =	rddreg [dreg:$0x17];
	[sflag:s10] =	ssyncadd.s32 $0xFFFFF600  }
0xef: {  	[spmem:s23] =	stream.linear.scatter [tilespmem:s11], [sflag:$0x5], $0xA00, $0x38;
	[tilespmem:$0x1F200] =	vst v63  }
0xf0: {  	_ =	swait.ge [sflag:s10], $0xA00  }
0xf1: {  	[sflag:s10] =	ssyncset.done $0x0  }
0xf2: {  	s24 =	rddreg [dreg:$0x18];
	[sflag:s10] =	ssyncadd.s32 $0xFFFFF600  }
0xf3: {  	[spmem:s24] =	stream.linear.scatter [tilespmem:s11], [sflag:$0x5], $0xA00, $0x38;
	[tilespmem:$0x1F200] =	vst v63  }
0xf4: {  	_ =	swait.ge [sflag:s10], $0xA00  }
0xf5: {  	[sflag:s10] =	ssyncset.done $0x0  }
0xf6: {  	s25 =	rddreg [dreg:$0x19];
	[sflag:s10] =	ssyncadd.s32 $0xFFFFF600  }
0xf7: {  	[spmem:s25] =	stream.linear.scatter [tilespmem:s11], [sflag:$0x5], $0xA00, $0x38;
	[tilespmem:$0x1F200] =	vst v63  }
0xf8: {  	_ =	swait.ge [sflag:s10], $0xA00  }
0xf9: {  	[sflag:s10] =	ssyncset.done $0x0  }
0xfa: {  	s26 =	rddreg [dreg:$0x1a];
	[sflag:s10] =	ssyncadd.s32 $0xFFFFF600  }
0xfb: {  	[spmem:s26] =	stream.linear.scatter [tilespmem:s11], [sflag:$0x5], $0xA00, $0x38;
	[tilespmem:$0x1F200] =	vst v63  }
0xfc: {  	_ =	swait.ge [sflag:s10], $0xA00  }
0xfd: {  	[sflag:s10] =	ssyncset.done $0x0  }
0xfe: {  	s28 =	rddreg [dreg:$0x1b];
	[sflag:s10] =	ssyncadd.s32 $0xFFFFF600  }
0xff: {  	[spmem:s28] =	stream.linear.scatter [tilespmem:s11], [sflag:$0x5], $0xA00, $0x38;
	[tilespmem:$0x1F200] =	vst v63  }
0x100: {  	_ =	swait.ge [sflag:s10], $0xA00  }
0x101: {  	[sflag:s10] =	ssyncset.done $0x0  }
0x102: {  	s29 =	rddreg [dreg:$0x1c];
	[sflag:s10] =	ssyncadd.s32 $0xFFFFF600  }
0x103: {  	[spmem:s29] =	stream.linear.scatter [tilespmem:s11], [sflag:$0x5], $0xA00, $0x38;
	[tilespmem:$0x1F200] =	vst v63  }
0x104: {  	_ =	swait.ge [sflag:s10], $0xA00  }
0x105: {  	[sflag:s10] =	ssyncset.done $0x0  }
0x106: {  	[sflag:s10] =	ssyncadd.s32 $0xFFFFF600  }
0x107: {  	[spmem:s2] =	stream.linear.scatter [tilespmem:s11], [sflag:$0x5], $0xA00, $0x38;
	[tilespmem:$0x1F200] =	vst v63  }
0x108: {  	_ =	swait.ge [sflag:s10], $0xA00  }
0x109: {  	[sflag:s10] =	ssyncset.done $0x0  }
0x10a: {  	[sflag:s10] =	ssyncadd.s32 $0xFFFFF600  }
0x10b: {  	[spmem:s5] =	stream.linear.scatter [tilespmem:s11], [sflag:$0x5], $0xA00, $0x38;
	[tilespmem:$0x1F200] =	vst v63  }
0x10c: {  	_ =	swait.ge [sflag:s10], $0xA00  }
0x10d: {  	[sflag:s10] =	ssyncset.done $0x0  }
0x10e: {  	[sflag:s10] =	ssyncadd.s32 $0xFFFFF600  }
0x10f: {  	[spmem:s6] =	stream.linear.scatter [tilespmem:s11], [sflag:$0x5], $0xA00, $0x38;
	[tilespmem:$0x1F200] =	vst v63  }
0x110: {  	_ =	swait.ge [sflag:s10], $0xA00  }
0x111: {  	[sflag:s10] =	ssyncset.done $0x0  }
0x112: {  	[sflag:s10] =	ssyncadd.s32 $0xFFFFF600  }
0x113: {  	[spmem:s8] =	stream.linear.scatter [tilespmem:s11], [sflag:$0x5], $0xA00, $0x38;
	[tilespmem:$0x1F200] =	vst v63  }
0x114: {  	_ =	swait.ge [sflag:s10], $0xA00  }
0x115: {  	[sflag:s10] =	ssyncset.done $0x0  }
0x116: {  	[sflag:s10] =	ssyncadd.s32 $0xFFFFF600  }
0x117: {  	[spmem:s9] =	stream.linear.scatter [tilespmem:s11], [sflag:$0x5], $0xA00, $0x38;
	[tilespmem:$0x1F200] =	vst v63  }
0x118: {  	_ =	swait.ge [sflag:s10], $0xA00  }
0x119: {  	[sflag:s10] =	ssyncset.done $0x0  }
0x11a: {  	[sflag:s10] =	ssyncadd.s32 $0xFFFFF600  }
0x11b: {  	[bflag:$0x0] =	sbarrier.arrive $0xFFFF  }
0x11c: {  	s30 =	rddreg [dreg:$0x12]  }
0x11d: {  	[tilespmem:s4], [sflag:$0x5] =	stream.linear.gather [hbm4b:s30+s4], $0x1400, $0x38;
	[tilespmem:$0x1F200] =	vst v63  }
0x11e: {  	_ =	swait.ge [sflag:s10], $0x1400  }
0x11f: {  	[sflag:s10] =	ssyncset.done $0x0  }
0x120: {  	s31 =	simm.s32 $0x1400;
	s28 =	rddreg [dreg:$0x13];
	[sflag:s10] =	ssyncadd.s32 $0xFFFFEC00  }
0x121: {  	[tilespmem:s31], [sflag:$0x5] =	stream.linear.gather [hbm4b:s28+s4], $0x1400, $0x38;
	[tilespmem:$0x1F200] =	vst v63  }
0x122: {  	_ =	swait.ge [sflag:s10], $0x1400  }
0x123: {  	[sflag:s10] =	ssyncset.done $0x0  }
0x124: {  	s21 =	simm.s32 $0x3;
	p0 =	por $0x0, $0x0;
	[sflag:s10] =	ssyncadd.s32 $0xFFFFEC00  }
0x125: {  	[tilespmem:s13], [sflag:$0x1] =	stream.indirect.gather [spmem:s1], $0x40, s4, s12, $0xb8;
	[tilespmem:$0x1F200] =	vst v63  }
0x126: {  	s21 =	sand.u32 @!p0 $0x3, s21  }
0x127: {  	[tilespmem:s14], [sflag:$0x2] =	stream.indirect.gather [spmem:s1], $0x40, s12, s12, $0xb8;
	[tilespmem:$0x1F200] =	vst v63  }
0x128: {  	s22 =	simm.s32 $0x180;
	s23 =	sshll.u32 @!p0 s21, $0xD;
	s21 =	sadd.s32 @!p0 $0x1, s21  }
0x129: {  	[tilespmem:s17], [sflag:$0x3] =	stream.indirect.gather [spmem:s1], $0x40, s16, s12, $0xb8;
	[tilespmem:$0x1F200] =	vst v63  }
0x12a: {  	s23 =	sadd.s32 @!p0 $0x2800, s23;
	s25 =	simm.s32 @!p0 $0x80;
	s29 =	simm.s32 $0x0  }
0x12b: {  	[tilespmem:s23], [sflag:s21] =	stream.indirect.gather @!p0 [spmem:s1], $0x40, s22, s25, $0xb8;
	[tilespmem:$0x1F200] =	vst v63  }
0x12c: {  	s21 =	sand.u32 $0x3, s29  }
0x12d: {  	s30 =	sadd.s32 $0x1, s21  }
0x12e: {  	s24 =	simm.s32 $0x200;
	_ =	swait.ge [sflag:s30], $0x2000  }
0x12f: {  	s22 =	simm.s32 $0x4;
	s21 =	sshll.u32 s21, $0xD;
	[sflag:s30] =	ssyncset.done $0x0  }
0x130: {  	s23 =	simm.s32 $0x5;
	s26 =	sadd.s32 $0x2800, s21;
	[sflag:s30] =	ssyncadd.s32 $0xFFFFE000  }
0x131: {  	[spmem:s3] =	stream.indirect.scatter.add.f32 [tilespmem:s26], [sflag:$0x5], $0x40, s31, s12, $0xb8;
	[tilespmem:$0x1F200] =	vst v63  }
0x132: {  	p0 =	por $0x0, $0x0;
	s31 =	simm.s32 $0x1;
	_ =	swait.ge [sflag:s10], $0x2000  }
0x133: {  	s21 =	simm.s32 $0x1480;
	s25 =	sand.u32 $0x3, s31;
	[sflag:s10] =	ssyncset.done $0x0  }
.LBB2_8:
0x134: {  	s26 =	sand.u32 @!p0 $0x3, s22;
	[sflag:s10] =	ssyncadd.s32 $0xFFFFE000  }
0x135: {  	s22 =	smov.u32 s23;
	s23 =	sadd.s32 $0x1, s23;
	s28 =	smov.u32 s21  }
0x136: {  	p1 =	sne.s32 s23, $0x2B;
	s29 =	sshll.u32 @!p0 s26, $0xD;
	s26 =	sadd.s32 @!p0 $0x1, s26  }
0x137: {  	s30 =	simm.s32 @!p0 $0x80;
	s31 =	sadd.s32 $0x1, s25;
	s29 =	sadd.s32 @!p0 $0x2800, s29  }
0x138: {  	[tilespmem:s29], [sflag:s26] =	stream.indirect.gather @!p0 [spmem:s1], $0x40, s24, s30, $0xb8;
	[tilespmem:$0x1F200] =	vst v63  }
0x139: {  	_ =	swait.ge [sflag:s31], $0x2000  }
.Ltmp3:
0x13a: {  	s25 =	sshll.u32 s25, $0xD;
	[sflag:s31] =	ssyncset.done $0x0;
	(pc) =	sbr.rel @p1 .LBB2_8-.Ltmp3, $4  }
0x13b: {  	s21 =	sadd.s32 $0x80, s21;
	s25 =	sadd.s32 $0x2800, s25;
	[sflag:s31] =	ssyncadd.s32 $0xFFFFE000  }
0x13c: {  	[spmem:s3] =	stream.indirect.scatter.add.f32 [tilespmem:s25], [sflag:$0x5], $0x40, s28, s12, $0xb8;
	[tilespmem:$0x1F200] =	vst v63  }
0x13d: {  	s26 =	sadd.s32 $0xFFFFFFFD, s22;
	s24 =	sadd.s32 $0x80, s24;
	_ =	swait.ge [sflag:s10], $0x2000  }
0x13e: {  	p0 =	sgt.u32 s26, $0x24;
	s25 =	sand.u32 $0x3, s26;
	[sflag:s10] =	ssyncset.done $0x0  }
0x13f: {  	s22 =	sand.u32 @!p0 $0x3, s22  }
0x140: {  	[sflag:s10] =	ssyncadd.s32 $0xFFFFE000;
	s26 =	simm.s32 @!p0 $0x80;
	s23 =	sshll.u32 @!p0 s22, $0xD  }
0x141: {  	s28 =	sadd.s32 $0x1, s25;
	s22 =	sadd.s32 @!p0 $0x1, s22;
	s23 =	sadd.s32 @!p0 $0x2800, s23  }
0x142: {  	[tilespmem:s23], [sflag:s22] =	stream.indirect.gather @!p0 [spmem:s1], $0x40, s24, s26, $0xb8;
	[tilespmem:$0x1F200] =	vst v63  }
0x143: {  	_ =	swait.ge [sflag:s28], $0x2000  }
0x144: {  	s26 =	sshll.u32 s25, $0xD;
	[sflag:s28] =	ssyncset.done $0x0  }
0x145: {  	s22 =	sadd.s32 $0x2800, s26;
	[sflag:s28] =	ssyncadd.s32 $0xFFFFE000  }
0x146: {  	[spmem:s3] =	stream.indirect.scatter.add.f32 [tilespmem:s22], [sflag:$0x5], $0x40, s21, s12, $0xb8;
	[tilespmem:$0x1F200] =	vst v63  }
0x147: {  	_ =	swait.ge [sflag:s10], $0x2000  }
0x148: {  	[sflag:s10] =	ssyncset.done $0x0  }
0x149: {  	s28 =	rddreg [dreg:$0x14];
	[sflag:s10] =	ssyncadd.s32 $0xFFFFE000  }
0x14a: {  	[tilespmem:s4], [sflag:$0x5] =	stream.linear.gather [hbm4b:s28+s4], $0x1400, $0x38;
	[tilespmem:$0x1F200] =	vst v63  }
0x14b: {  	_ =	swait.ge [sflag:s10], $0x1400  }
0x14c: {  	[sflag:s10] =	ssyncset.done $0x0  }
0x14d: {  	s24 =	simm.s32 $0x1400;
	s29 =	rddreg [dreg:$0x15];
	[sflag:s10] =	ssyncadd.s32 $0xFFFFEC00  }
0x14e: {  	[tilespmem:s24], [sflag:$0x5] =	stream.linear.gather [hbm4b:s29+s4], $0x1400, $0x38;
	[tilespmem:$0x1F200] =	vst v63  }
0x14f: {  	_ =	swait.ge [sflag:s10], $0x1400  }
0x150: {  	s30 =	simm.s32 $0x0;
	[sflag:s10] =	ssyncset.done $0x0  }
0x151: {  	p0 =	por $0x0, $0x0;
	s21 =	simm.s32 $0x3;
	[sflag:s10] =	ssyncadd.s32 $0xFFFFEC00  }
0x152: {  	[tilespmem:s13], [sflag:$0x1] =	stream.indirect.gather [spmem:s1], $0x40, s4, s12, $0xb8;
	[tilespmem:$0x1F200] =	vst v63  }
0x153: {  	s31 =	sand.u32 $0x3, s30;
	s21 =	sand.u32 @!p0 $0x3, s21  }
0x154: {  	[tilespmem:s14], [sflag:$0x2] =	stream.indirect.gather [spmem:s1], $0x40, s12, s12, $0xb8;
	[tilespmem:$0x1F200] =	vst v63  }
0x155: {  	s26 =	simm.s32 @!p0 $0x80;
	s22 =	simm.s32 $0x180;
	s23 =	sshll.u32 @!p0 s21, $0xD  }
0x156: {  	[tilespmem:s17], [sflag:$0x3] =	stream.indirect.gather [spmem:s1], $0x40, s16, s12, $0xb8;
	[tilespmem:$0x1F200] =	vst v63  }
0x157: {  	s21 =	sadd.s32 @!p0 $0x1, s21;
	s23 =	sadd.s32 @!p0 $0x2800, s23;
	s29 =	sadd.s32 $0x1, s31  }
0x158: {  	[tilespmem:s23], [sflag:s21] =	stream.indirect.gather @!p0 [spmem:s1], $0x40, s22, s26, $0xb8;
	[tilespmem:$0x1F200] =	vst v63  }
0x159: {  	s30 =	sshll.u32 s31, $0xD;
	_ =	swait.ge [sflag:s29], $0x2000  }
0x15a: {  	s25 =	sadd.s32 $0x2800, s30;
	s31 =	simm.s32 $0x1;
	[sflag:s29] =	ssyncset.done $0x0  }
0x15b: {  	s22 =	simm.s32 $0x4;
	s23 =	simm.s32 $0x5;
	[sflag:s29] =	ssyncadd.s32 $0xFFFFE000  }
0x15c: {  	[spmem:s3] =	stream.indirect.scatter.add.f32 [tilespmem:s25], [sflag:$0x5], $0x40, s24, s12, $0xb8;
	[tilespmem:$0x1F200] =	vst v63  }
0x15d: {  	s21 =	simm.s32 $0x1480;
	p0 =	por $0x0, $0x0;
	_ =	swait.ge [sflag:s10], $0x2000  }
0x15e: {  	s24 =	simm.s32 $0x200;
	s25 =	sand.u32 $0x3, s31;
	[sflag:s10] =	ssyncset.done $0x0  }
.LBB2_10:
0x15f: {  	s26 =	sand.u32 @!p0 $0x3, s22;
	[sflag:s10] =	ssyncadd.s32 $0xFFFFE000  }
0x160: {  	s22 =	smov.u32 s23;
	s23 =	sadd.s32 $0x1, s23;
	s28 =	smov.u32 s21  }
0x161: {  	p1 =	sne.s32 s23, $0x2B;
	s29 =	sshll.u32 @!p0 s26, $0xD;
	s26 =	sadd.s32 @!p0 $0x1, s26  }
0x162: {  	s30 =	simm.s32 @!p0 $0x80;
	s31 =	sadd.s32 $0x1, s25;
	s29 =	sadd.s32 @!p0 $0x2800, s29  }
0x163: {  	[tilespmem:s29], [sflag:s26] =	stream.indirect.gather @!p0 [spmem:s1], $0x40, s24, s30, $0xb8;
	[tilespmem:$0x1F200] =	vst v63  }
0x164: {  	_ =	swait.ge [sflag:s31], $0x2000  }
.Ltmp4:
0x165: {  	s25 =	sshll.u32 s25, $0xD;
	[sflag:s31] =	ssyncset.done $0x0;
	(pc) =	sbr.rel @p1 .LBB2_10-.Ltmp4, $4  }
0x166: {  	s21 =	sadd.s32 $0x80, s21;
	s25 =	sadd.s32 $0x2800, s25;
	[sflag:s31] =	ssyncadd.s32 $0xFFFFE000  }
0x167: {  	[spmem:s3] =	stream.indirect.scatter.add.f32 [tilespmem:s25], [sflag:$0x5], $0x40, s28, s12, $0xb8;
	[tilespmem:$0x1F200] =	vst v63  }
0x168: {  	s26 =	sadd.s32 $0xFFFFFFFD, s22;
	s24 =	sadd.s32 $0x80, s24;
	_ =	swait.ge [sflag:s10], $0x2000  }
0x169: {  	p0 =	sgt.u32 s26, $0x24;
	s25 =	sand.u32 $0x3, s26;
	[sflag:s10] =	ssyncset.done $0x0  }
0x16a: {  	s22 =	sand.u32 @!p0 $0x3, s22  }
0x16b: {  	[sflag:s10] =	ssyncadd.s32 $0xFFFFE000;
	s23 =	sshll.u32 @!p0 s22, $0xD  }
0x16c: {  	s26 =	simm.s32 @!p0 $0x80;
	s22 =	sadd.s32 @!p0 $0x1, s22;
	s23 =	sadd.s32 @!p0 $0x2800, s23  }
0x16d: {  	[tilespmem:s23], [sflag:s22] =	stream.indirect.gather @!p0 [spmem:s1], $0x40, s24, s26, $0xb8;
	[tilespmem:$0x1F200] =	vst v63  }
0x16e: {  	s24 =	sadd.s32 $0x1, s25  }
0x16f: {  	_ =	swait.ge [sflag:s24], $0x2000  }
0x170: {  	s26 =	sshll.u32 s25, $0xD;
	[sflag:s24] =	ssyncset.done $0x0  }
0x171: {  	s23 =	sadd.s32 $0x2800, s26;
	[sflag:s24] =	ssyncadd.s32 $0xFFFFE000  }
0x172: {  	[spmem:s3] =	stream.indirect.scatter.add.f32 [tilespmem:s23], [sflag:$0x5], $0x40, s21, s12, $0xb8;
	[tilespmem:$0x1F200] =	vst v63  }
0x173: {  	_ =	swait.ge [sflag:s10], $0x2000  }
0x174: {  	[sflag:s10] =	ssyncset.done $0x0  }
0x175: {  	[sflag:s10] =	ssyncadd.s32 $0xFFFFE000  }
0x176: {  	[bflag:$0x0] =	sbarrier.arrive $0xFFFF  }
0x177: {  	s28 =	rddreg [dreg:$0xa]  }
0x178: {  	[hbm:s28], [sflag:s7] =	dma.local [spmem:s20], $0x1400  }
0x179: {  	_ =	swait.ge [sflag:s10], $0x1400  }
0x17a: {  	[sflag:s10] =	ssyncset.done $0x0  }
0x17b: {  	[sflag:s10] =	ssyncadd.s32 $0xFFFFEC00  }
0x17c: {  	[bflag:$0x0] =	sbarrier.arrive $0xFFFF  }
0x17d: {  	s29 =	rddreg [dreg:$0xb]  }
0x17e: {  	[spmem:s19], [sflag:s7] =	dma.local [hbm:s29], $0x1400  }
0x17f: {  	_ =	swait.ge [sflag:s10], $0x1400  }
0x180: {  	[sflag:s10] =	ssyncset.done $0x0  }
0x181: {  	[sflag:s10] =	ssyncadd.s32 $0xFFFFEC00  }
0x182: {  	[spmem:s15] =	stream.linear.scatter [tilespmem:s11], [sflag:$0x5], $0xA00, $0x38;
	[tilespmem:$0x1F200] =	vst v63  }
0x183: {  	_ =	swait.ge [sflag:s10], $0xA00  }
0x184: {  	[sflag:s10] =	ssyncset.done $0x0  }
0x185: {  	[sflag:s10] =	ssyncadd.s32 $0xFFFFF600  }
0x186: {  	[spmem:s0] =	stream.linear.scatter [tilespmem:s11], [sflag:$0x5], $0xA00, $0x38;
	[tilespmem:$0x1F200] =	vst v63  }
0x187: {  	_ =	swait.ge [sflag:s10], $0xA00  }
0x188: {  	[sflag:s10] =	ssyncset.done $0x0  }
0x189: {  	s30 =	rddreg [dreg:$0x10];
	[sflag:s10] =	ssyncadd.s32 $0xFFFFF600  }
0x18a: {  	[spmem:s30] =	stream.linear.scatter [tilespmem:s11], [sflag:$0x5], $0xA00, $0x38;
	[tilespmem:$0x1F200] =	vst v63  }
0x18b: {  	_ =	swait.ge [sflag:s10], $0xA00  }
0x18c: {  	[sflag:s10] =	ssyncset.done $0x0  }
0x18d: {  	s31 =	rddreg [dreg:$0x11];
	[sflag:s10] =	ssyncadd.s32 $0xFFFFF600  }
0x18e: {  	[spmem:s31] =	stream.linear.scatter [tilespmem:s11], [sflag:$0x5], $0xA00, $0x38;
	[tilespmem:$0x1F200] =	vst v63  }
0x18f: {  	_ =	swait.ge [sflag:s10], $0xA00  }
0x190: {  	[sflag:s10] =	ssyncset.done $0x0  }
0x191: {  	s22 =	rddreg [dreg:$0x16];
	[sflag:s10] =	ssyncadd.s32 $0xFFFFF600  }
0x192: {  	[spmem:s22] =	stream.linear.scatter [tilespmem:s11], [sflag:$0x5], $0xA00, $0x38;
	[tilespmem:$0x1F200] =	vst v63  }
0x193: {  	_ =	swait.ge [sflag:s10], $0xA00  }
0x194: {  	[sflag:s10] =	ssyncset.done $0x0  }
0x195: {  	s23 =	rddreg [dreg:$0x17];
	[sflag:s10] =	ssyncadd.s32 $0xFFFFF600  }
0x196: {  	[spmem:s23] =	stream.linear.scatter [tilespmem:s11], [sflag:$0x5], $0xA00, $0x38;
	[tilespmem:$0x1F200] =	vst v63  }
0x197: {  	_ =	swait.ge [sflag:s10], $0xA00  }
0x198: {  	[sflag:s10] =	ssyncset.done $0x0  }
0x199: {  	s24 =	rddreg [dreg:$0x18];
	[sflag:s10] =	ssyncadd.s32 $0xFFFFF600  }
0x19a: {  	[spmem:s24] =	stream.linear.scatter [tilespmem:s11], [sflag:$0x5], $0xA00, $0x38;
	[tilespmem:$0x1F200] =	vst v63  }
0x19b: {  	_ =	swait.ge [sflag:s10], $0xA00  }
0x19c: {  	[sflag:s10] =	ssyncset.done $0x0  }
0x19d: {  	s25 =	rddreg [dreg:$0x19];
	[sflag:s10] =	ssyncadd.s32 $0xFFFFF600  }
0x19e: {  	[spmem:s25] =	stream.linear.scatter [tilespmem:s11], [sflag:$0x5], $0xA00, $0x38;
	[tilespmem:$0x1F200] =	vst v63  }
0x19f: {  	_ =	swait.ge [sflag:s10], $0xA00  }
0x1a0: {  	[sflag:s10] =	ssyncset.done $0x0  }
0x1a1: {  	s26 =	rddreg [dreg:$0x1a];
	[sflag:s10] =	ssyncadd.s32 $0xFFFFF600  }
0x1a2: {  	[spmem:s26] =	stream.linear.scatter [tilespmem:s11], [sflag:$0x5], $0xA00, $0x38;
	[tilespmem:$0x1F200] =	vst v63  }
0x1a3: {  	_ =	swait.ge [sflag:s10], $0xA00  }
0x1a4: {  	[sflag:s10] =	ssyncset.done $0x0  }
0x1a5: {  	s28 =	rddreg [dreg:$0x1b];
	[sflag:s10] =	ssyncadd.s32 $0xFFFFF600  }
0x1a6: {  	[spmem:s28] =	stream.linear.scatter [tilespmem:s11], [sflag:$0x5], $0xA00, $0x38;
	[tilespmem:$0x1F200] =	vst v63  }
0x1a7: {  	_ =	swait.ge [sflag:s10], $0xA00  }
0x1a8: {  	[sflag:s10] =	ssyncset.done $0x0  }
0x1a9: {  	s29 =	rddreg [dreg:$0x1c];
	[sflag:s10] =	ssyncadd.s32 $0xFFFFF600  }
0x1aa: {  	[spmem:s29] =	stream.linear.scatter [tilespmem:s11], [sflag:$0x5], $0xA00, $0x38;
	[tilespmem:$0x1F200] =	vst v63  }
0x1ab: {  	_ =	swait.ge [sflag:s10], $0xA00  }
0x1ac: {  	[sflag:s10] =	ssyncset.done $0x0  }
0x1ad: {  	[sflag:s10] =	ssyncadd.s32 $0xFFFFF600  }
0x1ae: {  	[spmem:s2] =	stream.linear.scatter [tilespmem:s11], [sflag:$0x5], $0xA00, $0x38;
	[tilespmem:$0x1F200] =	vst v63  }
0x1af: {  	_ =	swait.ge [sflag:s10], $0xA00  }
0x1b0: {  	[sflag:s10] =	ssyncset.done $0x0  }
0x1b1: {  	[sflag:s10] =	ssyncadd.s32 $0xFFFFF600  }
0x1b2: {  	[spmem:s5] =	stream.linear.scatter [tilespmem:s11], [sflag:$0x5], $0xA00, $0x38;
	[tilespmem:$0x1F200] =	vst v63  }
0x1b3: {  	_ =	swait.ge [sflag:s10], $0xA00  }
0x1b4: {  	[sflag:s10] =	ssyncset.done $0x0  }
0x1b5: {  	[sflag:s10] =	ssyncadd.s32 $0xFFFFF600  }
0x1b6: {  	[spmem:s6] =	stream.linear.scatter [tilespmem:s11], [sflag:$0x5], $0xA00, $0x38;
	[tilespmem:$0x1F200] =	vst v63  }
0x1b7: {  	_ =	swait.ge [sflag:s10], $0xA00  }
0x1b8: {  	[sflag:s10] =	ssyncset.done $0x0  }
0x1b9: {  	[sflag:s10] =	ssyncadd.s32 $0xFFFFF600  }
0x1ba: {  	[spmem:s8] =	stream.linear.scatter [tilespmem:s11], [sflag:$0x5], $0xA00, $0x38;
	[tilespmem:$0x1F200] =	vst v63  }
0x1bb: {  	_ =	swait.ge [sflag:s10], $0xA00  }
0x1bc: {  	[sflag:s10] =	ssyncset.done $0x0  }
0x1bd: {  	[sflag:s10] =	ssyncadd.s32 $0xFFFFF600  }
0x1be: {  	[spmem:s9] =	stream.linear.scatter [tilespmem:s11], [sflag:$0x5], $0xA00, $0x38;
	[tilespmem:$0x1F200] =	vst v63  }
0x1bf: {  	_ =	swait.ge [sflag:s10], $0xA00  }
0x1c0: {  	[sflag:s10] =	ssyncset.done $0x0  }
0x1c1: {  	[sflag:s10] =	ssyncadd.s32 $0xFFFFF600  }
0x1c2: {  	[bflag:$0x0] =	sbarrier.arrive $0xFFFF  }
0x1c3: {  	s30 =	rddreg [dreg:$0x12]  }
0x1c4: {  	[tilespmem:s4], [sflag:$0x5] =	stream.linear.gather [hbm4b:s30+s4], $0x1400, $0x38;
	[tilespmem:$0x1F200] =	vst v63  }
0x1c5: {  	_ =	swait.ge [sflag:s10], $0x1400  }
0x1c6: {  	[sflag:s10] =	ssyncset.done $0x0  }
0x1c7: {  	s31 =	simm.s32 $0x1400;
	s26 =	rddreg [dreg:$0x13];
	[sflag:s10] =	ssyncadd.s32 $0xFFFFEC00  }
0x1c8: {  	[tilespmem:s31], [sflag:$0x5] =	stream.linear.gather [hbm4b:s26+s4], $0x1400, $0x38;
	[tilespmem:$0x1F200] =	vst v63  }
0x1c9: {  	_ =	swait.ge [sflag:s10], $0x1400  }
0x1ca: {  	[sflag:s10] =	ssyncset.done $0x0  }
0x1cb: {  	p0 =	por $0x0, $0x0;
	s21 =	simm.s32 $0x3;
	[sflag:s10] =	ssyncadd.s32 $0xFFFFEC00  }
0x1cc: {  	[tilespmem:s13], [sflag:$0x1] =	stream.indirect.gather [spmem:s1], $0x40, s4, s12, $0xb8;
	[tilespmem:$0x1F200] =	vst v63  }
0x1cd: {  	s21 =	sand.u32 @!p0 $0x3, s21  }
0x1ce: {  	[tilespmem:s14], [sflag:$0x2] =	stream.indirect.gather [spmem:s1], $0x40, s12, s12, $0xb8;
	[tilespmem:$0x1F200] =	vst v63  }
0x1cf: {  	s22 =	simm.s32 $0x180;
	s23 =	sshll.u32 @!p0 s21, $0xD;
	s21 =	sadd.s32 @!p0 $0x1, s21  }
0x1d0: {  	[tilespmem:s17], [sflag:$0x3] =	stream.indirect.gather [spmem:s1], $0x40, s16, s12, $0xb8;
	[tilespmem:$0x1F200] =	vst v63  }
0x1d1: {  	s23 =	sadd.s32 @!p0 $0x2800, s23;
	s25 =	simm.s32 @!p0 $0x80;
	s28 =	simm.s32 $0x0  }
0x1d2: {  	[tilespmem:s23], [sflag:s21] =	stream.indirect.gather @!p0 [spmem:s1], $0x40, s22, s25, $0xb8;
	[tilespmem:$0x1F200] =	vst v63  }
0x1d3: {  	s21 =	sand.u32 $0x3, s28  }
0x1d4: {  	s29 =	sadd.s32 $0x1, s21  }
0x1d5: {  	s24 =	simm.s32 $0x200;
	_ =	swait.ge [sflag:s29], $0x2000  }
0x1d6: {  	s22 =	simm.s32 $0x4;
	s21 =	sshll.u32 s21, $0xD;
	[sflag:s29] =	ssyncset.done $0x0  }
0x1d7: {  	s23 =	simm.s32 $0x5;
	s30 =	sadd.s32 $0x2800, s21;
	[sflag:s29] =	ssyncadd.s32 $0xFFFFE000  }
0x1d8: {  	[spmem:s3] =	stream.indirect.scatter.add.f32 [tilespmem:s30], [sflag:$0x5], $0x40, s31, s12, $0xb8;
	[tilespmem:$0x1F200] =	vst v63  }
0x1d9: {  	p0 =	por $0x0, $0x0;
	s31 =	simm.s32 $0x1;
	_ =	swait.ge [sflag:s10], $0x2000  }
0x1da: {  	s21 =	simm.s32 $0x1480;
	s25 =	sand.u32 $0x3, s31;
	[sflag:s10] =	ssyncset.done $0x0  }
.LBB2_12:
0x1db: {  	s26 =	sand.u32 @!p0 $0x3, s22;
	[sflag:s10] =	ssyncadd.s32 $0xFFFFE000  }
0x1dc: {  	s22 =	smov.u32 s23;
	s23 =	sadd.s32 $0x1, s23;
	s28 =	smov.u32 s21  }
0x1dd: {  	p1 =	sne.s32 s23, $0x2B;
	s29 =	sshll.u32 @!p0 s26, $0xD;
	s26 =	sadd.s32 @!p0 $0x1, s26  }
0x1de: {  	s30 =	simm.s32 @!p0 $0x80;
	s31 =	sadd.s32 $0x1, s25;
	s29 =	sadd.s32 @!p0 $0x2800, s29  }
0x1df: {  	[tilespmem:s29], [sflag:s26] =	stream.indirect.gather @!p0 [spmem:s1], $0x40, s24, s30, $0xb8;
	[tilespmem:$0x1F200] =	vst v63  }
0x1e0: {  	_ =	swait.ge [sflag:s31], $0x2000  }
.Ltmp5:
0x1e1: {  	s25 =	sshll.u32 s25, $0xD;
	[sflag:s31] =	ssyncset.done $0x0;
	(pc) =	sbr.rel @p1 .LBB2_12-.Ltmp5, $4  }
0x1e2: {  	s21 =	sadd.s32 $0x80, s21;
	s25 =	sadd.s32 $0x2800, s25;
	[sflag:s31] =	ssyncadd.s32 $0xFFFFE000  }
0x1e3: {  	[spmem:s3] =	stream.indirect.scatter.add.f32 [tilespmem:s25], [sflag:$0x5], $0x40, s28, s12, $0xb8;
	[tilespmem:$0x1F200] =	vst v63  }
0x1e4: {  	s26 =	sadd.s32 $0xFFFFFFFD, s22;
	s24 =	sadd.s32 $0x80, s24;
	_ =	swait.ge [sflag:s10], $0x2000  }
0x1e5: {  	p0 =	sgt.u32 s26, $0x24;
	s25 =	sand.u32 $0x3, s26;
	[sflag:s10] =	ssyncset.done $0x0  }
0x1e6: {  	s22 =	sand.u32 @!p0 $0x3, s22  }
0x1e7: {  	[sflag:s10] =	ssyncadd.s32 $0xFFFFE000;
	s26 =	simm.s32 @!p0 $0x80;
	s23 =	sshll.u32 @!p0 s22, $0xD  }
0x1e8: {  	s28 =	sadd.s32 $0x1, s25;
	s22 =	sadd.s32 @!p0 $0x1, s22;
	s23 =	sadd.s32 @!p0 $0x2800, s23  }
0x1e9: {  	[tilespmem:s23], [sflag:s22] =	stream.indirect.gather @!p0 [spmem:s1], $0x40, s24, s26, $0xb8;
	[tilespmem:$0x1F200] =	vst v63  }
0x1ea: {  	_ =	swait.ge [sflag:s28], $0x2000  }
0x1eb: {  	s26 =	sshll.u32 s25, $0xD;
	[sflag:s28] =	ssyncset.done $0x0  }
0x1ec: {  	s22 =	sadd.s32 $0x2800, s26;
	[sflag:s28] =	ssyncadd.s32 $0xFFFFE000  }
0x1ed: {  	[spmem:s3] =	stream.indirect.scatter.add.f32 [tilespmem:s22], [sflag:$0x5], $0x40, s21, s12, $0xb8;
	[tilespmem:$0x1F200] =	vst v63  }
0x1ee: {  	_ =	swait.ge [sflag:s10], $0x2000  }
0x1ef: {  	[sflag:s10] =	ssyncset.done $0x0  }
0x1f0: {  	s28 =	rddreg [dreg:$0x14];
	[sflag:s10] =	ssyncadd.s32 $0xFFFFE000  }
0x1f1: {  	[tilespmem:s4], [sflag:$0x5] =	stream.linear.gather [hbm4b:s28+s4], $0x1400, $0x38;
	[tilespmem:$0x1F200] =	vst v63  }
0x1f2: {  	_ =	swait.ge [sflag:s10], $0x1400  }
0x1f3: {  	[sflag:s10] =	ssyncset.done $0x0  }
0x1f4: {  	s24 =	simm.s32 $0x1400;
	s29 =	rddreg [dreg:$0x15];
	[sflag:s10] =	ssyncadd.s32 $0xFFFFEC00  }
0x1f5: {  	[tilespmem:s24], [sflag:$0x5] =	stream.linear.gather [hbm4b:s29+s4], $0x1400, $0x38;
	[tilespmem:$0x1F200] =	vst v63  }
0x1f6: {  	_ =	swait.ge [sflag:s10], $0x1400  }
0x1f7: {  	s30 =	simm.s32 $0x0;
	[sflag:s10] =	ssyncset.done $0x0  }
0x1f8: {  	p0 =	por $0x0, $0x0;
	s21 =	simm.s32 $0x3;
	[sflag:s10] =	ssyncadd.s32 $0xFFFFEC00  }
0x1f9: {  	[tilespmem:s13], [sflag:$0x1] =	stream.indirect.gather [spmem:s1], $0x40, s4, s12, $0xb8;
	[tilespmem:$0x1F200] =	vst v63  }
0x1fa: {  	s31 =	sand.u32 $0x3, s30;
	s21 =	sand.u32 @!p0 $0x3, s21  }
0x1fb: {  	[tilespmem:s14], [sflag:$0x2] =	stream.indirect.gather [spmem:s1], $0x40, s12, s12, $0xb8;
	[tilespmem:$0x1F200] =	vst v63  }
0x1fc: {  	s26 =	simm.s32 @!p0 $0x80;
	s22 =	simm.s32 $0x180;
	s23 =	sshll.u32 @!p0 s21, $0xD  }
0x1fd: {  	[tilespmem:s17], [sflag:$0x3] =	stream.indirect.gather [spmem:s1], $0x40, s16, s12, $0xb8;
	[tilespmem:$0x1F200] =	vst v63  }
0x1fe: {  	s21 =	sadd.s32 @!p0 $0x1, s21;
	s23 =	sadd.s32 @!p0 $0x2800, s23;
	s29 =	sadd.s32 $0x1, s31  }
0x1ff: {  	[tilespmem:s23], [sflag:s21] =	stream.indirect.gather @!p0 [spmem:s1], $0x40, s22, s26, $0xb8;
	[tilespmem:$0x1F200] =	vst v63  }
0x200: {  	s30 =	sshll.u32 s31, $0xD;
	_ =	swait.ge [sflag:s29], $0x2000  }
0x201: {  	s25 =	sadd.s32 $0x2800, s30;
	s31 =	simm.s32 $0x1;
	[sflag:s29] =	ssyncset.done $0x0  }
0x202: {  	s22 =	simm.s32 $0x4;
	s23 =	simm.s32 $0x5;
	[sflag:s29] =	ssyncadd.s32 $0xFFFFE000  }
0x203: {  	[spmem:s3] =	stream.indirect.scatter.add.f32 [tilespmem:s25], [sflag:$0x5], $0x40, s24, s12, $0xb8;
	[tilespmem:$0x1F200] =	vst v63  }
0x204: {  	s21 =	simm.s32 $0x1480;
	p0 =	por $0x0, $0x0;
	_ =	swait.ge [sflag:s10], $0x2000  }
0x205: {  	s24 =	simm.s32 $0x200;
	s25 =	sand.u32 $0x3, s31;
	[sflag:s10] =	ssyncset.done $0x0  }
.LBB2_14:
0x206: {  	s26 =	sand.u32 @!p0 $0x3, s22;
	[sflag:s10] =	ssyncadd.s32 $0xFFFFE000  }
0x207: {  	s22 =	smov.u32 s23;
	s23 =	sadd.s32 $0x1, s23;
	s28 =	smov.u32 s21  }
0x208: {  	p1 =	sne.s32 s23, $0x2B;
	s29 =	sshll.u32 @!p0 s26, $0xD;
	s26 =	sadd.s32 @!p0 $0x1, s26  }
0x209: {  	s30 =	simm.s32 @!p0 $0x80;
	s31 =	sadd.s32 $0x1, s25;
	s29 =	sadd.s32 @!p0 $0x2800, s29  }
0x20a: {  	[tilespmem:s29], [sflag:s26] =	stream.indirect.gather @!p0 [spmem:s1], $0x40, s24, s30, $0xb8;
	[tilespmem:$0x1F200] =	vst v63  }
0x20b: {  	_ =	swait.ge [sflag:s31], $0x2000  }
.Ltmp6:
0x20c: {  	s25 =	sshll.u32 s25, $0xD;
	[sflag:s31] =	ssyncset.done $0x0;
	(pc) =	sbr.rel @p1 .LBB2_14-.Ltmp6, $4  }
0x20d: {  	s21 =	sadd.s32 $0x80, s21;
	s25 =	sadd.s32 $0x2800, s25;
	[sflag:s31] =	ssyncadd.s32 $0xFFFFE000  }
0x20e: {  	[spmem:s3] =	stream.indirect.scatter.add.f32 [tilespmem:s25], [sflag:$0x5], $0x40, s28, s12, $0xb8;
	[tilespmem:$0x1F200] =	vst v63  }
0x20f: {  	s26 =	sadd.s32 $0xFFFFFFFD, s22;
	s24 =	sadd.s32 $0x80, s24;
	_ =	swait.ge [sflag:s10], $0x2000  }
0x210: {  	p0 =	sgt.u32 s26, $0x24;
	s25 =	sand.u32 $0x3, s26;
	[sflag:s10] =	ssyncset.done $0x0  }
0x211: {  	s22 =	sand.u32 @!p0 $0x3, s22  }
0x212: {  	[sflag:s10] =	ssyncadd.s32 $0xFFFFE000;
	s23 =	sshll.u32 @!p0 s22, $0xD  }
0x213: {  	s26 =	simm.s32 @!p0 $0x80;
	s22 =	sadd.s32 @!p0 $0x1, s22;
	s23 =	sadd.s32 @!p0 $0x2800, s23  }
0x214: {  	[tilespmem:s23], [sflag:s22] =	stream.indirect.gather @!p0 [spmem:s1], $0x40, s24, s26, $0xb8;
	[tilespmem:$0x1F200] =	vst v63  }
0x215: {  	s24 =	sadd.s32 $0x1, s25  }
0x216: {  	_ =	swait.ge [sflag:s24], $0x2000  }
0x217: {  	s26 =	sshll.u32 s25, $0xD;
	[sflag:s24] =	ssyncset.done $0x0  }
0x218: {  	s23 =	sadd.s32 $0x2800, s26;
	[sflag:s24] =	ssyncadd.s32 $0xFFFFE000  }
0x219: {  	[spmem:s3] =	stream.indirect.scatter.add.f32 [tilespmem:s23], [sflag:$0x5], $0x40, s21, s12, $0xb8;
	[tilespmem:$0x1F200] =	vst v63  }
0x21a: {  	_ =	swait.ge [sflag:s10], $0x2000  }
0x21b: {  	[sflag:s10] =	ssyncset.done $0x0  }
0x21c: {  	[sflag:s10] =	ssyncadd.s32 $0xFFFFE000  }
0x21d: {  	[bflag:$0x0] =	sbarrier.arrive $0xFFFF  }
0x21e: {  	s28 =	rddreg [dreg:$0xc]  }
0x21f: {  	[hbm:s28], [sflag:s7] =	dma.local [spmem:s20], $0x1400  }
0x220: {  	_ =	swait.ge [sflag:s10], $0x1400  }
0x221: {  	[sflag:s10] =	ssyncset.done $0x0  }
0x222: {  	[sflag:s10] =	ssyncadd.s32 $0xFFFFEC00  }
0x223: {  	[bflag:$0x0] =	sbarrier.arrive $0xFFFF  }
0x224: {  	s29 =	rddreg [dreg:$0xd]  }
0x225: {  	[spmem:s19], [sflag:s7] =	dma.local [hbm:s29], $0x1400  }
0x226: {  	_ =	swait.ge [sflag:s10], $0x1400  }
0x227: {  	[sflag:s10] =	ssyncset.done $0x0  }
0x228: {  	[sflag:s10] =	ssyncadd.s32 $0xFFFFEC00  }
0x229: {  	[spmem:s15] =	stream.linear.scatter [tilespmem:s11], [sflag:$0x5], $0xA00, $0x38;
	[tilespmem:$0x1F200] =	vst v63  }
0x22a: {  	_ =	swait.ge [sflag:s10], $0xA00  }
0x22b: {  	[sflag:s10] =	ssyncset.done $0x0  }
0x22c: {  	[sflag:s10] =	ssyncadd.s32 $0xFFFFF600  }
0x22d: {  	[spmem:s0] =	stream.linear.scatter [tilespmem:s11], [sflag:$0x5], $0xA00, $0x38;
	[tilespmem:$0x1F200] =	vst v63  }
0x22e: {  	_ =	swait.ge [sflag:s10], $0xA00  }
0x22f: {  	[sflag:s10] =	ssyncset.done $0x0  }
0x230: {  	s30 =	rddreg [dreg:$0x10];
	[sflag:s10] =	ssyncadd.s32 $0xFFFFF600  }
0x231: {  	[spmem:s30] =	stream.linear.scatter [tilespmem:s11], [sflag:$0x5], $0xA00, $0x38;
	[tilespmem:$0x1F200] =	vst v63  }
0x232: {  	_ =	swait.ge [sflag:s10], $0xA00  }
0x233: {  	[sflag:s10] =	ssyncset.done $0x0  }
0x234: {  	s19 =	rddreg [dreg:$0x11];
	[sflag:s10] =	ssyncadd.s32 $0xFFFFF600  }
0x235: {  	[spmem:s19] =	stream.linear.scatter [tilespmem:s11], [sflag:$0x5], $0xA00, $0x38;
	[tilespmem:$0x1F200] =	vst v63  }
0x236: {  	_ =	swait.ge [sflag:s10], $0xA00  }
0x237: {  	[sflag:s10] =	ssyncset.done $0x0  }
0x238: {  	s21 =	rddreg [dreg:$0x16];
	[sflag:s10] =	ssyncadd.s32 $0xFFFFF600  }
0x239: {  	[spmem:s21] =	stream.linear.scatter [tilespmem:s11], [sflag:$0x5], $0xA00, $0x38;
	[tilespmem:$0x1F200] =	vst v63  }
0x23a: {  	_ =	swait.ge [sflag:s10], $0xA00  }
0x23b: {  	[sflag:s10] =	ssyncset.done $0x0  }
0x23c: {  	s22 =	rddreg [dreg:$0x17];
	[sflag:s10] =	ssyncadd.s32 $0xFFFFF600  }
0x23d: {  	[spmem:s22] =	stream.linear.scatter [tilespmem:s11], [sflag:$0x5], $0xA00, $0x38;
	[tilespmem:$0x1F200] =	vst v63  }
0x23e: {  	_ =	swait.ge [sflag:s10], $0xA00  }
0x23f: {  	[sflag:s10] =	ssyncset.done $0x0  }
0x240: {  	s23 =	rddreg [dreg:$0x18];
	[sflag:s10] =	ssyncadd.s32 $0xFFFFF600  }
0x241: {  	[spmem:s23] =	stream.linear.scatter [tilespmem:s11], [sflag:$0x5], $0xA00, $0x38;
	[tilespmem:$0x1F200] =	vst v63  }
0x242: {  	_ =	swait.ge [sflag:s10], $0xA00  }
0x243: {  	[sflag:s10] =	ssyncset.done $0x0  }
0x244: {  	s24 =	rddreg [dreg:$0x19];
	[sflag:s10] =	ssyncadd.s32 $0xFFFFF600  }
0x245: {  	[spmem:s24] =	stream.linear.scatter [tilespmem:s11], [sflag:$0x5], $0xA00, $0x38;
	[tilespmem:$0x1F200] =	vst v63  }
0x246: {  	_ =	swait.ge [sflag:s10], $0xA00  }
0x247: {  	[sflag:s10] =	ssyncset.done $0x0  }
0x248: {  	s25 =	rddreg [dreg:$0x1a];
	[sflag:s10] =	ssyncadd.s32 $0xFFFFF600  }
0x249: {  	[spmem:s25] =	stream.linear.scatter [tilespmem:s11], [sflag:$0x5], $0xA00, $0x38;
	[tilespmem:$0x1F200] =	vst v63  }
0x24a: {  	_ =	swait.ge [sflag:s10], $0xA00  }
0x24b: {  	[sflag:s10] =	ssyncset.done $0x0  }
0x24c: {  	s26 =	rddreg [dreg:$0x1b];
	[sflag:s10] =	ssyncadd.s32 $0xFFFFF600  }
0x24d: {  	[spmem:s26] =	stream.linear.scatter [tilespmem:s11], [sflag:$0x5], $0xA00, $0x38;
	[tilespmem:$0x1F200] =	vst v63  }
0x24e: {  	_ =	swait.ge [sflag:s10], $0xA00  }
0x24f: {  	[sflag:s10] =	ssyncset.done $0x0  }
0x250: {  	s28 =	rddreg [dreg:$0x1c];
	[sflag:s10] =	ssyncadd.s32 $0xFFFFF600  }
0x251: {  	[spmem:s28] =	stream.linear.scatter [tilespmem:s11], [sflag:$0x5], $0xA00, $0x38;
	[tilespmem:$0x1F200] =	vst v63  }
0x252: {  	_ =	swait.ge [sflag:s10], $0xA00  }
0x253: {  	[sflag:s10] =	ssyncset.done $0x0  }
0x254: {  	[sflag:s10] =	ssyncadd.s32 $0xFFFFF600  }
0x255: {  	[spmem:s2] =	stream.linear.scatter [tilespmem:s11], [sflag:$0x5], $0xA00, $0x38;
	[tilespmem:$0x1F200] =	vst v63  }
0x256: {  	_ =	swait.ge [sflag:s10], $0xA00  }
0x257: {  	[sflag:s10] =	ssyncset.done $0x0  }
0x258: {  	[sflag:s10] =	ssyncadd.s32 $0xFFFFF600  }
0x259: {  	[spmem:s5] =	stream.linear.scatter [tilespmem:s11], [sflag:$0x5], $0xA00, $0x38;
	[tilespmem:$0x1F200] =	vst v63  }
0x25a: {  	_ =	swait.ge [sflag:s10], $0xA00  }
0x25b: {  	[sflag:s10] =	ssyncset.done $0x0  }
0x25c: {  	[sflag:s10] =	ssyncadd.s32 $0xFFFFF600  }
0x25d: {  	[spmem:s6] =	stream.linear.scatter [tilespmem:s11], [sflag:$0x5], $0xA00, $0x38;
	[tilespmem:$0x1F200] =	vst v63  }
0x25e: {  	_ =	swait.ge [sflag:s10], $0xA00  }
0x25f: {  	[sflag:s10] =	ssyncset.done $0x0  }
0x260: {  	[sflag:s10] =	ssyncadd.s32 $0xFFFFF600  }
0x261: {  	[spmem:s8] =	stream.linear.scatter [tilespmem:s11], [sflag:$0x5], $0xA00, $0x38;
	[tilespmem:$0x1F200] =	vst v63  }
0x262: {  	_ =	swait.ge [sflag:s10], $0xA00  }
0x263: {  	[sflag:s10] =	ssyncset.done $0x0  }
0x264: {  	[sflag:s10] =	ssyncadd.s32 $0xFFFFF600  }
0x265: {  	[spmem:s9] =	stream.linear.scatter [tilespmem:s11], [sflag:$0x5], $0xA00, $0x38;
	[tilespmem:$0x1F200] =	vst v63  }
0x266: {  	_ =	swait.ge [sflag:s10], $0xA00  }
0x267: {  	[sflag:s10] =	ssyncset.done $0x0  }
0x268: {  	[sflag:s10] =	ssyncadd.s32 $0xFFFFF600  }
0x269: {  	[bflag:$0x0] =	sbarrier.arrive $0xFFFF  }
0x26a: {  	s29 =	rddreg [dreg:$0x12]  }
0x26b: {  	[tilespmem:s4], [sflag:$0x5] =	stream.linear.gather [hbm4b:s29+s4], $0x1400, $0x38;
	[tilespmem:$0x1F200] =	vst v63  }
0x26c: {  	_ =	swait.ge [sflag:s10], $0x1400  }
0x26d: {  	[sflag:s10] =	ssyncset.done $0x0  }
0x26e: {  	s30 =	simm.s32 $0x1400;
	s25 =	rddreg [dreg:$0x13];
	[sflag:s10] =	ssyncadd.s32 $0xFFFFEC00  }
0x26f: {  	[tilespmem:s30], [sflag:$0x5] =	stream.linear.gather [hbm4b:s25+s4], $0x1400, $0x38;
	[tilespmem:$0x1F200] =	vst v63  }
0x270: {  	_ =	swait.ge [sflag:s10], $0x1400  }
0x271: {  	[sflag:s10] =	ssyncset.done $0x0  }
0x272: {  	p0 =	por $0x0, $0x0;
	s19 =	simm.s32 $0x3;
	[sflag:s10] =	ssyncadd.s32 $0xFFFFEC00  }
0x273: {  	[tilespmem:s13], [sflag:$0x1] =	stream.indirect.gather [spmem:s1], $0x40, s4, s12, $0xb8;
	[tilespmem:$0x1F200] =	vst v63  }
0x274: {  	s19 =	sand.u32 @!p0 $0x3, s19  }
0x275: {  	[tilespmem:s14], [sflag:$0x2] =	stream.indirect.gather [spmem:s1], $0x40, s12, s12, $0xb8;
	[tilespmem:$0x1F200] =	vst v63  }
0x276: {  	s21 =	simm.s32 $0x180;
	s22 =	sshll.u32 @!p0 s19, $0xD;
	s19 =	sadd.s32 @!p0 $0x1, s19  }
0x277: {  	[tilespmem:s17], [sflag:$0x3] =	stream.indirect.gather [spmem:s1], $0x40, s16, s12, $0xb8;
	[tilespmem:$0x1F200] =	vst v63  }
0x278: {  	s22 =	sadd.s32 @!p0 $0x2800, s22;
	s24 =	simm.s32 @!p0 $0x80;
	s26 =	simm.s32 $0x0  }
0x279: {  	[tilespmem:s22], [sflag:s19] =	stream.indirect.gather @!p0 [spmem:s1], $0x40, s21, s24, $0xb8;
	[tilespmem:$0x1F200] =	vst v63  }
0x27a: {  	s19 =	sand.u32 $0x3, s26  }
0x27b: {  	s28 =	sadd.s32 $0x1, s19  }
0x27c: {  	s31 =	smov.u32 s0;
	s23 =	simm.s32 $0x200;
	_ =	swait.ge [sflag:s28], $0x2000  }
0x27d: {  	s21 =	simm.s32 $0x4;
	s19 =	sshll.u32 s19, $0xD;
	[sflag:s28] =	ssyncset.done $0x0  }
0x27e: {  	s22 =	simm.s32 $0x5;
	s29 =	sadd.s32 $0x2800, s19;
	[sflag:s28] =	ssyncadd.s32 $0xFFFFE000  }
0x27f: {  	[spmem:s3] =	stream.indirect.scatter.add.f32 [tilespmem:s29], [sflag:$0x5], $0x40, s30, s12, $0xb8;
	[tilespmem:$0x1F200] =	vst v63  }
0x280: {  	p0 =	por $0x0, $0x0;
	s30 =	simm.s32 $0x1;
	_ =	swait.ge [sflag:s10], $0x2000  }
0x281: {  	s19 =	simm.s32 $0x1480;
	s24 =	sand.u32 $0x3, s30;
	[sflag:s10] =	ssyncset.done $0x0  }
.LBB2_16:
0x282: {  	s25 =	sand.u32 @!p0 $0x3, s21;
	[sflag:s10] =	ssyncadd.s32 $0xFFFFE000  }
0x283: {  	s21 =	smov.u32 s22;
	s22 =	sadd.s32 $0x1, s22;
	s26 =	smov.u32 s19  }
0x284: {  	p1 =	sne.s32 s22, $0x2B;
	s28 =	sshll.u32 @!p0 s25, $0xD;
	s25 =	sadd.s32 @!p0 $0x1, s25  }
0x285: {  	s29 =	simm.s32 @!p0 $0x80;
	s30 =	sadd.s32 $0x1, s24;
	s28 =	sadd.s32 @!p0 $0x2800, s28  }
0x286: {  	[tilespmem:s28], [sflag:s25] =	stream.indirect.gather @!p0 [spmem:s1], $0x40, s23, s29, $0xb8;
	[tilespmem:$0x1F200] =	vst v63  }
0x287: {  	_ =	swait.ge [sflag:s30], $0x2000  }
.Ltmp7:
0x288: {  	s24 =	sshll.u32 s24, $0xD;
	[sflag:s30] =	ssyncset.done $0x0;
	(pc) =	sbr.rel @p1 .LBB2_16-.Ltmp7, $4  }
0x289: {  	s19 =	sadd.s32 $0x80, s19;
	s24 =	sadd.s32 $0x2800, s24;
	[sflag:s30] =	ssyncadd.s32 $0xFFFFE000  }
0x28a: {  	[spmem:s3] =	stream.indirect.scatter.add.f32 [tilespmem:s24], [sflag:$0x5], $0x40, s26, s12, $0xb8;
	[tilespmem:$0x1F200] =	vst v63  }
0x28b: {  	s25 =	sadd.s32 $0xFFFFFFFD, s21;
	s23 =	sadd.s32 $0x80, s23;
	_ =	swait.ge [sflag:s10], $0x2000  }
0x28c: {  	p0 =	sgt.u32 s25, $0x24;
	s24 =	sand.u32 $0x3, s25;
	[sflag:s10] =	ssyncset.done $0x0  }
0x28d: {  	s21 =	sand.u32 @!p0 $0x3, s21  }
0x28e: {  	[sflag:s10] =	ssyncadd.s32 $0xFFFFE000;
	s25 =	simm.s32 @!p0 $0x80;
	s22 =	sshll.u32 @!p0 s21, $0xD  }
0x28f: {  	s26 =	sadd.s32 $0x1, s24;
	s21 =	sadd.s32 @!p0 $0x1, s21;
	s22 =	sadd.s32 @!p0 $0x2800, s22  }
0x290: {  	[tilespmem:s22], [sflag:s21] =	stream.indirect.gather @!p0 [spmem:s1], $0x40, s23, s25, $0xb8;
	[tilespmem:$0x1F200] =	vst v63  }
0x291: {  	_ =	swait.ge [sflag:s26], $0x2000  }
0x292: {  	s29 =	sshll.u32 s24, $0xD;
	[sflag:s26] =	ssyncset.done $0x0  }
0x293: {  	s21 =	sadd.s32 $0x2800, s29;
	[sflag:s26] =	ssyncadd.s32 $0xFFFFE000  }
0x294: {  	[spmem:s3] =	stream.indirect.scatter.add.f32 [tilespmem:s21], [sflag:$0x5], $0x40, s19, s12, $0xb8;
	[tilespmem:$0x1F200] =	vst v63  }
0x295: {  	_ =	swait.ge [sflag:s10], $0x2000  }
0x296: {  	[sflag:s10] =	ssyncset.done $0x0  }
0x297: {  	s0 =	rddreg [dreg:$0x14];
	[sflag:s10] =	ssyncadd.s32 $0xFFFFE000  }
0x298: {  	[tilespmem:s4], [sflag:$0x5] =	stream.linear.gather [hbm4b:s0+s4], $0x1400, $0x38;
	[tilespmem:$0x1F200] =	vst v63  }
0x299: {  	_ =	swait.ge [sflag:s10], $0x1400  }
0x29a: {  	[sflag:s10] =	ssyncset.done $0x0  }
0x29b: {  	s30 =	simm.s32 $0x1400;
	s24 =	rddreg [dreg:$0x15];
	[sflag:s10] =	ssyncadd.s32 $0xFFFFEC00  }
0x29c: {  	[tilespmem:s30], [sflag:$0x5] =	stream.linear.gather [hbm4b:s24+s4], $0x1400, $0x38;
	[tilespmem:$0x1F200] =	vst v63  }
0x29d: {  	_ =	swait.ge [sflag:s10], $0x1400  }
0x29e: {  	p0 =	por $0x0, $0x0;
	[sflag:s10] =	ssyncset.done $0x0  }
0x29f: {  	s25 =	simm.s32 $0x0;
	s19 =	simm.s32 $0x3;
	[sflag:s10] =	ssyncadd.s32 $0xFFFFEC00  }
0x2a0: {  	[tilespmem:s13], [sflag:$0x1] =	stream.indirect.gather [spmem:s1], $0x40, s4, s12, $0xb8;
	[tilespmem:$0x1F200] =	vst v63  }
0x2a1: {  	s26 =	sand.u32 $0x3, s25;
	s19 =	sand.u32 @!p0 $0x3, s19  }
0x2a2: {  	[tilespmem:s14], [sflag:$0x2] =	stream.indirect.gather [spmem:s1], $0x40, s12, s12, $0xb8;
	[tilespmem:$0x1F200] =	vst v63  }
0x2a3: {  	s25 =	simm.s32 @!p0 $0x80;
	s21 =	simm.s32 $0x180;
	s22 =	sshll.u32 @!p0 s19, $0xD  }
0x2a4: {  	[tilespmem:s17], [sflag:$0x3] =	stream.indirect.gather [spmem:s1], $0x40, s16, s12, $0xb8;
	[tilespmem:$0x1F200] =	vst v63  }
0x2a5: {  	s28 =	sadd.s32 $0x1, s26;
	s19 =	sadd.s32 @!p0 $0x1, s19;
	s22 =	sadd.s32 @!p0 $0x2800, s22  }
0x2a6: {  	[tilespmem:s22], [sflag:s19] =	stream.indirect.gather @!p0 [spmem:s1], $0x40, s21, s25, $0xb8;
	[tilespmem:$0x1F200] =	vst v63  }
0x2a7: {  	s29 =	sshll.u32 s26, $0xD;
	_ =	swait.ge [sflag:s28], $0x2000  }
0x2a8: {  	s23 =	simm.s32 $0x200;
	s24 =	sadd.s32 $0x2800, s29;
	[sflag:s28] =	ssyncset.done $0x0  }
0x2a9: {  	s21 =	simm.s32 $0x4;
	s22 =	simm.s32 $0x5;
	[sflag:s28] =	ssyncadd.s32 $0xFFFFE000  }
0x2aa: {  	[spmem:s3] =	stream.indirect.scatter.add.f32 [tilespmem:s24], [sflag:$0x5], $0x40, s30, s12, $0xb8;
	[tilespmem:$0x1F200] =	vst v63  }
0x2ab: {  	s19 =	simm.s32 $0x1480;
	s30 =	simm.s32 $0x1;
	_ =	swait.ge [sflag:s10], $0x2000  }
0x2ac: {  	p0 =	por $0x0, $0x0;
	s24 =	sand.u32 $0x3, s30;
	[sflag:s10] =	ssyncset.done $0x0  }
.LBB2_18:
0x2ad: {  	s25 =	sand.u32 @!p0 $0x3, s21;
	[sflag:s10] =	ssyncadd.s32 $0xFFFFE000  }
0x2ae: {  	s21 =	smov.u32 s22;
	s22 =	sadd.s32 $0x1, s22;
	s26 =	smov.u32 s19  }
0x2af: {  	p1 =	sne.s32 s22, $0x2B;
	s28 =	sshll.u32 @!p0 s25, $0xD;
	s25 =	sadd.s32 @!p0 $0x1, s25  }
0x2b0: {  	s29 =	simm.s32 @!p0 $0x80;
	s30 =	sadd.s32 $0x1, s24;
	s28 =	sadd.s32 @!p0 $0x2800, s28  }
0x2b1: {  	[tilespmem:s28], [sflag:s25] =	stream.indirect.gather @!p0 [spmem:s1], $0x40, s23, s29, $0xb8;
	[tilespmem:$0x1F200] =	vst v63  }
0x2b2: {  	_ =	swait.ge [sflag:s30], $0x2000  }
.Ltmp8:
0x2b3: {  	s24 =	sshll.u32 s24, $0xD;
	[sflag:s30] =	ssyncset.done $0x0;
	(pc) =	sbr.rel @p1 .LBB2_18-.Ltmp8, $4  }
0x2b4: {  	s19 =	sadd.s32 $0x80, s19;
	s24 =	sadd.s32 $0x2800, s24;
	[sflag:s30] =	ssyncadd.s32 $0xFFFFE000  }
0x2b5: {  	[spmem:s3] =	stream.indirect.scatter.add.f32 [tilespmem:s24], [sflag:$0x5], $0x40, s26, s12, $0xb8;
	[tilespmem:$0x1F200] =	vst v63  }
0x2b6: {  	s25 =	sadd.s32 $0xFFFFFFFD, s21;
	s23 =	sadd.s32 $0x80, s23;
	_ =	swait.ge [sflag:s10], $0x2000  }
0x2b7: {  	p0 =	sgt.u32 s25, $0x24;
	s24 =	sand.u32 $0x3, s25;
	[sflag:s10] =	ssyncset.done $0x0  }
0x2b8: {  	s21 =	sand.u32 @!p0 $0x3, s21  }
0x2b9: {  	[sflag:s10] =	ssyncadd.s32 $0xFFFFE000;
	s25 =	simm.s32 @!p0 $0x80;
	s22 =	sshll.u32 @!p0 s21, $0xD  }
0x2ba: {  	s26 =	sadd.s32 $0x1, s24;
	s21 =	sadd.s32 @!p0 $0x1, s21;
	s22 =	sadd.s32 @!p0 $0x2800, s22  }
0x2bb: {  	[tilespmem:s22], [sflag:s21] =	stream.indirect.gather @!p0 [spmem:s1], $0x40, s23, s25, $0xb8;
	[tilespmem:$0x1F200] =	vst v63  }
0x2bc: {  	_ =	swait.ge [sflag:s26], $0x2000  }
0x2bd: {  	s28 =	sshll.u32 s24, $0xD;
	[sflag:s26] =	ssyncset.done $0x0  }
0x2be: {  	s21 =	sadd.s32 $0x2800, s28;
	[sflag:s26] =	ssyncadd.s32 $0xFFFFE000  }
0x2bf: {  	[spmem:s3] =	stream.indirect.scatter.add.f32 [tilespmem:s21], [sflag:$0x5], $0x40, s19, s12, $0xb8;
	[tilespmem:$0x1F200] =	vst v63  }
0x2c0: {  	_ =	swait.ge [sflag:s10], $0x2000  }
0x2c1: {  	[sflag:s10] =	ssyncset.done $0x0  }
0x2c2: {  	[sflag:s10] =	ssyncadd.s32 $0xFFFFE000  }
0x2c3: {  	[bflag:$0x0] =	sbarrier.arrive $0xFFFF  }
0x2c4: {  	s29 =	rddreg [dreg:$0xe]  }
0x2c5: {  	[hbm:s29], [sflag:s7] =	dma.local [spmem:s20], $0x1400  }
0x2c6: {  	_ =	swait.ge [sflag:s10], $0x1400  }
0x2c7: {  	s18 =	sadd.s32 $0x1, s18;
	s30 =	rddreg [dreg:$0xf]  }
0x2c8: {  	p0 =	sne.s32 s18, s30  }
.Ltmp9:
0x2c9: {  	_ = 	snop;
	(pc) =	sbr.rel @p0 .LBB2_1-.Ltmp9, $3  }
0x2ca: {  	[sflag:s10] =	ssyncset.done $0x0  }
0x2cb: {  	[sflag:s10] =	ssyncadd.s32 $0xFFFFEC00  }
0x2cc: {  	[bflag:$0x0] =	sbarrier.arrive $0xFFFF;
	_ =	sdelay $0x1  }
0x2cd: {  	_ =	sfence.sel $0x180000  }
0x2ce: {  	[bflag:$0x0] =	sbarrier.arrive $0xFFFF  }
0x2cf: {  	_ =	strace $0x9000004D  }
0x2d0: {  	s0 =	stileid.u32;
	[bflag:$0x2] =	sbarrier.arrive $0xFFFF  }
0x2d1: {  	p0 =	sne.s32 s0, $0x0;
	s0 =	rddreg [dreg:$0x4]  }
0x2d2: {  	s0 =	sadd.s32 @!p0 $0x100000, s0  }
0x2d3: {  	[sflag:s0] =	ssyncadd.tile.s32 @!p0 $0x1;
	_ =	shalt  }
.Lfunc_end2:
_tile_overlayer_lowered:
.L_overlay_start_2:
0x2d4: {  	(tag) =	ssettag $0x2  }
0x2d5: {  	s0 =	rddreg [dreg:$0x0];
	s2 =	stileid.u32  }
0x2d6: {  	s1 =	rddreg [dreg:$0x1];
	p0 =	sne.s32 s2, $0x0  }
0x2d7: {  	s3 =	rddreg [dreg:$0x2];
	[bflag:$0x3] =	sbarrier.arrive $0xFFFF;
	s2 =	simm.s32 @!p0 $0x1C05  }
0x2d8: {  	[timem:s3], [sflag:s2] =	dma.local @!p0 [hbm:s0], s1  }
0x2d9: {  	s0 =	simm.s32 @!p0 $0x5  }
0x2da: {  	_ =	swait.ge @!p0 [sflag:s0], s1  }
0x2db: {  	s1 =	ssub.s32 @!p0 $0x0, s1;
	[sflag:s0] =	ssyncset.done @!p0 $0x0  }
0x2dc: {  	[sflag:s0] =	ssyncadd.s32 @!p0 s1  }
0x2dd: {  	[bflag:$0x3] =	sbarrier.arrive $0xFFFF  }
0x2de: {  	_ =	shalt  }

// kernel: kernel.8.cloned.1.call-start
scs
__scs_entry_jumppad:
0x0: {  	(pc) =	sbr.rel $0x88, $3  }
0x1: {  	(tag) =	ssettag $0x0;
	lr =	simm.s32 $0x1  }
0x2: {  	[smem:$0x3F9A] =	sst lr;
	_ =	strace $0xD0000000  }
0x3: {  	_ = 	snop  }
0x4: {  	_ = 	snop  }
0x5: {  	_ = 	snop  }
0x6: {  	_ = 	snop  }
0x7: {  	_ = 	snop  }
__scs_overlays_trampoline_lowered:
0x8: {  	[smem:$0x3FA9] =	sst s0  }
0x9: {  	[smem:$0x3FAA] =	sst s1  }
0xa: {  	[smem:$0x3FAB] =	sst s2  }
0xb: {  	[smem:$0x3FAC] =	sst s3  }
0xc: {  	[smem:$0x3FAD] =	sst s4  }
0xd: {  	[smem:$0x3FAE] =	sst s5  }
0xe: {  	[smem:$0x3FAF] =	sst s6  }
0xf: {  	[smem:$0x3FB0] =	sst s7  }
0x10: {  	[smem:$0x3FB1] =	sst s8  }
0x11: {  	[smem:$0x3FB2] =	sst s9;
	s0 =	simm.s32 @!p0 $0x0  }
0x12: {  	s1 =	sld [smem:$0x3F98];
	s0 =	simm.s32 @p0 $0x1  }
0x13: {  	[smem:$0x3FB3] =	sst s0;
	s0 =	simm.s32 @!p1 $0x0  }
0x14: {  	s2 =	sld [smem:$0x3F97];
	s0 =	simm.s32 @p1 $0x1  }
0x15: {  	[smem:$0x3FB4] =	sst s0;
	s0 =	simm.s32 @!p2 $0x0  }
0x16: {  	s3 =	sld [smem:$0x3FDB];
	s0 =	simm.s32 @p2 $0x1  }
0x17: {  	s4 =	simm.s32 $0x1BF5;
	[smem:$0x3FB6] =	sst s0  }
0x18: {  	s0 =	sld [smem:$0x3F99];
	_ =	swait.ge [sflag:s4], $0x0  }
0x19: {  	s7 =	sld [smem:$0x3F9A]  }
0x1a: {  	s8 =	sadd.s32 $0xFFFFE003, lr  }
0x1b: {  	s9 =	sadd.s32 $0xFFFFFEF7, lr;
	s5 =	simm.s32 $0xFFFFFFFF;
	p2 =	slt.u32 s8, $0xFFFFF086  }
0x1c: {  	p1 =	slt.u32 s9, $0xF7A;
	s5 =	simm.s32 @!p2 $0x0  }
0x1d: {  	s5 =	simm.s32 @p1 $0x1;
	p0 =	seq.s32 s7, s2  }
0x1e: {  	s7 =	smul.u32 @!p0 $0xF7A, s2;
	p2 =	seq.s32 @!p0 s5, $0x0  }
0x1f: {  	s9 =	smul.u32 $0xF7A, s1;
	s8 =	simm.s32 @!p0 $0x1BF5;
	p2 =	por !p2, p0  }
0x20: {  	[sflag:s8] =	ssyncset.s32 @!p0 $0xFFFFF086;
	s6 =	sadd.s32 @!p0 s3, s7;
	s7 =	simm.s32 @!p0 $0x108  }
0x21: {  	s3 =	sadd.s32 s3, s9;
	s6 =	sadd.s32 @!p0 $0x88, s6;
	s7 =	simm.s32 @p2 $0x1082  }
0x22: {  	[simem:s7], [sflag:s8] =	dma.local @!p0 [hbm:s6], $0xF7A  }
0x23: {  	s9 =	sor.u32 $0xD0000000, s2;
	s6 =	simm.s32 $0x108;
	_ =	swait.ge @!p0 [sflag:s8], $0x0  }
0x24: {  	s3 =	sadd.s32 $0x88, s3;
	s6 =	simm.s32 @!p1 $0x1082;
	[sflag:s4] =	ssyncset.s32 $0xFFFFF086  }
0x25: {  	[simem:s6], [sflag:s4] =	dma.local [hbm:s3], $0xF7A  }
0x26: {  	[smem:$0x3F9A] =	sst s1;
	(tag) =	ssettag s2;
	_ =	strace s9  }
0x27: {  	s1 =	sld [smem:$0x3FAA]  }
0x28: {  	s2 =	sld [smem:$0x3FAB]  }
0x29: {  	s4 =	sld [smem:$0x3FAD]  }
0x2a: {  	p0 =	seq.s32 s5, $0x0;
	s5 =	sld [smem:$0x3FAE]  }
0x2b: {  	s6 =	sld [smem:$0x3FAF]  }
0x2c: {  	s7 =	sld [smem:$0x3FB0]  }
0x2d: {  	s3 =	simm.s32 $0x108;
	s8 =	sld [smem:$0x3FB1]  }
0x2e: {  	s3 =	simm.s32 @!p0 $0x1082;
	s9 =	sld [smem:$0x3FB2]  }
0x2f: {  	lr =	sadd.s32 s0, s3;
	s0 =	sld [smem:$0x3FA9]  }
0x30: {  	s3 =	sld [smem:$0x3FAC]  }
0x31: {  	[smem:$0x3FB5] =	sst s10  }
0x32: {  	s10 =	sld [smem:$0x3FB3];
	_ =	sdelay $0x3  }
0x33: {  	p0 =	seq.s32 s10, $0x1;
	s10 =	sld [smem:$0x3FB5];
	_ =	sdelay $0x3  }
0x34: {  	[smem:$0x3FB5] =	sst s10  }
0x35: {  	s10 =	sld [smem:$0x3FB4];
	_ =	sdelay $0x3  }
0x36: {  	p1 =	seq.s32 s10, $0x1;
	s10 =	sld [smem:$0x3FB5];
	_ =	sdelay $0x3  }
0x37: {  	[smem:$0x3FB5] =	sst s10  }
0x38: {  	s10 =	sld [smem:$0x3FB6]  }
0x39: {  	_ = 	snop;
	(pc) =	sbr.ind lr, $3  }
0x3a: {  	_ = 	snop  }
0x3b: {  	_ = 	snop  }
0x3c: {  	p2 =	seq.s32 s10, $0x1;
	s10 =	sld [smem:$0x3FB5]  }
0x3d: {  	_ =	shalt  }
0x3e: {  	_ =	shalt  }
0x3f: {  	_ =	shalt  }
0x40: {  	_ =	shalt  }
0x41: {  	_ =	shalt  }
0x42: {  	_ =	shalt  }
0x43: {  	_ =	shalt  }
0x44: {  	_ =	shalt  }
0x45: {  	_ =	shalt  }
0x46: {  	_ =	shalt  }
0x47: {  	_ =	shalt  }
0x48: {  	_ =	shalt  }
0x49: {  	_ =	shalt  }
0x4a: {  	_ =	shalt  }
0x4b: {  	_ =	shalt  }
0x4c: {  	_ =	shalt  }
0x4d: {  	_ =	shalt  }
0x4e: {  	_ =	shalt  }
0x4f: {  	_ =	shalt  }
0x50: {  	_ =	shalt  }
0x51: {  	_ =	shalt  }
0x52: {  	_ =	shalt  }
0x53: {  	_ =	shalt  }
0x54: {  	_ =	shalt  }
0x55: {  	_ =	shalt  }
0x56: {  	_ =	shalt  }
0x57: {  	_ =	shalt  }
0x58: {  	_ =	shalt  }
0x59: {  	_ =	shalt  }
0x5a: {  	_ =	shalt  }
0x5b: {  	_ =	shalt  }
0x5c: {  	_ =	shalt  }
0x5d: {  	_ =	shalt  }
0x5e: {  	_ =	shalt  }
0x5f: {  	_ =	shalt  }
0x60: {  	_ =	shalt  }
0x61: {  	_ =	shalt  }
0x62: {  	_ =	shalt  }
0x63: {  	_ =	shalt  }
0x64: {  	_ =	shalt  }
0x65: {  	_ =	shalt  }
0x66: {  	_ =	shalt  }
0x67: {  	_ =	shalt  }
0x68: {  	_ =	shalt  }
0x69: {  	_ =	shalt  }
0x6a: {  	_ =	shalt  }
0x6b: {  	_ =	shalt  }
0x6c: {  	_ =	shalt  }
0x6d: {  	_ =	shalt  }
0x6e: {  	_ =	shalt  }
0x6f: {  	_ =	shalt  }
0x70: {  	_ =	shalt  }
0x71: {  	_ =	shalt  }
0x72: {  	_ =	shalt  }
0x73: {  	_ =	shalt  }
0x74: {  	_ =	shalt  }
0x75: {  	_ =	shalt  }
0x76: {  	_ =	shalt  }
0x77: {  	_ =	shalt  }
0x78: {  	_ =	shalt  }
0x79: {  	_ =	shalt  }
0x7a: {  	_ =	shalt  }
0x7b: {  	_ =	shalt  }
0x7c: {  	_ =	shalt  }
0x7d: {  	_ =	shalt  }
0x7e: {  	_ =	shalt  }
0x7f: {  	_ =	shalt  }
0x80: {  	_ =	shalt  }
0x81: {  	_ =	shalt  }
0x82: {  	_ =	shalt  }
0x83: {  	_ =	shalt  }
0x84: {  	_ =	shalt  }
0x85: {  	_ =	shalt  }
0x86: {  	_ =	shalt  }
0x87: {  	_ =	shalt  }
.Lfunc_end0:
.L_simem_size_0:
called_computation_lowered:
.L_overlay_start_0:
0x88: {  	s2 =	sld [smem:$0x3FD9]  }
0x89: {  	s3 =	sld [smem:$0x3FFE];
	_ =	sdelay $0x1  }
0x8a: {  	s1 =	srdreg.scid  }
0x8b: {  	s0 =	sand.u32 $0x1, s1  }
0x8c: {  	s16 =	sshll.u32 s0, $0xA;
	s2 =	sadd.s32 s3, s2  }
0x8d: {  	s2 =	sadd.s32 s2, s16  }
0x8e: {  	[smem:$0x3FC1] =	sst s2  }
0x8f: {  	_ = 	snop  }
0x90: {  	(tm) =	ssettm $0x1  }
0x91: {  	s17 =	sld [smem:$0x3FFB];
	_ =	sdelay $0x3  }
0x92: {  	_ =	strace s17  }
0x93: {  	s2 =	sld [smem:$0x3FFC];
	_ =	sdelay $0x3  }
0x94: {  	_ =	strace s2  }
0x95: {  	s2 =	sld [smem:$0x3FFD];
	_ =	sdelay $0x3  }
0x96: {  	_ =	strace s2  }
0x97: {  	_ =	strace $0x8FFFFFFF  }
0x98: {  	s18 =	sld [smem:$0x3FDB];
	_ =	sdelay $0x1  }
0x99: {  	s19 =	simm.s32 $_scs_section_size  }
0x9a: {  	s4 =	simm.s32 $_size__tile_overlayer_lowered;
	s5 =	simm.s32 $_tile_overlayer_lowered  }
0x9b: {  	s22 =	simm.s32 $0x1BFF;
	s21 =	sshll.u32 s5, $0x1;
	s2 =	sadd.s32 s19, s18  }
0x9c: {  	s6 =	simm.s32 $0x0;
	s20 =	sshll.u32 s4, $0x1;
	s4 =	sadd.s32 s21, s2  }
0x9d: {  	[timem:s6], [sflag:s22] =	dma.local [hbm:s4], s20  }
0x9e: {  	_ =	swait.ge [sflag:s22], s20  }
0x9f: {  	s3 =	ssub.s32 $0x0, s20;
	[sflag:s22] =	ssyncset.done $0x0  }
0xa0: {  	[sflag:s22] =	ssyncadd.s32 s3;
	_ =	sdelay $0x1  }
0xa1: {  	s23 =	simm.s32 $0x1B8B  }
0xa2: {  	_ =	swait.ge [sflag:s23], $0x1  }
0xa3: {  	[sflag:s23] =	ssyncset.done $0x0  }
0xa4: {  	s25 =	simm.s32 $0x1B8E;
	s24 =	sld [smem:$0x3FFE];
	[sflag:s23] =	ssyncadd.s32 $0xFFFFFFFF  }
0xa5: {  	s26 =	simm.s32 $execute0_lowered;
	[smem:$0x3FD2] =	sst s25  }
0xa6: {  	s4 =	sshll.u32 s26, $0x1;
	_ =	strace $0x80000046;
	[dreg:$0x1] =	wrdreg $0xFFFFFFFF  }
0xa7: {  	s28 =	simm.s32 $_size_execute0_lowered;
	s2 =	sadd.s32 s2, s4;
	[dreg:$0x0] =	wrdreg $0x0  }
0xa8: {  	s4 =	sshll.u32 s28, $0x1;
	[dreg:$0x2] =	wrdreg s2  }
0xa9: {  	[dreg:$0x3] =	wrdreg s4  }
0xaa: {  	[dreg:$0x4] =	wrdreg $0xC0  }
0xab: {  	_ =	task [dreg:s6], $0x5FFFF  }
0xac: {  	[dreg:$0x1] =	wrdreg $0xFFFFFFFF  }
0xad: {  	[dreg:$0x0] =	wrdreg $0x60  }
0xae: {  	[dreg:$0x2] =	wrdreg s24  }
0xaf: {  	[dreg:$0x3] =	wrdreg $0x17000  }
0xb0: {  	[dreg:$0x4] =	wrdreg $0x9  }
0xb1: {  	_ =	task.clear_ibuf [dreg:s6], $0x5FFFF;
	_ =	strace $0x90000046  }
0xb2: {  	s29 =	simm.s32 $0x9;
	_ =	strace $0x80000048  }
0xb3: {  	_ =	swait.ge [sflag:s29], $0x1  }
0xb4: {  	[sflag:s29] =	ssyncadd.s32 $0xFFFFFFFF  }
0xb5: {  	_ =	strace $0x90000048  }
0xb6: {  	_ =	sfence  }
0xb7: {  	s30 =	sld [smem:$0x0];
	_ =	sdelay $0x2  }
0xb8: {  	s31 =	sshll.u32 s1, $0xD;
	s1 =	sshrl.u32 s1, $0x2  }
0xb9: {  	s3 =	sand.u32 $0x4000, s31;
	s1 =	sadd.s32 s1, s30  }
0xba: {  	s0 =	sor.u32 s3, s0;
	s1 =	sshll.u32 s1, $0x11  }
0xbb: {  	s0 =	sor.u32 s1, s0  }
0xbc: {  	s0 =	sadd.s32 $0x8F2B, s0  }
0xbd: {  	[sflag:s0] =	ssyncadd.remote.s32 $0x1  }
0xbe: {  	_ =	sfence.sel $0xFFFF  }
0xbf: {  	[dreg:$0x0] =	wrdreg $0xFFFFFFFF;
	(pc) =	sbr.abs _section_cstart, $3  }
0xc0: {  	[dreg:$0x1] =	wrdreg $0xFFFFFFFF  }
0xc1: {  	_ =	task.clear_ibuf [dreg:s6], $0x2FFFF;
	_ =	strace $0x9FFFFFFF  }
0xc2: {  	(tm) =	ssettm $0x7FFFFFFF  }
0xc3: {  	_ =	shalt  }
tec
execute0_lowered:
.L_overlay_start_1:
0x0: {  	(tag) =	ssettag $0x1  }
0x1: {  	s1 =	srdreg.scid  }
0x2: {  	s0 =	stileid.u32;
	s4 =	rddreg [dreg:$0x0]  }
0x3: {  	s2 =	rddreg [dreg:$0x1];
	s3 =	simm.s32 $0x0;
	s10 =	simm.s32 $0x80  }
0x4: {  	s11 =	simm.s32 $0x1400;
	s5 =	sand.u32 $0x1, s1;
	s6 =	smul.u32 $0x280, s0  }
0x5: {  	s14 =	simm.s32 $0x0;
	s1 =	rddreg [dreg:$0x2];
	s7 =	smul.u32 $0x2800, s5  }
0x6: {  	[smem:$0x7FF] =	sst s3;
	s12 =	sshll.u32 s0, $0x6;
	s5 =	ssub.s32 $0x2, s5  }
0x7: {  	_ =	strace $0x80000047;
	s9 =	sshrl.u32 s5, $0x1;
	s7 =	sadd.s32 s6, s7  }
0x8: {  	s12 =	sor.u32 $0x1C01, s12;
	s9 =	ssub.s32 s5, s9;
	s8 =	sshrl.u32 s7, $0x3  }
0x9: {  	s7 =	sadd.s32 s7, s4;
	s8 =	sadd.s32 s8, s4;
	s4 =	sadd.s32 s6, s2  }
0xa: {  	s5 =	sadd.s32 $0x1200, s7;
	s7 =	smax.u32 s9, $0x1;
	s9 =	simm.s32 $0x1  }
0xb: {  	v0 =	vimm.f32 $1.000000000e+00;
	v1 =	vimm.f32 $0.0e+00;
	s6 =	sadd.s32 $0x6200, s8;
	s8 =	simm.s32 $0x1480;
	s13 =	sshrl.u32 s4, $0x3  }
.LBB2_1:
0xc: {  	[tilespmem:$0x1400] =	vst v0  }
0xd: {  	[tilespmem:$0x1410] =	vst v0  }
0xe: {  	[tilespmem:$0x1420] =	vst v0  }
0xf: {  	[tilespmem:$0x1430] =	vst v0  }
0x10: {  	[tilespmem:$0x1440] =	vst v0  }
0x11: {  	[tilespmem:$0x1450] =	vst v0  }
0x12: {  	[tilespmem:$0x1460] =	vst v0  }
0x13: {  	[tilespmem:$0x1470] =	vst v0  }
0x14: {  	[tilespmem:$0x1480] =	vst v1  }
0x15: {  	[tilespmem:$0x1490] =	vst v1  }
0x16: {  	[tilespmem:$0x14A0] =	vst v1  }
0x17: {  	[tilespmem:$0x14B0] =	vst v1  }
0x18: {  	[tilespmem:$0x14C0] =	vst v1  }
0x19: {  	[tilespmem:$0x14D0] =	vst v1  }
0x1a: {  	[tilespmem:$0x14E0] =	vst v1  }
0x1b: {  	[tilespmem:$0x14F0] =	vst v1  }
0x1c: {  	[tilespmem:$0x1500] =	vst v1  }
0x1d: {  	[tilespmem:$0x1510] =	vst v1  }
0x1e: {  	[tilespmem:$0x1520] =	vst v1  }
0x1f: {  	[tilespmem:$0x1530] =	vst v1  }
0x20: {  	[tilespmem:$0x1540] =	vst v1  }
0x21: {  	[tilespmem:$0x1550] =	vst v1  }
0x22: {  	[tilespmem:$0x1560] =	vst v1  }
0x23: {  	[tilespmem:$0x1570] =	vst v1  }
0x24: {  	[tilespmem:$0x1580] =	vst v1  }
0x25: {  	[tilespmem:$0x1590] =	vst v1  }
0x26: {  	[tilespmem:$0x15A0] =	vst v1  }
0x27: {  	[tilespmem:$0x15B0] =	vst v1  }
0x28: {  	[tilespmem:$0x15C0] =	vst v1  }
0x29: {  	[tilespmem:$0x15D0] =	vst v1  }
0x2a: {  	[tilespmem:$0x15E0] =	vst v1  }
0x2b: {  	[tilespmem:$0x15F0] =	vst v1  }
0x2c: {  	[tilespmem:$0x1600] =	vst v1  }
0x2d: {  	[tilespmem:$0x1610] =	vst v1  }
0x2e: {  	[tilespmem:$0x1620] =	vst v1  }
0x2f: {  	[tilespmem:$0x1630] =	vst v1  }
0x30: {  	[tilespmem:$0x1640] =	vst v1  }
0x31: {  	[tilespmem:$0x1650] =	vst v1  }
0x32: {  	[tilespmem:$0x1660] =	vst v1  }
0x33: {  	[tilespmem:$0x1670] =	vst v1  }
0x34: {  	[tilespmem:$0x1680] =	vst v1  }
0x35: {  	[tilespmem:$0x1690] =	vst v1  }
0x36: {  	[tilespmem:$0x16A0] =	vst v1  }
0x37: {  	[tilespmem:$0x16B0] =	vst v1  }
0x38: {  	[tilespmem:$0x16C0] =	vst v1  }
0x39: {  	[tilespmem:$0x16D0] =	vst v1  }
0x3a: {  	[tilespmem:$0x16E0] =	vst v1  }
0x3b: {  	[tilespmem:$0x16F0] =	vst v1  }
0x3c: {  	[spmem:s4] =	stream.linear.scatter [tilespmem:s8], [sflag:$0x1], $0x280, $0x38;
	[tilespmem:$0x1980] =	vst v63  }
0x3d: {  	_ =	swait.ge [sflag:s9], $0x280  }
0x3e: {  	[sflag:s9] =	ssyncset.done $0x0  }
0x3f: {  	[sflag:s9] =	ssyncadd.s32 $0xFFFFFD80  }
0x40: {  	[bflag:$0x0] =	sbarrier.arrive $0xFFFF  }
0x41: {  	[tilespmem:s3], [sflag:$0x1] =	stream.linear.gather [hbm4b:s5+s3], $0x1400, $0x38;
	[tilespmem:$0x1980] =	vst v63  }
0x42: {  	_ =	swait.ge [sflag:s9], $0x1400  }
0x43: {  	[sflag:s9] =	ssyncset.done $0x0  }
0x44: {  	s15 =	simm.s32 $0x0;
	[sflag:s9] =	ssyncadd.s32 $0xFFFFEC00  }
0x45: {  	[spmem:s2] =	stream.indirect.scatter.add.f32 [tilespmem:s11], [sflag:$0x1], $0x1, s15, s10, $0xb8;
	[tilespmem:$0x1980] =	vst v63  }
0x46: {  	_ =	swait.ge [sflag:s9], $0x80  }
0x47: {  	s15 =	simm.s32 $0x200;
	[sflag:s9] =	ssyncset.done $0x0  }
.LBB2_2:
0x48: {  	s16 =	sshra.s32 s15, $0x2;
	[sflag:s9] =	ssyncadd.s32 $0xFFFFFF80;
	p0 =	sne.s32 s15, $0x4E00  }
0x49: {  	[spmem:s2] =	stream.indirect.scatter.add.f32 [tilespmem:s11], [sflag:$0x1], $0x1, s16, s10, $0xb8;
	[tilespmem:$0x1980] =	vst v63  }
.Ltmp0:
0x4a: {  	_ = 	snop;
	(pc) =	sbr.rel @p0 .LBB2_2-.Ltmp0, $4  }
0x4b: {  	_ = 	snop  }
0x4c: {  	s15 =	sadd.s32 $0x200, s15  }
0x4d: {  	_ =	swait.ge [sflag:s9], $0x80  }
0x4e: {  	[sflag:s9] =	ssyncset.done $0x0  }
0x4f: {  	s14 =	sadd.s32 $0x1, s14  }
0x50: {  	[sflag:s9] =	ssyncadd.s32 $0xFFFFFF80;
	p0 =	sne.s32 s14, s7  }
.Ltmp1:
0x51: {  	[bflag:$0x0] =	sbarrier.arrive $0xFFFF;
	(pc) =	sbr.rel @p0 .LBB2_1-.Ltmp1, $4  }
0x52: {  	[hbm:s6], [sflag:s12] =	dma.local [spmem:s13], $0x50  }
0x53: {  	_ =	swait.ge [sflag:s9], $0x50  }
0x54: {  	[sflag:s9] =	ssyncset.done $0x0  }
0x55: {  	[sflag:s9] =	ssyncadd.s32 $0xFFFFFFB0  }
0x56: {  	_ =	sfence.sel $0x180000  }
0x57: {  	[bflag:$0x0] =	sbarrier.arrive $0xFFFF  }
0x58: {  	p0 =	sne.s32 s0, $0x0;
	_ =	strace $0x90000047  }
0x59: {  	s0 =	sadd.s32 @!p0 $0x100000, s1;
	[bflag:$0x2] =	sbarrier.arrive $0xFFFF  }
0x5a: {  	[sflag:s0] =	ssyncadd.tile.s32 @!p0 $0x1;
	_ =	shalt  }
.Lfunc_end2:
_tile_overlayer_lowered:
.L_overlay_start_2:
0x5b: {  	(tag) =	ssettag $0x2  }
0x5c: {  	s0 =	rddreg [dreg:$0x0];
	s2 =	stileid.u32  }
0x5d: {  	s1 =	rddreg [dreg:$0x1];
	p0 =	sne.s32 s2, $0x0  }
0x5e: {  	s3 =	rddreg [dreg:$0x2];
	[bflag:$0x3] =	sbarrier.arrive $0xFFFF;
	s2 =	simm.s32 @!p0 $0x1C01  }
0x5f: {  	[timem:s3], [sflag:s2] =	dma.local @!p0 [hbm:s0], s1  }
0x60: {  	s0 =	simm.s32 @!p0 $0x1  }
0x61: {  	_ =	swait.ge @!p0 [sflag:s0], s1  }
0x62: {  	s1 =	ssub.s32 @!p0 $0x0, s1;
	[sflag:s0] =	ssyncset.done @!p0 $0x0  }
0x63: {  	[sflag:s0] =	ssyncadd.s32 @!p0 s1  }
0x64: {  	[bflag:$0x3] =	sbarrier.arrive $0xFFFF  }
0x65: {  	_ =	shalt  }

</sc_bundles>
